<compile_context>
chip_gen: v7x
topology: tpu7x:2x2x1
jax: 0.10.2.dev20260603
libtpu: 0.0.44.dev20260713+nightly
codegen_flags: <defaults>
</compile_context>

<pallas_src>
import functools

import jax
import jax.numpy as jnp
from jax import lax
from jax.experimental import pallas as pl
from jax.experimental.pallas import tpu as pltpu
from jax.experimental.pallas import tpu_sc as plsc

N = 10000
NFEAT = 128
NHID = 64
NCLASS = 40
E = 320000
GAMMA = 1.0

NPAD = 10240
PADROW = 10000
NC = 2
NS = 16
NT = NC * NS
CHUNK = 128
CH = 80
EPT = CH * CHUNK
EPAD = NT * EPT

ROWS_PER_TILE = NPAD // NS
BLK = 1280
GRID = NPAD // BLK


DEGW = 16


def _make_deg_kernel():
    mesh = plsc.VectorSubcoreMesh(core_axis_name="c", subcore_axis_name="s")

    @functools.partial(
        pl.kernel,
        out_type=jax.ShapeDtypeStruct((NC, NPAD, DEGW), jnp.float32),
        mesh=mesh,
        scratch_types=[
            pltpu.VMEM((CH, 2, CHUNK), jnp.int32),
            pltpu.VMEM((CHUNK, DEGW), jnp.float32),
            pltpu.VMEM_SHARED((NPAD, DEGW), jnp.float32),
        ],
        compiler_params=pltpu.CompilerParams(use_tc_tiling_on_sc=False),
    )
    def deg_kernel(idx_hbm, ones_hbm, zeros_hbm, out_hbm, idxv, onesb, accum):
        c = lax.axis_index("c")
        s = lax.axis_index("s")
        w = c * NS + s
        rbase = s * ROWS_PER_TILE
        pltpu.sync_copy(zeros_hbm.at[pl.ds(rbase, ROWS_PER_TILE)],
                        accum.at[pl.ds(rbase, ROWS_PER_TILE)])
        pltpu.sync_copy(idx_hbm.at[w], idxv)
        pltpu.sync_copy(ones_hbm, onesb)
        plsc.subcore_barrier()

        def body(j, _):
            pltpu.sync_copy(onesb, accum.at[idxv.at[j, 1]], add=True)
            return 0

        lax.fori_loop(0, CH, body, 0)
        plsc.subcore_barrier()
        pltpu.sync_copy(accum.at[pl.ds(rbase, ROWS_PER_TILE)],
                        out_hbm.at[c, pl.ds(rbase, ROWS_PER_TILE)])

    return deg_kernel


IB = 8
NB = CH // IB
W1 = NHID
W2 = 48


def _make_spmm_kernel(width):
    mesh = plsc.VectorSubcoreMesh(core_axis_name="c", subcore_axis_name="s")

    @functools.partial(
        pl.kernel,
        out_type=jax.ShapeDtypeStruct((NC, 2, NPAD, width), jnp.float32),
        mesh=mesh,
        scratch_types=[
            [pltpu.VMEM((IB, 2, CHUNK), jnp.int32)] * 2,
            [pltpu.VMEM((CHUNK, width), jnp.float32)] * 2,
            pltpu.VMEM_SHARED((NPAD, width), jnp.float32),
            pltpu.VMEM_SHARED((NPAD, width), jnp.float32),
            [pltpu.SemaphoreType.DMA] * 2,
            [pltpu.SemaphoreType.DMA] * 2,
        ],
        compiler_params=pltpu.CompilerParams(use_tc_tiling_on_sc=False),
    )
    def spmm(h_hbm, idx_hbm, zeros_hbm, out_hbm,
             ibufs, gbufs, h_spm, accum, isems, gsems):
        c = lax.axis_index("c")
        s = lax.axis_index("s")
        w = c * NS + s
        rbase = s * ROWS_PER_TILE

        def wait_block(slot):
            pltpu.make_async_copy(idx_hbm.at[w, 0],
                                  ibufs[slot], isems[slot]).wait()

        def wait_gather(b):
            pltpu.make_async_copy(zeros_hbm.at[pl.ds(0, CHUNK)],
                                  gbufs[b], gsems[b]).wait()

        nbb = NB // 2

        for t in range(2):
            pltpu.sync_copy(zeros_hbm.at[pl.ds(rbase, ROWS_PER_TILE)],
                            accum.at[pl.ds(rbase, ROWS_PER_TILE)])
            pltpu.sync_copy(h_hbm.at[t, pl.ds(rbase, ROWS_PER_TILE)],
                            h_spm.at[pl.ds(rbase, ROWS_PER_TILE)])
            pltpu.async_copy(idx_hbm.at[w, 0], ibufs[0], isems[0])
            pltpu.async_copy(idx_hbm.at[w, 1], ibufs[1], isems[1])
            plsc.subcore_barrier()
            wait_block(0)
            pltpu.async_copy(h_spm.at[ibufs[0].at[0, 0]], gbufs[0], gsems[0])
            pltpu.async_copy(h_spm.at[ibufs[0].at[1, 0]], gbufs[1], gsems[1])

            def pairblocks(bb, _):
                for q in range(2):
                    beta = bb * 2 + q
                    cur = ibufs[q]
                    nxt = ibufs[1 - q]
                    for k in range(IB):
                        b = k % 2
                        wait_gather(b)
                        pltpu.sync_copy(gbufs[b], accum.at[cur.at[k, 1]],
                                        add=True)
                        if k < IB - 2:
                            pltpu.async_copy(h_spm.at[cur.at[k + 2, 0]],
                                             gbufs[b], gsems[b])
                        else:
                            kk = k + 2 - IB
                            if q == 0:
                                if k == IB - 2:
                                    wait_block(1 - q)
                                pltpu.async_copy(h_spm.at[nxt.at[kk, 0]],
                                                 gbufs[b], gsems[b])
                            elif k == IB - 2:
                                @pl.when(bb < nbb - 1)
                                def _():
                                    wait_block(1 - q)
                                    pltpu.async_copy(
                                        h_spm.at[nxt.at[kk, 0]],
                                        gbufs[b], gsems[b])
                            else:
                                @pl.when(bb < nbb - 1)
                                def _():
                                    pltpu.async_copy(
                                        h_spm.at[nxt.at[kk, 0]],
                                        gbufs[b], gsems[b])
                    @pl.when(bb < nbb - 1)
                    def _():
                        pltpu.async_copy(idx_hbm.at[w, beta + 2],
                                         ibufs[q], isems[q])
                return 0

            lax.fori_loop(0, nbb, pairblocks, 0)
            plsc.subcore_barrier()
            pltpu.sync_copy(accum.at[pl.ds(rbase, ROWS_PER_TILE)],
                            out_hbm.at[c, t, pl.ds(rbase, ROWS_PER_TILE)])

    return spmm


_deg_kernel = _make_deg_kernel()
_spmm1 = _make_spmm_kernel(W1)
_spmm2 = _make_spmm_kernel(W2)


def _elu(v):
    return jnp.where(v > 0, v, jnp.exp(jnp.minimum(v, 0.0)) - 1.0)


def _rscales(dparts_blk):
    deg = dparts_blk[0, :, 0] + dparts_blk[1, :, 0]
    r_half = jnp.where(deg > 0, lax.rsqrt(deg), 0.0)
    r_one = jnp.where(deg > 0, 1.0 / deg, 0.0)
    return r_half[:, None], r_one[:, None]


def _l1_body(x_ref, dparts_ref, wm_ref, ws_ref, hcat_ref):
    r_half, r_one = _rscales(dparts_ref[...])
    xb = x_ref[...]
    miu = _elu(jnp.dot(xb, wm_ref[...],
                             preferred_element_type=jnp.float32))
    sig = jnp.maximum(jnp.dot(xb, ws_ref[...],
                              preferred_element_type=jnp.float32), 0.0)
    att = jnp.exp(-GAMMA * sig)
    hcat_ref[0] = miu * att * r_half
    hcat_ref[1] = sig * att * att * r_one


def _l1_dense(x, dparts, wm, ws):
    return pl.pallas_call(
        _l1_body,
        grid=(GRID,),
        in_specs=[
            pl.BlockSpec((BLK, NFEAT), lambda i: (i, 0)),
            pl.BlockSpec((NC, BLK, DEGW), lambda i: (0, i, 0)),
            pl.BlockSpec((NFEAT, NHID), lambda i: (0, 0)),
            pl.BlockSpec((NFEAT, NHID), lambda i: (0, 0)),
        ],
        out_specs=pl.BlockSpec((2, BLK, NHID), lambda i: (0, i, 0)),
        out_shape=jax.ShapeDtypeStruct((2, NPAD, NHID), jnp.float32),
    )(x, dparts, wm, ws)


def _l2_body(macc_ref, sacc_ref, dparts_ref, wm_ref, ws_ref, gcat_ref):
    r_half, r_one = _rscales(dparts_ref[...])
    miu_in = (macc_ref[0] + macc_ref[1]) * r_half
    sig_in = (sacc_ref[0] + sacc_ref[1]) * r_one
    miu2 = _elu(jnp.dot(miu_in, wm_ref[...],
                              preferred_element_type=jnp.float32))
    sig2 = jnp.maximum(jnp.dot(sig_in, ws_ref[...],
                               preferred_element_type=jnp.float32), 0.0)
    att2 = jnp.exp(-GAMMA * sig2)
    zpad = jnp.zeros((miu2.shape[0], W2 - NCLASS), jnp.float32)
    gcat_ref[0] = jnp.concatenate([miu2 * att2 * r_half, zpad], axis=1)
    gcat_ref[1] = jnp.concatenate([sig2 * att2 * att2 * r_one, zpad], axis=1)


def _l2_dense(macc, sacc, dparts, wm2, ws2):
    return pl.pallas_call(
        _l2_body,
        grid=(GRID,),
        in_specs=[
            pl.BlockSpec((NC, BLK, NHID), lambda i: (0, i, 0)),
            pl.BlockSpec((NC, BLK, NHID), lambda i: (0, i, 0)),
            pl.BlockSpec((NC, BLK, DEGW), lambda i: (0, i, 0)),
            pl.BlockSpec((NHID, NCLASS), lambda i: (0, 0)),
            pl.BlockSpec((NHID, NCLASS), lambda i: (0, 0)),
        ],
        out_specs=pl.BlockSpec((2, BLK, W2), lambda i: (0, i, 0)),
        out_shape=jax.ShapeDtypeStruct((2, NPAD, W2), jnp.float32),
    )(macc, sacc, dparts, wm2, ws2)


def _out_body(pm_ref, ps_ref, dparts_ref, eps_ref, out_ref):
    r_half, r_one = _rscales(dparts_ref[...])
    mean = (pm_ref[0] + pm_ref[1]) * r_half
    sig = (ps_ref[0] + ps_ref[1]) * r_one
    o = mean + eps_ref[...] * jnp.sqrt(sig + 1e-08)
    lane = lax.broadcasted_iota(jnp.int32, o.shape, 1)
    o = jnp.where(lane < NCLASS, o, -1e30)
    m = jnp.max(o, axis=1, keepdims=True)
    ex = jnp.exp(o - m)
    lse = jnp.log(jnp.sum(ex, axis=1, keepdims=True))
    out_ref[...] = o - m - lse


def _out_dense(pm, ps, dparts, eps):
    return pl.pallas_call(
        _out_body,
        grid=(GRID,),
        in_specs=[
            pl.BlockSpec((NC, BLK, W2), lambda i: (0, i, 0)),
            pl.BlockSpec((NC, BLK, W2), lambda i: (0, i, 0)),
            pl.BlockSpec((NC, BLK, DEGW), lambda i: (0, i, 0)),
            pl.BlockSpec((BLK, W2), lambda i: (i, 0)),
        ],
        out_specs=pl.BlockSpec((BLK, W2), lambda i: (i, 0)),
        out_shape=jax.ShapeDtypeStruct((NPAD, W2), jnp.float32),
    )(pm, ps, dparts, eps)


def kernel(x, edge_index, eps, W_miu1, W_sigma1, W_miu2, W_sigma2):
    row = edge_index[0].astype(jnp.int32)
    col = edge_index[1].astype(jnp.int32)
    padlen = EPAD - E
    pad = jnp.full((padlen,), PADROW, jnp.int32)
    rowp = jnp.concatenate([row, pad]).reshape(NT, CH, 1, CHUNK)
    colp = jnp.concatenate([col, pad]).reshape(NT, CH, 1, CHUNK)
    idx2 = jnp.concatenate([colp, rowp], axis=2)
    idx2b = idx2.reshape(NT, NB, IB, 2, CHUNK)

    xp = jnp.zeros((NPAD, NFEAT), jnp.float32).at[:N].set(x)
    epsp = jnp.zeros((NPAD, W2), jnp.float32).at[:N, :NCLASS].set(eps)
    z1 = jnp.zeros((NPAD, W1), jnp.float32)
    z2 = jnp.zeros((NPAD, W2), jnp.float32)

    ones_deg = jnp.ones((CHUNK, DEGW), jnp.float32)
    zeros_deg = jnp.zeros((NPAD, DEGW), jnp.float32)
    dparts = _deg_kernel(idx2, ones_deg, zeros_deg)

    hcat = _l1_dense(xp, dparts, W_miu1, W_sigma1)
    acc1 = _spmm1(hcat, idx2b, z1)

    gcat = _l2_dense(acc1[:, 0], acc1[:, 1], dparts, W_miu2, W_sigma2)
    acc2 = _spmm2(gcat, idx2b, z2)

    out = _out_dense(acc2[:, 0], acc2[:, 1], dparts, epsp)
    return out[:N, :NCLASS]

# --- scband reference (transcript-rebuilt; emitter-appended) ---
"""Pipeline reference for scband-rgcn-79164837199912 (READ-ONLY COPY).

The authoritative reference and input builder live on the scoring server;
editing this copy changes nothing except your own understanding.
"""

import jax, jax.numpy as jnp
import numpy as np

N = 10000
NFEAT = 128
NHID = 64
NCLASS = 40
E = 320000
GAMMA = 1.0


def _xavier(key, shape):
    fan_in, fan_out = shape
    a = float(np.sqrt(6.0 / (fan_in + fan_out)))
    return jax.random.uniform(key, shape, dtype=jnp.float32, minval=-a, maxval=a)


def setup_inputs(seed: int = 0) -> dict:
    key = jax.random.key(seed)
    k1, k2, k3, k4, k5, k6, k7 = jax.random.split(key, 7)
    x = jax.random.normal(k1, (N, NFEAT), dtype=jnp.float32)
    edge_index = jax.random.randint(k2, (2, E), 0, N, dtype=jnp.int64)
    eps = jax.random.normal(k3, (N, NCLASS), dtype=jnp.float32)
    W_miu1 = _xavier(k4, (NFEAT, NHID))
    W_sigma1 = _xavier(k5, (NFEAT, NHID))
    W_miu2 = _xavier(k6, (NHID, NCLASS))
    W_sigma2 = _xavier(k7, (NHID, NCLASS))
    return {"x": x, "edge_index": edge_index, "eps": eps,
            "W_miu1": W_miu1, "W_sigma1": W_sigma1,
            "W_miu2": W_miu2, "W_sigma2": W_sigma2}


def _spmm(w, row, col, h, n):
    # out[row] += w * h[col]  (sparse adj @ h)
    return jnp.zeros((n, h.shape[1]), dtype=h.dtype).at[row].add(w[:, None] * h[col])


def reference(x, edge_index, eps, W_miu1, W_sigma1, W_miu2, W_sigma2):
    row = edge_index[0]
    col = edge_index[1]
    n = x.shape[0]
    # D^p A D^p normalization (rowsum-based, matching normalize_adj)
    deg = jnp.zeros((n,), dtype=jnp.float32).at[row].add(1.0)
    r_inv_half = jnp.where(deg > 0, deg ** (-0.5), 0.0)
    r_inv_one = jnp.where(deg > 0, deg ** (-1.0), 0.0)
    w1 = r_inv_half[row] * r_inv_half[col]   # adj_norm1 values
    w2 = r_inv_one[row] * r_inv_one[col]     # adj_norm2 values

    # Layer 1: GGCL_F (eval mode: dropout is identity)
    miu = jax.nn.elu(x @ W_miu1)
    sigma = jax.nn.relu(x @ W_sigma1)
    att = jnp.exp(-GAMMA * sigma)
    miu = _spmm(w1, row, col, miu * att, n)
    sigma = _spmm(w2, row, col, sigma * att * att, n)

    # Layer 2: GGCL_D
    miu2 = jax.nn.elu(miu @ W_miu2)
    sigma2 = jax.nn.relu(sigma @ W_sigma2)
    att2 = jnp.exp(-GAMMA * sigma2)
    mean_out = _spmm(w1, row, col, miu2 * att2, n)
    sigma_out = _spmm(w2, row, col, sigma2 * att2 * att2, n)

    output = mean_out + eps * jnp.sqrt(sigma_out + 1e-08)
    return jax.nn.log_softmax(output, axis=1)

if __name__ == "__main__":
    import jax
    _d = setup_inputs()
    print(jax.jit(kernel)(*tuple(_d.values())))

</pallas_src>

<mosaic_0001>
#map = affine_map<(d0, d1) -> (0, 0, 0)>
#map1 = affine_map<(d0, d1) -> (0, 0, 0, 0, 0)>
#map2 = affine_map<(d0, d1) -> (0, 0)>
#map3 = affine_map<(d0, d1) -> (0, 0, 0, 0)>
module attributes {stable_mosaic.version = 14 : i64} {
  func.func @spmm(%arg0: i32, %arg1: i32, %arg2: memref<2x10240x64xf32, #tpu.memory_space<hbm>>, %arg3: memref<32x10x8x2x128xi32, #tpu.memory_space<hbm>>, %arg4: memref<10240x64xf32, #tpu.memory_space<hbm>>, %arg5: memref<2x2x10240x64xf32, #tpu.memory_space<hbm>>, %arg6: memref<8x2x128xi32, #tpu.memory_space<vmem>>, %arg7: memref<8x2x128xi32, #tpu.memory_space<vmem>>, %arg8: memref<128x64xf32, #tpu.memory_space<vmem>>, %arg9: memref<128x64xf32, #tpu.memory_space<vmem>>, %arg10: memref<10240x64xf32, #tpu.memory_space<vmem_shared>>, %arg11: memref<10240x64xf32, #tpu.memory_space<vmem_shared>>, %arg12: memref<!tpu.dma_semaphore, #tpu.memory_space<semaphore_mem>>, %arg13: memref<!tpu.dma_semaphore, #tpu.memory_space<semaphore_mem>>, %arg14: memref<!tpu.dma_semaphore, #tpu.memory_space<semaphore_mem>>, %arg15: memref<!tpu.dma_semaphore, #tpu.memory_space<semaphore_mem>>) attributes {dimension_semantics = [#tpu.dimension_semantics<core_parallel>, #tpu.dimension_semantics<subcore_parallel>], iteration_bounds = array<i64: 2, 16>, scalar_prefetch = 0 : i64, scratch_operands = 10 : i64, tpu.core_type = #tpu.core_type<sc_vector_subcore>, window_params = [{transform_indices = #map}, {transform_indices = #map1}, {transform_indices = #map2}, {transform_indices = #map3}]} {
    %mul3A = arith.constant 16 : i32
    %mul3A_0 = arith.muli %arg0, %mul3A : i32
    %add3A = arith.addi %mul3A_0, %arg1 : i32
    %mul3A_1 = arith.constant 640 : i32
    %mul3A_2 = arith.muli %arg1, %mul3A_1 : i32
    "tpu.region"() ({
      %run_scoped3A_118 = tpu.sem_alloc : memref<!tpu.dma_semaphore, #tpu.memory_space<semaphore_mem>>
      %dma_start3A_119 = arith.constant 0 : i32
      %dma_start3A_120 = tpu.memref_slice %arg11[%mul3A_2, %dma_start3A_119] : memref<10240x64xf32, #tpu.memory_space<vmem_shared>> -> memref<640x64xf32, #tpu.memory_space<vmem_shared>>
      %dma_start3A_121 = arith.constant 0 : i32
      %dma_start3A_122 = tpu.memref_slice %arg4[%mul3A_2, %dma_start3A_121] : memref<10240x64xf32, #tpu.memory_space<hbm>> -> memref<640x64xf32, #tpu.memory_space<hbm>>
      tpu.enqueue_dma source(%dma_start3A_122 : memref<640x64xf32, #tpu.memory_space<hbm>>) target(%dma_start3A_120 : memref<640x64xf32, #tpu.memory_space<vmem_shared>>) target_semaphore(%run_scoped3A_118 : memref<!tpu.dma_semaphore, #tpu.memory_space<semaphore_mem>>)
      %dma_wait3A_123 = arith.constant 0 : i32
      %dma_wait3A_124 = tpu.memref_slice %arg11[%mul3A_2, %dma_wait3A_123] : memref<10240x64xf32, #tpu.memory_space<vmem_shared>> -> memref<640x64xf32, #tpu.memory_space<vmem_shared>>
      %dma_wait3A_125 = arith.constant 0 : i32
      %dma_wait3A_126 = tpu.memref_slice %arg4[%mul3A_2, %dma_wait3A_125] : memref<10240x64xf32, #tpu.memory_space<hbm>> -> memref<640x64xf32, #tpu.memory_space<hbm>>
      tpu.wait_dma2 semaphore(%run_scoped3A_118 : memref<!tpu.dma_semaphore, #tpu.memory_space<semaphore_mem>>) src(%dma_wait3A_126 : memref<640x64xf32, #tpu.memory_space<hbm>>) dst(%dma_wait3A_124 : memref<640x64xf32, #tpu.memory_space<vmem_shared>>)
      tpu.yield
    }) : () -> ()
    %run_scoped3A = arith.constant 0 : i32
    "tpu.region"() ({
      %run_scoped3A_118 = tpu.sem_alloc : memref<!tpu.dma_semaphore, #tpu.memory_space<semaphore_mem>>
      %dma_start3A_119 = arith.constant 0 : i32
      %dma_start3A_120 = tpu.memref_slice %arg10[%mul3A_2, %dma_start3A_119] : memref<10240x64xf32, #tpu.memory_space<vmem_shared>> -> memref<640x64xf32, #tpu.memory_space<vmem_shared>>
      %dma_start3A_121 = arith.constant 0 : i32
      %dma_start3A_122 = tpu.memref_slice %arg2[%run_scoped3A, %mul3A_2, %dma_start3A_121] : memref<2x10240x64xf32, #tpu.memory_space<hbm>> -> memref<1x640x64xf32, #tpu.memory_space<hbm>>
      %dma_start3A_123 = tpu.memref_squeeze %dma_start3A_122 : memref<1x640x64xf32, #tpu.memory_space<hbm>> -> memref<640x64xf32, #tpu.memory_space<hbm>>
      tpu.enqueue_dma source(%dma_start3A_123 : memref<640x64xf32, #tpu.memory_space<hbm>>) target(%dma_start3A_120 : memref<640x64xf32, #tpu.memory_space<vmem_shared>>) target_semaphore(%run_scoped3A_118 : memref<!tpu.dma_semaphore, #tpu.memory_space<semaphore_mem>>)
      %dma_wait3A_124 = arith.constant 0 : i32
      %dma_wait3A_125 = tpu.memref_slice %arg10[%mul3A_2, %dma_wait3A_124] : memref<10240x64xf32, #tpu.memory_space<vmem_shared>> -> memref<640x64xf32, #tpu.memory_space<vmem_shared>>
      %dma_wait3A_126 = arith.constant 0 : i32
      %dma_wait3A_127 = tpu.memref_slice %arg2[%run_scoped3A, %mul3A_2, %dma_wait3A_126] : memref<2x10240x64xf32, #tpu.memory_space<hbm>> -> memref<1x640x64xf32, #tpu.memory_space<hbm>>
      %dma_wait3A_128 = tpu.memref_squeeze %dma_wait3A_127 : memref<1x640x64xf32, #tpu.memory_space<hbm>> -> memref<640x64xf32, #tpu.memory_space<hbm>>
      tpu.wait_dma2 semaphore(%run_scoped3A_118 : memref<!tpu.dma_semaphore, #tpu.memory_space<semaphore_mem>>) src(%dma_wait3A_128 : memref<640x64xf32, #tpu.memory_space<hbm>>) dst(%dma_wait3A_125 : memref<640x64xf32, #tpu.memory_space<vmem_shared>>)
      tpu.yield
    }) : () -> ()
    %dma_start3A = arith.constant 0 : i32
    %dma_start3A_3 = arith.constant 0 : i32
    %dma_start3A_4 = arith.constant 0 : i32
    %dma_start3A_5 = arith.constant 0 : i32
    %dma_start3A_6 = tpu.memref_slice %arg3[%add3A, %dma_start3A, %dma_start3A_3, %dma_start3A_4, %dma_start3A_5] : memref<32x10x8x2x128xi32, #tpu.memory_space<hbm>> -> memref<1x1x8x2x128xi32, #tpu.memory_space<hbm>>
    %dma_start3A_7 = tpu.memref_squeeze %dma_start3A_6 : memref<1x1x8x2x128xi32, #tpu.memory_space<hbm>> -> memref<8x2x128xi32, #tpu.memory_space<hbm>>
    %dma_start3A_8 = arith.constant 0 : i32
    %dma_start3A_9 = arith.constant 0 : i32
    %dma_start3A_10 = arith.constant 0 : i32
    %dma_start3A_11 = tpu.memref_slice %arg3[%add3A, %dma_start3A, %dma_start3A_8, %dma_start3A_9, %dma_start3A_10] : memref<32x10x8x2x128xi32, #tpu.memory_space<hbm>> -> memref<1x1x8x2x128xi32, #tpu.memory_space<hbm>>
    %dma_start3A_12 = tpu.memref_squeeze %dma_start3A_11 : memref<1x1x8x2x128xi32, #tpu.memory_space<hbm>> -> memref<8x2x128xi32, #tpu.memory_space<hbm>>
    tpu.enqueue_dma source(%dma_start3A_12 : memref<8x2x128xi32, #tpu.memory_space<hbm>>) target(%arg6 : memref<8x2x128xi32, #tpu.memory_space<vmem>>) target_semaphore(%arg12 : memref<!tpu.dma_semaphore, #tpu.memory_space<semaphore_mem>>)
    %dma_start3A_13 = arith.constant 1 : i32
    %dma_start3A_14 = arith.constant 0 : i32
    %dma_start3A_15 = arith.constant 0 : i32
    %dma_start3A_16 = arith.constant 0 : i32
    %dma_start3A_17 = tpu.memref_slice %arg3[%add3A, %dma_start3A_13, %dma_start3A_14, %dma_start3A_15, %dma_start3A_16] : memref<32x10x8x2x128xi32, #tpu.memory_space<hbm>> -> memref<1x1x8x2x128xi32, #tpu.memory_space<hbm>>
    %dma_start3A_18 = tpu.memref_squeeze %dma_start3A_17 : memref<1x1x8x2x128xi32, #tpu.memory_space<hbm>> -> memref<8x2x128xi32, #tpu.memory_space<hbm>>
    %dma_start3A_19 = arith.constant 0 : i32
    %dma_start3A_20 = arith.constant 0 : i32
    %dma_start3A_21 = arith.constant 0 : i32
    %dma_start3A_22 = tpu.memref_slice %arg3[%add3A, %dma_start3A_13, %dma_start3A_19, %dma_start3A_20, %dma_start3A_21] : memref<32x10x8x2x128xi32, #tpu.memory_space<hbm>> -> memref<1x1x8x2x128xi32, #tpu.memory_space<hbm>>
    %dma_start3A_23 = tpu.memref_squeeze %dma_start3A_22 : memref<1x1x8x2x128xi32, #tpu.memory_space<hbm>> -> memref<8x2x128xi32, #tpu.memory_space<hbm>>
    tpu.enqueue_dma source(%dma_start3A_23 : memref<8x2x128xi32, #tpu.memory_space<hbm>>) target(%arg7 : memref<8x2x128xi32, #tpu.memory_space<vmem>>) target_semaphore(%arg13 : memref<!tpu.dma_semaphore, #tpu.memory_space<semaphore_mem>>)
    %barrier3A = arith.constant 0 : index
    tpu.barrier barrier_id(%barrier3A)
    %dma_wait3A = arith.constant 0 : i32
    %dma_wait3A_24 = arith.constant 0 : i32
    %dma_wait3A_25 = arith.constant 0 : i32
    %dma_wait3A_26 = arith.constant 0 : i32
    %dma_wait3A_27 = tpu.memref_slice %arg3[%add3A, %dma_wait3A, %dma_wait3A_24, %dma_wait3A_25, %dma_wait3A_26] : memref<32x10x8x2x128xi32, #tpu.memory_space<hbm>> -> memref<1x1x8x2x128xi32, #tpu.memory_space<hbm>>
    %dma_wait3A_28 = tpu.memref_squeeze %dma_wait3A_27 : memref<1x1x8x2x128xi32, #tpu.memory_space<hbm>> -> memref<8x2x128xi32, #tpu.memory_space<hbm>>
    %dma_wait3A_29 = arith.constant 0 : i32
    %dma_wait3A_30 = arith.constant 0 : i32
    %dma_wait3A_31 = arith.constant 0 : i32
    %dma_wait3A_32 = tpu.memref_slice %arg3[%add3A, %dma_wait3A, %dma_wait3A_29, %dma_wait3A_30, %dma_wait3A_31] : memref<32x10x8x2x128xi32, #tpu.memory_space<hbm>> -> memref<1x1x8x2x128xi32, #tpu.memory_space<hbm>>
    %dma_wait3A_33 = tpu.memref_squeeze %dma_wait3A_32 : memref<1x1x8x2x128xi32, #tpu.memory_space<hbm>> -> memref<8x2x128xi32, #tpu.memory_space<hbm>>
    tpu.wait_dma2 semaphore(%arg12 : memref<!tpu.dma_semaphore, #tpu.memory_space<semaphore_mem>>) src(%dma_wait3A_33 : memref<8x2x128xi32, #tpu.memory_space<hbm>>) dst(%arg6 : memref<8x2x128xi32, #tpu.memory_space<vmem>>)
    %dma_start3A_34 = arith.constant 0 : i32
    %dma_start3A_35 = arith.constant 0 : i32
    %dma_start3A_36 = arith.constant 0 : i32
    %dma_start3A_37 = tpu.memref_slice %arg6[%dma_start3A_34, %dma_start3A_35, %dma_start3A_36] : memref<8x2x128xi32, #tpu.memory_space<vmem>> -> memref<1x1x128xi32, #tpu.memory_space<vmem>>
    %dma_start3A_38 = tpu.memref_squeeze %dma_start3A_37 : memref<1x1x128xi32, #tpu.memory_space<vmem>> -> memref<128xi32, #tpu.memory_space<vmem>>
    %dma_start3A_39 = arith.constant 0 : i32
    %dma_start3A_40 = arith.constant 0 : i32
    %dma_start3A_41 = tpu.memref_slice %arg10[%dma_start3A_39, %dma_start3A_40] : memref<10240x64xf32, #tpu.memory_space<vmem_shared>> -> memref<10240x64xf32, #tpu.memory_space<vmem_shared>>
    tpu.enqueue_indirect_dma source(%dma_start3A_41 : memref<10240x64xf32, #tpu.memory_space<vmem_shared>>) target(%arg8 : memref<128x64xf32, #tpu.memory_space<vmem>>) offsets(%dma_start3A_38 : memref<128xi32, #tpu.memory_space<vmem>>) semaphore(%arg14 : memref<!tpu.dma_semaphore, #tpu.memory_space<semaphore_mem>>)
    %dma_start3A_42 = arith.constant 1 : i32
    %dma_start3A_43 = arith.constant 0 : i32
    %dma_start3A_44 = arith.constant 0 : i32
    %dma_start3A_45 = tpu.memref_slice %arg6[%dma_start3A_42, %dma_start3A_43, %dma_start3A_44] : memref<8x2x128xi32, #tpu.memory_space<vmem>> -> memref<1x1x128xi32, #tpu.memory_space<vmem>>
    %dma_start3A_46 = tpu.memref_squeeze %dma_start3A_45 : memref<1x1x128xi32, #tpu.memory_space<vmem>> -> memref<128xi32, #tpu.memory_space<vmem>>
    %dma_start3A_47 = arith.constant 0 : i32
    %dma_start3A_48 = arith.constant 0 : i32
    %dma_start3A_49 = tpu.memref_slice %arg10[%dma_start3A_47, %dma_start3A_48] : memref<10240x64xf32, #tpu.memory_space<vmem_shared>> -> memref<10240x64xf32, #tpu.memory_space<vmem_shared>>
    tpu.enqueue_indirect_dma source(%dma_start3A_49 : memref<10240x64xf32, #tpu.memory_space<vmem_shared>>) target(%arg9 : memref<128x64xf32, #tpu.memory_space<vmem>>) offsets(%dma_start3A_46 : memref<128xi32, #tpu.memory_space<vmem>>) semaphore(%arg15 : memref<!tpu.dma_semaphore, #tpu.memory_space<semaphore_mem>>)
    %scan3A = arith.constant 0 : i32
    %scan3A_50 = arith.constant 0 : i32
    %scan3A_51 = arith.constant 5 : i32
    %scan3A_52 = arith.addi %scan3A_50, %scan3A_51 : i32
    %scan3A_53 = arith.constant 1 : i32
    %scan3A_54 = scf.for %scan3A_118 = %scan3A_50 to %scan3A_52 step %scan3A_53 iter_args(%scan3A_119 = %scan3A) -> (i32)  : i32 {
      %mul3A_120 = arith.constant 2 : i32
      %mul3A_121 = arith.muli %scan3A_118, %mul3A_120 : i32
      %add3A_122 = arith.constant 0 : i32
      %add3A_123 = arith.addi %mul3A_121, %add3A_122 : i32
      %dma_wait3A_124 = arith.constant 0 : i32
      %dma_wait3A_125 = arith.constant 0 : i32
      %dma_wait3A_126 = tpu.memref_slice %arg4[%dma_wait3A_124, %dma_wait3A_125] : memref<10240x64xf32, #tpu.memory_space<hbm>> -> memref<128x64xf32, #tpu.memory_space<hbm>>
      %dma_wait3A_127 = arith.constant 0 : i32
      %dma_wait3A_128 = arith.constant 0 : i32
      %dma_wait3A_129 = tpu.memref_slice %arg4[%dma_wait3A_127, %dma_wait3A_128] : memref<10240x64xf32, #tpu.memory_space<hbm>> -> memref<128x64xf32, #tpu.memory_space<hbm>>
      tpu.wait_dma2 semaphore(%arg14 : memref<!tpu.dma_semaphore, #tpu.memory_space<semaphore_mem>>) src(%dma_wait3A_129 : memref<128x64xf32, #tpu.memory_space<hbm>>) dst(%arg8 : memref<128x64xf32, #tpu.memory_space<vmem>>)
      %run_scoped3A_130 = arith.constant 0 : i32
      %run_scoped3A_131 = arith.constant 1 : i32
      "tpu.region"() ({
        %run_scoped3A_397 = tpu.sem_alloc : memref<!tpu.dma_semaphore, #tpu.memory_space<semaphore_mem>>
        %dma_start3A_398 = arith.constant 0 : i32
        %dma_start3A_399 = tpu.memref_slice %arg6[%run_scoped3A_130, %run_scoped3A_131, %dma_start3A_398] : memref<8x2x128xi32, #tpu.memory_space<vmem>> -> memref<1x1x128xi32, #tpu.memory_space<vmem>>
        %dma_start3A_400 = tpu.memref_squeeze %dma_start3A_399 : memref<1x1x128xi32, #tpu.memory_space<vmem>> -> memref<128xi32, #tpu.memory_space<vmem>>
        %dma_start3A_401 = arith.constant 0 : i32
        %dma_start3A_402 = arith.constant 0 : i32
        %dma_start3A_403 = tpu.memref_slice %arg11[%dma_start3A_401, %dma_start3A_402] : memref<10240x64xf32, #tpu.memory_space<vmem_shared>> -> memref<10240x64xf32, #tpu.memory_space<vmem_shared>>
        tpu.enqueue_indirect_dma source(%arg8 : memref<128x64xf32, #tpu.memory_space<vmem>>) target(%dma_start3A_403 : memref<10240x64xf32, #tpu.memory_space<vmem_shared>>) offsets(%dma_start3A_400 : memref<128xi32, #tpu.memory_space<vmem>>) semaphore(%run_scoped3A_397 : memref<!tpu.dma_semaphore, #tpu.memory_space<semaphore_mem>>) {add = true}
        %dma_wait3A_404 = arith.constant 0 : i32
        %dma_wait3A_405 = tpu.memref_slice %arg6[%run_scoped3A_130, %run_scoped3A_131, %dma_wait3A_404] : memref<8x2x128xi32, #tpu.memory_space<vmem>> -> memref<1x1x128xi32, #tpu.memory_space<vmem>>
        %dma_wait3A_406 = tpu.memref_squeeze %dma_wait3A_405 : memref<1x1x128xi32, #tpu.memory_space<vmem>> -> memref<128xi32, #tpu.memory_space<vmem>>
        %dma_wait3A_407 = arith.constant 0 : i32
        %dma_wait3A_408 = arith.constant 0 : i32
        %dma_wait3A_409 = tpu.memref_slice %arg11[%dma_wait3A_407, %dma_wait3A_408] : memref<10240x64xf32, #tpu.memory_space<vmem_shared>> -> memref<10240x64xf32, #tpu.memory_space<vmem_shared>>
        tpu.wait_indirect_dma semaphore(%run_scoped3A_397 : memref<!tpu.dma_semaphore, #tpu.memory_space<semaphore_mem>>) src(%arg8 : memref<128x64xf32, #tpu.memory_space<vmem>>) dst(%dma_wait3A_409 : memref<10240x64xf32, #tpu.memory_space<vmem_shared>>)
        tpu.yield
      }) : () -> ()
      %dma_start3A_132 = arith.constant 2 : i32
      %dma_start3A_133 = arith.constant 0 : i32
      %dma_start3A_134 = arith.constant 0 : i32
      %dma_start3A_135 = tpu.memref_slice %arg6[%dma_start3A_132, %dma_start3A_133, %dma_start3A_134] : memref<8x2x128xi32, #tpu.memory_space<vmem>> -> memref<1x1x128xi32, #tpu.memory_space<vmem>>
      %dma_start3A_136 = tpu.memref_squeeze %dma_start3A_135 : memref<1x1x128xi32, #tpu.memory_space<vmem>> -> memref<128xi32, #tpu.memory_space<vmem>>
      %dma_start3A_137 = arith.constant 0 : i32
      %dma_start3A_138 = arith.constant 0 : i32
      %dma_start3A_139 = tpu.memref_slice %arg10[%dma_start3A_137, %dma_start3A_138] : memref<10240x64xf32, #tpu.memory_space<vmem_shared>> -> memref<10240x64xf32, #tpu.memory_space<vmem_shared>>
      tpu.enqueue_indirect_dma source(%dma_start3A_139 : memref<10240x64xf32, #tpu.memory_space<vmem_shared>>) target(%arg8 : memref<128x64xf32, #tpu.memory_space<vmem>>) offsets(%dma_start3A_136 : memref<128xi32, #tpu.memory_space<vmem>>) semaphore(%arg14 : memref<!tpu.dma_semaphore, #tpu.memory_space<semaphore_mem>>)
      %dma_wait3A_140 = arith.constant 0 : i32
      %dma_wait3A_141 = arith.constant 0 : i32
      %dma_wait3A_142 = tpu.memref_slice %arg4[%dma_wait3A_140, %dma_wait3A_141] : memref<10240x64xf32, #tpu.memory_space<hbm>> -> memref<128x64xf32, #tpu.memory_space<hbm>>
      %dma_wait3A_143 = arith.constant 0 : i32
      %dma_wait3A_144 = arith.constant 0 : i32
      %dma_wait3A_145 = tpu.memref_slice %arg4[%dma_wait3A_143, %dma_wait3A_144] : memref<10240x64xf32, #tpu.memory_space<hbm>> -> memref<128x64xf32, #tpu.memory_space<hbm>>
      tpu.wait_dma2 semaphore(%arg15 : memref<!tpu.dma_semaphore, #tpu.memory_space<semaphore_mem>>) src(%dma_wait3A_145 : memref<128x64xf32, #tpu.memory_space<hbm>>) dst(%arg9 : memref<128x64xf32, #tpu.memory_space<vmem>>)
      %run_scoped3A_146 = arith.constant 1 : i32
      %run_scoped3A_147 = arith.constant 1 : i32
      "tpu.region"() ({
        %run_scoped3A_397 = tpu.sem_alloc : memref<!tpu.dma_semaphore, #tpu.memory_space<semaphore_mem>>
        %dma_start3A_398 = arith.constant 0 : i32
        %dma_start3A_399 = tpu.memref_slice %arg6[%run_scoped3A_146, %run_scoped3A_147, %dma_start3A_398] : memref<8x2x128xi32, #tpu.memory_space<vmem>> -> memref<1x1x128xi32, #tpu.memory_space<vmem>>
        %dma_start3A_400 = tpu.memref_squeeze %dma_start3A_399 : memref<1x1x128xi32, #tpu.memory_space<vmem>> -> memref<128xi32, #tpu.memory_space<vmem>>
        %dma_start3A_401 = arith.constant 0 : i32
        %dma_start3A_402 = arith.constant 0 : i32
        %dma_start3A_403 = tpu.memref_slice %arg11[%dma_start3A_401, %dma_start3A_402] : memref<10240x64xf32, #tpu.memory_space<vmem_shared>> -> memref<10240x64xf32, #tpu.memory_space<vmem_shared>>
        tpu.enqueue_indirect_dma source(%arg9 : memref<128x64xf32, #tpu.memory_space<vmem>>) target(%dma_start3A_403 : memref<10240x64xf32, #tpu.memory_space<vmem_shared>>) offsets(%dma_start3A_400 : memref<128xi32, #tpu.memory_space<vmem>>) semaphore(%run_scoped3A_397 : memref<!tpu.dma_semaphore, #tpu.memory_space<semaphore_mem>>) {add = true}
        %dma_wait3A_404 = arith.constant 0 : i32
        %dma_wait3A_405 = tpu.memref_slice %arg6[%run_scoped3A_146, %run_scoped3A_147, %dma_wait3A_404] : memref<8x2x128xi32, #tpu.memory_space<vmem>> -> memref<1x1x128xi32, #tpu.memory_space<vmem>>
        %dma_wait3A_406 = tpu.memref_squeeze %dma_wait3A_405 : memref<1x1x128xi32, #tpu.memory_space<vmem>> -> memref<128xi32, #tpu.memory_space<vmem>>
        %dma_wait3A_407 = arith.constant 0 : i32
        %dma_wait3A_408 = arith.constant 0 : i32
        %dma_wait3A_409 = tpu.memref_slice %arg11[%dma_wait3A_407, %dma_wait3A_408] : memref<10240x64xf32, #tpu.memory_space<vmem_shared>> -> memref<10240x64xf32, #tpu.memory_space<vmem_shared>>
        tpu.wait_indirect_dma semaphore(%run_scoped3A_397 : memref<!tpu.dma_semaphore, #tpu.memory_space<semaphore_mem>>) src(%arg9 : memref<128x64xf32, #tpu.memory_space<vmem>>) dst(%dma_wait3A_409 : memref<10240x64xf32, #tpu.memory_space<vmem_shared>>)
        tpu.yield
      }) : () -> ()
      %dma_start3A_148 = arith.constant 3 : i32
      %dma_start3A_149 = arith.constant 0 : i32
      %dma_start3A_150 = arith.constant 0 : i32
      %dma_start3A_151 = tpu.memref_slice %arg6[%dma_start3A_148, %dma_start3A_149, %dma_start3A_150] : memref<8x2x128xi32, #tpu.memory_space<vmem>> -> memref<1x1x128xi32, #tpu.memory_space<vmem>>
      %dma_start3A_152 = tpu.memref_squeeze %dma_start3A_151 : memref<1x1x128xi32, #tpu.memory_space<vmem>> -> memref<128xi32, #tpu.memory_space<vmem>>
      %dma_start3A_153 = arith.constant 0 : i32
      %dma_start3A_154 = arith.constant 0 : i32
      %dma_start3A_155 = tpu.memref_slice %arg10[%dma_start3A_153, %dma_start3A_154] : memref<10240x64xf32, #tpu.memory_space<vmem_shared>> -> memref<10240x64xf32, #tpu.memory_space<vmem_shared>>
      tpu.enqueue_indirect_dma source(%dma_start3A_155 : memref<10240x64xf32, #tpu.memory_space<vmem_shared>>) target(%arg9 : memref<128x64xf32, #tpu.memory_space<vmem>>) offsets(%dma_start3A_152 : memref<128xi32, #tpu.memory_space<vmem>>) semaphore(%arg15 : memref<!tpu.dma_semaphore, #tpu.memory_space<semaphore_mem>>)
      %dma_wait3A_156 = arith.constant 0 : i32
      %dma_wait3A_157 = arith.constant 0 : i32
      %dma_wait3A_158 = tpu.memref_slice %arg4[%dma_wait3A_156, %dma_wait3A_157] : memref<10240x64xf32, #tpu.memory_space<hbm>> -> memref<128x64xf32, #tpu.memory_space<hbm>>
      %dma_wait3A_159 = arith.constant 0 : i32
      %dma_wait3A_160 = arith.constant 0 : i32
      %dma_wait3A_161 = tpu.memref_slice %arg4[%dma_wait3A_159, %dma_wait3A_160] : memref<10240x64xf32, #tpu.memory_space<hbm>> -> memref<128x64xf32, #tpu.memory_space<hbm>>
      tpu.wait_dma2 semaphore(%arg14 : memref<!tpu.dma_semaphore, #tpu.memory_space<semaphore_mem>>) src(%dma_wait3A_161 : memref<128x64xf32, #tpu.memory_space<hbm>>) dst(%arg8 : memref<128x64xf32, #tpu.memory_space<vmem>>)
      %run_scoped3A_162 = arith.constant 2 : i32
      %run_scoped3A_163 = arith.constant 1 : i32
      "tpu.region"() ({
        %run_scoped3A_397 = tpu.sem_alloc : memref<!tpu.dma_semaphore, #tpu.memory_space<semaphore_mem>>
        %dma_start3A_398 = arith.constant 0 : i32
        %dma_start3A_399 = tpu.memref_slice %arg6[%run_scoped3A_162, %run_scoped3A_163, %dma_start3A_398] : memref<8x2x128xi32, #tpu.memory_space<vmem>> -> memref<1x1x128xi32, #tpu.memory_space<vmem>>
        %dma_start3A_400 = tpu.memref_squeeze %dma_start3A_399 : memref<1x1x128xi32, #tpu.memory_space<vmem>> -> memref<128xi32, #tpu.memory_space<vmem>>
        %dma_start3A_401 = arith.constant 0 : i32
        %dma_start3A_402 = arith.constant 0 : i32
        %dma_start3A_403 = tpu.memref_slice %arg11[%dma_start3A_401, %dma_start3A_402] : memref<10240x64xf32, #tpu.memory_space<vmem_shared>> -> memref<10240x64xf32, #tpu.memory_space<vmem_shared>>
        tpu.enqueue_indirect_dma source(%arg8 : memref<128x64xf32, #tpu.memory_space<vmem>>) target(%dma_start3A_403 : memref<10240x64xf32, #tpu.memory_space<vmem_shared>>) offsets(%dma_start3A_400 : memref<128xi32, #tpu.memory_space<vmem>>) semaphore(%run_scoped3A_397 : memref<!tpu.dma_semaphore, #tpu.memory_space<semaphore_mem>>) {add = true}
        %dma_wait3A_404 = arith.constant 0 : i32
        %dma_wait3A_405 = tpu.memref_slice %arg6[%run_scoped3A_162, %run_scoped3A_163, %dma_wait3A_404] : memref<8x2x128xi32, #tpu.memory_space<vmem>> -> memref<1x1x128xi32, #tpu.memory_space<vmem>>
        %dma_wait3A_406 = tpu.memref_squeeze %dma_wait3A_405 : memref<1x1x128xi32, #tpu.memory_space<vmem>> -> memref<128xi32, #tpu.memory_space<vmem>>
        %dma_wait3A_407 = arith.constant 0 : i32
        %dma_wait3A_408 = arith.constant 0 : i32
        %dma_wait3A_409 = tpu.memref_slice %arg11[%dma_wait3A_407, %dma_wait3A_408] : memref<10240x64xf32, #tpu.memory_space<vmem_shared>> -> memref<10240x64xf32, #tpu.memory_space<vmem_shared>>
        tpu.wait_indirect_dma semaphore(%run_scoped3A_397 : memref<!tpu.dma_semaphore, #tpu.memory_space<semaphore_mem>>) src(%arg8 : memref<128x64xf32, #tpu.memory_space<vmem>>) dst(%dma_wait3A_409 : memref<10240x64xf32, #tpu.memory_space<vmem_shared>>)
        tpu.yield
      }) : () -> ()
      %dma_start3A_164 = arith.constant 4 : i32
      %dma_start3A_165 = arith.constant 0 : i32
      %dma_start3A_166 = arith.constant 0 : i32
      %dma_start3A_167 = tpu.memref_slice %arg6[%dma_start3A_164, %dma_start3A_165, %dma_start3A_166] : memref<8x2x128xi32, #tpu.memory_space<vmem>> -> memref<1x1x128xi32, #tpu.memory_space<vmem>>
      %dma_start3A_168 = tpu.memref_squeeze %dma_start3A_167 : memref<1x1x128xi32, #tpu.memory_space<vmem>> -> memref<128xi32, #tpu.memory_space<vmem>>
      %dma_start3A_169 = arith.constant 0 : i32
      %dma_start3A_170 = arith.constant 0 : i32
      %dma_start3A_171 = tpu.memref_slice %arg10[%dma_start3A_169, %dma_start3A_170] : memref<10240x64xf32, #tpu.memory_space<vmem_shared>> -> memref<10240x64xf32, #tpu.memory_space<vmem_shared>>
      tpu.enqueue_indirect_dma source(%dma_start3A_171 : memref<10240x64xf32, #tpu.memory_space<vmem_shared>>) target(%arg8 : memref<128x64xf32, #tpu.memory_space<vmem>>) offsets(%dma_start3A_168 : memref<128xi32, #tpu.memory_space<vmem>>) semaphore(%arg14 : memref<!tpu.dma_semaphore, #tpu.memory_space<semaphore_mem>>)
      %dma_wait3A_172 = arith.constant 0 : i32
      %dma_wait3A_173 = arith.constant 0 : i32
      %dma_wait3A_174 = tpu.memref_slice %arg4[%dma_wait3A_172, %dma_wait3A_173] : memref<10240x64xf32, #tpu.memory_space<hbm>> -> memref<128x64xf32, #tpu.memory_space<hbm>>
      %dma_wait3A_175 = arith.constant 0 : i32
      %dma_wait3A_176 = arith.constant 0 : i32
      %dma_wait3A_177 = tpu.memref_slice %arg4[%dma_wait3A_175, %dma_wait3A_176] : memref<10240x64xf32, #tpu.memory_space<hbm>> -> memref<128x64xf32, #tpu.memory_space<hbm>>
      tpu.wait_dma2 semaphore(%arg15 : memref<!tpu.dma_semaphore, #tpu.memory_space<semaphore_mem>>) src(%dma_wait3A_177 : memref<128x64xf32, #tpu.memory_space<hbm>>) dst(%arg9 : memref<128x64xf32, #tpu.memory_space<vmem>>)
      %run_scoped3A_178 = arith.constant 3 : i32
      %run_scoped3A_179 = arith.constant 1 : i32
      "tpu.region"() ({
        %run_scoped3A_397 = tpu.sem_alloc : memref<!tpu.dma_semaphore, #tpu.memory_space<semaphore_mem>>
        %dma_start3A_398 = arith.constant 0 : i32
        %dma_start3A_399 = tpu.memref_slice %arg6[%run_scoped3A_178, %run_scoped3A_179, %dma_start3A_398] : memref<8x2x128xi32, #tpu.memory_space<vmem>> -> memref<1x1x128xi32, #tpu.memory_space<vmem>>
        %dma_start3A_400 = tpu.memref_squeeze %dma_start3A_399 : memref<1x1x128xi32, #tpu.memory_space<vmem>> -> memref<128xi32, #tpu.memory_space<vmem>>
        %dma_start3A_401 = arith.constant 0 : i32
        %dma_start3A_402 = arith.constant 0 : i32
        %dma_start3A_403 = tpu.memref_slice %arg11[%dma_start3A_401, %dma_start3A_402] : memref<10240x64xf32, #tpu.memory_space<vmem_shared>> -> memref<10240x64xf32, #tpu.memory_space<vmem_shared>>
        tpu.enqueue_indirect_dma source(%arg9 : memref<128x64xf32, #tpu.memory_space<vmem>>) target(%dma_start3A_403 : memref<10240x64xf32, #tpu.memory_space<vmem_shared>>) offsets(%dma_start3A_400 : memref<128xi32, #tpu.memory_space<vmem>>) semaphore(%run_scoped3A_397 : memref<!tpu.dma_semaphore, #tpu.memory_space<semaphore_mem>>) {add = true}
        %dma_wait3A_404 = arith.constant 0 : i32
        %dma_wait3A_405 = tpu.memref_slice %arg6[%run_scoped3A_178, %run_scoped3A_179, %dma_wait3A_404] : memref<8x2x128xi32, #tpu.memory_space<vmem>> -> memref<1x1x128xi32, #tpu.memory_space<vmem>>
        %dma_wait3A_406 = tpu.memref_squeeze %dma_wait3A_405 : memref<1x1x128xi32, #tpu.memory_space<vmem>> -> memref<128xi32, #tpu.memory_space<vmem>>
        %dma_wait3A_407 = arith.constant 0 : i32
        %dma_wait3A_408 = arith.constant 0 : i32
        %dma_wait3A_409 = tpu.memref_slice %arg11[%dma_wait3A_407, %dma_wait3A_408] : memref<10240x64xf32, #tpu.memory_space<vmem_shared>> -> memref<10240x64xf32, #tpu.memory_space<vmem_shared>>
        tpu.wait_indirect_dma semaphore(%run_scoped3A_397 : memref<!tpu.dma_semaphore, #tpu.memory_space<semaphore_mem>>) src(%arg9 : memref<128x64xf32, #tpu.memory_space<vmem>>) dst(%dma_wait3A_409 : memref<10240x64xf32, #tpu.memory_space<vmem_shared>>)
        tpu.yield
      }) : () -> ()
      %dma_start3A_180 = arith.constant 5 : i32
      %dma_start3A_181 = arith.constant 0 : i32
      %dma_start3A_182 = arith.constant 0 : i32
      %dma_start3A_183 = tpu.memref_slice %arg6[%dma_start3A_180, %dma_start3A_181, %dma_start3A_182] : memref<8x2x128xi32, #tpu.memory_space<vmem>> -> memref<1x1x128xi32, #tpu.memory_space<vmem>>
      %dma_start3A_184 = tpu.memref_squeeze %dma_start3A_183 : memref<1x1x128xi32, #tpu.memory_space<vmem>> -> memref<128xi32, #tpu.memory_space<vmem>>
      %dma_start3A_185 = arith.constant 0 : i32
      %dma_start3A_186 = arith.constant 0 : i32
      %dma_start3A_187 = tpu.memref_slice %arg10[%dma_start3A_185, %dma_start3A_186] : memref<10240x64xf32, #tpu.memory_space<vmem_shared>> -> memref<10240x64xf32, #tpu.memory_space<vmem_shared>>
      tpu.enqueue_indirect_dma source(%dma_start3A_187 : memref<10240x64xf32, #tpu.memory_space<vmem_shared>>) target(%arg9 : memref<128x64xf32, #tpu.memory_space<vmem>>) offsets(%dma_start3A_184 : memref<128xi32, #tpu.memory_space<vmem>>) semaphore(%arg15 : memref<!tpu.dma_semaphore, #tpu.memory_space<semaphore_mem>>)
      %dma_wait3A_188 = arith.constant 0 : i32
      %dma_wait3A_189 = arith.constant 0 : i32
      %dma_wait3A_190 = tpu.memref_slice %arg4[%dma_wait3A_188, %dma_wait3A_189] : memref<10240x64xf32, #tpu.memory_space<hbm>> -> memref<128x64xf32, #tpu.memory_space<hbm>>
      %dma_wait3A_191 = arith.constant 0 : i32
      %dma_wait3A_192 = arith.constant 0 : i32
      %dma_wait3A_193 = tpu.memref_slice %arg4[%dma_wait3A_191, %dma_wait3A_192] : memref<10240x64xf32, #tpu.memory_space<hbm>> -> memref<128x64xf32, #tpu.memory_space<hbm>>
      tpu.wait_dma2 semaphore(%arg14 : memref<!tpu.dma_semaphore, #tpu.memory_space<semaphore_mem>>) src(%dma_wait3A_193 : memref<128x64xf32, #tpu.memory_space<hbm>>) dst(%arg8 : memref<128x64xf32, #tpu.memory_space<vmem>>)
      %run_scoped3A_194 = arith.constant 4 : i32
      %run_scoped3A_195 = arith.constant 1 : i32
      "tpu.region"() ({
        %run_scoped3A_397 = tpu.sem_alloc : memref<!tpu.dma_semaphore, #tpu.memory_space<semaphore_mem>>
        %dma_start3A_398 = arith.constant 0 : i32
        %dma_start3A_399 = tpu.memref_slice %arg6[%run_scoped3A_194, %run_scoped3A_195, %dma_start3A_398] : memref<8x2x128xi32, #tpu.memory_space<vmem>> -> memref<1x1x128xi32, #tpu.memory_space<vmem>>
        %dma_start3A_400 = tpu.memref_squeeze %dma_start3A_399 : memref<1x1x128xi32, #tpu.memory_space<vmem>> -> memref<128xi32, #tpu.memory_space<vmem>>
        %dma_start3A_401 = arith.constant 0 : i32
        %dma_start3A_402 = arith.constant 0 : i32
        %dma_start3A_403 = tpu.memref_slice %arg11[%dma_start3A_401, %dma_start3A_402] : memref<10240x64xf32, #tpu.memory_space<vmem_shared>> -> memref<10240x64xf32, #tpu.memory_space<vmem_shared>>
        tpu.enqueue_indirect_dma source(%arg8 : memref<128x64xf32, #tpu.memory_space<vmem>>) target(%dma_start3A_403 : memref<10240x64xf32, #tpu.memory_space<vmem_shared>>) offsets(%dma_start3A_400 : memref<128xi32, #tpu.memory_space<vmem>>) semaphore(%run_scoped3A_397 : memref<!tpu.dma_semaphore, #tpu.memory_space<semaphore_mem>>) {add = true}
        %dma_wait3A_404 = arith.constant 0 : i32
        %dma_wait3A_405 = tpu.memref_slice %arg6[%run_scoped3A_194, %run_scoped3A_195, %dma_wait3A_404] : memref<8x2x128xi32, #tpu.memory_space<vmem>> -> memref<1x1x128xi32, #tpu.memory_space<vmem>>
        %dma_wait3A_406 = tpu.memref_squeeze %dma_wait3A_405 : memref<1x1x128xi32, #tpu.memory_space<vmem>> -> memref<128xi32, #tpu.memory_space<vmem>>
        %dma_wait3A_407 = arith.constant 0 : i32
        %dma_wait3A_408 = arith.constant 0 : i32
        %dma_wait3A_409 = tpu.memref_slice %arg11[%dma_wait3A_407, %dma_wait3A_408] : memref<10240x64xf32, #tpu.memory_space<vmem_shared>> -> memref<10240x64xf32, #tpu.memory_space<vmem_shared>>
        tpu.wait_indirect_dma semaphore(%run_scoped3A_397 : memref<!tpu.dma_semaphore, #tpu.memory_space<semaphore_mem>>) src(%arg8 : memref<128x64xf32, #tpu.memory_space<vmem>>) dst(%dma_wait3A_409 : memref<10240x64xf32, #tpu.memory_space<vmem_shared>>)
        tpu.yield
      }) : () -> ()
      %dma_start3A_196 = arith.constant 6 : i32
      %dma_start3A_197 = arith.constant 0 : i32
      %dma_start3A_198 = arith.constant 0 : i32
      %dma_start3A_199 = tpu.memref_slice %arg6[%dma_start3A_196, %dma_start3A_197, %dma_start3A_198] : memref<8x2x128xi32, #tpu.memory_space<vmem>> -> memref<1x1x128xi32, #tpu.memory_space<vmem>>
      %dma_start3A_200 = tpu.memref_squeeze %dma_start3A_199 : memref<1x1x128xi32, #tpu.memory_space<vmem>> -> memref<128xi32, #tpu.memory_space<vmem>>
      %dma_start3A_201 = arith.constant 0 : i32
      %dma_start3A_202 = arith.constant 0 : i32
      %dma_start3A_203 = tpu.memref_slice %arg10[%dma_start3A_201, %dma_start3A_202] : memref<10240x64xf32, #tpu.memory_space<vmem_shared>> -> memref<10240x64xf32, #tpu.memory_space<vmem_shared>>
      tpu.enqueue_indirect_dma source(%dma_start3A_203 : memref<10240x64xf32, #tpu.memory_space<vmem_shared>>) target(%arg8 : memref<128x64xf32, #tpu.memory_space<vmem>>) offsets(%dma_start3A_200 : memref<128xi32, #tpu.memory_space<vmem>>) semaphore(%arg14 : memref<!tpu.dma_semaphore, #tpu.memory_space<semaphore_mem>>)
      %dma_wait3A_204 = arith.constant 0 : i32
      %dma_wait3A_205 = arith.constant 0 : i32
      %dma_wait3A_206 = tpu.memref_slice %arg4[%dma_wait3A_204, %dma_wait3A_205] : memref<10240x64xf32, #tpu.memory_space<hbm>> -> memref<128x64xf32, #tpu.memory_space<hbm>>
      %dma_wait3A_207 = arith.constant 0 : i32
      %dma_wait3A_208 = arith.constant 0 : i32
      %dma_wait3A_209 = tpu.memref_slice %arg4[%dma_wait3A_207, %dma_wait3A_208] : memref<10240x64xf32, #tpu.memory_space<hbm>> -> memref<128x64xf32, #tpu.memory_space<hbm>>
      tpu.wait_dma2 semaphore(%arg15 : memref<!tpu.dma_semaphore, #tpu.memory_space<semaphore_mem>>) src(%dma_wait3A_209 : memref<128x64xf32, #tpu.memory_space<hbm>>) dst(%arg9 : memref<128x64xf32, #tpu.memory_space<vmem>>)
      %run_scoped3A_210 = arith.constant 5 : i32
      %run_scoped3A_211 = arith.constant 1 : i32
      "tpu.region"() ({
        %run_scoped3A_397 = tpu.sem_alloc : memref<!tpu.dma_semaphore, #tpu.memory_space<semaphore_mem>>
        %dma_start3A_398 = arith.constant 0 : i32
        %dma_start3A_399 = tpu.memref_slice %arg6[%run_scoped3A_210, %run_scoped3A_211, %dma_start3A_398] : memref<8x2x128xi32, #tpu.memory_space<vmem>> -> memref<1x1x128xi32, #tpu.memory_space<vmem>>
        %dma_start3A_400 = tpu.memref_squeeze %dma_start3A_399 : memref<1x1x128xi32, #tpu.memory_space<vmem>> -> memref<128xi32, #tpu.memory_space<vmem>>
        %dma_start3A_401 = arith.constant 0 : i32
        %dma_start3A_402 = arith.constant 0 : i32
        %dma_start3A_403 = tpu.memref_slice %arg11[%dma_start3A_401, %dma_start3A_402] : memref<10240x64xf32, #tpu.memory_space<vmem_shared>> -> memref<10240x64xf32, #tpu.memory_space<vmem_shared>>
        tpu.enqueue_indirect_dma source(%arg9 : memref<128x64xf32, #tpu.memory_space<vmem>>) target(%dma_start3A_403 : memref<10240x64xf32, #tpu.memory_space<vmem_shared>>) offsets(%dma_start3A_400 : memref<128xi32, #tpu.memory_space<vmem>>) semaphore(%run_scoped3A_397 : memref<!tpu.dma_semaphore, #tpu.memory_space<semaphore_mem>>) {add = true}
        %dma_wait3A_404 = arith.constant 0 : i32
        %dma_wait3A_405 = tpu.memref_slice %arg6[%run_scoped3A_210, %run_scoped3A_211, %dma_wait3A_404] : memref<8x2x128xi32, #tpu.memory_space<vmem>> -> memref<1x1x128xi32, #tpu.memory_space<vmem>>
        %dma_wait3A_406 = tpu.memref_squeeze %dma_wait3A_405 : memref<1x1x128xi32, #tpu.memory_space<vmem>> -> memref<128xi32, #tpu.memory_space<vmem>>
        %dma_wait3A_407 = arith.constant 0 : i32
        %dma_wait3A_408 = arith.constant 0 : i32
        %dma_wait3A_409 = tpu.memref_slice %arg11[%dma_wait3A_407, %dma_wait3A_408] : memref<10240x64xf32, #tpu.memory_space<vmem_shared>> -> memref<10240x64xf32, #tpu.memory_space<vmem_shared>>
        tpu.wait_indirect_dma semaphore(%run_scoped3A_397 : memref<!tpu.dma_semaphore, #tpu.memory_space<semaphore_mem>>) src(%arg9 : memref<128x64xf32, #tpu.memory_space<vmem>>) dst(%dma_wait3A_409 : memref<10240x64xf32, #tpu.memory_space<vmem_shared>>)
        tpu.yield
      }) : () -> ()
      %dma_start3A_212 = arith.constant 7 : i32
      %dma_start3A_213 = arith.constant 0 : i32
      %dma_start3A_214 = arith.constant 0 : i32
      %dma_start3A_215 = tpu.memref_slice %arg6[%dma_start3A_212, %dma_start3A_213, %dma_start3A_214] : memref<8x2x128xi32, #tpu.memory_space<vmem>> -> memref<1x1x128xi32, #tpu.memory_space<vmem>>
      %dma_start3A_216 = tpu.memref_squeeze %dma_start3A_215 : memref<1x1x128xi32, #tpu.memory_space<vmem>> -> memref<128xi32, #tpu.memory_space<vmem>>
      %dma_start3A_217 = arith.constant 0 : i32
      %dma_start3A_218 = arith.constant 0 : i32
      %dma_start3A_219 = tpu.memref_slice %arg10[%dma_start3A_217, %dma_start3A_218] : memref<10240x64xf32, #tpu.memory_space<vmem_shared>> -> memref<10240x64xf32, #tpu.memory_space<vmem_shared>>
      tpu.enqueue_indirect_dma source(%dma_start3A_219 : memref<10240x64xf32, #tpu.memory_space<vmem_shared>>) target(%arg9 : memref<128x64xf32, #tpu.memory_space<vmem>>) offsets(%dma_start3A_216 : memref<128xi32, #tpu.memory_space<vmem>>) semaphore(%arg15 : memref<!tpu.dma_semaphore, #tpu.memory_space<semaphore_mem>>)
      %dma_wait3A_220 = arith.constant 0 : i32
      %dma_wait3A_221 = arith.constant 0 : i32
      %dma_wait3A_222 = tpu.memref_slice %arg4[%dma_wait3A_220, %dma_wait3A_221] : memref<10240x64xf32, #tpu.memory_space<hbm>> -> memref<128x64xf32, #tpu.memory_space<hbm>>
      %dma_wait3A_223 = arith.constant 0 : i32
      %dma_wait3A_224 = arith.constant 0 : i32
      %dma_wait3A_225 = tpu.memref_slice %arg4[%dma_wait3A_223, %dma_wait3A_224] : memref<10240x64xf32, #tpu.memory_space<hbm>> -> memref<128x64xf32, #tpu.memory_space<hbm>>
      tpu.wait_dma2 semaphore(%arg14 : memref<!tpu.dma_semaphore, #tpu.memory_space<semaphore_mem>>) src(%dma_wait3A_225 : memref<128x64xf32, #tpu.memory_space<hbm>>) dst(%arg8 : memref<128x64xf32, #tpu.memory_space<vmem>>)
      %run_scoped3A_226 = arith.constant 6 : i32
      %run_scoped3A_227 = arith.constant 1 : i32
      "tpu.region"() ({
        %run_scoped3A_397 = tpu.sem_alloc : memref<!tpu.dma_semaphore, #tpu.memory_space<semaphore_mem>>
        %dma_start3A_398 = arith.constant 0 : i32
        %dma_start3A_399 = tpu.memref_slice %arg6[%run_scoped3A_226, %run_scoped3A_227, %dma_start3A_398] : memref<8x2x128xi32, #tpu.memory_space<vmem>> -> memref<1x1x128xi32, #tpu.memory_space<vmem>>
        %dma_start3A_400 = tpu.memref_squeeze %dma_start3A_399 : memref<1x1x128xi32, #tpu.memory_space<vmem>> -> memref<128xi32, #tpu.memory_space<vmem>>
        %dma_start3A_401 = arith.constant 0 : i32
        %dma_start3A_402 = arith.constant 0 : i32
        %dma_start3A_403 = tpu.memref_slice %arg11[%dma_start3A_401, %dma_start3A_402] : memref<10240x64xf32, #tpu.memory_space<vmem_shared>> -> memref<10240x64xf32, #tpu.memory_space<vmem_shared>>
        tpu.enqueue_indirect_dma source(%arg8 : memref<128x64xf32, #tpu.memory_space<vmem>>) target(%dma_start3A_403 : memref<10240x64xf32, #tpu.memory_space<vmem_shared>>) offsets(%dma_start3A_400 : memref<128xi32, #tpu.memory_space<vmem>>) semaphore(%run_scoped3A_397 : memref<!tpu.dma_semaphore, #tpu.memory_space<semaphore_mem>>) {add = true}
        %dma_wait3A_404 = arith.constant 0 : i32
        %dma_wait3A_405 = tpu.memref_slice %arg6[%run_scoped3A_226, %run_scoped3A_227, %dma_wait3A_404] : memref<8x2x128xi32, #tpu.memory_space<vmem>> -> memref<1x1x128xi32, #tpu.memory_space<vmem>>
        %dma_wait3A_406 = tpu.memref_squeeze %dma_wait3A_405 : memref<1x1x128xi32, #tpu.memory_space<vmem>> -> memref<128xi32, #tpu.memory_space<vmem>>
        %dma_wait3A_407 = arith.constant 0 : i32
        %dma_wait3A_408 = arith.constant 0 : i32
        %dma_wait3A_409 = tpu.memref_slice %arg11[%dma_wait3A_407, %dma_wait3A_408] : memref<10240x64xf32, #tpu.memory_space<vmem_shared>> -> memref<10240x64xf32, #tpu.memory_space<vmem_shared>>
        tpu.wait_indirect_dma semaphore(%run_scoped3A_397 : memref<!tpu.dma_semaphore, #tpu.memory_space<semaphore_mem>>) src(%arg8 : memref<128x64xf32, #tpu.memory_space<vmem>>) dst(%dma_wait3A_409 : memref<10240x64xf32, #tpu.memory_space<vmem_shared>>)
        tpu.yield
      }) : () -> ()
      %dma_wait3A_228 = arith.constant 0 : i32
      %dma_wait3A_229 = arith.constant 0 : i32
      %dma_wait3A_230 = arith.constant 0 : i32
      %dma_wait3A_231 = arith.constant 0 : i32
      %dma_wait3A_232 = tpu.memref_slice %arg3[%add3A, %dma_wait3A_228, %dma_wait3A_229, %dma_wait3A_230, %dma_wait3A_231] : memref<32x10x8x2x128xi32, #tpu.memory_space<hbm>> -> memref<1x1x8x2x128xi32, #tpu.memory_space<hbm>>
      %dma_wait3A_233 = tpu.memref_squeeze %dma_wait3A_232 : memref<1x1x8x2x128xi32, #tpu.memory_space<hbm>> -> memref<8x2x128xi32, #tpu.memory_space<hbm>>
      %dma_wait3A_234 = arith.constant 0 : i32
      %dma_wait3A_235 = arith.constant 0 : i32
      %dma_wait3A_236 = arith.constant 0 : i32
      %dma_wait3A_237 = tpu.memref_slice %arg3[%add3A, %dma_wait3A_228, %dma_wait3A_234, %dma_wait3A_235, %dma_wait3A_236] : memref<32x10x8x2x128xi32, #tpu.memory_space<hbm>> -> memref<1x1x8x2x128xi32, #tpu.memory_space<hbm>>
      %dma_wait3A_238 = tpu.memref_squeeze %dma_wait3A_237 : memref<1x1x8x2x128xi32, #tpu.memory_space<hbm>> -> memref<8x2x128xi32, #tpu.memory_space<hbm>>
      tpu.wait_dma2 semaphore(%arg13 : memref<!tpu.dma_semaphore, #tpu.memory_space<semaphore_mem>>) src(%dma_wait3A_238 : memref<8x2x128xi32, #tpu.memory_space<hbm>>) dst(%arg7 : memref<8x2x128xi32, #tpu.memory_space<vmem>>)
      %dma_start3A_239 = arith.constant 0 : i32
      %dma_start3A_240 = arith.constant 0 : i32
      %dma_start3A_241 = arith.constant 0 : i32
      %dma_start3A_242 = tpu.memref_slice %arg7[%dma_start3A_239, %dma_start3A_240, %dma_start3A_241] : memref<8x2x128xi32, #tpu.memory_space<vmem>> -> memref<1x1x128xi32, #tpu.memory_space<vmem>>
      %dma_start3A_243 = tpu.memref_squeeze %dma_start3A_242 : memref<1x1x128xi32, #tpu.memory_space<vmem>> -> memref<128xi32, #tpu.memory_space<vmem>>
      %dma_start3A_244 = arith.constant 0 : i32
      %dma_start3A_245 = arith.constant 0 : i32
      %dma_start3A_246 = tpu.memref_slice %arg10[%dma_start3A_244, %dma_start3A_245] : memref<10240x64xf32, #tpu.memory_space<vmem_shared>> -> memref<10240x64xf32, #tpu.memory_space<vmem_shared>>
      tpu.enqueue_indirect_dma source(%dma_start3A_246 : memref<10240x64xf32, #tpu.memory_space<vmem_shared>>) target(%arg8 : memref<128x64xf32, #tpu.memory_space<vmem>>) offsets(%dma_start3A_243 : memref<128xi32, #tpu.memory_space<vmem>>) semaphore(%arg14 : memref<!tpu.dma_semaphore, #tpu.memory_space<semaphore_mem>>)
      %dma_wait3A_247 = arith.constant 0 : i32
      %dma_wait3A_248 = arith.constant 0 : i32
      %dma_wait3A_249 = tpu.memref_slice %arg4[%dma_wait3A_247, %dma_wait3A_248] : memref<10240x64xf32, #tpu.memory_space<hbm>> -> memref<128x64xf32, #tpu.memory_space<hbm>>
      %dma_wait3A_250 = arith.constant 0 : i32
      %dma_wait3A_251 = arith.constant 0 : i32
      %dma_wait3A_252 = tpu.memref_slice %arg4[%dma_wait3A_250, %dma_wait3A_251] : memref<10240x64xf32, #tpu.memory_space<hbm>> -> memref<128x64xf32, #tpu.memory_space<hbm>>
      tpu.wait_dma2 semaphore(%arg15 : memref<!tpu.dma_semaphore, #tpu.memory_space<semaphore_mem>>) src(%dma_wait3A_252 : memref<128x64xf32, #tpu.memory_space<hbm>>) dst(%arg9 : memref<128x64xf32, #tpu.memory_space<vmem>>)
      %run_scoped3A_253 = arith.constant 7 : i32
      %run_scoped3A_254 = arith.constant 1 : i32
      "tpu.region"() ({
        %run_scoped3A_397 = tpu.sem_alloc : memref<!tpu.dma_semaphore, #tpu.memory_space<semaphore_mem>>
        %dma_start3A_398 = arith.constant 0 : i32
        %dma_start3A_399 = tpu.memref_slice %arg6[%run_scoped3A_253, %run_scoped3A_254, %dma_start3A_398] : memref<8x2x128xi32, #tpu.memory_space<vmem>> -> memref<1x1x128xi32, #tpu.memory_space<vmem>>
        %dma_start3A_400 = tpu.memref_squeeze %dma_start3A_399 : memref<1x1x128xi32, #tpu.memory_space<vmem>> -> memref<128xi32, #tpu.memory_space<vmem>>
        %dma_start3A_401 = arith.constant 0 : i32
        %dma_start3A_402 = arith.constant 0 : i32
        %dma_start3A_403 = tpu.memref_slice %arg11[%dma_start3A_401, %dma_start3A_402] : memref<10240x64xf32, #tpu.memory_space<vmem_shared>> -> memref<10240x64xf32, #tpu.memory_space<vmem_shared>>
        tpu.enqueue_indirect_dma source(%arg9 : memref<128x64xf32, #tpu.memory_space<vmem>>) target(%dma_start3A_403 : memref<10240x64xf32, #tpu.memory_space<vmem_shared>>) offsets(%dma_start3A_400 : memref<128xi32, #tpu.memory_space<vmem>>) semaphore(%run_scoped3A_397 : memref<!tpu.dma_semaphore, #tpu.memory_space<semaphore_mem>>) {add = true}
        %dma_wait3A_404 = arith.constant 0 : i32
        %dma_wait3A_405 = tpu.memref_slice %arg6[%run_scoped3A_253, %run_scoped3A_254, %dma_wait3A_404] : memref<8x2x128xi32, #tpu.memory_space<vmem>> -> memref<1x1x128xi32, #tpu.memory_space<vmem>>
        %dma_wait3A_406 = tpu.memref_squeeze %dma_wait3A_405 : memref<1x1x128xi32, #tpu.memory_space<vmem>> -> memref<128xi32, #tpu.memory_space<vmem>>
        %dma_wait3A_407 = arith.constant 0 : i32
        %dma_wait3A_408 = arith.constant 0 : i32
        %dma_wait3A_409 = tpu.memref_slice %arg11[%dma_wait3A_407, %dma_wait3A_408] : memref<10240x64xf32, #tpu.memory_space<vmem_shared>> -> memref<10240x64xf32, #tpu.memory_space<vmem_shared>>
        tpu.wait_indirect_dma semaphore(%run_scoped3A_397 : memref<!tpu.dma_semaphore, #tpu.memory_space<semaphore_mem>>) src(%arg9 : memref<128x64xf32, #tpu.memory_space<vmem>>) dst(%dma_wait3A_409 : memref<10240x64xf32, #tpu.memory_space<vmem_shared>>)
        tpu.yield
      }) : () -> ()
      %dma_start3A_255 = arith.constant 1 : i32
      %dma_start3A_256 = arith.constant 0 : i32
      %dma_start3A_257 = arith.constant 0 : i32
      %dma_start3A_258 = tpu.memref_slice %arg7[%dma_start3A_255, %dma_start3A_256, %dma_start3A_257] : memref<8x2x128xi32, #tpu.memory_space<vmem>> -> memref<1x1x128xi32, #tpu.memory_space<vmem>>
      %dma_start3A_259 = tpu.memref_squeeze %dma_start3A_258 : memref<1x1x128xi32, #tpu.memory_space<vmem>> -> memref<128xi32, #tpu.memory_space<vmem>>
      %dma_start3A_260 = arith.constant 0 : i32
      %dma_start3A_261 = arith.constant 0 : i32
      %dma_start3A_262 = tpu.memref_slice %arg10[%dma_start3A_260, %dma_start3A_261] : memref<10240x64xf32, #tpu.memory_space<vmem_shared>> -> memref<10240x64xf32, #tpu.memory_space<vmem_shared>>
      tpu.enqueue_indirect_dma source(%dma_start3A_262 : memref<10240x64xf32, #tpu.memory_space<vmem_shared>>) target(%arg9 : memref<128x64xf32, #tpu.memory_space<vmem>>) offsets(%dma_start3A_259 : memref<128xi32, #tpu.memory_space<vmem>>) semaphore(%arg15 : memref<!tpu.dma_semaphore, #tpu.memory_space<semaphore_mem>>)
      %lt3A = arith.constant 4 : i32
      %lt3A_263 = arith.cmpi slt, %scan3A_118, %lt3A : i32
      %convert_element_type3A = arith.extui %lt3A_263 : i1 to i32
      %cond3A = arith.constant 0 : i32
      %cond3A_264 = arith.cmpi ne, %convert_element_type3A, %cond3A : i32
      scf.if %cond3A_264 {
        %add3A_397 = arith.constant 2 : i32
        %add3A_398 = arith.addi %add3A_123, %add3A_397 : i32
        %dma_start3A_399 = arith.constant 0 : i32
        %dma_start3A_400 = arith.constant 0 : i32
        %dma_start3A_401 = arith.constant 0 : i32
        %dma_start3A_402 = tpu.memref_slice %arg3[%add3A, %add3A_398, %dma_start3A_399, %dma_start3A_400, %dma_start3A_401] : memref<32x10x8x2x128xi32, #tpu.memory_space<hbm>> -> memref<1x1x8x2x128xi32, #tpu.memory_space<hbm>>
        %dma_start3A_403 = tpu.memref_squeeze %dma_start3A_402 : memref<1x1x8x2x128xi32, #tpu.memory_space<hbm>> -> memref<8x2x128xi32, #tpu.memory_space<hbm>>
        %dma_start3A_404 = arith.constant 0 : i32
        %dma_start3A_405 = arith.constant 0 : i32
        %dma_start3A_406 = arith.constant 0 : i32
        %dma_start3A_407 = tpu.memref_slice %arg3[%add3A, %add3A_398, %dma_start3A_404, %dma_start3A_405, %dma_start3A_406] : memref<32x10x8x2x128xi32, #tpu.memory_space<hbm>> -> memref<1x1x8x2x128xi32, #tpu.memory_space<hbm>>
        %dma_start3A_408 = tpu.memref_squeeze %dma_start3A_407 : memref<1x1x8x2x128xi32, #tpu.memory_space<hbm>> -> memref<8x2x128xi32, #tpu.memory_space<hbm>>
        tpu.enqueue_dma source(%dma_start3A_408 : memref<8x2x128xi32, #tpu.memory_space<hbm>>) target(%arg6 : memref<8x2x128xi32, #tpu.memory_space<vmem>>) target_semaphore(%arg12 : memref<!tpu.dma_semaphore, #tpu.memory_space<semaphore_mem>>)
      } else {
      }
      %mul3A_265 = arith.constant 2 : i32
      %mul3A_266 = arith.muli %scan3A_118, %mul3A_265 : i32
      %add3A_267 = arith.constant 1 : i32
      %add3A_268 = arith.addi %mul3A_266, %add3A_267 : i32
      %dma_wait3A_269 = arith.constant 0 : i32
      %dma_wait3A_270 = arith.constant 0 : i32
      %dma_wait3A_271 = tpu.memref_slice %arg4[%dma_wait3A_269, %dma_wait3A_270] : memref<10240x64xf32, #tpu.memory_space<hbm>> -> memref<128x64xf32, #tpu.memory_space<hbm>>
      %dma_wait3A_272 = arith.constant 0 : i32
      %dma_wait3A_273 = arith.constant 0 : i32
      %dma_wait3A_274 = tpu.memref_slice %arg4[%dma_wait3A_272, %dma_wait3A_273] : memref<10240x64xf32, #tpu.memory_space<hbm>> -> memref<128x64xf32, #tpu.memory_space<hbm>>
      tpu.wait_dma2 semaphore(%arg14 : memref<!tpu.dma_semaphore, #tpu.memory_space<semaphore_mem>>) src(%dma_wait3A_274 : memref<128x64xf32, #tpu.memory_space<hbm>>) dst(%arg8 : memref<128x64xf32, #tpu.memory_space<vmem>>)
      %run_scoped3A_275 = arith.constant 0 : i32
      %run_scoped3A_276 = arith.constant 1 : i32
      "tpu.region"() ({
        %run_scoped3A_397 = tpu.sem_alloc : memref<!tpu.dma_semaphore, #tpu.memory_space<semaphore_mem>>
        %dma_start3A_398 = arith.constant 0 : i32
        %dma_start3A_399 = tpu.memref_slice %arg7[%run_scoped3A_275, %run_scoped3A_276, %dma_start3A_398] : memref<8x2x128xi32, #tpu.memory_space<vmem>> -> memref<1x1x128xi32, #tpu.memory_space<vmem>>
        %dma_start3A_400 = tpu.memref_squeeze %dma_start3A_399 : memref<1x1x128xi32, #tpu.memory_space<vmem>> -> memref<128xi32, #tpu.memory_space<vmem>>
        %dma_start3A_401 = arith.constant 0 : i32
        %dma_start3A_402 = arith.constant 0 : i32
        %dma_start3A_403 = tpu.memref_slice %arg11[%dma_start3A_401, %dma_start3A_402] : memref<10240x64xf32, #tpu.memory_space<vmem_shared>> -> memref<10240x64xf32, #tpu.memory_space<vmem_shared>>
        tpu.enqueue_indirect_dma source(%arg8 : memref<128x64xf32, #tpu.memory_space<vmem>>) target(%dma_start3A_403 : memref<10240x64xf32, #tpu.memory_space<vmem_shared>>) offsets(%dma_start3A_400 : memref<128xi32, #tpu.memory_space<vmem>>) semaphore(%run_scoped3A_397 : memref<!tpu.dma_semaphore, #tpu.memory_space<semaphore_mem>>) {add = true}
        %dma_wait3A_404 = arith.constant 0 : i32
        %dma_wait3A_405 = tpu.memref_slice %arg7[%run_scoped3A_275, %run_scoped3A_276, %dma_wait3A_404] : memref<8x2x128xi32, #tpu.memory_space<vmem>> -> memref<1x1x128xi32, #tpu.memory_space<vmem>>
        %dma_wait3A_406 = tpu.memref_squeeze %dma_wait3A_405 : memref<1x1x128xi32, #tpu.memory_space<vmem>> -> memref<128xi32, #tpu.memory_space<vmem>>
        %dma_wait3A_407 = arith.constant 0 : i32
        %dma_wait3A_408 = arith.constant 0 : i32
        %dma_wait3A_409 = tpu.memref_slice %arg11[%dma_wait3A_407, %dma_wait3A_408] : memref<10240x64xf32, #tpu.memory_space<vmem_shared>> -> memref<10240x64xf32, #tpu.memory_space<vmem_shared>>
        tpu.wait_indirect_dma semaphore(%run_scoped3A_397 : memref<!tpu.dma_semaphore, #tpu.memory_space<semaphore_mem>>) src(%arg8 : memref<128x64xf32, #tpu.memory_space<vmem>>) dst(%dma_wait3A_409 : memref<10240x64xf32, #tpu.memory_space<vmem_shared>>)
        tpu.yield
      }) : () -> ()
      %dma_start3A_277 = arith.constant 2 : i32
      %dma_start3A_278 = arith.constant 0 : i32
      %dma_start3A_279 = arith.constant 0 : i32
      %dma_start3A_280 = tpu.memref_slice %arg7[%dma_start3A_277, %dma_start3A_278, %dma_start3A_279] : memref<8x2x128xi32, #tpu.memory_space<vmem>> -> memref<1x1x128xi32, #tpu.memory_space<vmem>>
      %dma_start3A_281 = tpu.memref_squeeze %dma_start3A_280 : memref<1x1x128xi32, #tpu.memory_space<vmem>> -> memref<128xi32, #tpu.memory_space<vmem>>
      %dma_start3A_282 = arith.constant 0 : i32
      %dma_start3A_283 = arith.constant 0 : i32
      %dma_start3A_284 = tpu.memref_slice %arg10[%dma_start3A_282, %dma_start3A_283] : memref<10240x64xf32, #tpu.memory_space<vmem_shared>> -> memref<10240x64xf32, #tpu.memory_space<vmem_shared>>
      tpu.enqueue_indirect_dma source(%dma_start3A_284 : memref<10240x64xf32, #tpu.memory_space<vmem_shared>>) target(%arg8 : memref<128x64xf32, #tpu.memory_space<vmem>>) offsets(%dma_start3A_281 : memref<128xi32, #tpu.memory_space<vmem>>) semaphore(%arg14 : memref<!tpu.dma_semaphore, #tpu.memory_space<semaphore_mem>>)
      %dma_wait3A_285 = arith.constant 0 : i32
      %dma_wait3A_286 = arith.constant 0 : i32
      %dma_wait3A_287 = tpu.memref_slice %arg4[%dma_wait3A_285, %dma_wait3A_286] : memref<10240x64xf32, #tpu.memory_space<hbm>> -> memref<128x64xf32, #tpu.memory_space<hbm>>
      %dma_wait3A_288 = arith.constant 0 : i32
      %dma_wait3A_289 = arith.constant 0 : i32
      %dma_wait3A_290 = tpu.memref_slice %arg4[%dma_wait3A_288, %dma_wait3A_289] : memref<10240x64xf32, #tpu.memory_space<hbm>> -> memref<128x64xf32, #tpu.memory_space<hbm>>
      tpu.wait_dma2 semaphore(%arg15 : memref<!tpu.dma_semaphore, #tpu.memory_space<semaphore_mem>>) src(%dma_wait3A_290 : memref<128x64xf32, #tpu.memory_space<hbm>>) dst(%arg9 : memref<128x64xf32, #tpu.memory_space<vmem>>)
      %run_scoped3A_291 = arith.constant 1 : i32
      %run_scoped3A_292 = arith.constant 1 : i32
      "tpu.region"() ({
        %run_scoped3A_397 = tpu.sem_alloc : memref<!tpu.dma_semaphore, #tpu.memory_space<semaphore_mem>>
        %dma_start3A_398 = arith.constant 0 : i32
        %dma_start3A_399 = tpu.memref_slice %arg7[%run_scoped3A_291, %run_scoped3A_292, %dma_start3A_398] : memref<8x2x128xi32, #tpu.memory_space<vmem>> -> memref<1x1x128xi32, #tpu.memory_space<vmem>>
        %dma_start3A_400 = tpu.memref_squeeze %dma_start3A_399 : memref<1x1x128xi32, #tpu.memory_space<vmem>> -> memref<128xi32, #tpu.memory_space<vmem>>
        %dma_start3A_401 = arith.constant 0 : i32
        %dma_start3A_402 = arith.constant 0 : i32
        %dma_start3A_403 = tpu.memref_slice %arg11[%dma_start3A_401, %dma_start3A_402] : memref<10240x64xf32, #tpu.memory_space<vmem_shared>> -> memref<10240x64xf32, #tpu.memory_space<vmem_shared>>
        tpu.enqueue_indirect_dma source(%arg9 : memref<128x64xf32, #tpu.memory_space<vmem>>) target(%dma_start3A_403 : memref<10240x64xf32, #tpu.memory_space<vmem_shared>>) offsets(%dma_start3A_400 : memref<128xi32, #tpu.memory_space<vmem>>) semaphore(%run_scoped3A_397 : memref<!tpu.dma_semaphore, #tpu.memory_space<semaphore_mem>>) {add = true}
        %dma_wait3A_404 = arith.constant 0 : i32
        %dma_wait3A_405 = tpu.memref_slice %arg7[%run_scoped3A_291, %run_scoped3A_292, %dma_wait3A_404] : memref<8x2x128xi32, #tpu.memory_space<vmem>> -> memref<1x1x128xi32, #tpu.memory_space<vmem>>
        %dma_wait3A_406 = tpu.memref_squeeze %dma_wait3A_405 : memref<1x1x128xi32, #tpu.memory_space<vmem>> -> memref<128xi32, #tpu.memory_space<vmem>>
        %dma_wait3A_407 = arith.constant 0 : i32
        %dma_wait3A_408 = arith.constant 0 : i32
        %dma_wait3A_409 = tpu.memref_slice %arg11[%dma_wait3A_407, %dma_wait3A_408] : memref<10240x64xf32, #tpu.memory_space<vmem_shared>> -> memref<10240x64xf32, #tpu.memory_space<vmem_shared>>
        tpu.wait_indirect_dma semaphore(%run_scoped3A_397 : memref<!tpu.dma_semaphore, #tpu.memory_space<semaphore_mem>>) src(%arg9 : memref<128x64xf32, #tpu.memory_space<vmem>>) dst(%dma_wait3A_409 : memref<10240x64xf32, #tpu.memory_space<vmem_shared>>)
        tpu.yield
      }) : () -> ()
      %dma_start3A_293 = arith.constant 3 : i32
      %dma_start3A_294 = arith.constant 0 : i32
      %dma_start3A_295 = arith.constant 0 : i32
      %dma_start3A_296 = tpu.memref_slice %arg7[%dma_start3A_293, %dma_start3A_294, %dma_start3A_295] : memref<8x2x128xi32, #tpu.memory_space<vmem>> -> memref<1x1x128xi32, #tpu.memory_space<vmem>>
      %dma_start3A_297 = tpu.memref_squeeze %dma_start3A_296 : memref<1x1x128xi32, #tpu.memory_space<vmem>> -> memref<128xi32, #tpu.memory_space<vmem>>
      %dma_start3A_298 = arith.constant 0 : i32
      %dma_start3A_299 = arith.constant 0 : i32
      %dma_start3A_300 = tpu.memref_slice %arg10[%dma_start3A_298, %dma_start3A_299] : memref<10240x64xf32, #tpu.memory_space<vmem_shared>> -> memref<10240x64xf32, #tpu.memory_space<vmem_shared>>
      tpu.enqueue_indirect_dma source(%dma_start3A_300 : memref<10240x64xf32, #tpu.memory_space<vmem_shared>>) target(%arg9 : memref<128x64xf32, #tpu.memory_space<vmem>>) offsets(%dma_start3A_297 : memref<128xi32, #tpu.memory_space<vmem>>) semaphore(%arg15 : memref<!tpu.dma_semaphore, #tpu.memory_space<semaphore_mem>>)
      %dma_wait3A_301 = arith.constant 0 : i32
      %dma_wait3A_302 = arith.constant 0 : i32
      %dma_wait3A_303 = tpu.memref_slice %arg4[%dma_wait3A_301, %dma_wait3A_302] : memref<10240x64xf32, #tpu.memory_space<hbm>> -> memref<128x64xf32, #tpu.memory_space<hbm>>
      %dma_wait3A_304 = arith.constant 0 : i32
      %dma_wait3A_305 = arith.constant 0 : i32
      %dma_wait3A_306 = tpu.memref_slice %arg4[%dma_wait3A_304, %dma_wait3A_305] : memref<10240x64xf32, #tpu.memory_space<hbm>> -> memref<128x64xf32, #tpu.memory_space<hbm>>
      tpu.wait_dma2 semaphore(%arg14 : memref<!tpu.dma_semaphore, #tpu.memory_space<semaphore_mem>>) src(%dma_wait3A_306 : memref<128x64xf32, #tpu.memory_space<hbm>>) dst(%arg8 : memref<128x64xf32, #tpu.memory_space<vmem>>)
      %run_scoped3A_307 = arith.constant 2 : i32
      %run_scoped3A_308 = arith.constant 1 : i32
      "tpu.region"() ({
        %run_scoped3A_397 = tpu.sem_alloc : memref<!tpu.dma_semaphore, #tpu.memory_space<semaphore_mem>>
        %dma_start3A_398 = arith.constant 0 : i32
        %dma_start3A_399 = tpu.memref_slice %arg7[%run_scoped3A_307, %run_scoped3A_308, %dma_start3A_398] : memref<8x2x128xi32, #tpu.memory_space<vmem>> -> memref<1x1x128xi32, #tpu.memory_space<vmem>>
        %dma_start3A_400 = tpu.memref_squeeze %dma_start3A_399 : memref<1x1x128xi32, #tpu.memory_space<vmem>> -> memref<128xi32, #tpu.memory_space<vmem>>
        %dma_start3A_401 = arith.constant 0 : i32
        %dma_start3A_402 = arith.constant 0 : i32
        %dma_start3A_403 = tpu.memref_slice %arg11[%dma_start3A_401, %dma_start3A_402] : memref<10240x64xf32, #tpu.memory_space<vmem_shared>> -> memref<10240x64xf32, #tpu.memory_space<vmem_shared>>
        tpu.enqueue_indirect_dma source(%arg8 : memref<128x64xf32, #tpu.memory_space<vmem>>) target(%dma_start3A_403 : memref<10240x64xf32, #tpu.memory_space<vmem_shared>>) offsets(%dma_start3A_400 : memref<128xi32, #tpu.memory_space<vmem>>) semaphore(%run_scoped3A_397 : memref<!tpu.dma_semaphore, #tpu.memory_space<semaphore_mem>>) {add = true}
        %dma_wait3A_404 = arith.constant 0 : i32
        %dma_wait3A_405 = tpu.memref_slice %arg7[%run_scoped3A_307, %run_scoped3A_308, %dma_wait3A_404] : memref<8x2x128xi32, #tpu.memory_space<vmem>> -> memref<1x1x128xi32, #tpu.memory_space<vmem>>
        %dma_wait3A_406 = tpu.memref_squeeze %dma_wait3A_405 : memref<1x1x128xi32, #tpu.memory_space<vmem>> -> memref<128xi32, #tpu.memory_space<vmem>>
        %dma_wait3A_407 = arith.constant 0 : i32
        %dma_wait3A_408 = arith.constant 0 : i32
        %dma_wait3A_409 = tpu.memref_slice %arg11[%dma_wait3A_407, %dma_wait3A_408] : memref<10240x64xf32, #tpu.memory_space<vmem_shared>> -> memref<10240x64xf32, #tpu.memory_space<vmem_shared>>
        tpu.wait_indirect_dma semaphore(%run_scoped3A_397 : memref<!tpu.dma_semaphore, #tpu.memory_space<semaphore_mem>>) src(%arg8 : memref<128x64xf32, #tpu.memory_space<vmem>>) dst(%dma_wait3A_409 : memref<10240x64xf32, #tpu.memory_space<vmem_shared>>)
        tpu.yield
      }) : () -> ()
      %dma_start3A_309 = arith.constant 4 : i32
      %dma_start3A_310 = arith.constant 0 : i32
      %dma_start3A_311 = arith.constant 0 : i32
      %dma_start3A_312 = tpu.memref_slice %arg7[%dma_start3A_309, %dma_start3A_310, %dma_start3A_311] : memref<8x2x128xi32, #tpu.memory_space<vmem>> -> memref<1x1x128xi32, #tpu.memory_space<vmem>>
      %dma_start3A_313 = tpu.memref_squeeze %dma_start3A_312 : memref<1x1x128xi32, #tpu.memory_space<vmem>> -> memref<128xi32, #tpu.memory_space<vmem>>
      %dma_start3A_314 = arith.constant 0 : i32
      %dma_start3A_315 = arith.constant 0 : i32
      %dma_start3A_316 = tpu.memref_slice %arg10[%dma_start3A_314, %dma_start3A_315] : memref<10240x64xf32, #tpu.memory_space<vmem_shared>> -> memref<10240x64xf32, #tpu.memory_space<vmem_shared>>
      tpu.enqueue_indirect_dma source(%dma_start3A_316 : memref<10240x64xf32, #tpu.memory_space<vmem_shared>>) target(%arg8 : memref<128x64xf32, #tpu.memory_space<vmem>>) offsets(%dma_start3A_313 : memref<128xi32, #tpu.memory_space<vmem>>) semaphore(%arg14 : memref<!tpu.dma_semaphore, #tpu.memory_space<semaphore_mem>>)
      %dma_wait3A_317 = arith.constant 0 : i32
      %dma_wait3A_318 = arith.constant 0 : i32
      %dma_wait3A_319 = tpu.memref_slice %arg4[%dma_wait3A_317, %dma_wait3A_318] : memref<10240x64xf32, #tpu.memory_space<hbm>> -> memref<128x64xf32, #tpu.memory_space<hbm>>
      %dma_wait3A_320 = arith.constant 0 : i32
      %dma_wait3A_321 = arith.constant 0 : i32
      %dma_wait3A_322 = tpu.memref_slice %arg4[%dma_wait3A_320, %dma_wait3A_321] : memref<10240x64xf32, #tpu.memory_space<hbm>> -> memref<128x64xf32, #tpu.memory_space<hbm>>
      tpu.wait_dma2 semaphore(%arg15 : memref<!tpu.dma_semaphore, #tpu.memory_space<semaphore_mem>>) src(%dma_wait3A_322 : memref<128x64xf32, #tpu.memory_space<hbm>>) dst(%arg9 : memref<128x64xf32, #tpu.memory_space<vmem>>)
      %run_scoped3A_323 = arith.constant 3 : i32
      %run_scoped3A_324 = arith.constant 1 : i32
      "tpu.region"() ({
        %run_scoped3A_397 = tpu.sem_alloc : memref<!tpu.dma_semaphore, #tpu.memory_space<semaphore_mem>>
        %dma_start3A_398 = arith.constant 0 : i32
        %dma_start3A_399 = tpu.memref_slice %arg7[%run_scoped3A_323, %run_scoped3A_324, %dma_start3A_398] : memref<8x2x128xi32, #tpu.memory_space<vmem>> -> memref<1x1x128xi32, #tpu.memory_space<vmem>>
        %dma_start3A_400 = tpu.memref_squeeze %dma_start3A_399 : memref<1x1x128xi32, #tpu.memory_space<vmem>> -> memref<128xi32, #tpu.memory_space<vmem>>
        %dma_start3A_401 = arith.constant 0 : i32
        %dma_start3A_402 = arith.constant 0 : i32
        %dma_start3A_403 = tpu.memref_slice %arg11[%dma_start3A_401, %dma_start3A_402] : memref<10240x64xf32, #tpu.memory_space<vmem_shared>> -> memref<10240x64xf32, #tpu.memory_space<vmem_shared>>
        tpu.enqueue_indirect_dma source(%arg9 : memref<128x64xf32, #tpu.memory_space<vmem>>) target(%dma_start3A_403 : memref<10240x64xf32, #tpu.memory_space<vmem_shared>>) offsets(%dma_start3A_400 : memref<128xi32, #tpu.memory_space<vmem>>) semaphore(%run_scoped3A_397 : memref<!tpu.dma_semaphore, #tpu.memory_space<semaphore_mem>>) {add = true}
        %dma_wait3A_404 = arith.constant 0 : i32
        %dma_wait3A_405 = tpu.memref_slice %arg7[%run_scoped3A_323, %run_scoped3A_324, %dma_wait3A_404] : memref<8x2x128xi32, #tpu.memory_space<vmem>> -> memref<1x1x128xi32, #tpu.memory_space<vmem>>
        %dma_wait3A_406 = tpu.memref_squeeze %dma_wait3A_405 : memref<1x1x128xi32, #tpu.memory_space<vmem>> -> memref<128xi32, #tpu.memory_space<vmem>>
        %dma_wait3A_407 = arith.constant 0 : i32
        %dma_wait3A_408 = arith.constant 0 : i32
        %dma_wait3A_409 = tpu.memref_slice %arg11[%dma_wait3A_407, %dma_wait3A_408] : memref<10240x64xf32, #tpu.memory_space<vmem_shared>> -> memref<10240x64xf32, #tpu.memory_space<vmem_shared>>
        tpu.wait_indirect_dma semaphore(%run_scoped3A_397 : memref<!tpu.dma_semaphore, #tpu.memory_space<semaphore_mem>>) src(%arg9 : memref<128x64xf32, #tpu.memory_space<vmem>>) dst(%dma_wait3A_409 : memref<10240x64xf32, #tpu.memory_space<vmem_shared>>)
        tpu.yield
      }) : () -> ()
      %dma_start3A_325 = arith.constant 5 : i32
      %dma_start3A_326 = arith.constant 0 : i32
      %dma_start3A_327 = arith.constant 0 : i32
      %dma_start3A_328 = tpu.memref_slice %arg7[%dma_start3A_325, %dma_start3A_326, %dma_start3A_327] : memref<8x2x128xi32, #tpu.memory_space<vmem>> -> memref<1x1x128xi32, #tpu.memory_space<vmem>>
      %dma_start3A_329 = tpu.memref_squeeze %dma_start3A_328 : memref<1x1x128xi32, #tpu.memory_space<vmem>> -> memref<128xi32, #tpu.memory_space<vmem>>
      %dma_start3A_330 = arith.constant 0 : i32
      %dma_start3A_331 = arith.constant 0 : i32
      %dma_start3A_332 = tpu.memref_slice %arg10[%dma_start3A_330, %dma_start3A_331] : memref<10240x64xf32, #tpu.memory_space<vmem_shared>> -> memref<10240x64xf32, #tpu.memory_space<vmem_shared>>
      tpu.enqueue_indirect_dma source(%dma_start3A_332 : memref<10240x64xf32, #tpu.memory_space<vmem_shared>>) target(%arg9 : memref<128x64xf32, #tpu.memory_space<vmem>>) offsets(%dma_start3A_329 : memref<128xi32, #tpu.memory_space<vmem>>) semaphore(%arg15 : memref<!tpu.dma_semaphore, #tpu.memory_space<semaphore_mem>>)
      %dma_wait3A_333 = arith.constant 0 : i32
      %dma_wait3A_334 = arith.constant 0 : i32
      %dma_wait3A_335 = tpu.memref_slice %arg4[%dma_wait3A_333, %dma_wait3A_334] : memref<10240x64xf32, #tpu.memory_space<hbm>> -> memref<128x64xf32, #tpu.memory_space<hbm>>
      %dma_wait3A_336 = arith.constant 0 : i32
      %dma_wait3A_337 = arith.constant 0 : i32
      %dma_wait3A_338 = tpu.memref_slice %arg4[%dma_wait3A_336, %dma_wait3A_337] : memref<10240x64xf32, #tpu.memory_space<hbm>> -> memref<128x64xf32, #tpu.memory_space<hbm>>
      tpu.wait_dma2 semaphore(%arg14 : memref<!tpu.dma_semaphore, #tpu.memory_space<semaphore_mem>>) src(%dma_wait3A_338 : memref<128x64xf32, #tpu.memory_space<hbm>>) dst(%arg8 : memref<128x64xf32, #tpu.memory_space<vmem>>)
      %run_scoped3A_339 = arith.constant 4 : i32
      %run_scoped3A_340 = arith.constant 1 : i32
      "tpu.region"() ({
        %run_scoped3A_397 = tpu.sem_alloc : memref<!tpu.dma_semaphore, #tpu.memory_space<semaphore_mem>>
        %dma_start3A_398 = arith.constant 0 : i32
        %dma_start3A_399 = tpu.memref_slice %arg7[%run_scoped3A_339, %run_scoped3A_340, %dma_start3A_398] : memref<8x2x128xi32, #tpu.memory_space<vmem>> -> memref<1x1x128xi32, #tpu.memory_space<vmem>>
        %dma_start3A_400 = tpu.memref_squeeze %dma_start3A_399 : memref<1x1x128xi32, #tpu.memory_space<vmem>> -> memref<128xi32, #tpu.memory_space<vmem>>
        %dma_start3A_401 = arith.constant 0 : i32
        %dma_start3A_402 = arith.constant 0 : i32
        %dma_start3A_403 = tpu.memref_slice %arg11[%dma_start3A_401, %dma_start3A_402] : memref<10240x64xf32, #tpu.memory_space<vmem_shared>> -> memref<10240x64xf32, #tpu.memory_space<vmem_shared>>
        tpu.enqueue_indirect_dma source(%arg8 : memref<128x64xf32, #tpu.memory_space<vmem>>) target(%dma_start3A_403 : memref<10240x64xf32, #tpu.memory_space<vmem_shared>>) offsets(%dma_start3A_400 : memref<128xi32, #tpu.memory_space<vmem>>) semaphore(%run_scoped3A_397 : memref<!tpu.dma_semaphore, #tpu.memory_space<semaphore_mem>>) {add = true}
        %dma_wait3A_404 = arith.constant 0 : i32
        %dma_wait3A_405 = tpu.memref_slice %arg7[%run_scoped3A_339, %run_scoped3A_340, %dma_wait3A_404] : memref<8x2x128xi32, #tpu.memory_space<vmem>> -> memref<1x1x128xi32, #tpu.memory_space<vmem>>
        %dma_wait3A_406 = tpu.memref_squeeze %dma_wait3A_405 : memref<1x1x128xi32, #tpu.memory_space<vmem>> -> memref<128xi32, #tpu.memory_space<vmem>>
        %dma_wait3A_407 = arith.constant 0 : i32
        %dma_wait3A_408 = arith.constant 0 : i32
        %dma_wait3A_409 = tpu.memref_slice %arg11[%dma_wait3A_407, %dma_wait3A_408] : memref<10240x64xf32, #tpu.memory_space<vmem_shared>> -> memref<10240x64xf32, #tpu.memory_space<vmem_shared>>
        tpu.wait_indirect_dma semaphore(%run_scoped3A_397 : memref<!tpu.dma_semaphore, #tpu.memory_space<semaphore_mem>>) src(%arg8 : memref<128x64xf32, #tpu.memory_space<vmem>>) dst(%dma_wait3A_409 : memref<10240x64xf32, #tpu.memory_space<vmem_shared>>)
        tpu.yield
      }) : () -> ()
      %dma_start3A_341 = arith.constant 6 : i32
      %dma_start3A_342 = arith.constant 0 : i32
      %dma_start3A_343 = arith.constant 0 : i32
      %dma_start3A_344 = tpu.memref_slice %arg7[%dma_start3A_341, %dma_start3A_342, %dma_start3A_343] : memref<8x2x128xi32, #tpu.memory_space<vmem>> -> memref<1x1x128xi32, #tpu.memory_space<vmem>>
      %dma_start3A_345 = tpu.memref_squeeze %dma_start3A_344 : memref<1x1x128xi32, #tpu.memory_space<vmem>> -> memref<128xi32, #tpu.memory_space<vmem>>
      %dma_start3A_346 = arith.constant 0 : i32
      %dma_start3A_347 = arith.constant 0 : i32
      %dma_start3A_348 = tpu.memref_slice %arg10[%dma_start3A_346, %dma_start3A_347] : memref<10240x64xf32, #tpu.memory_space<vmem_shared>> -> memref<10240x64xf32, #tpu.memory_space<vmem_shared>>
      tpu.enqueue_indirect_dma source(%dma_start3A_348 : memref<10240x64xf32, #tpu.memory_space<vmem_shared>>) target(%arg8 : memref<128x64xf32, #tpu.memory_space<vmem>>) offsets(%dma_start3A_345 : memref<128xi32, #tpu.memory_space<vmem>>) semaphore(%arg14 : memref<!tpu.dma_semaphore, #tpu.memory_space<semaphore_mem>>)
      %dma_wait3A_349 = arith.constant 0 : i32
      %dma_wait3A_350 = arith.constant 0 : i32
      %dma_wait3A_351 = tpu.memref_slice %arg4[%dma_wait3A_349, %dma_wait3A_350] : memref<10240x64xf32, #tpu.memory_space<hbm>> -> memref<128x64xf32, #tpu.memory_space<hbm>>
      %dma_wait3A_352 = arith.constant 0 : i32
      %dma_wait3A_353 = arith.constant 0 : i32
      %dma_wait3A_354 = tpu.memref_slice %arg4[%dma_wait3A_352, %dma_wait3A_353] : memref<10240x64xf32, #tpu.memory_space<hbm>> -> memref<128x64xf32, #tpu.memory_space<hbm>>
      tpu.wait_dma2 semaphore(%arg15 : memref<!tpu.dma_semaphore, #tpu.memory_space<semaphore_mem>>) src(%dma_wait3A_354 : memref<128x64xf32, #tpu.memory_space<hbm>>) dst(%arg9 : memref<128x64xf32, #tpu.memory_space<vmem>>)
      %run_scoped3A_355 = arith.constant 5 : i32
      %run_scoped3A_356 = arith.constant 1 : i32
      "tpu.region"() ({
        %run_scoped3A_397 = tpu.sem_alloc : memref<!tpu.dma_semaphore, #tpu.memory_space<semaphore_mem>>
        %dma_start3A_398 = arith.constant 0 : i32
        %dma_start3A_399 = tpu.memref_slice %arg7[%run_scoped3A_355, %run_scoped3A_356, %dma_start3A_398] : memref<8x2x128xi32, #tpu.memory_space<vmem>> -> memref<1x1x128xi32, #tpu.memory_space<vmem>>
        %dma_start3A_400 = tpu.memref_squeeze %dma_start3A_399 : memref<1x1x128xi32, #tpu.memory_space<vmem>> -> memref<128xi32, #tpu.memory_space<vmem>>
        %dma_start3A_401 = arith.constant 0 : i32
        %dma_start3A_402 = arith.constant 0 : i32
        %dma_start3A_403 = tpu.memref_slice %arg11[%dma_start3A_401, %dma_start3A_402] : memref<10240x64xf32, #tpu.memory_space<vmem_shared>> -> memref<10240x64xf32, #tpu.memory_space<vmem_shared>>
        tpu.enqueue_indirect_dma source(%arg9 : memref<128x64xf32, #tpu.memory_space<vmem>>) target(%dma_start3A_403 : memref<10240x64xf32, #tpu.memory_space<vmem_shared>>) offsets(%dma_start3A_400 : memref<128xi32, #tpu.memory_space<vmem>>) semaphore(%run_scoped3A_397 : memref<!tpu.dma_semaphore, #tpu.memory_space<semaphore_mem>>) {add = true}
        %dma_wait3A_404 = arith.constant 0 : i32
        %dma_wait3A_405 = tpu.memref_slice %arg7[%run_scoped3A_355, %run_scoped3A_356, %dma_wait3A_404] : memref<8x2x128xi32, #tpu.memory_space<vmem>> -> memref<1x1x128xi32, #tpu.memory_space<vmem>>
        %dma_wait3A_406 = tpu.memref_squeeze %dma_wait3A_405 : memref<1x1x128xi32, #tpu.memory_space<vmem>> -> memref<128xi32, #tpu.memory_space<vmem>>
        %dma_wait3A_407 = arith.constant 0 : i32
        %dma_wait3A_408 = arith.constant 0 : i32
        %dma_wait3A_409 = tpu.memref_slice %arg11[%dma_wait3A_407, %dma_wait3A_408] : memref<10240x64xf32, #tpu.memory_space<vmem_shared>> -> memref<10240x64xf32, #tpu.memory_space<vmem_shared>>
        tpu.wait_indirect_dma semaphore(%run_scoped3A_397 : memref<!tpu.dma_semaphore, #tpu.memory_space<semaphore_mem>>) src(%arg9 : memref<128x64xf32, #tpu.memory_space<vmem>>) dst(%dma_wait3A_409 : memref<10240x64xf32, #tpu.memory_space<vmem_shared>>)
        tpu.yield
      }) : () -> ()
      %dma_start3A_357 = arith.constant 7 : i32
      %dma_start3A_358 = arith.constant 0 : i32
      %dma_start3A_359 = arith.constant 0 : i32
      %dma_start3A_360 = tpu.memref_slice %arg7[%dma_start3A_357, %dma_start3A_358, %dma_start3A_359] : memref<8x2x128xi32, #tpu.memory_space<vmem>> -> memref<1x1x128xi32, #tpu.memory_space<vmem>>
      %dma_start3A_361 = tpu.memref_squeeze %dma_start3A_360 : memref<1x1x128xi32, #tpu.memory_space<vmem>> -> memref<128xi32, #tpu.memory_space<vmem>>
      %dma_start3A_362 = arith.constant 0 : i32
      %dma_start3A_363 = arith.constant 0 : i32
      %dma_start3A_364 = tpu.memref_slice %arg10[%dma_start3A_362, %dma_start3A_363] : memref<10240x64xf32, #tpu.memory_space<vmem_shared>> -> memref<10240x64xf32, #tpu.memory_space<vmem_shared>>
      tpu.enqueue_indirect_dma source(%dma_start3A_364 : memref<10240x64xf32, #tpu.memory_space<vmem_shared>>) target(%arg9 : memref<128x64xf32, #tpu.memory_space<vmem>>) offsets(%dma_start3A_361 : memref<128xi32, #tpu.memory_space<vmem>>) semaphore(%arg15 : memref<!tpu.dma_semaphore, #tpu.memory_space<semaphore_mem>>)
      %dma_wait3A_365 = arith.constant 0 : i32
      %dma_wait3A_366 = arith.constant 0 : i32
      %dma_wait3A_367 = tpu.memref_slice %arg4[%dma_wait3A_365, %dma_wait3A_366] : memref<10240x64xf32, #tpu.memory_space<hbm>> -> memref<128x64xf32, #tpu.memory_space<hbm>>
      %dma_wait3A_368 = arith.constant 0 : i32
      %dma_wait3A_369 = arith.constant 0 : i32
      %dma_wait3A_370 = tpu.memref_slice %arg4[%dma_wait3A_368, %dma_wait3A_369] : memref<10240x64xf32, #tpu.memory_space<hbm>> -> memref<128x64xf32, #tpu.memory_space<hbm>>
      tpu.wait_dma2 semaphore(%arg14 : memref<!tpu.dma_semaphore, #tpu.memory_space<semaphore_mem>>) src(%dma_wait3A_370 : memref<128x64xf32, #tpu.memory_space<hbm>>) dst(%arg8 : memref<128x64xf32, #tpu.memory_space<vmem>>)
      %run_scoped3A_371 = arith.constant 6 : i32
      %run_scoped3A_372 = arith.constant 1 : i32
      "tpu.region"() ({
        %run_scoped3A_397 = tpu.sem_alloc : memref<!tpu.dma_semaphore, #tpu.memory_space<semaphore_mem>>
        %dma_start3A_398 = arith.constant 0 : i32
        %dma_start3A_399 = tpu.memref_slice %arg7[%run_scoped3A_371, %run_scoped3A_372, %dma_start3A_398] : memref<8x2x128xi32, #tpu.memory_space<vmem>> -> memref<1x1x128xi32, #tpu.memory_space<vmem>>
        %dma_start3A_400 = tpu.memref_squeeze %dma_start3A_399 : memref<1x1x128xi32, #tpu.memory_space<vmem>> -> memref<128xi32, #tpu.memory_space<vmem>>
        %dma_start3A_401 = arith.constant 0 : i32
        %dma_start3A_402 = arith.constant 0 : i32
        %dma_start3A_403 = tpu.memref_slice %arg11[%dma_start3A_401, %dma_start3A_402] : memref<10240x64xf32, #tpu.memory_space<vmem_shared>> -> memref<10240x64xf32, #tpu.memory_space<vmem_shared>>
        tpu.enqueue_indirect_dma source(%arg8 : memref<128x64xf32, #tpu.memory_space<vmem>>) target(%dma_start3A_403 : memref<10240x64xf32, #tpu.memory_space<vmem_shared>>) offsets(%dma_start3A_400 : memref<128xi32, #tpu.memory_space<vmem>>) semaphore(%run_scoped3A_397 : memref<!tpu.dma_semaphore, #tpu.memory_space<semaphore_mem>>) {add = true}
        %dma_wait3A_404 = arith.constant 0 : i32
        %dma_wait3A_405 = tpu.memref_slice %arg7[%run_scoped3A_371, %run_scoped3A_372, %dma_wait3A_404] : memref<8x2x128xi32, #tpu.memory_space<vmem>> -> memref<1x1x128xi32, #tpu.memory_space<vmem>>
        %dma_wait3A_406 = tpu.memref_squeeze %dma_wait3A_405 : memref<1x1x128xi32, #tpu.memory_space<vmem>> -> memref<128xi32, #tpu.memory_space<vmem>>
        %dma_wait3A_407 = arith.constant 0 : i32
        %dma_wait3A_408 = arith.constant 0 : i32
        %dma_wait3A_409 = tpu.memref_slice %arg11[%dma_wait3A_407, %dma_wait3A_408] : memref<10240x64xf32, #tpu.memory_space<vmem_shared>> -> memref<10240x64xf32, #tpu.memory_space<vmem_shared>>
        tpu.wait_indirect_dma semaphore(%run_scoped3A_397 : memref<!tpu.dma_semaphore, #tpu.memory_space<semaphore_mem>>) src(%arg8 : memref<128x64xf32, #tpu.memory_space<vmem>>) dst(%dma_wait3A_409 : memref<10240x64xf32, #tpu.memory_space<vmem_shared>>)
        tpu.yield
      }) : () -> ()
      %lt3A_373 = arith.constant 4 : i32
      %lt3A_374 = arith.cmpi slt, %scan3A_118, %lt3A_373 : i32
      %convert_element_type3A_375 = arith.extui %lt3A_374 : i1 to i32
      %cond3A_376 = arith.constant 0 : i32
      %cond3A_377 = arith.cmpi ne, %convert_element_type3A_375, %cond3A_376 : i32
      scf.if %cond3A_377 {
        %dma_wait3A_397 = arith.constant 0 : i32
        %dma_wait3A_398 = arith.constant 0 : i32
        %dma_wait3A_399 = arith.constant 0 : i32
        %dma_wait3A_400 = arith.constant 0 : i32
        %dma_wait3A_401 = tpu.memref_slice %arg3[%add3A, %dma_wait3A_397, %dma_wait3A_398, %dma_wait3A_399, %dma_wait3A_400] : memref<32x10x8x2x128xi32, #tpu.memory_space<hbm>> -> memref<1x1x8x2x128xi32, #tpu.memory_space<hbm>>
        %dma_wait3A_402 = tpu.memref_squeeze %dma_wait3A_401 : memref<1x1x8x2x128xi32, #tpu.memory_space<hbm>> -> memref<8x2x128xi32, #tpu.memory_space<hbm>>
        %dma_wait3A_403 = arith.constant 0 : i32
        %dma_wait3A_404 = arith.constant 0 : i32
        %dma_wait3A_405 = arith.constant 0 : i32
        %dma_wait3A_406 = tpu.memref_slice %arg3[%add3A, %dma_wait3A_397, %dma_wait3A_403, %dma_wait3A_404, %dma_wait3A_405] : memref<32x10x8x2x128xi32, #tpu.memory_space<hbm>> -> memref<1x1x8x2x128xi32, #tpu.memory_space<hbm>>
        %dma_wait3A_407 = tpu.memref_squeeze %dma_wait3A_406 : memref<1x1x8x2x128xi32, #tpu.memory_space<hbm>> -> memref<8x2x128xi32, #tpu.memory_space<hbm>>
        tpu.wait_dma2 semaphore(%arg12 : memref<!tpu.dma_semaphore, #tpu.memory_space<semaphore_mem>>) src(%dma_wait3A_407 : memref<8x2x128xi32, #tpu.memory_space<hbm>>) dst(%arg6 : memref<8x2x128xi32, #tpu.memory_space<vmem>>)
        %dma_start3A_408 = arith.constant 0 : i32
        %dma_start3A_409 = arith.constant 0 : i32
        %dma_start3A_410 = arith.constant 0 : i32
        %dma_start3A_411 = tpu.memref_slice %arg6[%dma_start3A_408, %dma_start3A_409, %dma_start3A_410] : memref<8x2x128xi32, #tpu.memory_space<vmem>> -> memref<1x1x128xi32, #tpu.memory_space<vmem>>
        %dma_start3A_412 = tpu.memref_squeeze %dma_start3A_411 : memref<1x1x128xi32, #tpu.memory_space<vmem>> -> memref<128xi32, #tpu.memory_space<vmem>>
        %dma_start3A_413 = arith.constant 0 : i32
        %dma_start3A_414 = arith.constant 0 : i32
        %dma_start3A_415 = tpu.memref_slice %arg10[%dma_start3A_413, %dma_start3A_414] : memref<10240x64xf32, #tpu.memory_space<vmem_shared>> -> memref<10240x64xf32, #tpu.memory_space<vmem_shared>>
        tpu.enqueue_indirect_dma source(%dma_start3A_415 : memref<10240x64xf32, #tpu.memory_space<vmem_shared>>) target(%arg8 : memref<128x64xf32, #tpu.memory_space<vmem>>) offsets(%dma_start3A_412 : memref<128xi32, #tpu.memory_space<vmem>>) semaphore(%arg14 : memref<!tpu.dma_semaphore, #tpu.memory_space<semaphore_mem>>)
      } else {
      }
      %dma_wait3A_378 = arith.constant 0 : i32
      %dma_wait3A_379 = arith.constant 0 : i32
      %dma_wait3A_380 = tpu.memref_slice %arg4[%dma_wait3A_378, %dma_wait3A_379] : memref<10240x64xf32, #tpu.memory_space<hbm>> -> memref<128x64xf32, #tpu.memory_space<hbm>>
      %dma_wait3A_381 = arith.constant 0 : i32
      %dma_wait3A_382 = arith.constant 0 : i32
      %dma_wait3A_383 = tpu.memref_slice %arg4[%dma_wait3A_381, %dma_wait3A_382] : memref<10240x64xf32, #tpu.memory_space<hbm>> -> memref<128x64xf32, #tpu.memory_space<hbm>>
      tpu.wait_dma2 semaphore(%arg15 : memref<!tpu.dma_semaphore, #tpu.memory_space<semaphore_mem>>) src(%dma_wait3A_383 : memref<128x64xf32, #tpu.memory_space<hbm>>) dst(%arg9 : memref<128x64xf32, #tpu.memory_space<vmem>>)
      %run_scoped3A_384 = arith.constant 7 : i32
      %run_scoped3A_385 = arith.constant 1 : i32
      "tpu.region"() ({
        %run_scoped3A_397 = tpu.sem_alloc : memref<!tpu.dma_semaphore, #tpu.memory_space<semaphore_mem>>
        %dma_start3A_398 = arith.constant 0 : i32
        %dma_start3A_399 = tpu.memref_slice %arg7[%run_scoped3A_384, %run_scoped3A_385, %dma_start3A_398] : memref<8x2x128xi32, #tpu.memory_space<vmem>> -> memref<1x1x128xi32, #tpu.memory_space<vmem>>
        %dma_start3A_400 = tpu.memref_squeeze %dma_start3A_399 : memref<1x1x128xi32, #tpu.memory_space<vmem>> -> memref<128xi32, #tpu.memory_space<vmem>>
        %dma_start3A_401 = arith.constant 0 : i32
        %dma_start3A_402 = arith.constant 0 : i32
        %dma_start3A_403 = tpu.memref_slice %arg11[%dma_start3A_401, %dma_start3A_402] : memref<10240x64xf32, #tpu.memory_space<vmem_shared>> -> memref<10240x64xf32, #tpu.memory_space<vmem_shared>>
        tpu.enqueue_indirect_dma source(%arg9 : memref<128x64xf32, #tpu.memory_space<vmem>>) target(%dma_start3A_403 : memref<10240x64xf32, #tpu.memory_space<vmem_shared>>) offsets(%dma_start3A_400 : memref<128xi32, #tpu.memory_space<vmem>>) semaphore(%run_scoped3A_397 : memref<!tpu.dma_semaphore, #tpu.memory_space<semaphore_mem>>) {add = true}
        %dma_wait3A_404 = arith.constant 0 : i32
        %dma_wait3A_405 = tpu.memref_slice %arg7[%run_scoped3A_384, %run_scoped3A_385, %dma_wait3A_404] : memref<8x2x128xi32, #tpu.memory_space<vmem>> -> memref<1x1x128xi32, #tpu.memory_space<vmem>>
        %dma_wait3A_406 = tpu.memref_squeeze %dma_wait3A_405 : memref<1x1x128xi32, #tpu.memory_space<vmem>> -> memref<128xi32, #tpu.memory_space<vmem>>
        %dma_wait3A_407 = arith.constant 0 : i32
        %dma_wait3A_408 = arith.constant 0 : i32
        %dma_wait3A_409 = tpu.memref_slice %arg11[%dma_wait3A_407, %dma_wait3A_408] : memref<10240x64xf32, #tpu.memory_space<vmem_shared>> -> memref<10240x64xf32, #tpu.memory_space<vmem_shared>>
        tpu.wait_indirect_dma semaphore(%run_scoped3A_397 : memref<!tpu.dma_semaphore, #tpu.memory_space<semaphore_mem>>) src(%arg9 : memref<128x64xf32, #tpu.memory_space<vmem>>) dst(%dma_wait3A_409 : memref<10240x64xf32, #tpu.memory_space<vmem_shared>>)
        tpu.yield
      }) : () -> ()
      %lt3A_386 = arith.constant 4 : i32
      %lt3A_387 = arith.cmpi slt, %scan3A_118, %lt3A_386 : i32
      %convert_element_type3A_388 = arith.extui %lt3A_387 : i1 to i32
      %cond3A_389 = arith.constant 0 : i32
      %cond3A_390 = arith.cmpi ne, %convert_element_type3A_388, %cond3A_389 : i32
      scf.if %cond3A_390 {
        %dma_start3A_397 = arith.constant 1 : i32
        %dma_start3A_398 = arith.constant 0 : i32
        %dma_start3A_399 = arith.constant 0 : i32
        %dma_start3A_400 = tpu.memref_slice %arg6[%dma_start3A_397, %dma_start3A_398, %dma_start3A_399] : memref<8x2x128xi32, #tpu.memory_space<vmem>> -> memref<1x1x128xi32, #tpu.memory_space<vmem>>
        %dma_start3A_401 = tpu.memref_squeeze %dma_start3A_400 : memref<1x1x128xi32, #tpu.memory_space<vmem>> -> memref<128xi32, #tpu.memory_space<vmem>>
        %dma_start3A_402 = arith.constant 0 : i32
        %dma_start3A_403 = arith.constant 0 : i32
        %dma_start3A_404 = tpu.memref_slice %arg10[%dma_start3A_402, %dma_start3A_403] : memref<10240x64xf32, #tpu.memory_space<vmem_shared>> -> memref<10240x64xf32, #tpu.memory_space<vmem_shared>>
        tpu.enqueue_indirect_dma source(%dma_start3A_404 : memref<10240x64xf32, #tpu.memory_space<vmem_shared>>) target(%arg9 : memref<128x64xf32, #tpu.memory_space<vmem>>) offsets(%dma_start3A_401 : memref<128xi32, #tpu.memory_space<vmem>>) semaphore(%arg15 : memref<!tpu.dma_semaphore, #tpu.memory_space<semaphore_mem>>)
      } else {
      }
      %lt3A_391 = arith.constant 4 : i32
      %lt3A_392 = arith.cmpi slt, %scan3A_118, %lt3A_391 : i32
      %convert_element_type3A_393 = arith.extui %lt3A_392 : i1 to i32
      %cond3A_394 = arith.constant 0 : i32
      %cond3A_395 = arith.cmpi ne, %convert_element_type3A_393, %cond3A_394 : i32
      scf.if %cond3A_395 {
        %add3A_397 = arith.constant 2 : i32
        %add3A_398 = arith.addi %add3A_268, %add3A_397 : i32
        %dma_start3A_399 = arith.constant 0 : i32
        %dma_start3A_400 = arith.constant 0 : i32
        %dma_start3A_401 = arith.constant 0 : i32
        %dma_start3A_402 = tpu.memref_slice %arg3[%add3A, %add3A_398, %dma_start3A_399, %dma_start3A_400, %dma_start3A_401] : memref<32x10x8x2x128xi32, #tpu.memory_space<hbm>> -> memref<1x1x8x2x128xi32, #tpu.memory_space<hbm>>
        %dma_start3A_403 = tpu.memref_squeeze %dma_start3A_402 : memref<1x1x8x2x128xi32, #tpu.memory_space<hbm>> -> memref<8x2x128xi32, #tpu.memory_space<hbm>>
        %dma_start3A_404 = arith.constant 0 : i32
        %dma_start3A_405 = arith.constant 0 : i32
        %dma_start3A_406 = arith.constant 0 : i32
        %dma_start3A_407 = tpu.memref_slice %arg3[%add3A, %add3A_398, %dma_start3A_404, %dma_start3A_405, %dma_start3A_406] : memref<32x10x8x2x128xi32, #tpu.memory_space<hbm>> -> memref<1x1x8x2x128xi32, #tpu.memory_space<hbm>>
        %dma_start3A_408 = tpu.memref_squeeze %dma_start3A_407 : memref<1x1x8x2x128xi32, #tpu.memory_space<hbm>> -> memref<8x2x128xi32, #tpu.memory_space<hbm>>
        tpu.enqueue_dma source(%dma_start3A_408 : memref<8x2x128xi32, #tpu.memory_space<hbm>>) target(%arg7 : memref<8x2x128xi32, #tpu.memory_space<vmem>>) target_semaphore(%arg13 : memref<!tpu.dma_semaphore, #tpu.memory_space<semaphore_mem>>)
      } else {
      }
      %scan3A_396 = arith.constant 0 : i32
      scf.yield %scan3A_396 : i32
    }
    %scan3A_55 = arith.constant 5 : i32
    %barrier3A_56 = arith.constant 0 : index
    tpu.barrier barrier_id(%barrier3A_56)
    %run_scoped3A_57 = arith.constant 0 : i32
    "tpu.region"() ({
      %run_scoped3A_118 = tpu.sem_alloc : memref<!tpu.dma_semaphore, #tpu.memory_space<semaphore_mem>>
      %dma_start3A_119 = arith.constant 0 : i32
      %dma_start3A_120 = tpu.memref_slice %arg5[%arg0, %run_scoped3A_57, %mul3A_2, %dma_start3A_119] : memref<2x2x10240x64xf32, #tpu.memory_space<hbm>> -> memref<1x1x640x64xf32, #tpu.memory_space<hbm>>
      %dma_start3A_121 = tpu.memref_squeeze %dma_start3A_120 : memref<1x1x640x64xf32, #tpu.memory_space<hbm>> -> memref<640x64xf32, #tpu.memory_space<hbm>>
      %dma_start3A_122 = arith.constant 0 : i32
      %dma_start3A_123 = tpu.memref_slice %arg11[%mul3A_2, %dma_start3A_122] : memref<10240x64xf32, #tpu.memory_space<vmem_shared>> -> memref<640x64xf32, #tpu.memory_space<vmem_shared>>
      tpu.enqueue_dma source(%dma_start3A_123 : memref<640x64xf32, #tpu.memory_space<vmem_shared>>) target(%dma_start3A_121 : memref<640x64xf32, #tpu.memory_space<hbm>>) target_semaphore(%run_scoped3A_118 : memref<!tpu.dma_semaphore, #tpu.memory_space<semaphore_mem>>)
      %dma_wait3A_124 = arith.constant 0 : i32
      %dma_wait3A_125 = tpu.memref_slice %arg5[%arg0, %run_scoped3A_57, %mul3A_2, %dma_wait3A_124] : memref<2x2x10240x64xf32, #tpu.memory_space<hbm>> -> memref<1x1x640x64xf32, #tpu.memory_space<hbm>>
      %dma_wait3A_126 = tpu.memref_squeeze %dma_wait3A_125 : memref<1x1x640x64xf32, #tpu.memory_space<hbm>> -> memref<640x64xf32, #tpu.memory_space<hbm>>
      %dma_wait3A_127 = arith.constant 0 : i32
      %dma_wait3A_128 = tpu.memref_slice %arg11[%mul3A_2, %dma_wait3A_127] : memref<10240x64xf32, #tpu.memory_space<vmem_shared>> -> memref<640x64xf32, #tpu.memory_space<vmem_shared>>
      tpu.wait_dma2 semaphore(%run_scoped3A_118 : memref<!tpu.dma_semaphore, #tpu.memory_space<semaphore_mem>>) src(%dma_wait3A_128 : memref<640x64xf32, #tpu.memory_space<vmem_shared>>) dst(%dma_wait3A_126 : memref<640x64xf32, #tpu.memory_space<hbm>>)
      tpu.yield
    }) : () -> ()
    "tpu.region"() ({
      %run_scoped3A_118 = tpu.sem_alloc : memref<!tpu.dma_semaphore, #tpu.memory_space<semaphore_mem>>
      %dma_start3A_119 = arith.constant 0 : i32
      %dma_start3A_120 = tpu.memref_slice %arg11[%mul3A_2, %dma_start3A_119] : memref<10240x64xf32, #tpu.memory_space<vmem_shared>> -> memref<640x64xf32, #tpu.memory_space<vmem_shared>>
      %dma_start3A_121 = arith.constant 0 : i32
      %dma_start3A_122 = tpu.memref_slice %arg4[%mul3A_2, %dma_start3A_121] : memref<10240x64xf32, #tpu.memory_space<hbm>> -> memref<640x64xf32, #tpu.memory_space<hbm>>
      tpu.enqueue_dma source(%dma_start3A_122 : memref<640x64xf32, #tpu.memory_space<hbm>>) target(%dma_start3A_120 : memref<640x64xf32, #tpu.memory_space<vmem_shared>>) target_semaphore(%run_scoped3A_118 : memref<!tpu.dma_semaphore, #tpu.memory_space<semaphore_mem>>)
      %dma_wait3A_123 = arith.constant 0 : i32
      %dma_wait3A_124 = tpu.memref_slice %arg11[%mul3A_2, %dma_wait3A_123] : memref<10240x64xf32, #tpu.memory_space<vmem_shared>> -> memref<640x64xf32, #tpu.memory_space<vmem_shared>>
      %dma_wait3A_125 = arith.constant 0 : i32
      %dma_wait3A_126 = tpu.memref_slice %arg4[%mul3A_2, %dma_wait3A_125] : memref<10240x64xf32, #tpu.memory_space<hbm>> -> memref<640x64xf32, #tpu.memory_space<hbm>>
      tpu.wait_dma2 semaphore(%run_scoped3A_118 : memref<!tpu.dma_semaphore, #tpu.memory_space<semaphore_mem>>) src(%dma_wait3A_126 : memref<640x64xf32, #tpu.memory_space<hbm>>) dst(%dma_wait3A_124 : memref<640x64xf32, #tpu.memory_space<vmem_shared>>)
      tpu.yield
    }) : () -> ()
    %run_scoped3A_58 = arith.constant 1 : i32
    "tpu.region"() ({
      %run_scoped3A_118 = tpu.sem_alloc : memref<!tpu.dma_semaphore, #tpu.memory_space<semaphore_mem>>
      %dma_start3A_119 = arith.constant 0 : i32
      %dma_start3A_120 = tpu.memref_slice %arg10[%mul3A_2, %dma_start3A_119] : memref<10240x64xf32, #tpu.memory_space<vmem_shared>> -> memref<640x64xf32, #tpu.memory_space<vmem_shared>>
      %dma_start3A_121 = arith.constant 0 : i32
      %dma_start3A_122 = tpu.memref_slice %arg2[%run_scoped3A_58, %mul3A_2, %dma_start3A_121] : memref<2x10240x64xf32, #tpu.memory_space<hbm>> -> memref<1x640x64xf32, #tpu.memory_space<hbm>>
      %dma_start3A_123 = tpu.memref_squeeze %dma_start3A_122 : memref<1x640x64xf32, #tpu.memory_space<hbm>> -> memref<640x64xf32, #tpu.memory_space<hbm>>
      tpu.enqueue_dma source(%dma_start3A_123 : memref<640x64xf32, #tpu.memory_space<hbm>>) target(%dma_start3A_120 : memref<640x64xf32, #tpu.memory_space<vmem_shared>>) target_semaphore(%run_scoped3A_118 : memref<!tpu.dma_semaphore, #tpu.memory_space<semaphore_mem>>)
      %dma_wait3A_124 = arith.constant 0 : i32
      %dma_wait3A_125 = tpu.memref_slice %arg10[%mul3A_2, %dma_wait3A_124] : memref<10240x64xf32, #tpu.memory_space<vmem_shared>> -> memref<640x64xf32, #tpu.memory_space<vmem_shared>>
      %dma_wait3A_126 = arith.constant 0 : i32
      %dma_wait3A_127 = tpu.memref_slice %arg2[%run_scoped3A_58, %mul3A_2, %dma_wait3A_126] : memref<2x10240x64xf32, #tpu.memory_space<hbm>> -> memref<1x640x64xf32, #tpu.memory_space<hbm>>
      %dma_wait3A_128 = tpu.memref_squeeze %dma_wait3A_127 : memref<1x640x64xf32, #tpu.memory_space<hbm>> -> memref<640x64xf32, #tpu.memory_space<hbm>>
      tpu.wait_dma2 semaphore(%run_scoped3A_118 : memref<!tpu.dma_semaphore, #tpu.memory_space<semaphore_mem>>) src(%dma_wait3A_128 : memref<640x64xf32, #tpu.memory_space<hbm>>) dst(%dma_wait3A_125 : memref<640x64xf32, #tpu.memory_space<vmem_shared>>)
      tpu.yield
    }) : () -> ()
    %dma_start3A_59 = arith.constant 0 : i32
    %dma_start3A_60 = arith.constant 0 : i32
    %dma_start3A_61 = arith.constant 0 : i32
    %dma_start3A_62 = arith.constant 0 : i32
    %dma_start3A_63 = tpu.memref_slice %arg3[%add3A, %dma_start3A_59, %dma_start3A_60, %dma_start3A_61, %dma_start3A_62] : memref<32x10x8x2x128xi32, #tpu.memory_space<hbm>> -> memref<1x1x8x2x128xi32, #tpu.memory_space<hbm>>
    %dma_start3A_64 = tpu.memref_squeeze %dma_start3A_63 : memref<1x1x8x2x128xi32, #tpu.memory_space<hbm>> -> memref<8x2x128xi32, #tpu.memory_space<hbm>>
    %dma_start3A_65 = arith.constant 0 : i32
    %dma_start3A_66 = arith.constant 0 : i32
    %dma_start3A_67 = arith.constant 0 : i32
    %dma_start3A_68 = tpu.memref_slice %arg3[%add3A, %dma_start3A_59, %dma_start3A_65, %dma_start3A_66, %dma_start3A_67] : memref<32x10x8x2x128xi32, #tpu.memory_space<hbm>> -> memref<1x1x8x2x128xi32, #tpu.memory_space<hbm>>
    %dma_start3A_69 = tpu.memref_squeeze %dma_start3A_68 : memref<1x1x8x2x128xi32, #tpu.memory_space<hbm>> -> memref<8x2x128xi32, #tpu.memory_space<hbm>>
    tpu.enqueue_dma source(%dma_start3A_69 : memref<8x2x128xi32, #tpu.memory_space<hbm>>) target(%arg6 : memref<8x2x128xi32, #tpu.memory_space<vmem>>) target_semaphore(%arg12 : memref<!tpu.dma_semaphore, #tpu.memory_space<semaphore_mem>>)
    %dma_start3A_70 = arith.constant 1 : i32
    %dma_start3A_71 = arith.constant 0 : i32
    %dma_start3A_72 = arith.constant 0 : i32
    %dma_start3A_73 = arith.constant 0 : i32
    %dma_start3A_74 = tpu.memref_slice %arg3[%add3A, %dma_start3A_70, %dma_start3A_71, %dma_start3A_72, %dma_start3A_73] : memref<32x10x8x2x128xi32, #tpu.memory_space<hbm>> -> memref<1x1x8x2x128xi32, #tpu.memory_space<hbm>>
    %dma_start3A_75 = tpu.memref_squeeze %dma_start3A_74 : memref<1x1x8x2x128xi32, #tpu.memory_space<hbm>> -> memref<8x2x128xi32, #tpu.memory_space<hbm>>
    %dma_start3A_76 = arith.constant 0 : i32
    %dma_start3A_77 = arith.constant 0 : i32
    %dma_start3A_78 = arith.constant 0 : i32
    %dma_start3A_79 = tpu.memref_slice %arg3[%add3A, %dma_start3A_70, %dma_start3A_76, %dma_start3A_77, %dma_start3A_78] : memref<32x10x8x2x128xi32, #tpu.memory_space<hbm>> -> memref<1x1x8x2x128xi32, #tpu.memory_space<hbm>>
    %dma_start3A_80 = tpu.memref_squeeze %dma_start3A_79 : memref<1x1x8x2x128xi32, #tpu.memory_space<hbm>> -> memref<8x2x128xi32, #tpu.memory_space<hbm>>
    tpu.enqueue_dma source(%dma_start3A_80 : memref<8x2x128xi32, #tpu.memory_space<hbm>>) target(%arg7 : memref<8x2x128xi32, #tpu.memory_space<vmem>>) target_semaphore(%arg13 : memref<!tpu.dma_semaphore, #tpu.memory_space<semaphore_mem>>)
    %barrier3A_81 = arith.constant 0 : index
    tpu.barrier barrier_id(%barrier3A_81)
    %dma_wait3A_82 = arith.constant 0 : i32
    %dma_wait3A_83 = arith.constant 0 : i32
    %dma_wait3A_84 = arith.constant 0 : i32
    %dma_wait3A_85 = arith.constant 0 : i32
    %dma_wait3A_86 = tpu.memref_slice %arg3[%add3A, %dma_wait3A_82, %dma_wait3A_83, %dma_wait3A_84, %dma_wait3A_85] : memref<32x10x8x2x128xi32, #tpu.memory_space<hbm>> -> memref<1x1x8x2x128xi32, #tpu.memory_space<hbm>>
    %dma_wait3A_87 = tpu.memref_squeeze %dma_wait3A_86 : memref<1x1x8x2x128xi32, #tpu.memory_space<hbm>> -> memref<8x2x128xi32, #tpu.memory_space<hbm>>
    %dma_wait3A_88 = arith.constant 0 : i32
    %dma_wait3A_89 = arith.constant 0 : i32
    %dma_wait3A_90 = arith.constant 0 : i32
    %dma_wait3A_91 = tpu.memref_slice %arg3[%add3A, %dma_wait3A_82, %dma_wait3A_88, %dma_wait3A_89, %dma_wait3A_90] : memref<32x10x8x2x128xi32, #tpu.memory_space<hbm>> -> memref<1x1x8x2x128xi32, #tpu.memory_space<hbm>>
    %dma_wait3A_92 = tpu.memref_squeeze %dma_wait3A_91 : memref<1x1x8x2x128xi32, #tpu.memory_space<hbm>> -> memref<8x2x128xi32, #tpu.memory_space<hbm>>
    tpu.wait_dma2 semaphore(%arg12 : memref<!tpu.dma_semaphore, #tpu.memory_space<semaphore_mem>>) src(%dma_wait3A_92 : memref<8x2x128xi32, #tpu.memory_space<hbm>>) dst(%arg6 : memref<8x2x128xi32, #tpu.memory_space<vmem>>)
    %dma_start3A_93 = arith.constant 0 : i32
    %dma_start3A_94 = arith.constant 0 : i32
    %dma_start3A_95 = arith.constant 0 : i32
    %dma_start3A_96 = tpu.memref_slice %arg6[%dma_start3A_93, %dma_start3A_94, %dma_start3A_95] : memref<8x2x128xi32, #tpu.memory_space<vmem>> -> memref<1x1x128xi32, #tpu.memory_space<vmem>>
    %dma_start3A_97 = tpu.memref_squeeze %dma_start3A_96 : memref<1x1x128xi32, #tpu.memory_space<vmem>> -> memref<128xi32, #tpu.memory_space<vmem>>
    %dma_start3A_98 = arith.constant 0 : i32
    %dma_start3A_99 = arith.constant 0 : i32
    %dma_start3A_100 = tpu.memref_slice %arg10[%dma_start3A_98, %dma_start3A_99] : memref<10240x64xf32, #tpu.memory_space<vmem_shared>> -> memref<10240x64xf32, #tpu.memory_space<vmem_shared>>
    tpu.enqueue_indirect_dma source(%dma_start3A_100 : memref<10240x64xf32, #tpu.memory_space<vmem_shared>>) target(%arg8 : memref<128x64xf32, #tpu.memory_space<vmem>>) offsets(%dma_start3A_97 : memref<128xi32, #tpu.memory_space<vmem>>) semaphore(%arg14 : memref<!tpu.dma_semaphore, #tpu.memory_space<semaphore_mem>>)
    %dma_start3A_101 = arith.constant 1 : i32
    %dma_start3A_102 = arith.constant 0 : i32
    %dma_start3A_103 = arith.constant 0 : i32
    %dma_start3A_104 = tpu.memref_slice %arg6[%dma_start3A_101, %dma_start3A_102, %dma_start3A_103] : memref<8x2x128xi32, #tpu.memory_space<vmem>> -> memref<1x1x128xi32, #tpu.memory_space<vmem>>
    %dma_start3A_105 = tpu.memref_squeeze %dma_start3A_104 : memref<1x1x128xi32, #tpu.memory_space<vmem>> -> memref<128xi32, #tpu.memory_space<vmem>>
    %dma_start3A_106 = arith.constant 0 : i32
    %dma_start3A_107 = arith.constant 0 : i32
    %dma_start3A_108 = tpu.memref_slice %arg10[%dma_start3A_106, %dma_start3A_107] : memref<10240x64xf32, #tpu.memory_space<vmem_shared>> -> memref<10240x64xf32, #tpu.memory_space<vmem_shared>>
    tpu.enqueue_indirect_dma source(%dma_start3A_108 : memref<10240x64xf32, #tpu.memory_space<vmem_shared>>) target(%arg9 : memref<128x64xf32, #tpu.memory_space<vmem>>) offsets(%dma_start3A_105 : memref<128xi32, #tpu.memory_space<vmem>>) semaphore(%arg15 : memref<!tpu.dma_semaphore, #tpu.memory_space<semaphore_mem>>)
    %scan3A_109 = arith.constant 0 : i32
    %scan3A_110 = arith.constant 0 : i32
    %scan3A_111 = arith.constant 5 : i32
    %scan3A_112 = arith.addi %scan3A_110, %scan3A_111 : i32
    %scan3A_113 = arith.constant 1 : i32
    %scan3A_114 = scf.for %scan3A_118 = %scan3A_110 to %scan3A_112 step %scan3A_113 iter_args(%scan3A_119 = %scan3A_109) -> (i32)  : i32 {
      %mul3A_120 = arith.constant 2 : i32
      %mul3A_121 = arith.muli %scan3A_118, %mul3A_120 : i32
      %add3A_122 = arith.constant 0 : i32
      %add3A_123 = arith.addi %mul3A_121, %add3A_122 : i32
      %dma_wait3A_124 = arith.constant 0 : i32
      %dma_wait3A_125 = arith.constant 0 : i32
      %dma_wait3A_126 = tpu.memref_slice %arg4[%dma_wait3A_124, %dma_wait3A_125] : memref<10240x64xf32, #tpu.memory_space<hbm>> -> memref<128x64xf32, #tpu.memory_space<hbm>>
      %dma_wait3A_127 = arith.constant 0 : i32
      %dma_wait3A_128 = arith.constant 0 : i32
      %dma_wait3A_129 = tpu.memref_slice %arg4[%dma_wait3A_127, %dma_wait3A_128] : memref<10240x64xf32, #tpu.memory_space<hbm>> -> memref<128x64xf32, #tpu.memory_space<hbm>>
      tpu.wait_dma2 semaphore(%arg14 : memref<!tpu.dma_semaphore, #tpu.memory_space<semaphore_mem>>) src(%dma_wait3A_129 : memref<128x64xf32, #tpu.memory_space<hbm>>) dst(%arg8 : memref<128x64xf32, #tpu.memory_space<vmem>>)
      %run_scoped3A_130 = arith.constant 0 : i32
      %run_scoped3A_131 = arith.constant 1 : i32
      "tpu.region"() ({
        %run_scoped3A_397 = tpu.sem_alloc : memref<!tpu.dma_semaphore, #tpu.memory_space<semaphore_mem>>
        %dma_start3A_398 = arith.constant 0 : i32
        %dma_start3A_399 = tpu.memref_slice %arg6[%run_scoped3A_130, %run_scoped3A_131, %dma_start3A_398] : memref<8x2x128xi32, #tpu.memory_space<vmem>> -> memref<1x1x128xi32, #tpu.memory_space<vmem>>
        %dma_start3A_400 = tpu.memref_squeeze %dma_start3A_399 : memref<1x1x128xi32, #tpu.memory_space<vmem>> -> memref<128xi32, #tpu.memory_space<vmem>>
        %dma_start3A_401 = arith.constant 0 : i32
        %dma_start3A_402 = arith.constant 0 : i32
        %dma_start3A_403 = tpu.memref_slice %arg11[%dma_start3A_401, %dma_start3A_402] : memref<10240x64xf32, #tpu.memory_space<vmem_shared>> -> memref<10240x64xf32, #tpu.memory_space<vmem_shared>>
        tpu.enqueue_indirect_dma source(%arg8 : memref<128x64xf32, #tpu.memory_space<vmem>>) target(%dma_start3A_403 : memref<10240x64xf32, #tpu.memory_space<vmem_shared>>) offsets(%dma_start3A_400 : memref<128xi32, #tpu.memory_space<vmem>>) semaphore(%run_scoped3A_397 : memref<!tpu.dma_semaphore, #tpu.memory_space<semaphore_mem>>) {add = true}
        %dma_wait3A_404 = arith.constant 0 : i32
        %dma_wait3A_405 = tpu.memref_slice %arg6[%run_scoped3A_130, %run_scoped3A_131, %dma_wait3A_404] : memref<8x2x128xi32, #tpu.memory_space<vmem>> -> memref<1x1x128xi32, #tpu.memory_space<vmem>>
        %dma_wait3A_406 = tpu.memref_squeeze %dma_wait3A_405 : memref<1x1x128xi32, #tpu.memory_space<vmem>> -> memref<128xi32, #tpu.memory_space<vmem>>
        %dma_wait3A_407 = arith.constant 0 : i32
        %dma_wait3A_408 = arith.constant 0 : i32
        %dma_wait3A_409 = tpu.memref_slice %arg11[%dma_wait3A_407, %dma_wait3A_408] : memref<10240x64xf32, #tpu.memory_space<vmem_shared>> -> memref<10240x64xf32, #tpu.memory_space<vmem_shared>>
        tpu.wait_indirect_dma semaphore(%run_scoped3A_397 : memref<!tpu.dma_semaphore, #tpu.memory_space<semaphore_mem>>) src(%arg8 : memref<128x64xf32, #tpu.memory_space<vmem>>) dst(%dma_wait3A_409 : memref<10240x64xf32, #tpu.memory_space<vmem_shared>>)
        tpu.yield
      }) : () -> ()
      %dma_start3A_132 = arith.constant 2 : i32
      %dma_start3A_133 = arith.constant 0 : i32
      %dma_start3A_134 = arith.constant 0 : i32
      %dma_start3A_135 = tpu.memref_slice %arg6[%dma_start3A_132, %dma_start3A_133, %dma_start3A_134] : memref<8x2x128xi32, #tpu.memory_space<vmem>> -> memref<1x1x128xi32, #tpu.memory_space<vmem>>
      %dma_start3A_136 = tpu.memref_squeeze %dma_start3A_135 : memref<1x1x128xi32, #tpu.memory_space<vmem>> -> memref<128xi32, #tpu.memory_space<vmem>>
      %dma_start3A_137 = arith.constant 0 : i32
      %dma_start3A_138 = arith.constant 0 : i32
      %dma_start3A_139 = tpu.memref_slice %arg10[%dma_start3A_137, %dma_start3A_138] : memref<10240x64xf32, #tpu.memory_space<vmem_shared>> -> memref<10240x64xf32, #tpu.memory_space<vmem_shared>>
      tpu.enqueue_indirect_dma source(%dma_start3A_139 : memref<10240x64xf32, #tpu.memory_space<vmem_shared>>) target(%arg8 : memref<128x64xf32, #tpu.memory_space<vmem>>) offsets(%dma_start3A_136 : memref<128xi32, #tpu.memory_space<vmem>>) semaphore(%arg14 : memref<!tpu.dma_semaphore, #tpu.memory_space<semaphore_mem>>)
      %dma_wait3A_140 = arith.constant 0 : i32
      %dma_wait3A_141 = arith.constant 0 : i32
      %dma_wait3A_142 = tpu.memref_slice %arg4[%dma_wait3A_140, %dma_wait3A_141] : memref<10240x64xf32, #tpu.memory_space<hbm>> -> memref<128x64xf32, #tpu.memory_space<hbm>>
      %dma_wait3A_143 = arith.constant 0 : i32
      %dma_wait3A_144 = arith.constant 0 : i32
      %dma_wait3A_145 = tpu.memref_slice %arg4[%dma_wait3A_143, %dma_wait3A_144] : memref<10240x64xf32, #tpu.memory_space<hbm>> -> memref<128x64xf32, #tpu.memory_space<hbm>>
      tpu.wait_dma2 semaphore(%arg15 : memref<!tpu.dma_semaphore, #tpu.memory_space<semaphore_mem>>) src(%dma_wait3A_145 : memref<128x64xf32, #tpu.memory_space<hbm>>) dst(%arg9 : memref<128x64xf32, #tpu.memory_space<vmem>>)
      %run_scoped3A_146 = arith.constant 1 : i32
      %run_scoped3A_147 = arith.constant 1 : i32
      "tpu.region"() ({
        %run_scoped3A_397 = tpu.sem_alloc : memref<!tpu.dma_semaphore, #tpu.memory_space<semaphore_mem>>
        %dma_start3A_398 = arith.constant 0 : i32
        %dma_start3A_399 = tpu.memref_slice %arg6[%run_scoped3A_146, %run_scoped3A_147, %dma_start3A_398] : memref<8x2x128xi32, #tpu.memory_space<vmem>> -> memref<1x1x128xi32, #tpu.memory_space<vmem>>
        %dma_start3A_400 = tpu.memref_squeeze %dma_start3A_399 : memref<1x1x128xi32, #tpu.memory_space<vmem>> -> memref<128xi32, #tpu.memory_space<vmem>>
        %dma_start3A_401 = arith.constant 0 : i32
        %dma_start3A_402 = arith.constant 0 : i32
        %dma_start3A_403 = tpu.memref_slice %arg11[%dma_start3A_401, %dma_start3A_402] : memref<10240x64xf32, #tpu.memory_space<vmem_shared>> -> memref<10240x64xf32, #tpu.memory_space<vmem_shared>>
        tpu.enqueue_indirect_dma source(%arg9 : memref<128x64xf32, #tpu.memory_space<vmem>>) target(%dma_start3A_403 : memref<10240x64xf32, #tpu.memory_space<vmem_shared>>) offsets(%dma_start3A_400 : memref<128xi32, #tpu.memory_space<vmem>>) semaphore(%run_scoped3A_397 : memref<!tpu.dma_semaphore, #tpu.memory_space<semaphore_mem>>) {add = true}
        %dma_wait3A_404 = arith.constant 0 : i32
        %dma_wait3A_405 = tpu.memref_slice %arg6[%run_scoped3A_146, %run_scoped3A_147, %dma_wait3A_404] : memref<8x2x128xi32, #tpu.memory_space<vmem>> -> memref<1x1x128xi32, #tpu.memory_space<vmem>>
        %dma_wait3A_406 = tpu.memref_squeeze %dma_wait3A_405 : memref<1x1x128xi32, #tpu.memory_space<vmem>> -> memref<128xi32, #tpu.memory_space<vmem>>
        %dma_wait3A_407 = arith.constant 0 : i32
        %dma_wait3A_408 = arith.constant 0 : i32
        %dma_wait3A_409 = tpu.memref_slice %arg11[%dma_wait3A_407, %dma_wait3A_408] : memref<10240x64xf32, #tpu.memory_space<vmem_shared>> -> memref<10240x64xf32, #tpu.memory_space<vmem_shared>>
        tpu.wait_indirect_dma semaphore(%run_scoped3A_397 : memref<!tpu.dma_semaphore, #tpu.memory_space<semaphore_mem>>) src(%arg9 : memref<128x64xf32, #tpu.memory_space<vmem>>) dst(%dma_wait3A_409 : memref<10240x64xf32, #tpu.memory_space<vmem_shared>>)
        tpu.yield
      }) : () -> ()
      %dma_start3A_148 = arith.constant 3 : i32
      %dma_start3A_149 = arith.constant 0 : i32
      %dma_start3A_150 = arith.constant 0 : i32
      %dma_start3A_151 = tpu.memref_slice %arg6[%dma_start3A_148, %dma_start3A_149, %dma_start3A_150] : memref<8x2x128xi32, #tpu.memory_space<vmem>> -> memref<1x1x128xi32, #tpu.memory_space<vmem>>
      %dma_start3A_152 = tpu.memref_squeeze %dma_start3A_151 : memref<1x1x128xi32, #tpu.memory_space<vmem>> -> memref<128xi32, #tpu.memory_space<vmem>>
      %dma_start3A_153 = arith.constant 0 : i32
      %dma_start3A_154 = arith.constant 0 : i32
      %dma_start3A_155 = tpu.memref_slice %arg10[%dma_start3A_153, %dma_start3A_154] : memref<10240x64xf32, #tpu.memory_space<vmem_shared>> -> memref<10240x64xf32, #tpu.memory_space<vmem_shared>>
      tpu.enqueue_indirect_dma source(%dma_start3A_155 : memref<10240x64xf32, #tpu.memory_space<vmem_shared>>) target(%arg9 : memref<128x64xf32, #tpu.memory_space<vmem>>) offsets(%dma_start3A_152 : memref<128xi32, #tpu.memory_space<vmem>>) semaphore(%arg15 : memref<!tpu.dma_semaphore, #tpu.memory_space<semaphore_mem>>)
      %dma_wait3A_156 = arith.constant 0 : i32
      %dma_wait3A_157 = arith.constant 0 : i32
      %dma_wait3A_158 = tpu.memref_slice %arg4[%dma_wait3A_156, %dma_wait3A_157] : memref<10240x64xf32, #tpu.memory_space<hbm>> -> memref<128x64xf32, #tpu.memory_space<hbm>>
      %dma_wait3A_159 = arith.constant 0 : i32
      %dma_wait3A_160 = arith.constant 0 : i32
      %dma_wait3A_161 = tpu.memref_slice %arg4[%dma_wait3A_159, %dma_wait3A_160] : memref<10240x64xf32, #tpu.memory_space<hbm>> -> memref<128x64xf32, #tpu.memory_space<hbm>>
      tpu.wait_dma2 semaphore(%arg14 : memref<!tpu.dma_semaphore, #tpu.memory_space<semaphore_mem>>) src(%dma_wait3A_161 : memref<128x64xf32, #tpu.memory_space<hbm>>) dst(%arg8 : memref<128x64xf32, #tpu.memory_space<vmem>>)
      %run_scoped3A_162 = arith.constant 2 : i32
      %run_scoped3A_163 = arith.constant 1 : i32
      "tpu.region"() ({
        %run_scoped3A_397 = tpu.sem_alloc : memref<!tpu.dma_semaphore, #tpu.memory_space<semaphore_mem>>
        %dma_start3A_398 = arith.constant 0 : i32
        %dma_start3A_399 = tpu.memref_slice %arg6[%run_scoped3A_162, %run_scoped3A_163, %dma_start3A_398] : memref<8x2x128xi32, #tpu.memory_space<vmem>> -> memref<1x1x128xi32, #tpu.memory_space<vmem>>
        %dma_start3A_400 = tpu.memref_squeeze %dma_start3A_399 : memref<1x1x128xi32, #tpu.memory_space<vmem>> -> memref<128xi32, #tpu.memory_space<vmem>>
        %dma_start3A_401 = arith.constant 0 : i32
        %dma_start3A_402 = arith.constant 0 : i32
        %dma_start3A_403 = tpu.memref_slice %arg11[%dma_start3A_401, %dma_start3A_402] : memref<10240x64xf32, #tpu.memory_space<vmem_shared>> -> memref<10240x64xf32, #tpu.memory_space<vmem_shared>>
        tpu.enqueue_indirect_dma source(%arg8 : memref<128x64xf32, #tpu.memory_space<vmem>>) target(%dma_start3A_403 : memref<10240x64xf32, #tpu.memory_space<vmem_shared>>) offsets(%dma_start3A_400 : memref<128xi32, #tpu.memory_space<vmem>>) semaphore(%run_scoped3A_397 : memref<!tpu.dma_semaphore, #tpu.memory_space<semaphore_mem>>) {add = true}
        %dma_wait3A_404 = arith.constant 0 : i32
        %dma_wait3A_405 = tpu.memref_slice %arg6[%run_scoped3A_162, %run_scoped3A_163, %dma_wait3A_404] : memref<8x2x128xi32, #tpu.memory_space<vmem>> -> memref<1x1x128xi32, #tpu.memory_space<vmem>>
        %dma_wait3A_406 = tpu.memref_squeeze %dma_wait3A_405 : memref<1x1x128xi32, #tpu.memory_space<vmem>> -> memref<128xi32, #tpu.memory_space<vmem>>
        %dma_wait3A_407 = arith.constant 0 : i32
        %dma_wait3A_408 = arith.constant 0 : i32
        %dma_wait3A_409 = tpu.memref_slice %arg11[%dma_wait3A_407, %dma_wait3A_408] : memref<10240x64xf32, #tpu.memory_space<vmem_shared>> -> memref<10240x64xf32, #tpu.memory_space<vmem_shared>>
        tpu.wait_indirect_dma semaphore(%run_scoped3A_397 : memref<!tpu.dma_semaphore, #tpu.memory_space<semaphore_mem>>) src(%arg8 : memref<128x64xf32, #tpu.memory_space<vmem>>) dst(%dma_wait3A_409 : memref<10240x64xf32, #tpu.memory_space<vmem_shared>>)
        tpu.yield
      }) : () -> ()
      %dma_start3A_164 = arith.constant 4 : i32
      %dma_start3A_165 = arith.constant 0 : i32
      %dma_start3A_166 = arith.constant 0 : i32
      %dma_start3A_167 = tpu.memref_slice %arg6[%dma_start3A_164, %dma_start3A_165, %dma_start3A_166] : memref<8x2x128xi32, #tpu.memory_space<vmem>> -> memref<1x1x128xi32, #tpu.memory_space<vmem>>
      %dma_start3A_168 = tpu.memref_squeeze %dma_start3A_167 : memref<1x1x128xi32, #tpu.memory_space<vmem>> -> memref<128xi32, #tpu.memory_space<vmem>>
      %dma_start3A_169 = arith.constant 0 : i32
      %dma_start3A_170 = arith.constant 0 : i32
      %dma_start3A_171 = tpu.memref_slice %arg10[%dma_start3A_169, %dma_start3A_170] : memref<10240x64xf32, #tpu.memory_space<vmem_shared>> -> memref<10240x64xf32, #tpu.memory_space<vmem_shared>>
      tpu.enqueue_indirect_dma source(%dma_start3A_171 : memref<10240x64xf32, #tpu.memory_space<vmem_shared>>) target(%arg8 : memref<128x64xf32, #tpu.memory_space<vmem>>) offsets(%dma_start3A_168 : memref<128xi32, #tpu.memory_space<vmem>>) semaphore(%arg14 : memref<!tpu.dma_semaphore, #tpu.memory_space<semaphore_mem>>)
      %dma_wait3A_172 = arith.constant 0 : i32
      %dma_wait3A_173 = arith.constant 0 : i32
      %dma_wait3A_174 = tpu.memref_slice %arg4[%dma_wait3A_172, %dma_wait3A_173] : memref<10240x64xf32, #tpu.memory_space<hbm>> -> memref<128x64xf32, #tpu.memory_space<hbm>>
      %dma_wait3A_175 = arith.constant 0 : i32
      %dma_wait3A_176 = arith.constant 0 : i32
      %dma_wait3A_177 = tpu.memref_slice %arg4[%dma_wait3A_175, %dma_wait3A_176] : memref<10240x64xf32, #tpu.memory_space<hbm>> -> memref<128x64xf32, #tpu.memory_space<hbm>>
      tpu.wait_dma2 semaphore(%arg15 : memref<!tpu.dma_semaphore, #tpu.memory_space<semaphore_mem>>) src(%dma_wait3A_177 : memref<128x64xf32, #tpu.memory_space<hbm>>) dst(%arg9 : memref<128x64xf32, #tpu.memory_space<vmem>>)
      %run_scoped3A_178 = arith.constant 3 : i32
      %run_scoped3A_179 = arith.constant 1 : i32
      "tpu.region"() ({
        %run_scoped3A_397 = tpu.sem_alloc : memref<!tpu.dma_semaphore, #tpu.memory_space<semaphore_mem>>
        %dma_start3A_398 = arith.constant 0 : i32
        %dma_start3A_399 = tpu.memref_slice %arg6[%run_scoped3A_178, %run_scoped3A_179, %dma_start3A_398] : memref<8x2x128xi32, #tpu.memory_space<vmem>> -> memref<1x1x128xi32, #tpu.memory_space<vmem>>
        %dma_start3A_400 = tpu.memref_squeeze %dma_start3A_399 : memref<1x1x128xi32, #tpu.memory_space<vmem>> -> memref<128xi32, #tpu.memory_space<vmem>>
        %dma_start3A_401 = arith.constant 0 : i32
        %dma_start3A_402 = arith.constant 0 : i32
        %dma_start3A_403 = tpu.memref_slice %arg11[%dma_start3A_401, %dma_start3A_402] : memref<10240x64xf32, #tpu.memory_space<vmem_shared>> -> memref<10240x64xf32, #tpu.memory_space<vmem_shared>>
        tpu.enqueue_indirect_dma source(%arg9 : memref<128x64xf32, #tpu.memory_space<vmem>>) target(%dma_start3A_403 : memref<10240x64xf32, #tpu.memory_space<vmem_shared>>) offsets(%dma_start3A_400 : memref<128xi32, #tpu.memory_space<vmem>>) semaphore(%run_scoped3A_397 : memref<!tpu.dma_semaphore, #tpu.memory_space<semaphore_mem>>) {add = true}
        %dma_wait3A_404 = arith.constant 0 : i32
        %dma_wait3A_405 = tpu.memref_slice %arg6[%run_scoped3A_178, %run_scoped3A_179, %dma_wait3A_404] : memref<8x2x128xi32, #tpu.memory_space<vmem>> -> memref<1x1x128xi32, #tpu.memory_space<vmem>>
        %dma_wait3A_406 = tpu.memref_squeeze %dma_wait3A_405 : memref<1x1x128xi32, #tpu.memory_space<vmem>> -> memref<128xi32, #tpu.memory_space<vmem>>
        %dma_wait3A_407 = arith.constant 0 : i32
        %dma_wait3A_408 = arith.constant 0 : i32
        %dma_wait3A_409 = tpu.memref_slice %arg11[%dma_wait3A_407, %dma_wait3A_408] : memref<10240x64xf32, #tpu.memory_space<vmem_shared>> -> memref<10240x64xf32, #tpu.memory_space<vmem_shared>>
        tpu.wait_indirect_dma semaphore(%run_scoped3A_397 : memref<!tpu.dma_semaphore, #tpu.memory_space<semaphore_mem>>) src(%arg9 : memref<128x64xf32, #tpu.memory_space<vmem>>) dst(%dma_wait3A_409 : memref<10240x64xf32, #tpu.memory_space<vmem_shared>>)
        tpu.yield
      }) : () -> ()
      %dma_start3A_180 = arith.constant 5 : i32
      %dma_start3A_181 = arith.constant 0 : i32
      %dma_start3A_182 = arith.constant 0 : i32
      %dma_start3A_183 = tpu.memref_slice %arg6[%dma_start3A_180, %dma_start3A_181, %dma_start3A_182] : memref<8x2x128xi32, #tpu.memory_space<vmem>> -> memref<1x1x128xi32, #tpu.memory_space<vmem>>
      %dma_start3A_184 = tpu.memref_squeeze %dma_start3A_183 : memref<1x1x128xi32, #tpu.memory_space<vmem>> -> memref<128xi32, #tpu.memory_space<vmem>>
      %dma_start3A_185 = arith.constant 0 : i32
      %dma_start3A_186 = arith.constant 0 : i32
      %dma_start3A_187 = tpu.memref_slice %arg10[%dma_start3A_185, %dma_start3A_186] : memref<10240x64xf32, #tpu.memory_space<vmem_shared>> -> memref<10240x64xf32, #tpu.memory_space<vmem_shared>>
      tpu.enqueue_indirect_dma source(%dma_start3A_187 : memref<10240x64xf32, #tpu.memory_space<vmem_shared>>) target(%arg9 : memref<128x64xf32, #tpu.memory_space<vmem>>) offsets(%dma_start3A_184 : memref<128xi32, #tpu.memory_space<vmem>>) semaphore(%arg15 : memref<!tpu.dma_semaphore, #tpu.memory_space<semaphore_mem>>)
      %dma_wait3A_188 = arith.constant 0 : i32
      %dma_wait3A_189 = arith.constant 0 : i32
      %dma_wait3A_190 = tpu.memref_slice %arg4[%dma_wait3A_188, %dma_wait3A_189] : memref<10240x64xf32, #tpu.memory_space<hbm>> -> memref<128x64xf32, #tpu.memory_space<hbm>>
      %dma_wait3A_191 = arith.constant 0 : i32
      %dma_wait3A_192 = arith.constant 0 : i32
      %dma_wait3A_193 = tpu.memref_slice %arg4[%dma_wait3A_191, %dma_wait3A_192] : memref<10240x64xf32, #tpu.memory_space<hbm>> -> memref<128x64xf32, #tpu.memory_space<hbm>>
      tpu.wait_dma2 semaphore(%arg14 : memref<!tpu.dma_semaphore, #tpu.memory_space<semaphore_mem>>) src(%dma_wait3A_193 : memref<128x64xf32, #tpu.memory_space<hbm>>) dst(%arg8 : memref<128x64xf32, #tpu.memory_space<vmem>>)
      %run_scoped3A_194 = arith.constant 4 : i32
      %run_scoped3A_195 = arith.constant 1 : i32
      "tpu.region"() ({
        %run_scoped3A_397 = tpu.sem_alloc : memref<!tpu.dma_semaphore, #tpu.memory_space<semaphore_mem>>
        %dma_start3A_398 = arith.constant 0 : i32
        %dma_start3A_399 = tpu.memref_slice %arg6[%run_scoped3A_194, %run_scoped3A_195, %dma_start3A_398] : memref<8x2x128xi32, #tpu.memory_space<vmem>> -> memref<1x1x128xi32, #tpu.memory_space<vmem>>
        %dma_start3A_400 = tpu.memref_squeeze %dma_start3A_399 : memref<1x1x128xi32, #tpu.memory_space<vmem>> -> memref<128xi32, #tpu.memory_space<vmem>>
        %dma_start3A_401 = arith.constant 0 : i32
        %dma_start3A_402 = arith.constant 0 : i32
        %dma_start3A_403 = tpu.memref_slice %arg11[%dma_start3A_401, %dma_start3A_402] : memref<10240x64xf32, #tpu.memory_space<vmem_shared>> -> memref<10240x64xf32, #tpu.memory_space<vmem_shared>>
        tpu.enqueue_indirect_dma source(%arg8 : memref<128x64xf32, #tpu.memory_space<vmem>>) target(%dma_start3A_403 : memref<10240x64xf32, #tpu.memory_space<vmem_shared>>) offsets(%dma_start3A_400 : memref<128xi32, #tpu.memory_space<vmem>>) semaphore(%run_scoped3A_397 : memref<!tpu.dma_semaphore, #tpu.memory_space<semaphore_mem>>) {add = true}
        %dma_wait3A_404 = arith.constant 0 : i32
        %dma_wait3A_405 = tpu.memref_slice %arg6[%run_scoped3A_194, %run_scoped3A_195, %dma_wait3A_404] : memref<8x2x128xi32, #tpu.memory_space<vmem>> -> memref<1x1x128xi32, #tpu.memory_space<vmem>>
        %dma_wait3A_406 = tpu.memref_squeeze %dma_wait3A_405 : memref<1x1x128xi32, #tpu.memory_space<vmem>> -> memref<128xi32, #tpu.memory_space<vmem>>
        %dma_wait3A_407 = arith.constant 0 : i32
        %dma_wait3A_408 = arith.constant 0 : i32
        %dma_wait3A_409 = tpu.memref_slice %arg11[%dma_wait3A_407, %dma_wait3A_408] : memref<10240x64xf32, #tpu.memory_space<vmem_shared>> -> memref<10240x64xf32, #tpu.memory_space<vmem_shared>>
        tpu.wait_indirect_dma semaphore(%run_scoped3A_397 : memref<!tpu.dma_semaphore, #tpu.memory_space<semaphore_mem>>) src(%arg8 : memref<128x64xf32, #tpu.memory_space<vmem>>) dst(%dma_wait3A_409 : memref<10240x64xf32, #tpu.memory_space<vmem_shared>>)
        tpu.yield
      }) : () -> ()
      %dma_start3A_196 = arith.constant 6 : i32
      %dma_start3A_197 = arith.constant 0 : i32
      %dma_start3A_198 = arith.constant 0 : i32
      %dma_start3A_199 = tpu.memref_slice %arg6[%dma_start3A_196, %dma_start3A_197, %dma_start3A_198] : memref<8x2x128xi32, #tpu.memory_space<vmem>> -> memref<1x1x128xi32, #tpu.memory_space<vmem>>
      %dma_start3A_200 = tpu.memref_squeeze %dma_start3A_199 : memref<1x1x128xi32, #tpu.memory_space<vmem>> -> memref<128xi32, #tpu.memory_space<vmem>>
      %dma_start3A_201 = arith.constant 0 : i32
      %dma_start3A_202 = arith.constant 0 : i32
      %dma_start3A_203 = tpu.memref_slice %arg10[%dma_start3A_201, %dma_start3A_202] : memref<10240x64xf32, #tpu.memory_space<vmem_shared>> -> memref<10240x64xf32, #tpu.memory_space<vmem_shared>>
      tpu.enqueue_indirect_dma source(%dma_start3A_203 : memref<10240x64xf32, #tpu.memory_space<vmem_shared>>) target(%arg8 : memref<128x64xf32, #tpu.memory_space<vmem>>) offsets(%dma_start3A_200 : memref<128xi32, #tpu.memory_space<vmem>>) semaphore(%arg14 : memref<!tpu.dma_semaphore, #tpu.memory_space<semaphore_mem>>)
      %dma_wait3A_204 = arith.constant 0 : i32
      %dma_wait3A_205 = arith.constant 0 : i32
      %dma_wait3A_206 = tpu.memref_slice %arg4[%dma_wait3A_204, %dma_wait3A_205] : memref<10240x64xf32, #tpu.memory_space<hbm>> -> memref<128x64xf32, #tpu.memory_space<hbm>>
      %dma_wait3A_207 = arith.constant 0 : i32
      %dma_wait3A_208 = arith.constant 0 : i32
      %dma_wait3A_209 = tpu.memref_slice %arg4[%dma_wait3A_207, %dma_wait3A_208] : memref<10240x64xf32, #tpu.memory_space<hbm>> -> memref<128x64xf32, #tpu.memory_space<hbm>>
      tpu.wait_dma2 semaphore(%arg15 : memref<!tpu.dma_semaphore, #tpu.memory_space<semaphore_mem>>) src(%dma_wait3A_209 : memref<128x64xf32, #tpu.memory_space<hbm>>) dst(%arg9 : memref<128x64xf32, #tpu.memory_space<vmem>>)
      %run_scoped3A_210 = arith.constant 5 : i32
      %run_scoped3A_211 = arith.constant 1 : i32
      "tpu.region"() ({
        %run_scoped3A_397 = tpu.sem_alloc : memref<!tpu.dma_semaphore, #tpu.memory_space<semaphore_mem>>
        %dma_start3A_398 = arith.constant 0 : i32
        %dma_start3A_399 = tpu.memref_slice %arg6[%run_scoped3A_210, %run_scoped3A_211, %dma_start3A_398] : memref<8x2x128xi32, #tpu.memory_space<vmem>> -> memref<1x1x128xi32, #tpu.memory_space<vmem>>
        %dma_start3A_400 = tpu.memref_squeeze %dma_start3A_399 : memref<1x1x128xi32, #tpu.memory_space<vmem>> -> memref<128xi32, #tpu.memory_space<vmem>>
        %dma_start3A_401 = arith.constant 0 : i32
        %dma_start3A_402 = arith.constant 0 : i32
        %dma_start3A_403 = tpu.memref_slice %arg11[%dma_start3A_401, %dma_start3A_402] : memref<10240x64xf32, #tpu.memory_space<vmem_shared>> -> memref<10240x64xf32, #tpu.memory_space<vmem_shared>>
        tpu.enqueue_indirect_dma source(%arg9 : memref<128x64xf32, #tpu.memory_space<vmem>>) target(%dma_start3A_403 : memref<10240x64xf32, #tpu.memory_space<vmem_shared>>) offsets(%dma_start3A_400 : memref<128xi32, #tpu.memory_space<vmem>>) semaphore(%run_scoped3A_397 : memref<!tpu.dma_semaphore, #tpu.memory_space<semaphore_mem>>) {add = true}
        %dma_wait3A_404 = arith.constant 0 : i32
        %dma_wait3A_405 = tpu.memref_slice %arg6[%run_scoped3A_210, %run_scoped3A_211, %dma_wait3A_404] : memref<8x2x128xi32, #tpu.memory_space<vmem>> -> memref<1x1x128xi32, #tpu.memory_space<vmem>>
        %dma_wait3A_406 = tpu.memref_squeeze %dma_wait3A_405 : memref<1x1x128xi32, #tpu.memory_space<vmem>> -> memref<128xi32, #tpu.memory_space<vmem>>
        %dma_wait3A_407 = arith.constant 0 : i32
        %dma_wait3A_408 = arith.constant 0 : i32
        %dma_wait3A_409 = tpu.memref_slice %arg11[%dma_wait3A_407, %dma_wait3A_408] : memref<10240x64xf32, #tpu.memory_space<vmem_shared>> -> memref<10240x64xf32, #tpu.memory_space<vmem_shared>>
        tpu.wait_indirect_dma semaphore(%run_scoped3A_397 : memref<!tpu.dma_semaphore, #tpu.memory_space<semaphore_mem>>) src(%arg9 : memref<128x64xf32, #tpu.memory_space<vmem>>) dst(%dma_wait3A_409 : memref<10240x64xf32, #tpu.memory_space<vmem_shared>>)
        tpu.yield
      }) : () -> ()
      %dma_start3A_212 = arith.constant 7 : i32
      %dma_start3A_213 = arith.constant 0 : i32
      %dma_start3A_214 = arith.constant 0 : i32
      %dma_start3A_215 = tpu.memref_slice %arg6[%dma_start3A_212, %dma_start3A_213, %dma_start3A_214] : memref<8x2x128xi32, #tpu.memory_space<vmem>> -> memref<1x1x128xi32, #tpu.memory_space<vmem>>
      %dma_start3A_216 = tpu.memref_squeeze %dma_start3A_215 : memref<1x1x128xi32, #tpu.memory_space<vmem>> -> memref<128xi32, #tpu.memory_space<vmem>>
      %dma_start3A_217 = arith.constant 0 : i32
      %dma_start3A_218 = arith.constant 0 : i32
      %dma_start3A_219 = tpu.memref_slice %arg10[%dma_start3A_217, %dma_start3A_218] : memref<10240x64xf32, #tpu.memory_space<vmem_shared>> -> memref<10240x64xf32, #tpu.memory_space<vmem_shared>>
      tpu.enqueue_indirect_dma source(%dma_start3A_219 : memref<10240x64xf32, #tpu.memory_space<vmem_shared>>) target(%arg9 : memref<128x64xf32, #tpu.memory_space<vmem>>) offsets(%dma_start3A_216 : memref<128xi32, #tpu.memory_space<vmem>>) semaphore(%arg15 : memref<!tpu.dma_semaphore, #tpu.memory_space<semaphore_mem>>)
      %dma_wait3A_220 = arith.constant 0 : i32
      %dma_wait3A_221 = arith.constant 0 : i32
      %dma_wait3A_222 = tpu.memref_slice %arg4[%dma_wait3A_220, %dma_wait3A_221] : memref<10240x64xf32, #tpu.memory_space<hbm>> -> memref<128x64xf32, #tpu.memory_space<hbm>>
      %dma_wait3A_223 = arith.constant 0 : i32
      %dma_wait3A_224 = arith.constant 0 : i32
      %dma_wait3A_225 = tpu.memref_slice %arg4[%dma_wait3A_223, %dma_wait3A_224] : memref<10240x64xf32, #tpu.memory_space<hbm>> -> memref<128x64xf32, #tpu.memory_space<hbm>>
      tpu.wait_dma2 semaphore(%arg14 : memref<!tpu.dma_semaphore, #tpu.memory_space<semaphore_mem>>) src(%dma_wait3A_225 : memref<128x64xf32, #tpu.memory_space<hbm>>) dst(%arg8 : memref<128x64xf32, #tpu.memory_space<vmem>>)
      %run_scoped3A_226 = arith.constant 6 : i32
      %run_scoped3A_227 = arith.constant 1 : i32
      "tpu.region"() ({
        %run_scoped3A_397 = tpu.sem_alloc : memref<!tpu.dma_semaphore, #tpu.memory_space<semaphore_mem>>
        %dma_start3A_398 = arith.constant 0 : i32
        %dma_start3A_399 = tpu.memref_slice %arg6[%run_scoped3A_226, %run_scoped3A_227, %dma_start3A_398] : memref<8x2x128xi32, #tpu.memory_space<vmem>> -> memref<1x1x128xi32, #tpu.memory_space<vmem>>
        %dma_start3A_400 = tpu.memref_squeeze %dma_start3A_399 : memref<1x1x128xi32, #tpu.memory_space<vmem>> -> memref<128xi32, #tpu.memory_space<vmem>>
        %dma_start3A_401 = arith.constant 0 : i32
        %dma_start3A_402 = arith.constant 0 : i32
        %dma_start3A_403 = tpu.memref_slice %arg11[%dma_start3A_401, %dma_start3A_402] : memref<10240x64xf32, #tpu.memory_space<vmem_shared>> -> memref<10240x64xf32, #tpu.memory_space<vmem_shared>>
        tpu.enqueue_indirect_dma source(%arg8 : memref<128x64xf32, #tpu.memory_space<vmem>>) target(%dma_start3A_403 : memref<10240x64xf32, #tpu.memory_space<vmem_shared>>) offsets(%dma_start3A_400 : memref<128xi32, #tpu.memory_space<vmem>>) semaphore(%run_scoped3A_397 : memref<!tpu.dma_semaphore, #tpu.memory_space<semaphore_mem>>) {add = true}
        %dma_wait3A_404 = arith.constant 0 : i32
        %dma_wait3A_405 = tpu.memref_slice %arg6[%run_scoped3A_226, %run_scoped3A_227, %dma_wait3A_404] : memref<8x2x128xi32, #tpu.memory_space<vmem>> -> memref<1x1x128xi32, #tpu.memory_space<vmem>>
        %dma_wait3A_406 = tpu.memref_squeeze %dma_wait3A_405 : memref<1x1x128xi32, #tpu.memory_space<vmem>> -> memref<128xi32, #tpu.memory_space<vmem>>
        %dma_wait3A_407 = arith.constant 0 : i32
        %dma_wait3A_408 = arith.constant 0 : i32
        %dma_wait3A_409 = tpu.memref_slice %arg11[%dma_wait3A_407, %dma_wait3A_408] : memref<10240x64xf32, #tpu.memory_space<vmem_shared>> -> memref<10240x64xf32, #tpu.memory_space<vmem_shared>>
        tpu.wait_indirect_dma semaphore(%run_scoped3A_397 : memref<!tpu.dma_semaphore, #tpu.memory_space<semaphore_mem>>) src(%arg8 : memref<128x64xf32, #tpu.memory_space<vmem>>) dst(%dma_wait3A_409 : memref<10240x64xf32, #tpu.memory_space<vmem_shared>>)
        tpu.yield
      }) : () -> ()
      %dma_wait3A_228 = arith.constant 0 : i32
      %dma_wait3A_229 = arith.constant 0 : i32
      %dma_wait3A_230 = arith.constant 0 : i32
      %dma_wait3A_231 = arith.constant 0 : i32
      %dma_wait3A_232 = tpu.memref_slice %arg3[%add3A, %dma_wait3A_228, %dma_wait3A_229, %dma_wait3A_230, %dma_wait3A_231] : memref<32x10x8x2x128xi32, #tpu.memory_space<hbm>> -> memref<1x1x8x2x128xi32, #tpu.memory_space<hbm>>
      %dma_wait3A_233 = tpu.memref_squeeze %dma_wait3A_232 : memref<1x1x8x2x128xi32, #tpu.memory_space<hbm>> -> memref<8x2x128xi32, #tpu.memory_space<hbm>>
      %dma_wait3A_234 = arith.constant 0 : i32
      %dma_wait3A_235 = arith.constant 0 : i32
      %dma_wait3A_236 = arith.constant 0 : i32
      %dma_wait3A_237 = tpu.memref_slice %arg3[%add3A, %dma_wait3A_228, %dma_wait3A_234, %dma_wait3A_235, %dma_wait3A_236] : memref<32x10x8x2x128xi32, #tpu.memory_space<hbm>> -> memref<1x1x8x2x128xi32, #tpu.memory_space<hbm>>
      %dma_wait3A_238 = tpu.memref_squeeze %dma_wait3A_237 : memref<1x1x8x2x128xi32, #tpu.memory_space<hbm>> -> memref<8x2x128xi32, #tpu.memory_space<hbm>>
      tpu.wait_dma2 semaphore(%arg13 : memref<!tpu.dma_semaphore, #tpu.memory_space<semaphore_mem>>) src(%dma_wait3A_238 : memref<8x2x128xi32, #tpu.memory_space<hbm>>) dst(%arg7 : memref<8x2x128xi32, #tpu.memory_space<vmem>>)
      %dma_start3A_239 = arith.constant 0 : i32
      %dma_start3A_240 = arith.constant 0 : i32
      %dma_start3A_241 = arith.constant 0 : i32
      %dma_start3A_242 = tpu.memref_slice %arg7[%dma_start3A_239, %dma_start3A_240, %dma_start3A_241] : memref<8x2x128xi32, #tpu.memory_space<vmem>> -> memref<1x1x128xi32, #tpu.memory_space<vmem>>
      %dma_start3A_243 = tpu.memref_squeeze %dma_start3A_242 : memref<1x1x128xi32, #tpu.memory_space<vmem>> -> memref<128xi32, #tpu.memory_space<vmem>>
      %dma_start3A_244 = arith.constant 0 : i32
      %dma_start3A_245 = arith.constant 0 : i32
      %dma_start3A_246 = tpu.memref_slice %arg10[%dma_start3A_244, %dma_start3A_245] : memref<10240x64xf32, #tpu.memory_space<vmem_shared>> -> memref<10240x64xf32, #tpu.memory_space<vmem_shared>>
      tpu.enqueue_indirect_dma source(%dma_start3A_246 : memref<10240x64xf32, #tpu.memory_space<vmem_shared>>) target(%arg8 : memref<128x64xf32, #tpu.memory_space<vmem>>) offsets(%dma_start3A_243 : memref<128xi32, #tpu.memory_space<vmem>>) semaphore(%arg14 : memref<!tpu.dma_semaphore, #tpu.memory_space<semaphore_mem>>)
      %dma_wait3A_247 = arith.constant 0 : i32
      %dma_wait3A_248 = arith.constant 0 : i32
      %dma_wait3A_249 = tpu.memref_slice %arg4[%dma_wait3A_247, %dma_wait3A_248] : memref<10240x64xf32, #tpu.memory_space<hbm>> -> memref<128x64xf32, #tpu.memory_space<hbm>>
      %dma_wait3A_250 = arith.constant 0 : i32
      %dma_wait3A_251 = arith.constant 0 : i32
      %dma_wait3A_252 = tpu.memref_slice %arg4[%dma_wait3A_250, %dma_wait3A_251] : memref<10240x64xf32, #tpu.memory_space<hbm>> -> memref<128x64xf32, #tpu.memory_space<hbm>>
      tpu.wait_dma2 semaphore(%arg15 : memref<!tpu.dma_semaphore, #tpu.memory_space<semaphore_mem>>) src(%dma_wait3A_252 : memref<128x64xf32, #tpu.memory_space<hbm>>) dst(%arg9 : memref<128x64xf32, #tpu.memory_space<vmem>>)
      %run_scoped3A_253 = arith.constant 7 : i32
      %run_scoped3A_254 = arith.constant 1 : i32
      "tpu.region"() ({
        %run_scoped3A_397 = tpu.sem_alloc : memref<!tpu.dma_semaphore, #tpu.memory_space<semaphore_mem>>
        %dma_start3A_398 = arith.constant 0 : i32
        %dma_start3A_399 = tpu.memref_slice %arg6[%run_scoped3A_253, %run_scoped3A_254, %dma_start3A_398] : memref<8x2x128xi32, #tpu.memory_space<vmem>> -> memref<1x1x128xi32, #tpu.memory_space<vmem>>
        %dma_start3A_400 = tpu.memref_squeeze %dma_start3A_399 : memref<1x1x128xi32, #tpu.memory_space<vmem>> -> memref<128xi32, #tpu.memory_space<vmem>>
        %dma_start3A_401 = arith.constant 0 : i32
        %dma_start3A_402 = arith.constant 0 : i32
        %dma_start3A_403 = tpu.memref_slice %arg11[%dma_start3A_401, %dma_start3A_402] : memref<10240x64xf32, #tpu.memory_space<vmem_shared>> -> memref<10240x64xf32, #tpu.memory_space<vmem_shared>>
        tpu.enqueue_indirect_dma source(%arg9 : memref<128x64xf32, #tpu.memory_space<vmem>>) target(%dma_start3A_403 : memref<10240x64xf32, #tpu.memory_space<vmem_shared>>) offsets(%dma_start3A_400 : memref<128xi32, #tpu.memory_space<vmem>>) semaphore(%run_scoped3A_397 : memref<!tpu.dma_semaphore, #tpu.memory_space<semaphore_mem>>) {add = true}
        %dma_wait3A_404 = arith.constant 0 : i32
        %dma_wait3A_405 = tpu.memref_slice %arg6[%run_scoped3A_253, %run_scoped3A_254, %dma_wait3A_404] : memref<8x2x128xi32, #tpu.memory_space<vmem>> -> memref<1x1x128xi32, #tpu.memory_space<vmem>>
        %dma_wait3A_406 = tpu.memref_squeeze %dma_wait3A_405 : memref<1x1x128xi32, #tpu.memory_space<vmem>> -> memref<128xi32, #tpu.memory_space<vmem>>
        %dma_wait3A_407 = arith.constant 0 : i32
        %dma_wait3A_408 = arith.constant 0 : i32
        %dma_wait3A_409 = tpu.memref_slice %arg11[%dma_wait3A_407, %dma_wait3A_408] : memref<10240x64xf32, #tpu.memory_space<vmem_shared>> -> memref<10240x64xf32, #tpu.memory_space<vmem_shared>>
        tpu.wait_indirect_dma semaphore(%run_scoped3A_397 : memref<!tpu.dma_semaphore, #tpu.memory_space<semaphore_mem>>) src(%arg9 : memref<128x64xf32, #tpu.memory_space<vmem>>) dst(%dma_wait3A_409 : memref<10240x64xf32, #tpu.memory_space<vmem_shared>>)
        tpu.yield
      }) : () -> ()
      %dma_start3A_255 = arith.constant 1 : i32
      %dma_start3A_256 = arith.constant 0 : i32
      %dma_start3A_257 = arith.constant 0 : i32
      %dma_start3A_258 = tpu.memref_slice %arg7[%dma_start3A_255, %dma_start3A_256, %dma_start3A_257] : memref<8x2x128xi32, #tpu.memory_space<vmem>> -> memref<1x1x128xi32, #tpu.memory_space<vmem>>
      %dma_start3A_259 = tpu.memref_squeeze %dma_start3A_258 : memref<1x1x128xi32, #tpu.memory_space<vmem>> -> memref<128xi32, #tpu.memory_space<vmem>>
      %dma_start3A_260 = arith.constant 0 : i32
      %dma_start3A_261 = arith.constant 0 : i32
      %dma_start3A_262 = tpu.memref_slice %arg10[%dma_start3A_260, %dma_start3A_261] : memref<10240x64xf32, #tpu.memory_space<vmem_shared>> -> memref<10240x64xf32, #tpu.memory_space<vmem_shared>>
      tpu.enqueue_indirect_dma source(%dma_start3A_262 : memref<10240x64xf32, #tpu.memory_space<vmem_shared>>) target(%arg9 : memref<128x64xf32, #tpu.memory_space<vmem>>) offsets(%dma_start3A_259 : memref<128xi32, #tpu.memory_space<vmem>>) semaphore(%arg15 : memref<!tpu.dma_semaphore, #tpu.memory_space<semaphore_mem>>)
      %lt3A = arith.constant 4 : i32
      %lt3A_263 = arith.cmpi slt, %scan3A_118, %lt3A : i32
      %convert_element_type3A = arith.extui %lt3A_263 : i1 to i32
      %cond3A = arith.constant 0 : i32
      %cond3A_264 = arith.cmpi ne, %convert_element_type3A, %cond3A : i32
      scf.if %cond3A_264 {
        %add3A_397 = arith.constant 2 : i32
        %add3A_398 = arith.addi %add3A_123, %add3A_397 : i32
        %dma_start3A_399 = arith.constant 0 : i32
        %dma_start3A_400 = arith.constant 0 : i32
        %dma_start3A_401 = arith.constant 0 : i32
        %dma_start3A_402 = tpu.memref_slice %arg3[%add3A, %add3A_398, %dma_start3A_399, %dma_start3A_400, %dma_start3A_401] : memref<32x10x8x2x128xi32, #tpu.memory_space<hbm>> -> memref<1x1x8x2x128xi32, #tpu.memory_space<hbm>>
        %dma_start3A_403 = tpu.memref_squeeze %dma_start3A_402 : memref<1x1x8x2x128xi32, #tpu.memory_space<hbm>> -> memref<8x2x128xi32, #tpu.memory_space<hbm>>
        %dma_start3A_404 = arith.constant 0 : i32
        %dma_start3A_405 = arith.constant 0 : i32
        %dma_start3A_406 = arith.constant 0 : i32
        %dma_start3A_407 = tpu.memref_slice %arg3[%add3A, %add3A_398, %dma_start3A_404, %dma_start3A_405, %dma_start3A_406] : memref<32x10x8x2x128xi32, #tpu.memory_space<hbm>> -> memref<1x1x8x2x128xi32, #tpu.memory_space<hbm>>
        %dma_start3A_408 = tpu.memref_squeeze %dma_start3A_407 : memref<1x1x8x2x128xi32, #tpu.memory_space<hbm>> -> memref<8x2x128xi32, #tpu.memory_space<hbm>>
        tpu.enqueue_dma source(%dma_start3A_408 : memref<8x2x128xi32, #tpu.memory_space<hbm>>) target(%arg6 : memref<8x2x128xi32, #tpu.memory_space<vmem>>) target_semaphore(%arg12 : memref<!tpu.dma_semaphore, #tpu.memory_space<semaphore_mem>>)
      } else {
      }
      %mul3A_265 = arith.constant 2 : i32
      %mul3A_266 = arith.muli %scan3A_118, %mul3A_265 : i32
      %add3A_267 = arith.constant 1 : i32
      %add3A_268 = arith.addi %mul3A_266, %add3A_267 : i32
      %dma_wait3A_269 = arith.constant 0 : i32
      %dma_wait3A_270 = arith.constant 0 : i32
      %dma_wait3A_271 = tpu.memref_slice %arg4[%dma_wait3A_269, %dma_wait3A_270] : memref<10240x64xf32, #tpu.memory_space<hbm>> -> memref<128x64xf32, #tpu.memory_space<hbm>>
      %dma_wait3A_272 = arith.constant 0 : i32
      %dma_wait3A_273 = arith.constant 0 : i32
      %dma_wait3A_274 = tpu.memref_slice %arg4[%dma_wait3A_272, %dma_wait3A_273] : memref<10240x64xf32, #tpu.memory_space<hbm>> -> memref<128x64xf32, #tpu.memory_space<hbm>>
      tpu.wait_dma2 semaphore(%arg14 : memref<!tpu.dma_semaphore, #tpu.memory_space<semaphore_mem>>) src(%dma_wait3A_274 : memref<128x64xf32, #tpu.memory_space<hbm>>) dst(%arg8 : memref<128x64xf32, #tpu.memory_space<vmem>>)
      %run_scoped3A_275 = arith.constant 0 : i32
      %run_scoped3A_276 = arith.constant 1 : i32
      "tpu.region"() ({
        %run_scoped3A_397 = tpu.sem_alloc : memref<!tpu.dma_semaphore, #tpu.memory_space<semaphore_mem>>
        %dma_start3A_398 = arith.constant 0 : i32
        %dma_start3A_399 = tpu.memref_slice %arg7[%run_scoped3A_275, %run_scoped3A_276, %dma_start3A_398] : memref<8x2x128xi32, #tpu.memory_space<vmem>> -> memref<1x1x128xi32, #tpu.memory_space<vmem>>
        %dma_start3A_400 = tpu.memref_squeeze %dma_start3A_399 : memref<1x1x128xi32, #tpu.memory_space<vmem>> -> memref<128xi32, #tpu.memory_space<vmem>>
        %dma_start3A_401 = arith.constant 0 : i32
        %dma_start3A_402 = arith.constant 0 : i32
        %dma_start3A_403 = tpu.memref_slice %arg11[%dma_start3A_401, %dma_start3A_402] : memref<10240x64xf32, #tpu.memory_space<vmem_shared>> -> memref<10240x64xf32, #tpu.memory_space<vmem_shared>>
        tpu.enqueue_indirect_dma source(%arg8 : memref<128x64xf32, #tpu.memory_space<vmem>>) target(%dma_start3A_403 : memref<10240x64xf32, #tpu.memory_space<vmem_shared>>) offsets(%dma_start3A_400 : memref<128xi32, #tpu.memory_space<vmem>>) semaphore(%run_scoped3A_397 : memref<!tpu.dma_semaphore, #tpu.memory_space<semaphore_mem>>) {add = true}
        %dma_wait3A_404 = arith.constant 0 : i32
        %dma_wait3A_405 = tpu.memref_slice %arg7[%run_scoped3A_275, %run_scoped3A_276, %dma_wait3A_404] : memref<8x2x128xi32, #tpu.memory_space<vmem>> -> memref<1x1x128xi32, #tpu.memory_space<vmem>>
        %dma_wait3A_406 = tpu.memref_squeeze %dma_wait3A_405 : memref<1x1x128xi32, #tpu.memory_space<vmem>> -> memref<128xi32, #tpu.memory_space<vmem>>
        %dma_wait3A_407 = arith.constant 0 : i32
        %dma_wait3A_408 = arith.constant 0 : i32
        %dma_wait3A_409 = tpu.memref_slice %arg11[%dma_wait3A_407, %dma_wait3A_408] : memref<10240x64xf32, #tpu.memory_space<vmem_shared>> -> memref<10240x64xf32, #tpu.memory_space<vmem_shared>>
        tpu.wait_indirect_dma semaphore(%run_scoped3A_397 : memref<!tpu.dma_semaphore, #tpu.memory_space<semaphore_mem>>) src(%arg8 : memref<128x64xf32, #tpu.memory_space<vmem>>) dst(%dma_wait3A_409 : memref<10240x64xf32, #tpu.memory_space<vmem_shared>>)
        tpu.yield
      }) : () -> ()
      %dma_start3A_277 = arith.constant 2 : i32
      %dma_start3A_278 = arith.constant 0 : i32
      %dma_start3A_279 = arith.constant 0 : i32
      %dma_start3A_280 = tpu.memref_slice %arg7[%dma_start3A_277, %dma_start3A_278, %dma_start3A_279] : memref<8x2x128xi32, #tpu.memory_space<vmem>> -> memref<1x1x128xi32, #tpu.memory_space<vmem>>
      %dma_start3A_281 = tpu.memref_squeeze %dma_start3A_280 : memref<1x1x128xi32, #tpu.memory_space<vmem>> -> memref<128xi32, #tpu.memory_space<vmem>>
      %dma_start3A_282 = arith.constant 0 : i32
      %dma_start3A_283 = arith.constant 0 : i32
      %dma_start3A_284 = tpu.memref_slice %arg10[%dma_start3A_282, %dma_start3A_283] : memref<10240x64xf32, #tpu.memory_space<vmem_shared>> -> memref<10240x64xf32, #tpu.memory_space<vmem_shared>>
      tpu.enqueue_indirect_dma source(%dma_start3A_284 : memref<10240x64xf32, #tpu.memory_space<vmem_shared>>) target(%arg8 : memref<128x64xf32, #tpu.memory_space<vmem>>) offsets(%dma_start3A_281 : memref<128xi32, #tpu.memory_space<vmem>>) semaphore(%arg14 : memref<!tpu.dma_semaphore, #tpu.memory_space<semaphore_mem>>)
      %dma_wait3A_285 = arith.constant 0 : i32
      %dma_wait3A_286 = arith.constant 0 : i32
      %dma_wait3A_287 = tpu.memref_slice %arg4[%dma_wait3A_285, %dma_wait3A_286] : memref<10240x64xf32, #tpu.memory_space<hbm>> -> memref<128x64xf32, #tpu.memory_space<hbm>>
      %dma_wait3A_288 = arith.constant 0 : i32
      %dma_wait3A_289 = arith.constant 0 : i32
      %dma_wait3A_290 = tpu.memref_slice %arg4[%dma_wait3A_288, %dma_wait3A_289] : memref<10240x64xf32, #tpu.memory_space<hbm>> -> memref<128x64xf32, #tpu.memory_space<hbm>>
      tpu.wait_dma2 semaphore(%arg15 : memref<!tpu.dma_semaphore, #tpu.memory_space<semaphore_mem>>) src(%dma_wait3A_290 : memref<128x64xf32, #tpu.memory_space<hbm>>) dst(%arg9 : memref<128x64xf32, #tpu.memory_space<vmem>>)
      %run_scoped3A_291 = arith.constant 1 : i32
      %run_scoped3A_292 = arith.constant 1 : i32
      "tpu.region"() ({
        %run_scoped3A_397 = tpu.sem_alloc : memref<!tpu.dma_semaphore, #tpu.memory_space<semaphore_mem>>
        %dma_start3A_398 = arith.constant 0 : i32
        %dma_start3A_399 = tpu.memref_slice %arg7[%run_scoped3A_291, %run_scoped3A_292, %dma_start3A_398] : memref<8x2x128xi32, #tpu.memory_space<vmem>> -> memref<1x1x128xi32, #tpu.memory_space<vmem>>
        %dma_start3A_400 = tpu.memref_squeeze %dma_start3A_399 : memref<1x1x128xi32, #tpu.memory_space<vmem>> -> memref<128xi32, #tpu.memory_space<vmem>>
        %dma_start3A_401 = arith.constant 0 : i32
        %dma_start3A_402 = arith.constant 0 : i32
        %dma_start3A_403 = tpu.memref_slice %arg11[%dma_start3A_401, %dma_start3A_402] : memref<10240x64xf32, #tpu.memory_space<vmem_shared>> -> memref<10240x64xf32, #tpu.memory_space<vmem_shared>>
        tpu.enqueue_indirect_dma source(%arg9 : memref<128x64xf32, #tpu.memory_space<vmem>>) target(%dma_start3A_403 : memref<10240x64xf32, #tpu.memory_space<vmem_shared>>) offsets(%dma_start3A_400 : memref<128xi32, #tpu.memory_space<vmem>>) semaphore(%run_scoped3A_397 : memref<!tpu.dma_semaphore, #tpu.memory_space<semaphore_mem>>) {add = true}
        %dma_wait3A_404 = arith.constant 0 : i32
        %dma_wait3A_405 = tpu.memref_slice %arg7[%run_scoped3A_291, %run_scoped3A_292, %dma_wait3A_404] : memref<8x2x128xi32, #tpu.memory_space<vmem>> -> memref<1x1x128xi32, #tpu.memory_space<vmem>>
        %dma_wait3A_406 = tpu.memref_squeeze %dma_wait3A_405 : memref<1x1x128xi32, #tpu.memory_space<vmem>> -> memref<128xi32, #tpu.memory_space<vmem>>
        %dma_wait3A_407 = arith.constant 0 : i32
        %dma_wait3A_408 = arith.constant 0 : i32
        %dma_wait3A_409 = tpu.memref_slice %arg11[%dma_wait3A_407, %dma_wait3A_408] : memref<10240x64xf32, #tpu.memory_space<vmem_shared>> -> memref<10240x64xf32, #tpu.memory_space<vmem_shared>>
        tpu.wait_indirect_dma semaphore(%run_scoped3A_397 : memref<!tpu.dma_semaphore, #tpu.memory_space<semaphore_mem>>) src(%arg9 : memref<128x64xf32, #tpu.memory_space<vmem>>) dst(%dma_wait3A_409 : memref<10240x64xf32, #tpu.memory_space<vmem_shared>>)
        tpu.yield
      }) : () -> ()
      %dma_start3A_293 = arith.constant 3 : i32
      %dma_start3A_294 = arith.constant 0 : i32
      %dma_start3A_295 = arith.constant 0 : i32
      %dma_start3A_296 = tpu.memref_slice %arg7[%dma_start3A_293, %dma_start3A_294, %dma_start3A_295] : memref<8x2x128xi32, #tpu.memory_space<vmem>> -> memref<1x1x128xi32, #tpu.memory_space<vmem>>
      %dma_start3A_297 = tpu.memref_squeeze %dma_start3A_296 : memref<1x1x128xi32, #tpu.memory_space<vmem>> -> memref<128xi32, #tpu.memory_space<vmem>>
      %dma_start3A_298 = arith.constant 0 : i32
      %dma_start3A_299 = arith.constant 0 : i32
      %dma_start3A_300 = tpu.memref_slice %arg10[%dma_start3A_298, %dma_start3A_299] : memref<10240x64xf32, #tpu.memory_space<vmem_shared>> -> memref<10240x64xf32, #tpu.memory_space<vmem_shared>>
      tpu.enqueue_indirect_dma source(%dma_start3A_300 : memref<10240x64xf32, #tpu.memory_space<vmem_shared>>) target(%arg9 : memref<128x64xf32, #tpu.memory_space<vmem>>) offsets(%dma_start3A_297 : memref<128xi32, #tpu.memory_space<vmem>>) semaphore(%arg15 : memref<!tpu.dma_semaphore, #tpu.memory_space<semaphore_mem>>)
      %dma_wait3A_301 = arith.constant 0 : i32
      %dma_wait3A_302 = arith.constant 0 : i32
      %dma_wait3A_303 = tpu.memref_slice %arg4[%dma_wait3A_301, %dma_wait3A_302] : memref<10240x64xf32, #tpu.memory_space<hbm>> -> memref<128x64xf32, #tpu.memory_space<hbm>>
      %dma_wait3A_304 = arith.constant 0 : i32
      %dma_wait3A_305 = arith.constant 0 : i32
      %dma_wait3A_306 = tpu.memref_slice %arg4[%dma_wait3A_304, %dma_wait3A_305] : memref<10240x64xf32, #tpu.memory_space<hbm>> -> memref<128x64xf32, #tpu.memory_space<hbm>>
      tpu.wait_dma2 semaphore(%arg14 : memref<!tpu.dma_semaphore, #tpu.memory_space<semaphore_mem>>) src(%dma_wait3A_306 : memref<128x64xf32, #tpu.memory_space<hbm>>) dst(%arg8 : memref<128x64xf32, #tpu.memory_space<vmem>>)
      %run_scoped3A_307 = arith.constant 2 : i32
      %run_scoped3A_308 = arith.constant 1 : i32
      "tpu.region"() ({
        %run_scoped3A_397 = tpu.sem_alloc : memref<!tpu.dma_semaphore, #tpu.memory_space<semaphore_mem>>
        %dma_start3A_398 = arith.constant 0 : i32
        %dma_start3A_399 = tpu.memref_slice %arg7[%run_scoped3A_307, %run_scoped3A_308, %dma_start3A_398] : memref<8x2x128xi32, #tpu.memory_space<vmem>> -> memref<1x1x128xi32, #tpu.memory_space<vmem>>
        %dma_start3A_400 = tpu.memref_squeeze %dma_start3A_399 : memref<1x1x128xi32, #tpu.memory_space<vmem>> -> memref<128xi32, #tpu.memory_space<vmem>>
        %dma_start3A_401 = arith.constant 0 : i32
        %dma_start3A_402 = arith.constant 0 : i32
        %dma_start3A_403 = tpu.memref_slice %arg11[%dma_start3A_401, %dma_start3A_402] : memref<10240x64xf32, #tpu.memory_space<vmem_shared>> -> memref<10240x64xf32, #tpu.memory_space<vmem_shared>>
        tpu.enqueue_indirect_dma source(%arg8 : memref<128x64xf32, #tpu.memory_space<vmem>>) target(%dma_start3A_403 : memref<10240x64xf32, #tpu.memory_space<vmem_shared>>) offsets(%dma_start3A_400 : memref<128xi32, #tpu.memory_space<vmem>>) semaphore(%run_scoped3A_397 : memref<!tpu.dma_semaphore, #tpu.memory_space<semaphore_mem>>) {add = true}
        %dma_wait3A_404 = arith.constant 0 : i32
        %dma_wait3A_405 = tpu.memref_slice %arg7[%run_scoped3A_307, %run_scoped3A_308, %dma_wait3A_404] : memref<8x2x128xi32, #tpu.memory_space<vmem>> -> memref<1x1x128xi32, #tpu.memory_space<vmem>>
        %dma_wait3A_406 = tpu.memref_squeeze %dma_wait3A_405 : memref<1x1x128xi32, #tpu.memory_space<vmem>> -> memref<128xi32, #tpu.memory_space<vmem>>
        %dma_wait3A_407 = arith.constant 0 : i32
        %dma_wait3A_408 = arith.constant 0 : i32
        %dma_wait3A_409 = tpu.memref_slice %arg11[%dma_wait3A_407, %dma_wait3A_408] : memref<10240x64xf32, #tpu.memory_space<vmem_shared>> -> memref<10240x64xf32, #tpu.memory_space<vmem_shared>>
        tpu.wait_indirect_dma semaphore(%run_scoped3A_397 : memref<!tpu.dma_semaphore, #tpu.memory_space<semaphore_mem>>) src(%arg8 : memref<128x64xf32, #tpu.memory_space<vmem>>) dst(%dma_wait3A_409 : memref<10240x64xf32, #tpu.memory_space<vmem_shared>>)
        tpu.yield
      }) : () -> ()
      %dma_start3A_309 = arith.constant 4 : i32
      %dma_start3A_310 = arith.constant 0 : i32
      %dma_start3A_311 = arith.constant 0 : i32
      %dma_start3A_312 = tpu.memref_slice %arg7[%dma_start3A_309, %dma_start3A_310, %dma_start3A_311] : memref<8x2x128xi32, #tpu.memory_space<vmem>> -> memref<1x1x128xi32, #tpu.memory_space<vmem>>
      %dma_start3A_313 = tpu.memref_squeeze %dma_start3A_312 : memref<1x1x128xi32, #tpu.memory_space<vmem>> -> memref<128xi32, #tpu.memory_space<vmem>>
      %dma_start3A_314 = arith.constant 0 : i32
      %dma_start3A_315 = arith.constant 0 : i32
      %dma_start3A_316 = tpu.memref_slice %arg10[%dma_start3A_314, %dma_start3A_315] : memref<10240x64xf32, #tpu.memory_space<vmem_shared>> -> memref<10240x64xf32, #tpu.memory_space<vmem_shared>>
      tpu.enqueue_indirect_dma source(%dma_start3A_316 : memref<10240x64xf32, #tpu.memory_space<vmem_shared>>) target(%arg8 : memref<128x64xf32, #tpu.memory_space<vmem>>) offsets(%dma_start3A_313 : memref<128xi32, #tpu.memory_space<vmem>>) semaphore(%arg14 : memref<!tpu.dma_semaphore, #tpu.memory_space<semaphore_mem>>)
      %dma_wait3A_317 = arith.constant 0 : i32
      %dma_wait3A_318 = arith.constant 0 : i32
      %dma_wait3A_319 = tpu.memref_slice %arg4[%dma_wait3A_317, %dma_wait3A_318] : memref<10240x64xf32, #tpu.memory_space<hbm>> -> memref<128x64xf32, #tpu.memory_space<hbm>>
      %dma_wait3A_320 = arith.constant 0 : i32
      %dma_wait3A_321 = arith.constant 0 : i32
      %dma_wait3A_322 = tpu.memref_slice %arg4[%dma_wait3A_320, %dma_wait3A_321] : memref<10240x64xf32, #tpu.memory_space<hbm>> -> memref<128x64xf32, #tpu.memory_space<hbm>>
      tpu.wait_dma2 semaphore(%arg15 : memref<!tpu.dma_semaphore, #tpu.memory_space<semaphore_mem>>) src(%dma_wait3A_322 : memref<128x64xf32, #tpu.memory_space<hbm>>) dst(%arg9 : memref<128x64xf32, #tpu.memory_space<vmem>>)
      %run_scoped3A_323 = arith.constant 3 : i32
      %run_scoped3A_324 = arith.constant 1 : i32
      "tpu.region"() ({
        %run_scoped3A_397 = tpu.sem_alloc : memref<!tpu.dma_semaphore, #tpu.memory_space<semaphore_mem>>
        %dma_start3A_398 = arith.constant 0 : i32
        %dma_start3A_399 = tpu.memref_slice %arg7[%run_scoped3A_323, %run_scoped3A_324, %dma_start3A_398] : memref<8x2x128xi32, #tpu.memory_space<vmem>> -> memref<1x1x128xi32, #tpu.memory_space<vmem>>
        %dma_start3A_400 = tpu.memref_squeeze %dma_start3A_399 : memref<1x1x128xi32, #tpu.memory_space<vmem>> -> memref<128xi32, #tpu.memory_space<vmem>>
        %dma_start3A_401 = arith.constant 0 : i32
        %dma_start3A_402 = arith.constant 0 : i32
        %dma_start3A_403 = tpu.memref_slice %arg11[%dma_start3A_401, %dma_start3A_402] : memref<10240x64xf32, #tpu.memory_space<vmem_shared>> -> memref<10240x64xf32, #tpu.memory_space<vmem_shared>>
        tpu.enqueue_indirect_dma source(%arg9 : memref<128x64xf32, #tpu.memory_space<vmem>>) target(%dma_start3A_403 : memref<10240x64xf32, #tpu.memory_space<vmem_shared>>) offsets(%dma_start3A_400 : memref<128xi32, #tpu.memory_space<vmem>>) semaphore(%run_scoped3A_397 : memref<!tpu.dma_semaphore, #tpu.memory_space<semaphore_mem>>) {add = true}
        %dma_wait3A_404 = arith.constant 0 : i32
        %dma_wait3A_405 = tpu.memref_slice %arg7[%run_scoped3A_323, %run_scoped3A_324, %dma_wait3A_404] : memref<8x2x128xi32, #tpu.memory_space<vmem>> -> memref<1x1x128xi32, #tpu.memory_space<vmem>>
        %dma_wait3A_406 = tpu.memref_squeeze %dma_wait3A_405 : memref<1x1x128xi32, #tpu.memory_space<vmem>> -> memref<128xi32, #tpu.memory_space<vmem>>
        %dma_wait3A_407 = arith.constant 0 : i32
        %dma_wait3A_408 = arith.constant 0 : i32
        %dma_wait3A_409 = tpu.memref_slice %arg11[%dma_wait3A_407, %dma_wait3A_408] : memref<10240x64xf32, #tpu.memory_space<vmem_shared>> -> memref<10240x64xf32, #tpu.memory_space<vmem_shared>>
        tpu.wait_indirect_dma semaphore(%run_scoped3A_397 : memref<!tpu.dma_semaphore, #tpu.memory_space<semaphore_mem>>) src(%arg9 : memref<128x64xf32, #tpu.memory_space<vmem>>) dst(%dma_wait3A_409 : memref<10240x64xf32, #tpu.memory_space<vmem_shared>>)
        tpu.yield
      }) : () -> ()
      %dma_start3A_325 = arith.constant 5 : i32
      %dma_start3A_326 = arith.constant 0 : i32
      %dma_start3A_327 = arith.constant 0 : i32
      %dma_start3A_328 = tpu.memref_slice %arg7[%dma_start3A_325, %dma_start3A_326, %dma_start3A_327] : memref<8x2x128xi32, #tpu.memory_space<vmem>> -> memref<1x1x128xi32, #tpu.memory_space<vmem>>
      %dma_start3A_329 = tpu.memref_squeeze %dma_start3A_328 : memref<1x1x128xi32, #tpu.memory_space<vmem>> -> memref<128xi32, #tpu.memory_space<vmem>>
      %dma_start3A_330 = arith.constant 0 : i32
      %dma_start3A_331 = arith.constant 0 : i32
      %dma_start3A_332 = tpu.memref_slice %arg10[%dma_start3A_330, %dma_start3A_331] : memref<10240x64xf32, #tpu.memory_space<vmem_shared>> -> memref<10240x64xf32, #tpu.memory_space<vmem_shared>>
      tpu.enqueue_indirect_dma source(%dma_start3A_332 : memref<10240x64xf32, #tpu.memory_space<vmem_shared>>) target(%arg9 : memref<128x64xf32, #tpu.memory_space<vmem>>) offsets(%dma_start3A_329 : memref<128xi32, #tpu.memory_space<vmem>>) semaphore(%arg15 : memref<!tpu.dma_semaphore, #tpu.memory_space<semaphore_mem>>)
      %dma_wait3A_333 = arith.constant 0 : i32
      %dma_wait3A_334 = arith.constant 0 : i32
      %dma_wait3A_335 = tpu.memref_slice %arg4[%dma_wait3A_333, %dma_wait3A_334] : memref<10240x64xf32, #tpu.memory_space<hbm>> -> memref<128x64xf32, #tpu.memory_space<hbm>>
      %dma_wait3A_336 = arith.constant 0 : i32
      %dma_wait3A_337 = arith.constant 0 : i32
      %dma_wait3A_338 = tpu.memref_slice %arg4[%dma_wait3A_336, %dma_wait3A_337] : memref<10240x64xf32, #tpu.memory_space<hbm>> -> memref<128x64xf32, #tpu.memory_space<hbm>>
      tpu.wait_dma2 semaphore(%arg14 : memref<!tpu.dma_semaphore, #tpu.memory_space<semaphore_mem>>) src(%dma_wait3A_338 : memref<128x64xf32, #tpu.memory_space<hbm>>) dst(%arg8 : memref<128x64xf32, #tpu.memory_space<vmem>>)
      %run_scoped3A_339 = arith.constant 4 : i32
      %run_scoped3A_340 = arith.constant 1 : i32
      "tpu.region"() ({
        %run_scoped3A_397 = tpu.sem_alloc : memref<!tpu.dma_semaphore, #tpu.memory_space<semaphore_mem>>
        %dma_start3A_398 = arith.constant 0 : i32
        %dma_start3A_399 = tpu.memref_slice %arg7[%run_scoped3A_339, %run_scoped3A_340, %dma_start3A_398] : memref<8x2x128xi32, #tpu.memory_space<vmem>> -> memref<1x1x128xi32, #tpu.memory_space<vmem>>
        %dma_start3A_400 = tpu.memref_squeeze %dma_start3A_399 : memref<1x1x128xi32, #tpu.memory_space<vmem>> -> memref<128xi32, #tpu.memory_space<vmem>>
        %dma_start3A_401 = arith.constant 0 : i32
        %dma_start3A_402 = arith.constant 0 : i32
        %dma_start3A_403 = tpu.memref_slice %arg11[%dma_start3A_401, %dma_start3A_402] : memref<10240x64xf32, #tpu.memory_space<vmem_shared>> -> memref<10240x64xf32, #tpu.memory_space<vmem_shared>>
        tpu.enqueue_indirect_dma source(%arg8 : memref<128x64xf32, #tpu.memory_space<vmem>>) target(%dma_start3A_403 : memref<10240x64xf32, #tpu.memory_space<vmem_shared>>) offsets(%dma_start3A_400 : memref<128xi32, #tpu.memory_space<vmem>>) semaphore(%run_scoped3A_397 : memref<!tpu.dma_semaphore, #tpu.memory_space<semaphore_mem>>) {add = true}
        %dma_wait3A_404 = arith.constant 0 : i32
        %dma_wait3A_405 = tpu.memref_slice %arg7[%run_scoped3A_339, %run_scoped3A_340, %dma_wait3A_404] : memref<8x2x128xi32, #tpu.memory_space<vmem>> -> memref<1x1x128xi32, #tpu.memory_space<vmem>>
        %dma_wait3A_406 = tpu.memref_squeeze %dma_wait3A_405 : memref<1x1x128xi32, #tpu.memory_space<vmem>> -> memref<128xi32, #tpu.memory_space<vmem>>
        %dma_wait3A_407 = arith.constant 0 : i32
        %dma_wait3A_408 = arith.constant 0 : i32
        %dma_wait3A_409 = tpu.memref_slice %arg11[%dma_wait3A_407, %dma_wait3A_408] : memref<10240x64xf32, #tpu.memory_space<vmem_shared>> -> memref<10240x64xf32, #tpu.memory_space<vmem_shared>>
        tpu.wait_indirect_dma semaphore(%run_scoped3A_397 : memref<!tpu.dma_semaphore, #tpu.memory_space<semaphore_mem>>) src(%arg8 : memref<128x64xf32, #tpu.memory_space<vmem>>) dst(%dma_wait3A_409 : memref<10240x64xf32, #tpu.memory_space<vmem_shared>>)
        tpu.yield
      }) : () -> ()
      %dma_start3A_341 = arith.constant 6 : i32
      %dma_start3A_342 = arith.constant 0 : i32
      %dma_start3A_343 = arith.constant 0 : i32
      %dma_start3A_344 = tpu.memref_slice %arg7[%dma_start3A_341, %dma_start3A_342, %dma_start3A_343] : memref<8x2x128xi32, #tpu.memory_space<vmem>> -> memref<1x1x128xi32, #tpu.memory_space<vmem>>
      %dma_start3A_345 = tpu.memref_squeeze %dma_start3A_344 : memref<1x1x128xi32, #tpu.memory_space<vmem>> -> memref<128xi32, #tpu.memory_space<vmem>>
      %dma_start3A_346 = arith.constant 0 : i32
      %dma_start3A_347 = arith.constant 0 : i32
      %dma_start3A_348 = tpu.memref_slice %arg10[%dma_start3A_346, %dma_start3A_347] : memref<10240x64xf32, #tpu.memory_space<vmem_shared>> -> memref<10240x64xf32, #tpu.memory_space<vmem_shared>>
      tpu.enqueue_indirect_dma source(%dma_start3A_348 : memref<10240x64xf32, #tpu.memory_space<vmem_shared>>) target(%arg8 : memref<128x64xf32, #tpu.memory_space<vmem>>) offsets(%dma_start3A_345 : memref<128xi32, #tpu.memory_space<vmem>>) semaphore(%arg14 : memref<!tpu.dma_semaphore, #tpu.memory_space<semaphore_mem>>)
      %dma_wait3A_349 = arith.constant 0 : i32
      %dma_wait3A_350 = arith.constant 0 : i32
      %dma_wait3A_351 = tpu.memref_slice %arg4[%dma_wait3A_349, %dma_wait3A_350] : memref<10240x64xf32, #tpu.memory_space<hbm>> -> memref<128x64xf32, #tpu.memory_space<hbm>>
      %dma_wait3A_352 = arith.constant 0 : i32
      %dma_wait3A_353 = arith.constant 0 : i32
      %dma_wait3A_354 = tpu.memref_slice %arg4[%dma_wait3A_352, %dma_wait3A_353] : memref<10240x64xf32, #tpu.memory_space<hbm>> -> memref<128x64xf32, #tpu.memory_space<hbm>>
      tpu.wait_dma2 semaphore(%arg15 : memref<!tpu.dma_semaphore, #tpu.memory_space<semaphore_mem>>) src(%dma_wait3A_354 : memref<128x64xf32, #tpu.memory_space<hbm>>) dst(%arg9 : memref<128x64xf32, #tpu.memory_space<vmem>>)
      %run_scoped3A_355 = arith.constant 5 : i32
      %run_scoped3A_356 = arith.constant 1 : i32
      "tpu.region"() ({
        %run_scoped3A_397 = tpu.sem_alloc : memref<!tpu.dma_semaphore, #tpu.memory_space<semaphore_mem>>
        %dma_start3A_398 = arith.constant 0 : i32
        %dma_start3A_399 = tpu.memref_slice %arg7[%run_scoped3A_355, %run_scoped3A_356, %dma_start3A_398] : memref<8x2x128xi32, #tpu.memory_space<vmem>> -> memref<1x1x128xi32, #tpu.memory_space<vmem>>
        %dma_start3A_400 = tpu.memref_squeeze %dma_start3A_399 : memref<1x1x128xi32, #tpu.memory_space<vmem>> -> memref<128xi32, #tpu.memory_space<vmem>>
        %dma_start3A_401 = arith.constant 0 : i32
        %dma_start3A_402 = arith.constant 0 : i32
        %dma_start3A_403 = tpu.memref_slice %arg11[%dma_start3A_401, %dma_start3A_402] : memref<10240x64xf32, #tpu.memory_space<vmem_shared>> -> memref<10240x64xf32, #tpu.memory_space<vmem_shared>>
        tpu.enqueue_indirect_dma source(%arg9 : memref<128x64xf32, #tpu.memory_space<vmem>>) target(%dma_start3A_403 : memref<10240x64xf32, #tpu.memory_space<vmem_shared>>) offsets(%dma_start3A_400 : memref<128xi32, #tpu.memory_space<vmem>>) semaphore(%run_scoped3A_397 : memref<!tpu.dma_semaphore, #tpu.memory_space<semaphore_mem>>) {add = true}
        %dma_wait3A_404 = arith.constant 0 : i32
        %dma_wait3A_405 = tpu.memref_slice %arg7[%run_scoped3A_355, %run_scoped3A_356, %dma_wait3A_404] : memref<8x2x128xi32, #tpu.memory_space<vmem>> -> memref<1x1x128xi32, #tpu.memory_space<vmem>>
        %dma_wait3A_406 = tpu.memref_squeeze %dma_wait3A_405 : memref<1x1x128xi32, #tpu.memory_space<vmem>> -> memref<128xi32, #tpu.memory_space<vmem>>
        %dma_wait3A_407 = arith.constant 0 : i32
        %dma_wait3A_408 = arith.constant 0 : i32
        %dma_wait3A_409 = tpu.memref_slice %arg11[%dma_wait3A_407, %dma_wait3A_408] : memref<10240x64xf32, #tpu.memory_space<vmem_shared>> -> memref<10240x64xf32, #tpu.memory_space<vmem_shared>>
        tpu.wait_indirect_dma semaphore(%run_scoped3A_397 : memref<!tpu.dma_semaphore, #tpu.memory_space<semaphore_mem>>) src(%arg9 : memref<128x64xf32, #tpu.memory_space<vmem>>) dst(%dma_wait3A_409 : memref<10240x64xf32, #tpu.memory_space<vmem_shared>>)
        tpu.yield
      }) : () -> ()
      %dma_start3A_357 = arith.constant 7 : i32
      %dma_start3A_358 = arith.constant 0 : i32
      %dma_start3A_359 = arith.constant 0 : i32
      %dma_start3A_360 = tpu.memref_slice %arg7[%dma_start3A_357, %dma_start3A_358, %dma_start3A_359] : memref<8x2x128xi32, #tpu.memory_space<vmem>> -> memref<1x1x128xi32, #tpu.memory_space<vmem>>
      %dma_start3A_361 = tpu.memref_squeeze %dma_start3A_360 : memref<1x1x128xi32, #tpu.memory_space<vmem>> -> memref<128xi32, #tpu.memory_space<vmem>>
      %dma_start3A_362 = arith.constant 0 : i32
      %dma_start3A_363 = arith.constant 0 : i32
      %dma_start3A_364 = tpu.memref_slice %arg10[%dma_start3A_362, %dma_start3A_363] : memref<10240x64xf32, #tpu.memory_space<vmem_shared>> -> memref<10240x64xf32, #tpu.memory_space<vmem_shared>>
      tpu.enqueue_indirect_dma source(%dma_start3A_364 : memref<10240x64xf32, #tpu.memory_space<vmem_shared>>) target(%arg9 : memref<128x64xf32, #tpu.memory_space<vmem>>) offsets(%dma_start3A_361 : memref<128xi32, #tpu.memory_space<vmem>>) semaphore(%arg15 : memref<!tpu.dma_semaphore, #tpu.memory_space<semaphore_mem>>)
      %dma_wait3A_365 = arith.constant 0 : i32
      %dma_wait3A_366 = arith.constant 0 : i32
      %dma_wait3A_367 = tpu.memref_slice %arg4[%dma_wait3A_365, %dma_wait3A_366] : memref<10240x64xf32, #tpu.memory_space<hbm>> -> memref<128x64xf32, #tpu.memory_space<hbm>>
      %dma_wait3A_368 = arith.constant 0 : i32
      %dma_wait3A_369 = arith.constant 0 : i32
      %dma_wait3A_370 = tpu.memref_slice %arg4[%dma_wait3A_368, %dma_wait3A_369] : memref<10240x64xf32, #tpu.memory_space<hbm>> -> memref<128x64xf32, #tpu.memory_space<hbm>>
      tpu.wait_dma2 semaphore(%arg14 : memref<!tpu.dma_semaphore, #tpu.memory_space<semaphore_mem>>) src(%dma_wait3A_370 : memref<128x64xf32, #tpu.memory_space<hbm>>) dst(%arg8 : memref<128x64xf32, #tpu.memory_space<vmem>>)
      %run_scoped3A_371 = arith.constant 6 : i32
      %run_scoped3A_372 = arith.constant 1 : i32
      "tpu.region"() ({
        %run_scoped3A_397 = tpu.sem_alloc : memref<!tpu.dma_semaphore, #tpu.memory_space<semaphore_mem>>
        %dma_start3A_398 = arith.constant 0 : i32
        %dma_start3A_399 = tpu.memref_slice %arg7[%run_scoped3A_371, %run_scoped3A_372, %dma_start3A_398] : memref<8x2x128xi32, #tpu.memory_space<vmem>> -> memref<1x1x128xi32, #tpu.memory_space<vmem>>
        %dma_start3A_400 = tpu.memref_squeeze %dma_start3A_399 : memref<1x1x128xi32, #tpu.memory_space<vmem>> -> memref<128xi32, #tpu.memory_space<vmem>>
        %dma_start3A_401 = arith.constant 0 : i32
        %dma_start3A_402 = arith.constant 0 : i32
        %dma_start3A_403 = tpu.memref_slice %arg11[%dma_start3A_401, %dma_start3A_402] : memref<10240x64xf32, #tpu.memory_space<vmem_shared>> -> memref<10240x64xf32, #tpu.memory_space<vmem_shared>>
        tpu.enqueue_indirect_dma source(%arg8 : memref<128x64xf32, #tpu.memory_space<vmem>>) target(%dma_start3A_403 : memref<10240x64xf32, #tpu.memory_space<vmem_shared>>) offsets(%dma_start3A_400 : memref<128xi32, #tpu.memory_space<vmem>>) semaphore(%run_scoped3A_397 : memref<!tpu.dma_semaphore, #tpu.memory_space<semaphore_mem>>) {add = true}
        %dma_wait3A_404 = arith.constant 0 : i32
        %dma_wait3A_405 = tpu.memref_slice %arg7[%run_scoped3A_371, %run_scoped3A_372, %dma_wait3A_404] : memref<8x2x128xi32, #tpu.memory_space<vmem>> -> memref<1x1x128xi32, #tpu.memory_space<vmem>>
        %dma_wait3A_406 = tpu.memref_squeeze %dma_wait3A_405 : memref<1x1x128xi32, #tpu.memory_space<vmem>> -> memref<128xi32, #tpu.memory_space<vmem>>
        %dma_wait3A_407 = arith.constant 0 : i32
        %dma_wait3A_408 = arith.constant 0 : i32
        %dma_wait3A_409 = tpu.memref_slice %arg11[%dma_wait3A_407, %dma_wait3A_408] : memref<10240x64xf32, #tpu.memory_space<vmem_shared>> -> memref<10240x64xf32, #tpu.memory_space<vmem_shared>>
        tpu.wait_indirect_dma semaphore(%run_scoped3A_397 : memref<!tpu.dma_semaphore, #tpu.memory_space<semaphore_mem>>) src(%arg8 : memref<128x64xf32, #tpu.memory_space<vmem>>) dst(%dma_wait3A_409 : memref<10240x64xf32, #tpu.memory_space<vmem_shared>>)
        tpu.yield
      }) : () -> ()
      %lt3A_373 = arith.constant 4 : i32
      %lt3A_374 = arith.cmpi slt, %scan3A_118, %lt3A_373 : i32
      %convert_element_type3A_375 = arith.extui %lt3A_374 : i1 to i32
      %cond3A_376 = arith.constant 0 : i32
      %cond3A_377 = arith.cmpi ne, %convert_element_type3A_375, %cond3A_376 : i32
      scf.if %cond3A_377 {
        %dma_wait3A_397 = arith.constant 0 : i32
        %dma_wait3A_398 = arith.constant 0 : i32
        %dma_wait3A_399 = arith.constant 0 : i32
        %dma_wait3A_400 = arith.constant 0 : i32
        %dma_wait3A_401 = tpu.memref_slice %arg3[%add3A, %dma_wait3A_397, %dma_wait3A_398, %dma_wait3A_399, %dma_wait3A_400] : memref<32x10x8x2x128xi32, #tpu.memory_space<hbm>> -> memref<1x1x8x2x128xi32, #tpu.memory_space<hbm>>
        %dma_wait3A_402 = tpu.memref_squeeze %dma_wait3A_401 : memref<1x1x8x2x128xi32, #tpu.memory_space<hbm>> -> memref<8x2x128xi32, #tpu.memory_space<hbm>>
        %dma_wait3A_403 = arith.constant 0 : i32
        %dma_wait3A_404 = arith.constant 0 : i32
        %dma_wait3A_405 = arith.constant 0 : i32
        %dma_wait3A_406 = tpu.memref_slice %arg3[%add3A, %dma_wait3A_397, %dma_wait3A_403, %dma_wait3A_404, %dma_wait3A_405] : memref<32x10x8x2x128xi32, #tpu.memory_space<hbm>> -> memref<1x1x8x2x128xi32, #tpu.memory_space<hbm>>
        %dma_wait3A_407 = tpu.memref_squeeze %dma_wait3A_406 : memref<1x1x8x2x128xi32, #tpu.memory_space<hbm>> -> memref<8x2x128xi32, #tpu.memory_space<hbm>>
        tpu.wait_dma2 semaphore(%arg12 : memref<!tpu.dma_semaphore, #tpu.memory_space<semaphore_mem>>) src(%dma_wait3A_407 : memref<8x2x128xi32, #tpu.memory_space<hbm>>) dst(%arg6 : memref<8x2x128xi32, #tpu.memory_space<vmem>>)
        %dma_start3A_408 = arith.constant 0 : i32
        %dma_start3A_409 = arith.constant 0 : i32
        %dma_start3A_410 = arith.constant 0 : i32
        %dma_start3A_411 = tpu.memref_slice %arg6[%dma_start3A_408, %dma_start3A_409, %dma_start3A_410] : memref<8x2x128xi32, #tpu.memory_space<vmem>> -> memref<1x1x128xi32, #tpu.memory_space<vmem>>
        %dma_start3A_412 = tpu.memref_squeeze %dma_start3A_411 : memref<1x1x128xi32, #tpu.memory_space<vmem>> -> memref<128xi32, #tpu.memory_space<vmem>>
        %dma_start3A_413 = arith.constant 0 : i32
        %dma_start3A_414 = arith.constant 0 : i32
        %dma_start3A_415 = tpu.memref_slice %arg10[%dma_start3A_413, %dma_start3A_414] : memref<10240x64xf32, #tpu.memory_space<vmem_shared>> -> memref<10240x64xf32, #tpu.memory_space<vmem_shared>>
        tpu.enqueue_indirect_dma source(%dma_start3A_415 : memref<10240x64xf32, #tpu.memory_space<vmem_shared>>) target(%arg8 : memref<128x64xf32, #tpu.memory_space<vmem>>) offsets(%dma_start3A_412 : memref<128xi32, #tpu.memory_space<vmem>>) semaphore(%arg14 : memref<!tpu.dma_semaphore, #tpu.memory_space<semaphore_mem>>)
      } else {
      }
      %dma_wait3A_378 = arith.constant 0 : i32
      %dma_wait3A_379 = arith.constant 0 : i32
      %dma_wait3A_380 = tpu.memref_slice %arg4[%dma_wait3A_378, %dma_wait3A_379] : memref<10240x64xf32, #tpu.memory_space<hbm>> -> memref<128x64xf32, #tpu.memory_space<hbm>>
      %dma_wait3A_381 = arith.constant 0 : i32
      %dma_wait3A_382 = arith.constant 0 : i32
      %dma_wait3A_383 = tpu.memref_slice %arg4[%dma_wait3A_381, %dma_wait3A_382] : memref<10240x64xf32, #tpu.memory_space<hbm>> -> memref<128x64xf32, #tpu.memory_space<hbm>>
      tpu.wait_dma2 semaphore(%arg15 : memref<!tpu.dma_semaphore, #tpu.memory_space<semaphore_mem>>) src(%dma_wait3A_383 : memref<128x64xf32, #tpu.memory_space<hbm>>) dst(%arg9 : memref<128x64xf32, #tpu.memory_space<vmem>>)
      %run_scoped3A_384 = arith.constant 7 : i32
      %run_scoped3A_385 = arith.constant 1 : i32
      "tpu.region"() ({
        %run_scoped3A_397 = tpu.sem_alloc : memref<!tpu.dma_semaphore, #tpu.memory_space<semaphore_mem>>
        %dma_start3A_398 = arith.constant 0 : i32
        %dma_start3A_399 = tpu.memref_slice %arg7[%run_scoped3A_384, %run_scoped3A_385, %dma_start3A_398] : memref<8x2x128xi32, #tpu.memory_space<vmem>> -> memref<1x1x128xi32, #tpu.memory_space<vmem>>
        %dma_start3A_400 = tpu.memref_squeeze %dma_start3A_399 : memref<1x1x128xi32, #tpu.memory_space<vmem>> -> memref<128xi32, #tpu.memory_space<vmem>>
        %dma_start3A_401 = arith.constant 0 : i32
        %dma_start3A_402 = arith.constant 0 : i32
        %dma_start3A_403 = tpu.memref_slice %arg11[%dma_start3A_401, %dma_start3A_402] : memref<10240x64xf32, #tpu.memory_space<vmem_shared>> -> memref<10240x64xf32, #tpu.memory_space<vmem_shared>>
        tpu.enqueue_indirect_dma source(%arg9 : memref<128x64xf32, #tpu.memory_space<vmem>>) target(%dma_start3A_403 : memref<10240x64xf32, #tpu.memory_space<vmem_shared>>) offsets(%dma_start3A_400 : memref<128xi32, #tpu.memory_space<vmem>>) semaphore(%run_scoped3A_397 : memref<!tpu.dma_semaphore, #tpu.memory_space<semaphore_mem>>) {add = true}
        %dma_wait3A_404 = arith.constant 0 : i32
        %dma_wait3A_405 = tpu.memref_slice %arg7[%run_scoped3A_384, %run_scoped3A_385, %dma_wait3A_404] : memref<8x2x128xi32, #tpu.memory_space<vmem>> -> memref<1x1x128xi32, #tpu.memory_space<vmem>>
        %dma_wait3A_406 = tpu.memref_squeeze %dma_wait3A_405 : memref<1x1x128xi32, #tpu.memory_space<vmem>> -> memref<128xi32, #tpu.memory_space<vmem>>
        %dma_wait3A_407 = arith.constant 0 : i32
        %dma_wait3A_408 = arith.constant 0 : i32
        %dma_wait3A_409 = tpu.memref_slice %arg11[%dma_wait3A_407, %dma_wait3A_408] : memref<10240x64xf32, #tpu.memory_space<vmem_shared>> -> memref<10240x64xf32, #tpu.memory_space<vmem_shared>>
        tpu.wait_indirect_dma semaphore(%run_scoped3A_397 : memref<!tpu.dma_semaphore, #tpu.memory_space<semaphore_mem>>) src(%arg9 : memref<128x64xf32, #tpu.memory_space<vmem>>) dst(%dma_wait3A_409 : memref<10240x64xf32, #tpu.memory_space<vmem_shared>>)
        tpu.yield
      }) : () -> ()
      %lt3A_386 = arith.constant 4 : i32
      %lt3A_387 = arith.cmpi slt, %scan3A_118, %lt3A_386 : i32
      %convert_element_type3A_388 = arith.extui %lt3A_387 : i1 to i32
      %cond3A_389 = arith.constant 0 : i32
      %cond3A_390 = arith.cmpi ne, %convert_element_type3A_388, %cond3A_389 : i32
      scf.if %cond3A_390 {
        %dma_start3A_397 = arith.constant 1 : i32
        %dma_start3A_398 = arith.constant 0 : i32
        %dma_start3A_399 = arith.constant 0 : i32
        %dma_start3A_400 = tpu.memref_slice %arg6[%dma_start3A_397, %dma_start3A_398, %dma_start3A_399] : memref<8x2x128xi32, #tpu.memory_space<vmem>> -> memref<1x1x128xi32, #tpu.memory_space<vmem>>
        %dma_start3A_401 = tpu.memref_squeeze %dma_start3A_400 : memref<1x1x128xi32, #tpu.memory_space<vmem>> -> memref<128xi32, #tpu.memory_space<vmem>>
        %dma_start3A_402 = arith.constant 0 : i32
        %dma_start3A_403 = arith.constant 0 : i32
        %dma_start3A_404 = tpu.memref_slice %arg10[%dma_start3A_402, %dma_start3A_403] : memref<10240x64xf32, #tpu.memory_space<vmem_shared>> -> memref<10240x64xf32, #tpu.memory_space<vmem_shared>>
        tpu.enqueue_indirect_dma source(%dma_start3A_404 : memref<10240x64xf32, #tpu.memory_space<vmem_shared>>) target(%arg9 : memref<128x64xf32, #tpu.memory_space<vmem>>) offsets(%dma_start3A_401 : memref<128xi32, #tpu.memory_space<vmem>>) semaphore(%arg15 : memref<!tpu.dma_semaphore, #tpu.memory_space<semaphore_mem>>)
      } else {
      }
      %lt3A_391 = arith.constant 4 : i32
      %lt3A_392 = arith.cmpi slt, %scan3A_118, %lt3A_391 : i32
      %convert_element_type3A_393 = arith.extui %lt3A_392 : i1 to i32
      %cond3A_394 = arith.constant 0 : i32
      %cond3A_395 = arith.cmpi ne, %convert_element_type3A_393, %cond3A_394 : i32
      scf.if %cond3A_395 {
        %add3A_397 = arith.constant 2 : i32
        %add3A_398 = arith.addi %add3A_268, %add3A_397 : i32
        %dma_start3A_399 = arith.constant 0 : i32
        %dma_start3A_400 = arith.constant 0 : i32
        %dma_start3A_401 = arith.constant 0 : i32
        %dma_start3A_402 = tpu.memref_slice %arg3[%add3A, %add3A_398, %dma_start3A_399, %dma_start3A_400, %dma_start3A_401] : memref<32x10x8x2x128xi32, #tpu.memory_space<hbm>> -> memref<1x1x8x2x128xi32, #tpu.memory_space<hbm>>
        %dma_start3A_403 = tpu.memref_squeeze %dma_start3A_402 : memref<1x1x8x2x128xi32, #tpu.memory_space<hbm>> -> memref<8x2x128xi32, #tpu.memory_space<hbm>>
        %dma_start3A_404 = arith.constant 0 : i32
        %dma_start3A_405 = arith.constant 0 : i32
        %dma_start3A_406 = arith.constant 0 : i32
        %dma_start3A_407 = tpu.memref_slice %arg3[%add3A, %add3A_398, %dma_start3A_404, %dma_start3A_405, %dma_start3A_406] : memref<32x10x8x2x128xi32, #tpu.memory_space<hbm>> -> memref<1x1x8x2x128xi32, #tpu.memory_space<hbm>>
        %dma_start3A_408 = tpu.memref_squeeze %dma_start3A_407 : memref<1x1x8x2x128xi32, #tpu.memory_space<hbm>> -> memref<8x2x128xi32, #tpu.memory_space<hbm>>
        tpu.enqueue_dma source(%dma_start3A_408 : memref<8x2x128xi32, #tpu.memory_space<hbm>>) target(%arg7 : memref<8x2x128xi32, #tpu.memory_space<vmem>>) target_semaphore(%arg13 : memref<!tpu.dma_semaphore, #tpu.memory_space<semaphore_mem>>)
      } else {
      }
      %scan3A_396 = arith.constant 0 : i32
      scf.yield %scan3A_396 : i32
    }
    %scan3A_115 = arith.constant 5 : i32
    %barrier3A_116 = arith.constant 0 : index
    tpu.barrier barrier_id(%barrier3A_116)
    %run_scoped3A_117 = arith.constant 1 : i32
    "tpu.region"() ({
      %run_scoped3A_118 = tpu.sem_alloc : memref<!tpu.dma_semaphore, #tpu.memory_space<semaphore_mem>>
      %dma_start3A_119 = arith.constant 0 : i32
      %dma_start3A_120 = tpu.memref_slice %arg5[%arg0, %run_scoped3A_117, %mul3A_2, %dma_start3A_119] : memref<2x2x10240x64xf32, #tpu.memory_space<hbm>> -> memref<1x1x640x64xf32, #tpu.memory_space<hbm>>
      %dma_start3A_121 = tpu.memref_squeeze %dma_start3A_120 : memref<1x1x640x64xf32, #tpu.memory_space<hbm>> -> memref<640x64xf32, #tpu.memory_space<hbm>>
      %dma_start3A_122 = arith.constant 0 : i32
      %dma_start3A_123 = tpu.memref_slice %arg11[%mul3A_2, %dma_start3A_122] : memref<10240x64xf32, #tpu.memory_space<vmem_shared>> -> memref<640x64xf32, #tpu.memory_space<vmem_shared>>
      tpu.enqueue_dma source(%dma_start3A_123 : memref<640x64xf32, #tpu.memory_space<vmem_shared>>) target(%dma_start3A_121 : memref<640x64xf32, #tpu.memory_space<hbm>>) target_semaphore(%run_scoped3A_118 : memref<!tpu.dma_semaphore, #tpu.memory_space<semaphore_mem>>)
      %dma_wait3A_124 = arith.constant 0 : i32
      %dma_wait3A_125 = tpu.memref_slice %arg5[%arg0, %run_scoped3A_117, %mul3A_2, %dma_wait3A_124] : memref<2x2x10240x64xf32, #tpu.memory_space<hbm>> -> memref<1x1x640x64xf32, #tpu.memory_space<hbm>>
      %dma_wait3A_126 = tpu.memref_squeeze %dma_wait3A_125 : memref<1x1x640x64xf32, #tpu.memory_space<hbm>> -> memref<640x64xf32, #tpu.memory_space<hbm>>
      %dma_wait3A_127 = arith.constant 0 : i32
      %dma_wait3A_128 = tpu.memref_slice %arg11[%mul3A_2, %dma_wait3A_127] : memref<10240x64xf32, #tpu.memory_space<vmem_shared>> -> memref<640x64xf32, #tpu.memory_space<vmem_shared>>
      tpu.wait_dma2 semaphore(%run_scoped3A_118 : memref<!tpu.dma_semaphore, #tpu.memory_space<semaphore_mem>>) src(%dma_wait3A_128 : memref<640x64xf32, #tpu.memory_space<vmem_shared>>) dst(%dma_wait3A_126 : memref<640x64xf32, #tpu.memory_space<hbm>>)
      tpu.yield
    }) : () -> ()
    return
  }
}

#map = affine_map<(d0, d1) -> (0, 0, 0, 0)>
#map1 = affine_map<(d0, d1) -> (0, 0)>
#map2 = affine_map<(d0, d1) -> (0, 0, 0)>
module attributes {stable_mosaic.version = 14 : i64} {
  func.func @deg_kernel(%arg0: i32, %arg1: i32, %arg2: memref<32x80x2x128xi32, #tpu.memory_space<hbm>>, %arg3: memref<128x16xf32, #tpu.memory_space<hbm>>, %arg4: memref<10240x16xf32, #tpu.memory_space<hbm>>, %arg5: memref<2x10240x16xf32, #tpu.memory_space<hbm>>, %arg6: memref<80x2x128xi32, #tpu.memory_space<vmem>>, %arg7: memref<128x16xf32, #tpu.memory_space<vmem>>, %arg8: memref<10240x16xf32, #tpu.memory_space<vmem_shared>>) attributes {dimension_semantics = [#tpu.dimension_semantics<core_parallel>, #tpu.dimension_semantics<subcore_parallel>], iteration_bounds = array<i64: 2, 16>, scalar_prefetch = 0 : i64, scratch_operands = 3 : i64, tpu.core_type = #tpu.core_type<sc_vector_subcore>, window_params = [{transform_indices = #map}, {transform_indices = #map1}, {transform_indices = #map1}, {transform_indices = #map2}]} {
    %mul3A = arith.constant 16 : i32
    %mul3A_0 = arith.muli %arg0, %mul3A : i32
    %add3A = arith.addi %mul3A_0, %arg1 : i32
    %mul3A_1 = arith.constant 640 : i32
    %mul3A_2 = arith.muli %arg1, %mul3A_1 : i32
    "tpu.region"() ({
      %run_scoped3A = tpu.sem_alloc : memref<!tpu.dma_semaphore, #tpu.memory_space<semaphore_mem>>
      %dma_start3A = arith.constant 0 : i32
      %dma_start3A_10 = tpu.memref_slice %arg8[%mul3A_2, %dma_start3A] : memref<10240x16xf32, #tpu.memory_space<vmem_shared>> -> memref<640x16xf32, #tpu.memory_space<vmem_shared>>
      %dma_start3A_11 = arith.constant 0 : i32
      %dma_start3A_12 = tpu.memref_slice %arg4[%mul3A_2, %dma_start3A_11] : memref<10240x16xf32, #tpu.memory_space<hbm>> -> memref<640x16xf32, #tpu.memory_space<hbm>>
      tpu.enqueue_dma source(%dma_start3A_12 : memref<640x16xf32, #tpu.memory_space<hbm>>) target(%dma_start3A_10 : memref<640x16xf32, #tpu.memory_space<vmem_shared>>) target_semaphore(%run_scoped3A : memref<!tpu.dma_semaphore, #tpu.memory_space<semaphore_mem>>)
      %dma_wait3A = arith.constant 0 : i32
      %dma_wait3A_13 = tpu.memref_slice %arg8[%mul3A_2, %dma_wait3A] : memref<10240x16xf32, #tpu.memory_space<vmem_shared>> -> memref<640x16xf32, #tpu.memory_space<vmem_shared>>
      %dma_wait3A_14 = arith.constant 0 : i32
      %dma_wait3A_15 = tpu.memref_slice %arg4[%mul3A_2, %dma_wait3A_14] : memref<10240x16xf32, #tpu.memory_space<hbm>> -> memref<640x16xf32, #tpu.memory_space<hbm>>
      tpu.wait_dma2 semaphore(%run_scoped3A : memref<!tpu.dma_semaphore, #tpu.memory_space<semaphore_mem>>) src(%dma_wait3A_15 : memref<640x16xf32, #tpu.memory_space<hbm>>) dst(%dma_wait3A_13 : memref<640x16xf32, #tpu.memory_space<vmem_shared>>)
      tpu.yield
    }) : () -> ()
    "tpu.region"() ({
      %run_scoped3A = tpu.sem_alloc : memref<!tpu.dma_semaphore, #tpu.memory_space<semaphore_mem>>
      %dma_start3A = arith.constant 0 : i32
      %dma_start3A_10 = arith.constant 0 : i32
      %dma_start3A_11 = arith.constant 0 : i32
      %dma_start3A_12 = tpu.memref_slice %arg2[%add3A, %dma_start3A, %dma_start3A_10, %dma_start3A_11] : memref<32x80x2x128xi32, #tpu.memory_space<hbm>> -> memref<1x80x2x128xi32, #tpu.memory_space<hbm>>
      %dma_start3A_13 = tpu.memref_squeeze %dma_start3A_12 : memref<1x80x2x128xi32, #tpu.memory_space<hbm>> -> memref<80x2x128xi32, #tpu.memory_space<hbm>>
      %dma_start3A_14 = arith.constant 0 : i32
      %dma_start3A_15 = arith.constant 0 : i32
      %dma_start3A_16 = arith.constant 0 : i32
      %dma_start3A_17 = tpu.memref_slice %arg2[%add3A, %dma_start3A_14, %dma_start3A_15, %dma_start3A_16] : memref<32x80x2x128xi32, #tpu.memory_space<hbm>> -> memref<1x80x2x128xi32, #tpu.memory_space<hbm>>
      %dma_start3A_18 = tpu.memref_squeeze %dma_start3A_17 : memref<1x80x2x128xi32, #tpu.memory_space<hbm>> -> memref<80x2x128xi32, #tpu.memory_space<hbm>>
      tpu.enqueue_dma source(%dma_start3A_18 : memref<80x2x128xi32, #tpu.memory_space<hbm>>) target(%arg6 : memref<80x2x128xi32, #tpu.memory_space<vmem>>) target_semaphore(%run_scoped3A : memref<!tpu.dma_semaphore, #tpu.memory_space<semaphore_mem>>)
      %dma_wait3A = arith.constant 0 : i32
      %dma_wait3A_19 = arith.constant 0 : i32
      %dma_wait3A_20 = arith.constant 0 : i32
      %dma_wait3A_21 = tpu.memref_slice %arg2[%add3A, %dma_wait3A, %dma_wait3A_19, %dma_wait3A_20] : memref<32x80x2x128xi32, #tpu.memory_space<hbm>> -> memref<1x80x2x128xi32, #tpu.memory_space<hbm>>
      %dma_wait3A_22 = tpu.memref_squeeze %dma_wait3A_21 : memref<1x80x2x128xi32, #tpu.memory_space<hbm>> -> memref<80x2x128xi32, #tpu.memory_space<hbm>>
      %dma_wait3A_23 = arith.constant 0 : i32
      %dma_wait3A_24 = arith.constant 0 : i32
      %dma_wait3A_25 = arith.constant 0 : i32
      %dma_wait3A_26 = tpu.memref_slice %arg2[%add3A, %dma_wait3A_23, %dma_wait3A_24, %dma_wait3A_25] : memref<32x80x2x128xi32, #tpu.memory_space<hbm>> -> memref<1x80x2x128xi32, #tpu.memory_space<hbm>>
      %dma_wait3A_27 = tpu.memref_squeeze %dma_wait3A_26 : memref<1x80x2x128xi32, #tpu.memory_space<hbm>> -> memref<80x2x128xi32, #tpu.memory_space<hbm>>
      tpu.wait_dma2 semaphore(%run_scoped3A : memref<!tpu.dma_semaphore, #tpu.memory_space<semaphore_mem>>) src(%dma_wait3A_27 : memref<80x2x128xi32, #tpu.memory_space<hbm>>) dst(%arg6 : memref<80x2x128xi32, #tpu.memory_space<vmem>>)
      tpu.yield
    }) : () -> ()
    "tpu.region"() ({
      %run_scoped3A = tpu.sem_alloc : memref<!tpu.dma_semaphore, #tpu.memory_space<semaphore_mem>>
      tpu.enqueue_dma source(%arg3 : memref<128x16xf32, #tpu.memory_space<hbm>>) target(%arg7 : memref<128x16xf32, #tpu.memory_space<vmem>>) target_semaphore(%run_scoped3A : memref<!tpu.dma_semaphore, #tpu.memory_space<semaphore_mem>>)
      tpu.wait_dma2 semaphore(%run_scoped3A : memref<!tpu.dma_semaphore, #tpu.memory_space<semaphore_mem>>) src(%arg3 : memref<128x16xf32, #tpu.memory_space<hbm>>) dst(%arg7 : memref<128x16xf32, #tpu.memory_space<vmem>>)
      tpu.yield
    }) : () -> ()
    %barrier3A = arith.constant 0 : index
    tpu.barrier barrier_id(%barrier3A)
    %scan3A = arith.constant 0 : i32
    %scan3A_3 = arith.constant 0 : i32
    %scan3A_4 = arith.constant 80 : i32
    %scan3A_5 = arith.addi %scan3A_3, %scan3A_4 : i32
    %scan3A_6 = arith.constant 1 : i32
    %scan3A_7 = scf.for %scan3A_10 = %scan3A_3 to %scan3A_5 step %scan3A_6 iter_args(%scan3A_11 = %scan3A) -> (i32)  : i32 {
      %run_scoped3A = arith.constant 1 : i32
      "tpu.region"() ({
        %run_scoped3A_13 = tpu.sem_alloc : memref<!tpu.dma_semaphore, #tpu.memory_space<semaphore_mem>>
        %dma_start3A = arith.constant 0 : i32
        %dma_start3A_14 = tpu.memref_slice %arg6[%scan3A_10, %run_scoped3A, %dma_start3A] : memref<80x2x128xi32, #tpu.memory_space<vmem>> -> memref<1x1x128xi32, #tpu.memory_space<vmem>>
        %dma_start3A_15 = tpu.memref_squeeze %dma_start3A_14 : memref<1x1x128xi32, #tpu.memory_space<vmem>> -> memref<128xi32, #tpu.memory_space<vmem>>
        %dma_start3A_16 = arith.constant 0 : i32
        %dma_start3A_17 = arith.constant 0 : i32
        %dma_start3A_18 = tpu.memref_slice %arg8[%dma_start3A_16, %dma_start3A_17] : memref<10240x16xf32, #tpu.memory_space<vmem_shared>> -> memref<10240x16xf32, #tpu.memory_space<vmem_shared>>
        tpu.enqueue_indirect_dma source(%arg7 : memref<128x16xf32, #tpu.memory_space<vmem>>) target(%dma_start3A_18 : memref<10240x16xf32, #tpu.memory_space<vmem_shared>>) offsets(%dma_start3A_15 : memref<128xi32, #tpu.memory_space<vmem>>) semaphore(%run_scoped3A_13 : memref<!tpu.dma_semaphore, #tpu.memory_space<semaphore_mem>>) {add = true}
        %dma_wait3A = arith.constant 0 : i32
        %dma_wait3A_19 = tpu.memref_slice %arg6[%scan3A_10, %run_scoped3A, %dma_wait3A] : memref<80x2x128xi32, #tpu.memory_space<vmem>> -> memref<1x1x128xi32, #tpu.memory_space<vmem>>
        %dma_wait3A_20 = tpu.memref_squeeze %dma_wait3A_19 : memref<1x1x128xi32, #tpu.memory_space<vmem>> -> memref<128xi32, #tpu.memory_space<vmem>>
        %dma_wait3A_21 = arith.constant 0 : i32
        %dma_wait3A_22 = arith.constant 0 : i32
        %dma_wait3A_23 = tpu.memref_slice %arg8[%dma_wait3A_21, %dma_wait3A_22] : memref<10240x16xf32, #tpu.memory_space<vmem_shared>> -> memref<10240x16xf32, #tpu.memory_space<vmem_shared>>
        tpu.wait_indirect_dma semaphore(%run_scoped3A_13 : memref<!tpu.dma_semaphore, #tpu.memory_space<semaphore_mem>>) src(%arg7 : memref<128x16xf32, #tpu.memory_space<vmem>>) dst(%dma_wait3A_23 : memref<10240x16xf32, #tpu.memory_space<vmem_shared>>)
        tpu.yield
      }) : () -> ()
      %scan3A_12 = arith.constant 0 : i32
      scf.yield %scan3A_12 : i32
    }
    %scan3A_8 = arith.constant 80 : i32
    %barrier3A_9 = arith.constant 0 : index
    tpu.barrier barrier_id(%barrier3A_9)
    "tpu.region"() ({
      %run_scoped3A = tpu.sem_alloc : memref<!tpu.dma_semaphore, #tpu.memory_space<semaphore_mem>>
      %dma_start3A = arith.constant 0 : i32
      %dma_start3A_10 = tpu.memref_slice %arg5[%arg0, %mul3A_2, %dma_start3A] : memref<2x10240x16xf32, #tpu.memory_space<hbm>> -> memref<1x640x16xf32, #tpu.memory_space<hbm>>
      %dma_start3A_11 = tpu.memref_squeeze %dma_start3A_10 : memref<1x640x16xf32, #tpu.memory_space<hbm>> -> memref<640x16xf32, #tpu.memory_space<hbm>>
      %dma_start3A_12 = arith.constant 0 : i32
      %dma_start3A_13 = tpu.memref_slice %arg8[%mul3A_2, %dma_start3A_12] : memref<10240x16xf32, #tpu.memory_space<vmem_shared>> -> memref<640x16xf32, #tpu.memory_space<vmem_shared>>
      tpu.enqueue_dma source(%dma_start3A_13 : memref<640x16xf32, #tpu.memory_space<vmem_shared>>) target(%dma_start3A_11 : memref<640x16xf32, #tpu.memory_space<hbm>>) target_semaphore(%run_scoped3A : memref<!tpu.dma_semaphore, #tpu.memory_space<semaphore_mem>>)
      %dma_wait3A = arith.constant 0 : i32
      %dma_wait3A_14 = tpu.memref_slice %arg5[%arg0, %mul3A_2, %dma_wait3A] : memref<2x10240x16xf32, #tpu.memory_space<hbm>> -> memref<1x640x16xf32, #tpu.memory_space<hbm>>
      %dma_wait3A_15 = tpu.memref_squeeze %dma_wait3A_14 : memref<1x640x16xf32, #tpu.memory_space<hbm>> -> memref<640x16xf32, #tpu.memory_space<hbm>>
      %dma_wait3A_16 = arith.constant 0 : i32
      %dma_wait3A_17 = tpu.memref_slice %arg8[%mul3A_2, %dma_wait3A_16] : memref<10240x16xf32, #tpu.memory_space<vmem_shared>> -> memref<640x16xf32, #tpu.memory_space<vmem_shared>>
      tpu.wait_dma2 semaphore(%run_scoped3A : memref<!tpu.dma_semaphore, #tpu.memory_space<semaphore_mem>>) src(%dma_wait3A_17 : memref<640x16xf32, #tpu.memory_space<vmem_shared>>) dst(%dma_wait3A_15 : memref<640x16xf32, #tpu.memory_space<hbm>>)
      tpu.yield
    }) : () -> ()
    return
  }
}

#map = affine_map<(d0, d1) -> (0, 0, 0)>
#map1 = affine_map<(d0, d1) -> (0, 0, 0, 0, 0)>
#map2 = affine_map<(d0, d1) -> (0, 0)>
#map3 = affine_map<(d0, d1) -> (0, 0, 0, 0)>
module attributes {stable_mosaic.version = 14 : i64} {
  func.func @spmm(%arg0: i32, %arg1: i32, %arg2: memref<2x10240x48xf32, #tpu.memory_space<hbm>>, %arg3: memref<32x10x8x2x128xi32, #tpu.memory_space<hbm>>, %arg4: memref<10240x48xf32, #tpu.memory_space<hbm>>, %arg5: memref<2x2x10240x48xf32, #tpu.memory_space<hbm>>, %arg6: memref<8x2x128xi32, #tpu.memory_space<vmem>>, %arg7: memref<8x2x128xi32, #tpu.memory_space<vmem>>, %arg8: memref<128x48xf32, #tpu.memory_space<vmem>>, %arg9: memref<128x48xf32, #tpu.memory_space<vmem>>, %arg10: memref<10240x48xf32, #tpu.memory_space<vmem_shared>>, %arg11: memref<10240x48xf32, #tpu.memory_space<vmem_shared>>, %arg12: memref<!tpu.dma_semaphore, #tpu.memory_space<semaphore_mem>>, %arg13: memref<!tpu.dma_semaphore, #tpu.memory_space<semaphore_mem>>, %arg14: memref<!tpu.dma_semaphore, #tpu.memory_space<semaphore_mem>>, %arg15: memref<!tpu.dma_semaphore, #tpu.memory_space<semaphore_mem>>) attributes {dimension_semantics = [#tpu.dimension_semantics<core_parallel>, #tpu.dimension_semantics<subcore_parallel>], iteration_bounds = array<i64: 2, 16>, scalar_prefetch = 0 : i64, scratch_operands = 10 : i64, tpu.core_type = #tpu.core_type<sc_vector_subcore>, window_params = [{transform_indices = #map}, {transform_indices = #map1}, {transform_indices = #map2}, {transform_indices = #map3}]} {
    %mul3A = arith.constant 16 : i32
    %mul3A_0 = arith.muli %arg0, %mul3A : i32
    %add3A = arith.addi %mul3A_0, %arg1 : i32
    %mul3A_1 = arith.constant 640 : i32
    %mul3A_2 = arith.muli %arg1, %mul3A_1 : i32
    "tpu.region"() ({
      %run_scoped3A_118 = tpu.sem_alloc : memref<!tpu.dma_semaphore, #tpu.memory_space<semaphore_mem>>
      %dma_start3A_119 = arith.constant 0 : i32
      %dma_start3A_120 = tpu.memref_slice %arg11[%mul3A_2, %dma_start3A_119] : memref<10240x48xf32, #tpu.memory_space<vmem_shared>> -> memref<640x48xf32, #tpu.memory_space<vmem_shared>>
      %dma_start3A_121 = arith.constant 0 : i32
      %dma_start3A_122 = tpu.memref_slice %arg4[%mul3A_2, %dma_start3A_121] : memref<10240x48xf32, #tpu.memory_space<hbm>> -> memref<640x48xf32, #tpu.memory_space<hbm>>
      tpu.enqueue_dma source(%dma_start3A_122 : memref<640x48xf32, #tpu.memory_space<hbm>>) target(%dma_start3A_120 : memref<640x48xf32, #tpu.memory_space<vmem_shared>>) target_semaphore(%run_scoped3A_118 : memref<!tpu.dma_semaphore, #tpu.memory_space<semaphore_mem>>)
      %dma_wait3A_123 = arith.constant 0 : i32
      %dma_wait3A_124 = tpu.memref_slice %arg11[%mul3A_2, %dma_wait3A_123] : memref<10240x48xf32, #tpu.memory_space<vmem_shared>> -> memref<640x48xf32, #tpu.memory_space<vmem_shared>>
      %dma_wait3A_125 = arith.constant 0 : i32
      %dma_wait3A_126 = tpu.memref_slice %arg4[%mul3A_2, %dma_wait3A_125] : memref<10240x48xf32, #tpu.memory_space<hbm>> -> memref<640x48xf32, #tpu.memory_space<hbm>>
      tpu.wait_dma2 semaphore(%run_scoped3A_118 : memref<!tpu.dma_semaphore, #tpu.memory_space<semaphore_mem>>) src(%dma_wait3A_126 : memref<640x48xf32, #tpu.memory_space<hbm>>) dst(%dma_wait3A_124 : memref<640x48xf32, #tpu.memory_space<vmem_shared>>)
      tpu.yield
    }) : () -> ()
    %run_scoped3A = arith.constant 0 : i32
    "tpu.region"() ({
      %run_scoped3A_118 = tpu.sem_alloc : memref<!tpu.dma_semaphore, #tpu.memory_space<semaphore_mem>>
      %dma_start3A_119 = arith.constant 0 : i32
      %dma_start3A_120 = tpu.memref_slice %arg10[%mul3A_2, %dma_start3A_119] : memref<10240x48xf32, #tpu.memory_space<vmem_shared>> -> memref<640x48xf32, #tpu.memory_space<vmem_shared>>
      %dma_start3A_121 = arith.constant 0 : i32
      %dma_start3A_122 = tpu.memref_slice %arg2[%run_scoped3A, %mul3A_2, %dma_start3A_121] : memref<2x10240x48xf32, #tpu.memory_space<hbm>> -> memref<1x640x48xf32, #tpu.memory_space<hbm>>
      %dma_start3A_123 = tpu.memref_squeeze %dma_start3A_122 : memref<1x640x48xf32, #tpu.memory_space<hbm>> -> memref<640x48xf32, #tpu.memory_space<hbm>>
      tpu.enqueue_dma source(%dma_start3A_123 : memref<640x48xf32, #tpu.memory_space<hbm>>) target(%dma_start3A_120 : memref<640x48xf32, #tpu.memory_space<vmem_shared>>) target_semaphore(%run_scoped3A_118 : memref<!tpu.dma_semaphore, #tpu.memory_space<semaphore_mem>>)
      %dma_wait3A_124 = arith.constant 0 : i32
      %dma_wait3A_125 = tpu.memref_slice %arg10[%mul3A_2, %dma_wait3A_124] : memref<10240x48xf32, #tpu.memory_space<vmem_shared>> -> memref<640x48xf32, #tpu.memory_space<vmem_shared>>
      %dma_wait3A_126 = arith.constant 0 : i32
      %dma_wait3A_127 = tpu.memref_slice %arg2[%run_scoped3A, %mul3A_2, %dma_wait3A_126] : memref<2x10240x48xf32, #tpu.memory_space<hbm>> -> memref<1x640x48xf32, #tpu.memory_space<hbm>>
      %dma_wait3A_128 = tpu.memref_squeeze %dma_wait3A_127 : memref<1x640x48xf32, #tpu.memory_space<hbm>> -> memref<640x48xf32, #tpu.memory_space<hbm>>
      tpu.wait_dma2 semaphore(%run_scoped3A_118 : memref<!tpu.dma_semaphore, #tpu.memory_space<semaphore_mem>>) src(%dma_wait3A_128 : memref<640x48xf32, #tpu.memory_space<hbm>>) dst(%dma_wait3A_125 : memref<640x48xf32, #tpu.memory_space<vmem_shared>>)
      tpu.yield
    }) : () -> ()
    %dma_start3A = arith.constant 0 : i32
    %dma_start3A_3 = arith.constant 0 : i32
    %dma_start3A_4 = arith.constant 0 : i32
    %dma_start3A_5 = arith.constant 0 : i32
    %dma_start3A_6 = tpu.memref_slice %arg3[%add3A, %dma_start3A, %dma_start3A_3, %dma_start3A_4, %dma_start3A_5] : memref<32x10x8x2x128xi32, #tpu.memory_space<hbm>> -> memref<1x1x8x2x128xi32, #tpu.memory_space<hbm>>
    %dma_start3A_7 = tpu.memref_squeeze %dma_start3A_6 : memref<1x1x8x2x128xi32, #tpu.memory_space<hbm>> -> memref<8x2x128xi32, #tpu.memory_space<hbm>>
    %dma_start3A_8 = arith.constant 0 : i32
    %dma_start3A_9 = arith.constant 0 : i32
    %dma_start3A_10 = arith.constant 0 : i32
    %dma_start3A_11 = tpu.memref_slice %arg3[%add3A, %dma_start3A, %dma_start3A_8, %dma_start3A_9, %dma_start3A_10] : memref<32x10x8x2x128xi32, #tpu.memory_space<hbm>> -> memref<1x1x8x2x128xi32, #tpu.memory_space<hbm>>
    %dma_start3A_12 = tpu.memref_squeeze %dma_start3A_11 : memref<1x1x8x2x128xi32, #tpu.memory_space<hbm>> -> memref<8x2x128xi32, #tpu.memory_space<hbm>>
    tpu.enqueue_dma source(%dma_start3A_12 : memref<8x2x128xi32, #tpu.memory_space<hbm>>) target(%arg6 : memref<8x2x128xi32, #tpu.memory_space<vmem>>) target_semaphore(%arg12 : memref<!tpu.dma_semaphore, #tpu.memory_space<semaphore_mem>>)
    %dma_start3A_13 = arith.constant 1 : i32
    %dma_start3A_14 = arith.constant 0 : i32
    %dma_start3A_15 = arith.constant 0 : i32
    %dma_start3A_16 = arith.constant 0 : i32
    %dma_start3A_17 = tpu.memref_slice %arg3[%add3A, %dma_start3A_13, %dma_start3A_14, %dma_start3A_15, %dma_start3A_16] : memref<32x10x8x2x128xi32, #tpu.memory_space<hbm>> -> memref<1x1x8x2x128xi32, #tpu.memory_space<hbm>>
    %dma_start3A_18 = tpu.memref_squeeze %dma_start3A_17 : memref<1x1x8x2x128xi32, #tpu.memory_space<hbm>> -> memref<8x2x128xi32, #tpu.memory_space<hbm>>
    %dma_start3A_19 = arith.constant 0 : i32
    %dma_start3A_20 = arith.constant 0 : i32
    %dma_start3A_21 = arith.constant 0 : i32
    %dma_start3A_22 = tpu.memref_slice %arg3[%add3A, %dma_start3A_13, %dma_start3A_19, %dma_start3A_20, %dma_start3A_21] : memref<32x10x8x2x128xi32, #tpu.memory_space<hbm>> -> memref<1x1x8x2x128xi32, #tpu.memory_space<hbm>>
    %dma_start3A_23 = tpu.memref_squeeze %dma_start3A_22 : memref<1x1x8x2x128xi32, #tpu.memory_space<hbm>> -> memref<8x2x128xi32, #tpu.memory_space<hbm>>
    tpu.enqueue_dma source(%dma_start3A_23 : memref<8x2x128xi32, #tpu.memory_space<hbm>>) target(%arg7 : memref<8x2x128xi32, #tpu.memory_space<vmem>>) target_semaphore(%arg13 : memref<!tpu.dma_semaphore, #tpu.memory_space<semaphore_mem>>)
    %barrier3A = arith.constant 0 : index
    tpu.barrier barrier_id(%barrier3A)
    %dma_wait3A = arith.constant 0 : i32
    %dma_wait3A_24 = arith.constant 0 : i32
    %dma_wait3A_25 = arith.constant 0 : i32
    %dma_wait3A_26 = arith.constant 0 : i32
    %dma_wait3A_27 = tpu.memref_slice %arg3[%add3A, %dma_wait3A, %dma_wait3A_24, %dma_wait3A_25, %dma_wait3A_26] : memref<32x10x8x2x128xi32, #tpu.memory_space<hbm>> -> memref<1x1x8x2x128xi32, #tpu.memory_space<hbm>>
    %dma_wait3A_28 = tpu.memref_squeeze %dma_wait3A_27 : memref<1x1x8x2x128xi32, #tpu.memory_space<hbm>> -> memref<8x2x128xi32, #tpu.memory_space<hbm>>
    %dma_wait3A_29 = arith.constant 0 : i32
    %dma_wait3A_30 = arith.constant 0 : i32
    %dma_wait3A_31 = arith.constant 0 : i32
    %dma_wait3A_32 = tpu.memref_slice %arg3[%add3A, %dma_wait3A, %dma_wait3A_29, %dma_wait3A_30, %dma_wait3A_31] : memref<32x10x8x2x128xi32, #tpu.memory_space<hbm>> -> memref<1x1x8x2x128xi32, #tpu.memory_space<hbm>>
    %dma_wait3A_33 = tpu.memref_squeeze %dma_wait3A_32 : memref<1x1x8x2x128xi32, #tpu.memory_space<hbm>> -> memref<8x2x128xi32, #tpu.memory_space<hbm>>
    tpu.wait_dma2 semaphore(%arg12 : memref<!tpu.dma_semaphore, #tpu.memory_space<semaphore_mem>>) src(%dma_wait3A_33 : memref<8x2x128xi32, #tpu.memory_space<hbm>>) dst(%arg6 : memref<8x2x128xi32, #tpu.memory_space<vmem>>)
    %dma_start3A_34 = arith.constant 0 : i32
    %dma_start3A_35 = arith.constant 0 : i32
    %dma_start3A_36 = arith.constant 0 : i32
    %dma_start3A_37 = tpu.memref_slice %arg6[%dma_start3A_34, %dma_start3A_35, %dma_start3A_36] : memref<8x2x128xi32, #tpu.memory_space<vmem>> -> memref<1x1x128xi32, #tpu.memory_space<vmem>>
    %dma_start3A_38 = tpu.memref_squeeze %dma_start3A_37 : memref<1x1x128xi32, #tpu.memory_space<vmem>> -> memref<128xi32, #tpu.memory_space<vmem>>
    %dma_start3A_39 = arith.constant 0 : i32
    %dma_start3A_40 = arith.constant 0 : i32
    %dma_start3A_41 = tpu.memref_slice %arg10[%dma_start3A_39, %dma_start3A_40] : memref<10240x48xf32, #tpu.memory_space<vmem_shared>> -> memref<10240x48xf32, #tpu.memory_space<vmem_shared>>
    tpu.enqueue_indirect_dma source(%dma_start3A_41 : memref<10240x48xf32, #tpu.memory_space<vmem_shared>>) target(%arg8 : memref<128x48xf32, #tpu.memory_space<vmem>>) offsets(%dma_start3A_38 : memref<128xi32, #tpu.memory_space<vmem>>) semaphore(%arg14 : memref<!tpu.dma_semaphore, #tpu.memory_space<semaphore_mem>>)
    %dma_start3A_42 = arith.constant 1 : i32
    %dma_start3A_43 = arith.constant 0 : i32
    %dma_start3A_44 = arith.constant 0 : i32
    %dma_start3A_45 = tpu.memref_slice %arg6[%dma_start3A_42, %dma_start3A_43, %dma_start3A_44] : memref<8x2x128xi32, #tpu.memory_space<vmem>> -> memref<1x1x128xi32, #tpu.memory_space<vmem>>
    %dma_start3A_46 = tpu.memref_squeeze %dma_start3A_45 : memref<1x1x128xi32, #tpu.memory_space<vmem>> -> memref<128xi32, #tpu.memory_space<vmem>>
    %dma_start3A_47 = arith.constant 0 : i32
    %dma_start3A_48 = arith.constant 0 : i32
    %dma_start3A_49 = tpu.memref_slice %arg10[%dma_start3A_47, %dma_start3A_48] : memref<10240x48xf32, #tpu.memory_space<vmem_shared>> -> memref<10240x48xf32, #tpu.memory_space<vmem_shared>>
    tpu.enqueue_indirect_dma source(%dma_start3A_49 : memref<10240x48xf32, #tpu.memory_space<vmem_shared>>) target(%arg9 : memref<128x48xf32, #tpu.memory_space<vmem>>) offsets(%dma_start3A_46 : memref<128xi32, #tpu.memory_space<vmem>>) semaphore(%arg15 : memref<!tpu.dma_semaphore, #tpu.memory_space<semaphore_mem>>)
    %scan3A = arith.constant 0 : i32
    %scan3A_50 = arith.constant 0 : i32
    %scan3A_51 = arith.constant 5 : i32
    %scan3A_52 = arith.addi %scan3A_50, %scan3A_51 : i32
    %scan3A_53 = arith.constant 1 : i32
    %scan3A_54 = scf.for %scan3A_118 = %scan3A_50 to %scan3A_52 step %scan3A_53 iter_args(%scan3A_119 = %scan3A) -> (i32)  : i32 {
      %mul3A_120 = arith.constant 2 : i32
      %mul3A_121 = arith.muli %scan3A_118, %mul3A_120 : i32
      %add3A_122 = arith.constant 0 : i32
      %add3A_123 = arith.addi %mul3A_121, %add3A_122 : i32
      %dma_wait3A_124 = arith.constant 0 : i32
      %dma_wait3A_125 = arith.constant 0 : i32
      %dma_wait3A_126 = tpu.memref_slice %arg4[%dma_wait3A_124, %dma_wait3A_125] : memref<10240x48xf32, #tpu.memory_space<hbm>> -> memref<128x48xf32, #tpu.memory_space<hbm>>
      %dma_wait3A_127 = arith.constant 0 : i32
      %dma_wait3A_128 = arith.constant 0 : i32
      %dma_wait3A_129 = tpu.memref_slice %arg4[%dma_wait3A_127, %dma_wait3A_128] : memref<10240x48xf32, #tpu.memory_space<hbm>> -> memref<128x48xf32, #tpu.memory_space<hbm>>
      tpu.wait_dma2 semaphore(%arg14 : memref<!tpu.dma_semaphore, #tpu.memory_space<semaphore_mem>>) src(%dma_wait3A_129 : memref<128x48xf32, #tpu.memory_space<hbm>>) dst(%arg8 : memref<128x48xf32, #tpu.memory_space<vmem>>)
      %run_scoped3A_130 = arith.constant 0 : i32
      %run_scoped3A_131 = arith.constant 1 : i32
      "tpu.region"() ({
        %run_scoped3A_397 = tpu.sem_alloc : memref<!tpu.dma_semaphore, #tpu.memory_space<semaphore_mem>>
        %dma_start3A_398 = arith.constant 0 : i32
        %dma_start3A_399 = tpu.memref_slice %arg6[%run_scoped3A_130, %run_scoped3A_131, %dma_start3A_398] : memref<8x2x128xi32, #tpu.memory_space<vmem>> -> memref<1x1x128xi32, #tpu.memory_space<vmem>>
        %dma_start3A_400 = tpu.memref_squeeze %dma_start3A_399 : memref<1x1x128xi32, #tpu.memory_space<vmem>> -> memref<128xi32, #tpu.memory_space<vmem>>
        %dma_start3A_401 = arith.constant 0 : i32
        %dma_start3A_402 = arith.constant 0 : i32
        %dma_start3A_403 = tpu.memref_slice %arg11[%dma_start3A_401, %dma_start3A_402] : memref<10240x48xf32, #tpu.memory_space<vmem_shared>> -> memref<10240x48xf32, #tpu.memory_space<vmem_shared>>
        tpu.enqueue_indirect_dma source(%arg8 : memref<128x48xf32, #tpu.memory_space<vmem>>) target(%dma_start3A_403 : memref<10240x48xf32, #tpu.memory_space<vmem_shared>>) offsets(%dma_start3A_400 : memref<128xi32, #tpu.memory_space<vmem>>) semaphore(%run_scoped3A_397 : memref<!tpu.dma_semaphore, #tpu.memory_space<semaphore_mem>>) {add = true}
        %dma_wait3A_404 = arith.constant 0 : i32
        %dma_wait3A_405 = tpu.memref_slice %arg6[%run_scoped3A_130, %run_scoped3A_131, %dma_wait3A_404] : memref<8x2x128xi32, #tpu.memory_space<vmem>> -> memref<1x1x128xi32, #tpu.memory_space<vmem>>
        %dma_wait3A_406 = tpu.memref_squeeze %dma_wait3A_405 : memref<1x1x128xi32, #tpu.memory_space<vmem>> -> memref<128xi32, #tpu.memory_space<vmem>>
        %dma_wait3A_407 = arith.constant 0 : i32
        %dma_wait3A_408 = arith.constant 0 : i32
        %dma_wait3A_409 = tpu.memref_slice %arg11[%dma_wait3A_407, %dma_wait3A_408] : memref<10240x48xf32, #tpu.memory_space<vmem_shared>> -> memref<10240x48xf32, #tpu.memory_space<vmem_shared>>
        tpu.wait_indirect_dma semaphore(%run_scoped3A_397 : memref<!tpu.dma_semaphore, #tpu.memory_space<semaphore_mem>>) src(%arg8 : memref<128x48xf32, #tpu.memory_space<vmem>>) dst(%dma_wait3A_409 : memref<10240x48xf32, #tpu.memory_space<vmem_shared>>)
        tpu.yield
      }) : () -> ()
      %dma_start3A_132 = arith.constant 2 : i32
      %dma_start3A_133 = arith.constant 0 : i32
      %dma_start3A_134 = arith.constant 0 : i32
      %dma_start3A_135 = tpu.memref_slice %arg6[%dma_start3A_132, %dma_start3A_133, %dma_start3A_134] : memref<8x2x128xi32, #tpu.memory_space<vmem>> -> memref<1x1x128xi32, #tpu.memory_space<vmem>>
      %dma_start3A_136 = tpu.memref_squeeze %dma_start3A_135 : memref<1x1x128xi32, #tpu.memory_space<vmem>> -> memref<128xi32, #tpu.memory_space<vmem>>
      %dma_start3A_137 = arith.constant 0 : i32
      %dma_start3A_138 = arith.constant 0 : i32
      %dma_start3A_139 = tpu.memref_slice %arg10[%dma_start3A_137, %dma_start3A_138] : memref<10240x48xf32, #tpu.memory_space<vmem_shared>> -> memref<10240x48xf32, #tpu.memory_space<vmem_shared>>
      tpu.enqueue_indirect_dma source(%dma_start3A_139 : memref<10240x48xf32, #tpu.memory_space<vmem_shared>>) target(%arg8 : memref<128x48xf32, #tpu.memory_space<vmem>>) offsets(%dma_start3A_136 : memref<128xi32, #tpu.memory_space<vmem>>) semaphore(%arg14 : memref<!tpu.dma_semaphore, #tpu.memory_space<semaphore_mem>>)
      %dma_wait3A_140 = arith.constant 0 : i32
      %dma_wait3A_141 = arith.constant 0 : i32
      %dma_wait3A_142 = tpu.memref_slice %arg4[%dma_wait3A_140, %dma_wait3A_141] : memref<10240x48xf32, #tpu.memory_space<hbm>> -> memref<128x48xf32, #tpu.memory_space<hbm>>
      %dma_wait3A_143 = arith.constant 0 : i32
      %dma_wait3A_144 = arith.constant 0 : i32
      %dma_wait3A_145 = tpu.memref_slice %arg4[%dma_wait3A_143, %dma_wait3A_144] : memref<10240x48xf32, #tpu.memory_space<hbm>> -> memref<128x48xf32, #tpu.memory_space<hbm>>
      tpu.wait_dma2 semaphore(%arg15 : memref<!tpu.dma_semaphore, #tpu.memory_space<semaphore_mem>>) src(%dma_wait3A_145 : memref<128x48xf32, #tpu.memory_space<hbm>>) dst(%arg9 : memref<128x48xf32, #tpu.memory_space<vmem>>)
      %run_scoped3A_146 = arith.constant 1 : i32
      %run_scoped3A_147 = arith.constant 1 : i32
      "tpu.region"() ({
        %run_scoped3A_397 = tpu.sem_alloc : memref<!tpu.dma_semaphore, #tpu.memory_space<semaphore_mem>>
        %dma_start3A_398 = arith.constant 0 : i32
        %dma_start3A_399 = tpu.memref_slice %arg6[%run_scoped3A_146, %run_scoped3A_147, %dma_start3A_398] : memref<8x2x128xi32, #tpu.memory_space<vmem>> -> memref<1x1x128xi32, #tpu.memory_space<vmem>>
        %dma_start3A_400 = tpu.memref_squeeze %dma_start3A_399 : memref<1x1x128xi32, #tpu.memory_space<vmem>> -> memref<128xi32, #tpu.memory_space<vmem>>
        %dma_start3A_401 = arith.constant 0 : i32
        %dma_start3A_402 = arith.constant 0 : i32
        %dma_start3A_403 = tpu.memref_slice %arg11[%dma_start3A_401, %dma_start3A_402] : memref<10240x48xf32, #tpu.memory_space<vmem_shared>> -> memref<10240x48xf32, #tpu.memory_space<vmem_shared>>
        tpu.enqueue_indirect_dma source(%arg9 : memref<128x48xf32, #tpu.memory_space<vmem>>) target(%dma_start3A_403 : memref<10240x48xf32, #tpu.memory_space<vmem_shared>>) offsets(%dma_start3A_400 : memref<128xi32, #tpu.memory_space<vmem>>) semaphore(%run_scoped3A_397 : memref<!tpu.dma_semaphore, #tpu.memory_space<semaphore_mem>>) {add = true}
        %dma_wait3A_404 = arith.constant 0 : i32
        %dma_wait3A_405 = tpu.memref_slice %arg6[%run_scoped3A_146, %run_scoped3A_147, %dma_wait3A_404] : memref<8x2x128xi32, #tpu.memory_space<vmem>> -> memref<1x1x128xi32, #tpu.memory_space<vmem>>
        %dma_wait3A_406 = tpu.memref_squeeze %dma_wait3A_405 : memref<1x1x128xi32, #tpu.memory_space<vmem>> -> memref<128xi32, #tpu.memory_space<vmem>>
        %dma_wait3A_407 = arith.constant 0 : i32
        %dma_wait3A_408 = arith.constant 0 : i32
        %dma_wait3A_409 = tpu.memref_slice %arg11[%dma_wait3A_407, %dma_wait3A_408] : memref<10240x48xf32, #tpu.memory_space<vmem_shared>> -> memref<10240x48xf32, #tpu.memory_space<vmem_shared>>
        tpu.wait_indirect_dma semaphore(%run_scoped3A_397 : memref<!tpu.dma_semaphore, #tpu.memory_space<semaphore_mem>>) src(%arg9 : memref<128x48xf32, #tpu.memory_space<vmem>>) dst(%dma_wait3A_409 : memref<10240x48xf32, #tpu.memory_space<vmem_shared>>)
        tpu.yield
      }) : () -> ()
      %dma_start3A_148 = arith.constant 3 : i32
      %dma_start3A_149 = arith.constant 0 : i32
      %dma_start3A_150 = arith.constant 0 : i32
      %dma_start3A_151 = tpu.memref_slice %arg6[%dma_start3A_148, %dma_start3A_149, %dma_start3A_150] : memref<8x2x128xi32, #tpu.memory_space<vmem>> -> memref<1x1x128xi32, #tpu.memory_space<vmem>>
      %dma_start3A_152 = tpu.memref_squeeze %dma_start3A_151 : memref<1x1x128xi32, #tpu.memory_space<vmem>> -> memref<128xi32, #tpu.memory_space<vmem>>
      %dma_start3A_153 = arith.constant 0 : i32
      %dma_start3A_154 = arith.constant 0 : i32
      %dma_start3A_155 = tpu.memref_slice %arg10[%dma_start3A_153, %dma_start3A_154] : memref<10240x48xf32, #tpu.memory_space<vmem_shared>> -> memref<10240x48xf32, #tpu.memory_space<vmem_shared>>
      tpu.enqueue_indirect_dma source(%dma_start3A_155 : memref<10240x48xf32, #tpu.memory_space<vmem_shared>>) target(%arg9 : memref<128x48xf32, #tpu.memory_space<vmem>>) offsets(%dma_start3A_152 : memref<128xi32, #tpu.memory_space<vmem>>) semaphore(%arg15 : memref<!tpu.dma_semaphore, #tpu.memory_space<semaphore_mem>>)
      %dma_wait3A_156 = arith.constant 0 : i32
      %dma_wait3A_157 = arith.constant 0 : i32
      %dma_wait3A_158 = tpu.memref_slice %arg4[%dma_wait3A_156, %dma_wait3A_157] : memref<10240x48xf32, #tpu.memory_space<hbm>> -> memref<128x48xf32, #tpu.memory_space<hbm>>
      %dma_wait3A_159 = arith.constant 0 : i32
      %dma_wait3A_160 = arith.constant 0 : i32
      %dma_wait3A_161 = tpu.memref_slice %arg4[%dma_wait3A_159, %dma_wait3A_160] : memref<10240x48xf32, #tpu.memory_space<hbm>> -> memref<128x48xf32, #tpu.memory_space<hbm>>
      tpu.wait_dma2 semaphore(%arg14 : memref<!tpu.dma_semaphore, #tpu.memory_space<semaphore_mem>>) src(%dma_wait3A_161 : memref<128x48xf32, #tpu.memory_space<hbm>>) dst(%arg8 : memref<128x48xf32, #tpu.memory_space<vmem>>)
      %run_scoped3A_162 = arith.constant 2 : i32
      %run_scoped3A_163 = arith.constant 1 : i32
      "tpu.region"() ({
        %run_scoped3A_397 = tpu.sem_alloc : memref<!tpu.dma_semaphore, #tpu.memory_space<semaphore_mem>>
        %dma_start3A_398 = arith.constant 0 : i32
        %dma_start3A_399 = tpu.memref_slice %arg6[%run_scoped3A_162, %run_scoped3A_163, %dma_start3A_398] : memref<8x2x128xi32, #tpu.memory_space<vmem>> -> memref<1x1x128xi32, #tpu.memory_space<vmem>>
        %dma_start3A_400 = tpu.memref_squeeze %dma_start3A_399 : memref<1x1x128xi32, #tpu.memory_space<vmem>> -> memref<128xi32, #tpu.memory_space<vmem>>
        %dma_start3A_401 = arith.constant 0 : i32
        %dma_start3A_402 = arith.constant 0 : i32
        %dma_start3A_403 = tpu.memref_slice %arg11[%dma_start3A_401, %dma_start3A_402] : memref<10240x48xf32, #tpu.memory_space<vmem_shared>> -> memref<10240x48xf32, #tpu.memory_space<vmem_shared>>
        tpu.enqueue_indirect_dma source(%arg8 : memref<128x48xf32, #tpu.memory_space<vmem>>) target(%dma_start3A_403 : memref<10240x48xf32, #tpu.memory_space<vmem_shared>>) offsets(%dma_start3A_400 : memref<128xi32, #tpu.memory_space<vmem>>) semaphore(%run_scoped3A_397 : memref<!tpu.dma_semaphore, #tpu.memory_space<semaphore_mem>>) {add = true}
        %dma_wait3A_404 = arith.constant 0 : i32
        %dma_wait3A_405 = tpu.memref_slice %arg6[%run_scoped3A_162, %run_scoped3A_163, %dma_wait3A_404] : memref<8x2x128xi32, #tpu.memory_space<vmem>> -> memref<1x1x128xi32, #tpu.memory_space<vmem>>
        %dma_wait3A_406 = tpu.memref_squeeze %dma_wait3A_405 : memref<1x1x128xi32, #tpu.memory_space<vmem>> -> memref<128xi32, #tpu.memory_space<vmem>>
        %dma_wait3A_407 = arith.constant 0 : i32
        %dma_wait3A_408 = arith.constant 0 : i32
        %dma_wait3A_409 = tpu.memref_slice %arg11[%dma_wait3A_407, %dma_wait3A_408] : memref<10240x48xf32, #tpu.memory_space<vmem_shared>> -> memref<10240x48xf32, #tpu.memory_space<vmem_shared>>
        tpu.wait_indirect_dma semaphore(%run_scoped3A_397 : memref<!tpu.dma_semaphore, #tpu.memory_space<semaphore_mem>>) src(%arg8 : memref<128x48xf32, #tpu.memory_space<vmem>>) dst(%dma_wait3A_409 : memref<10240x48xf32, #tpu.memory_space<vmem_shared>>)
        tpu.yield
      }) : () -> ()
      %dma_start3A_164 = arith.constant 4 : i32
      %dma_start3A_165 = arith.constant 0 : i32
      %dma_start3A_166 = arith.constant 0 : i32
      %dma_start3A_167 = tpu.memref_slice %arg6[%dma_start3A_164, %dma_start3A_165, %dma_start3A_166] : memref<8x2x128xi32, #tpu.memory_space<vmem>> -> memref<1x1x128xi32, #tpu.memory_space<vmem>>
      %dma_start3A_168 = tpu.memref_squeeze %dma_start3A_167 : memref<1x1x128xi32, #tpu.memory_space<vmem>> -> memref<128xi32, #tpu.memory_space<vmem>>
      %dma_start3A_169 = arith.constant 0 : i32
      %dma_start3A_170 = arith.constant 0 : i32
      %dma_start3A_171 = tpu.memref_slice %arg10[%dma_start3A_169, %dma_start3A_170] : memref<10240x48xf32, #tpu.memory_space<vmem_shared>> -> memref<10240x48xf32, #tpu.memory_space<vmem_shared>>
      tpu.enqueue_indirect_dma source(%dma_start3A_171 : memref<10240x48xf32, #tpu.memory_space<vmem_shared>>) target(%arg8 : memref<128x48xf32, #tpu.memory_space<vmem>>) offsets(%dma_start3A_168 : memref<128xi32, #tpu.memory_space<vmem>>) semaphore(%arg14 : memref<!tpu.dma_semaphore, #tpu.memory_space<semaphore_mem>>)
      %dma_wait3A_172 = arith.constant 0 : i32
      %dma_wait3A_173 = arith.constant 0 : i32
      %dma_wait3A_174 = tpu.memref_slice %arg4[%dma_wait3A_172, %dma_wait3A_173] : memref<10240x48xf32, #tpu.memory_space<hbm>> -> memref<128x48xf32, #tpu.memory_space<hbm>>
      %dma_wait3A_175 = arith.constant 0 : i32
      %dma_wait3A_176 = arith.constant 0 : i32
      %dma_wait3A_177 = tpu.memref_slice %arg4[%dma_wait3A_175, %dma_wait3A_176] : memref<10240x48xf32, #tpu.memory_space<hbm>> -> memref<128x48xf32, #tpu.memory_space<hbm>>
      tpu.wait_dma2 semaphore(%arg15 : memref<!tpu.dma_semaphore, #tpu.memory_space<semaphore_mem>>) src(%dma_wait3A_177 : memref<128x48xf32, #tpu.memory_space<hbm>>) dst(%arg9 : memref<128x48xf32, #tpu.memory_space<vmem>>)
      %run_scoped3A_178 = arith.constant 3 : i32
      %run_scoped3A_179 = arith.constant 1 : i32
      "tpu.region"() ({
        %run_scoped3A_397 = tpu.sem_alloc : memref<!tpu.dma_semaphore, #tpu.memory_space<semaphore_mem>>
        %dma_start3A_398 = arith.constant 0 : i32
        %dma_start3A_399 = tpu.memref_slice %arg6[%run_scoped3A_178, %run_scoped3A_179, %dma_start3A_398] : memref<8x2x128xi32, #tpu.memory_space<vmem>> -> memref<1x1x128xi32, #tpu.memory_space<vmem>>
        %dma_start3A_400 = tpu.memref_squeeze %dma_start3A_399 : memref<1x1x128xi32, #tpu.memory_space<vmem>> -> memref<128xi32, #tpu.memory_space<vmem>>
        %dma_start3A_401 = arith.constant 0 : i32
        %dma_start3A_402 = arith.constant 0 : i32
        %dma_start3A_403 = tpu.memref_slice %arg11[%dma_start3A_401, %dma_start3A_402] : memref<10240x48xf32, #tpu.memory_space<vmem_shared>> -> memref<10240x48xf32, #tpu.memory_space<vmem_shared>>
        tpu.enqueue_indirect_dma source(%arg9 : memref<128x48xf32, #tpu.memory_space<vmem>>) target(%dma_start3A_403 : memref<10240x48xf32, #tpu.memory_space<vmem_shared>>) offsets(%dma_start3A_400 : memref<128xi32, #tpu.memory_space<vmem>>) semaphore(%run_scoped3A_397 : memref<!tpu.dma_semaphore, #tpu.memory_space<semaphore_mem>>) {add = true}
        %dma_wait3A_404 = arith.constant 0 : i32
        %dma_wait3A_405 = tpu.memref_slice %arg6[%run_scoped3A_178, %run_scoped3A_179, %dma_wait3A_404] : memref<8x2x128xi32, #tpu.memory_space<vmem>> -> memref<1x1x128xi32, #tpu.memory_space<vmem>>
        %dma_wait3A_406 = tpu.memref_squeeze %dma_wait3A_405 : memref<1x1x128xi32, #tpu.memory_space<vmem>> -> memref<128xi32, #tpu.memory_space<vmem>>
        %dma_wait3A_407 = arith.constant 0 : i32
        %dma_wait3A_408 = arith.constant 0 : i32
        %dma_wait3A_409 = tpu.memref_slice %arg11[%dma_wait3A_407, %dma_wait3A_408] : memref<10240x48xf32, #tpu.memory_space<vmem_shared>> -> memref<10240x48xf32, #tpu.memory_space<vmem_shared>>
        tpu.wait_indirect_dma semaphore(%run_scoped3A_397 : memref<!tpu.dma_semaphore, #tpu.memory_space<semaphore_mem>>) src(%arg9 : memref<128x48xf32, #tpu.memory_space<vmem>>) dst(%dma_wait3A_409 : memref<10240x48xf32, #tpu.memory_space<vmem_shared>>)
        tpu.yield
      }) : () -> ()
      %dma_start3A_180 = arith.constant 5 : i32
      %dma_start3A_181 = arith.constant 0 : i32
      %dma_start3A_182 = arith.constant 0 : i32
      %dma_start3A_183 = tpu.memref_slice %arg6[%dma_start3A_180, %dma_start3A_181, %dma_start3A_182] : memref<8x2x128xi32, #tpu.memory_space<vmem>> -> memref<1x1x128xi32, #tpu.memory_space<vmem>>
      %dma_start3A_184 = tpu.memref_squeeze %dma_start3A_183 : memref<1x1x128xi32, #tpu.memory_space<vmem>> -> memref<128xi32, #tpu.memory_space<vmem>>
      %dma_start3A_185 = arith.constant 0 : i32
      %dma_start3A_186 = arith.constant 0 : i32
      %dma_start3A_187 = tpu.memref_slice %arg10[%dma_start3A_185, %dma_start3A_186] : memref<10240x48xf32, #tpu.memory_space<vmem_shared>> -> memref<10240x48xf32, #tpu.memory_space<vmem_shared>>
      tpu.enqueue_indirect_dma source(%dma_start3A_187 : memref<10240x48xf32, #tpu.memory_space<vmem_shared>>) target(%arg9 : memref<128x48xf32, #tpu.memory_space<vmem>>) offsets(%dma_start3A_184 : memref<128xi32, #tpu.memory_space<vmem>>) semaphore(%arg15 : memref<!tpu.dma_semaphore, #tpu.memory_space<semaphore_mem>>)
      %dma_wait3A_188 = arith.constant 0 : i32
      %dma_wait3A_189 = arith.constant 0 : i32
      %dma_wait3A_190 = tpu.memref_slice %arg4[%dma_wait3A_188, %dma_wait3A_189] : memref<10240x48xf32, #tpu.memory_space<hbm>> -> memref<128x48xf32, #tpu.memory_space<hbm>>
      %dma_wait3A_191 = arith.constant 0 : i32
      %dma_wait3A_192 = arith.constant 0 : i32
      %dma_wait3A_193 = tpu.memref_slice %arg4[%dma_wait3A_191, %dma_wait3A_192] : memref<10240x48xf32, #tpu.memory_space<hbm>> -> memref<128x48xf32, #tpu.memory_space<hbm>>
      tpu.wait_dma2 semaphore(%arg14 : memref<!tpu.dma_semaphore, #tpu.memory_space<semaphore_mem>>) src(%dma_wait3A_193 : memref<128x48xf32, #tpu.memory_space<hbm>>) dst(%arg8 : memref<128x48xf32, #tpu.memory_space<vmem>>)
      %run_scoped3A_194 = arith.constant 4 : i32
      %run_scoped3A_195 = arith.constant 1 : i32
      "tpu.region"() ({
        %run_scoped3A_397 = tpu.sem_alloc : memref<!tpu.dma_semaphore, #tpu.memory_space<semaphore_mem>>
        %dma_start3A_398 = arith.constant 0 : i32
        %dma_start3A_399 = tpu.memref_slice %arg6[%run_scoped3A_194, %run_scoped3A_195, %dma_start3A_398] : memref<8x2x128xi32, #tpu.memory_space<vmem>> -> memref<1x1x128xi32, #tpu.memory_space<vmem>>
        %dma_start3A_400 = tpu.memref_squeeze %dma_start3A_399 : memref<1x1x128xi32, #tpu.memory_space<vmem>> -> memref<128xi32, #tpu.memory_space<vmem>>
        %dma_start3A_401 = arith.constant 0 : i32
        %dma_start3A_402 = arith.constant 0 : i32
        %dma_start3A_403 = tpu.memref_slice %arg11[%dma_start3A_401, %dma_start3A_402] : memref<10240x48xf32, #tpu.memory_space<vmem_shared>> -> memref<10240x48xf32, #tpu.memory_space<vmem_shared>>
        tpu.enqueue_indirect_dma source(%arg8 : memref<128x48xf32, #tpu.memory_space<vmem>>) target(%dma_start3A_403 : memref<10240x48xf32, #tpu.memory_space<vmem_shared>>) offsets(%dma_start3A_400 : memref<128xi32, #tpu.memory_space<vmem>>) semaphore(%run_scoped3A_397 : memref<!tpu.dma_semaphore, #tpu.memory_space<semaphore_mem>>) {add = true}
        %dma_wait3A_404 = arith.constant 0 : i32
        %dma_wait3A_405 = tpu.memref_slice %arg6[%run_scoped3A_194, %run_scoped3A_195, %dma_wait3A_404] : memref<8x2x128xi32, #tpu.memory_space<vmem>> -> memref<1x1x128xi32, #tpu.memory_space<vmem>>
        %dma_wait3A_406 = tpu.memref_squeeze %dma_wait3A_405 : memref<1x1x128xi32, #tpu.memory_space<vmem>> -> memref<128xi32, #tpu.memory_space<vmem>>
        %dma_wait3A_407 = arith.constant 0 : i32
        %dma_wait3A_408 = arith.constant 0 : i32
        %dma_wait3A_409 = tpu.memref_slice %arg11[%dma_wait3A_407, %dma_wait3A_408] : memref<10240x48xf32, #tpu.memory_space<vmem_shared>> -> memref<10240x48xf32, #tpu.memory_space<vmem_shared>>
        tpu.wait_indirect_dma semaphore(%run_scoped3A_397 : memref<!tpu.dma_semaphore, #tpu.memory_space<semaphore_mem>>) src(%arg8 : memref<128x48xf32, #tpu.memory_space<vmem>>) dst(%dma_wait3A_409 : memref<10240x48xf32, #tpu.memory_space<vmem_shared>>)
        tpu.yield
      }) : () -> ()
      %dma_start3A_196 = arith.constant 6 : i32
      %dma_start3A_197 = arith.constant 0 : i32
      %dma_start3A_198 = arith.constant 0 : i32
      %dma_start3A_199 = tpu.memref_slice %arg6[%dma_start3A_196, %dma_start3A_197, %dma_start3A_198] : memref<8x2x128xi32, #tpu.memory_space<vmem>> -> memref<1x1x128xi32, #tpu.memory_space<vmem>>
      %dma_start3A_200 = tpu.memref_squeeze %dma_start3A_199 : memref<1x1x128xi32, #tpu.memory_space<vmem>> -> memref<128xi32, #tpu.memory_space<vmem>>
      %dma_start3A_201 = arith.constant 0 : i32
      %dma_start3A_202 = arith.constant 0 : i32
      %dma_start3A_203 = tpu.memref_slice %arg10[%dma_start3A_201, %dma_start3A_202] : memref<10240x48xf32, #tpu.memory_space<vmem_shared>> -> memref<10240x48xf32, #tpu.memory_space<vmem_shared>>
      tpu.enqueue_indirect_dma source(%dma_start3A_203 : memref<10240x48xf32, #tpu.memory_space<vmem_shared>>) target(%arg8 : memref<128x48xf32, #tpu.memory_space<vmem>>) offsets(%dma_start3A_200 : memref<128xi32, #tpu.memory_space<vmem>>) semaphore(%arg14 : memref<!tpu.dma_semaphore, #tpu.memory_space<semaphore_mem>>)
      %dma_wait3A_204 = arith.constant 0 : i32
      %dma_wait3A_205 = arith.constant 0 : i32
      %dma_wait3A_206 = tpu.memref_slice %arg4[%dma_wait3A_204, %dma_wait3A_205] : memref<10240x48xf32, #tpu.memory_space<hbm>> -> memref<128x48xf32, #tpu.memory_space<hbm>>
      %dma_wait3A_207 = arith.constant 0 : i32
      %dma_wait3A_208 = arith.constant 0 : i32
      %dma_wait3A_209 = tpu.memref_slice %arg4[%dma_wait3A_207, %dma_wait3A_208] : memref<10240x48xf32, #tpu.memory_space<hbm>> -> memref<128x48xf32, #tpu.memory_space<hbm>>
      tpu.wait_dma2 semaphore(%arg15 : memref<!tpu.dma_semaphore, #tpu.memory_space<semaphore_mem>>) src(%dma_wait3A_209 : memref<128x48xf32, #tpu.memory_space<hbm>>) dst(%arg9 : memref<128x48xf32, #tpu.memory_space<vmem>>)
      %run_scoped3A_210 = arith.constant 5 : i32
      %run_scoped3A_211 = arith.constant 1 : i32
      "tpu.region"() ({
        %run_scoped3A_397 = tpu.sem_alloc : memref<!tpu.dma_semaphore, #tpu.memory_space<semaphore_mem>>
        %dma_start3A_398 = arith.constant 0 : i32
        %dma_start3A_399 = tpu.memref_slice %arg6[%run_scoped3A_210, %run_scoped3A_211, %dma_start3A_398] : memref<8x2x128xi32, #tpu.memory_space<vmem>> -> memref<1x1x128xi32, #tpu.memory_space<vmem>>
        %dma_start3A_400 = tpu.memref_squeeze %dma_start3A_399 : memref<1x1x128xi32, #tpu.memory_space<vmem>> -> memref<128xi32, #tpu.memory_space<vmem>>
        %dma_start3A_401 = arith.constant 0 : i32
        %dma_start3A_402 = arith.constant 0 : i32
        %dma_start3A_403 = tpu.memref_slice %arg11[%dma_start3A_401, %dma_start3A_402] : memref<10240x48xf32, #tpu.memory_space<vmem_shared>> -> memref<10240x48xf32, #tpu.memory_space<vmem_shared>>
        tpu.enqueue_indirect_dma source(%arg9 : memref<128x48xf32, #tpu.memory_space<vmem>>) target(%dma_start3A_403 : memref<10240x48xf32, #tpu.memory_space<vmem_shared>>) offsets(%dma_start3A_400 : memref<128xi32, #tpu.memory_space<vmem>>) semaphore(%run_scoped3A_397 : memref<!tpu.dma_semaphore, #tpu.memory_space<semaphore_mem>>) {add = true}
        %dma_wait3A_404 = arith.constant 0 : i32
        %dma_wait3A_405 = tpu.memref_slice %arg6[%run_scoped3A_210, %run_scoped3A_211, %dma_wait3A_404] : memref<8x2x128xi32, #tpu.memory_space<vmem>> -> memref<1x1x128xi32, #tpu.memory_space<vmem>>
        %dma_wait3A_406 = tpu.memref_squeeze %dma_wait3A_405 : memref<1x1x128xi32, #tpu.memory_space<vmem>> -> memref<128xi32, #tpu.memory_space<vmem>>
        %dma_wait3A_407 = arith.constant 0 : i32
        %dma_wait3A_408 = arith.constant 0 : i32
        %dma_wait3A_409 = tpu.memref_slice %arg11[%dma_wait3A_407, %dma_wait3A_408] : memref<10240x48xf32, #tpu.memory_space<vmem_shared>> -> memref<10240x48xf32, #tpu.memory_space<vmem_shared>>
        tpu.wait_indirect_dma semaphore(%run_scoped3A_397 : memref<!tpu.dma_semaphore, #tpu.memory_space<semaphore_mem>>) src(%arg9 : memref<128x48xf32, #tpu.memory_space<vmem>>) dst(%dma_wait3A_409 : memref<10240x48xf32, #tpu.memory_space<vmem_shared>>)
        tpu.yield
      }) : () -> ()
      %dma_start3A_212 = arith.constant 7 : i32
      %dma_start3A_213 = arith.constant 0 : i32
      %dma_start3A_214 = arith.constant 0 : i32
      %dma_start3A_215 = tpu.memref_slice %arg6[%dma_start3A_212, %dma_start3A_213, %dma_start3A_214] : memref<8x2x128xi32, #tpu.memory_space<vmem>> -> memref<1x1x128xi32, #tpu.memory_space<vmem>>
      %dma_start3A_216 = tpu.memref_squeeze %dma_start3A_215 : memref<1x1x128xi32, #tpu.memory_space<vmem>> -> memref<128xi32, #tpu.memory_space<vmem>>
      %dma_start3A_217 = arith.constant 0 : i32
      %dma_start3A_218 = arith.constant 0 : i32
      %dma_start3A_219 = tpu.memref_slice %arg10[%dma_start3A_217, %dma_start3A_218] : memref<10240x48xf32, #tpu.memory_space<vmem_shared>> -> memref<10240x48xf32, #tpu.memory_space<vmem_shared>>
      tpu.enqueue_indirect_dma source(%dma_start3A_219 : memref<10240x48xf32, #tpu.memory_space<vmem_shared>>) target(%arg9 : memref<128x48xf32, #tpu.memory_space<vmem>>) offsets(%dma_start3A_216 : memref<128xi32, #tpu.memory_space<vmem>>) semaphore(%arg15 : memref<!tpu.dma_semaphore, #tpu.memory_space<semaphore_mem>>)
      %dma_wait3A_220 = arith.constant 0 : i32
      %dma_wait3A_221 = arith.constant 0 : i32
      %dma_wait3A_222 = tpu.memref_slice %arg4[%dma_wait3A_220, %dma_wait3A_221] : memref<10240x48xf32, #tpu.memory_space<hbm>> -> memref<128x48xf32, #tpu.memory_space<hbm>>
      %dma_wait3A_223 = arith.constant 0 : i32
      %dma_wait3A_224 = arith.constant 0 : i32
      %dma_wait3A_225 = tpu.memref_slice %arg4[%dma_wait3A_223, %dma_wait3A_224] : memref<10240x48xf32, #tpu.memory_space<hbm>> -> memref<128x48xf32, #tpu.memory_space<hbm>>
      tpu.wait_dma2 semaphore(%arg14 : memref<!tpu.dma_semaphore, #tpu.memory_space<semaphore_mem>>) src(%dma_wait3A_225 : memref<128x48xf32, #tpu.memory_space<hbm>>) dst(%arg8 : memref<128x48xf32, #tpu.memory_space<vmem>>)
      %run_scoped3A_226 = arith.constant 6 : i32
      %run_scoped3A_227 = arith.constant 1 : i32
      "tpu.region"() ({
        %run_scoped3A_397 = tpu.sem_alloc : memref<!tpu.dma_semaphore, #tpu.memory_space<semaphore_mem>>
        %dma_start3A_398 = arith.constant 0 : i32
        %dma_start3A_399 = tpu.memref_slice %arg6[%run_scoped3A_226, %run_scoped3A_227, %dma_start3A_398] : memref<8x2x128xi32, #tpu.memory_space<vmem>> -> memref<1x1x128xi32, #tpu.memory_space<vmem>>
        %dma_start3A_400 = tpu.memref_squeeze %dma_start3A_399 : memref<1x1x128xi32, #tpu.memory_space<vmem>> -> memref<128xi32, #tpu.memory_space<vmem>>
        %dma_start3A_401 = arith.constant 0 : i32
        %dma_start3A_402 = arith.constant 0 : i32
        %dma_start3A_403 = tpu.memref_slice %arg11[%dma_start3A_401, %dma_start3A_402] : memref<10240x48xf32, #tpu.memory_space<vmem_shared>> -> memref<10240x48xf32, #tpu.memory_space<vmem_shared>>
        tpu.enqueue_indirect_dma source(%arg8 : memref<128x48xf32, #tpu.memory_space<vmem>>) target(%dma_start3A_403 : memref<10240x48xf32, #tpu.memory_space<vmem_shared>>) offsets(%dma_start3A_400 : memref<128xi32, #tpu.memory_space<vmem>>) semaphore(%run_scoped3A_397 : memref<!tpu.dma_semaphore, #tpu.memory_space<semaphore_mem>>) {add = true}
        %dma_wait3A_404 = arith.constant 0 : i32
        %dma_wait3A_405 = tpu.memref_slice %arg6[%run_scoped3A_226, %run_scoped3A_227, %dma_wait3A_404] : memref<8x2x128xi32, #tpu.memory_space<vmem>> -> memref<1x1x128xi32, #tpu.memory_space<vmem>>
        %dma_wait3A_406 = tpu.memref_squeeze %dma_wait3A_405 : memref<1x1x128xi32, #tpu.memory_space<vmem>> -> memref<128xi32, #tpu.memory_space<vmem>>
        %dma_wait3A_407 = arith.constant 0 : i32
        %dma_wait3A_408 = arith.constant 0 : i32
        %dma_wait3A_409 = tpu.memref_slice %arg11[%dma_wait3A_407, %dma_wait3A_408] : memref<10240x48xf32, #tpu.memory_space<vmem_shared>> -> memref<10240x48xf32, #tpu.memory_space<vmem_shared>>
        tpu.wait_indirect_dma semaphore(%run_scoped3A_397 : memref<!tpu.dma_semaphore, #tpu.memory_space<semaphore_mem>>) src(%arg8 : memref<128x48xf32, #tpu.memory_space<vmem>>) dst(%dma_wait3A_409 : memref<10240x48xf32, #tpu.memory_space<vmem_shared>>)
        tpu.yield
      }) : () -> ()
      %dma_wait3A_228 = arith.constant 0 : i32
      %dma_wait3A_229 = arith.constant 0 : i32
      %dma_wait3A_230 = arith.constant 0 : i32
      %dma_wait3A_231 = arith.constant 0 : i32
      %dma_wait3A_232 = tpu.memref_slice %arg3[%add3A, %dma_wait3A_228, %dma_wait3A_229, %dma_wait3A_230, %dma_wait3A_231] : memref<32x10x8x2x128xi32, #tpu.memory_space<hbm>> -> memref<1x1x8x2x128xi32, #tpu.memory_space<hbm>>
      %dma_wait3A_233 = tpu.memref_squeeze %dma_wait3A_232 : memref<1x1x8x2x128xi32, #tpu.memory_space<hbm>> -> memref<8x2x128xi32, #tpu.memory_space<hbm>>
      %dma_wait3A_234 = arith.constant 0 : i32
      %dma_wait3A_235 = arith.constant 0 : i32
      %dma_wait3A_236 = arith.constant 0 : i32
      %dma_wait3A_237 = tpu.memref_slice %arg3[%add3A, %dma_wait3A_228, %dma_wait3A_234, %dma_wait3A_235, %dma_wait3A_236] : memref<32x10x8x2x128xi32, #tpu.memory_space<hbm>> -> memref<1x1x8x2x128xi32, #tpu.memory_space<hbm>>
      %dma_wait3A_238 = tpu.memref_squeeze %dma_wait3A_237 : memref<1x1x8x2x128xi32, #tpu.memory_space<hbm>> -> memref<8x2x128xi32, #tpu.memory_space<hbm>>
      tpu.wait_dma2 semaphore(%arg13 : memref<!tpu.dma_semaphore, #tpu.memory_space<semaphore_mem>>) src(%dma_wait3A_238 : memref<8x2x128xi32, #tpu.memory_space<hbm>>) dst(%arg7 : memref<8x2x128xi32, #tpu.memory_space<vmem>>)
      %dma_start3A_239 = arith.constant 0 : i32
      %dma_start3A_240 = arith.constant 0 : i32
      %dma_start3A_241 = arith.constant 0 : i32
      %dma_start3A_242 = tpu.memref_slice %arg7[%dma_start3A_239, %dma_start3A_240, %dma_start3A_241] : memref<8x2x128xi32, #tpu.memory_space<vmem>> -> memref<1x1x128xi32, #tpu.memory_space<vmem>>
      %dma_start3A_243 = tpu.memref_squeeze %dma_start3A_242 : memref<1x1x128xi32, #tpu.memory_space<vmem>> -> memref<128xi32, #tpu.memory_space<vmem>>
      %dma_start3A_244 = arith.constant 0 : i32
      %dma_start3A_245 = arith.constant 0 : i32
      %dma_start3A_246 = tpu.memref_slice %arg10[%dma_start3A_244, %dma_start3A_245] : memref<10240x48xf32, #tpu.memory_space<vmem_shared>> -> memref<10240x48xf32, #tpu.memory_space<vmem_shared>>
      tpu.enqueue_indirect_dma source(%dma_start3A_246 : memref<10240x48xf32, #tpu.memory_space<vmem_shared>>) target(%arg8 : memref<128x48xf32, #tpu.memory_space<vmem>>) offsets(%dma_start3A_243 : memref<128xi32, #tpu.memory_space<vmem>>) semaphore(%arg14 : memref<!tpu.dma_semaphore, #tpu.memory_space<semaphore_mem>>)
      %dma_wait3A_247 = arith.constant 0 : i32
      %dma_wait3A_248 = arith.constant 0 : i32
      %dma_wait3A_249 = tpu.memref_slice %arg4[%dma_wait3A_247, %dma_wait3A_248] : memref<10240x48xf32, #tpu.memory_space<hbm>> -> memref<128x48xf32, #tpu.memory_space<hbm>>
      %dma_wait3A_250 = arith.constant 0 : i32
      %dma_wait3A_251 = arith.constant 0 : i32
      %dma_wait3A_252 = tpu.memref_slice %arg4[%dma_wait3A_250, %dma_wait3A_251] : memref<10240x48xf32, #tpu.memory_space<hbm>> -> memref<128x48xf32, #tpu.memory_space<hbm>>
      tpu.wait_dma2 semaphore(%arg15 : memref<!tpu.dma_semaphore, #tpu.memory_space<semaphore_mem>>) src(%dma_wait3A_252 : memref<128x48xf32, #tpu.memory_space<hbm>>) dst(%arg9 : memref<128x48xf32, #tpu.memory_space<vmem>>)
      %run_scoped3A_253 = arith.constant 7 : i32
      %run_scoped3A_254 = arith.constant 1 : i32
      "tpu.region"() ({
        %run_scoped3A_397 = tpu.sem_alloc : memref<!tpu.dma_semaphore, #tpu.memory_space<semaphore_mem>>
        %dma_start3A_398 = arith.constant 0 : i32
        %dma_start3A_399 = tpu.memref_slice %arg6[%run_scoped3A_253, %run_scoped3A_254, %dma_start3A_398] : memref<8x2x128xi32, #tpu.memory_space<vmem>> -> memref<1x1x128xi32, #tpu.memory_space<vmem>>
        %dma_start3A_400 = tpu.memref_squeeze %dma_start3A_399 : memref<1x1x128xi32, #tpu.memory_space<vmem>> -> memref<128xi32, #tpu.memory_space<vmem>>
        %dma_start3A_401 = arith.constant 0 : i32
        %dma_start3A_402 = arith.constant 0 : i32
        %dma_start3A_403 = tpu.memref_slice %arg11[%dma_start3A_401, %dma_start3A_402] : memref<10240x48xf32, #tpu.memory_space<vmem_shared>> -> memref<10240x48xf32, #tpu.memory_space<vmem_shared>>
        tpu.enqueue_indirect_dma source(%arg9 : memref<128x48xf32, #tpu.memory_space<vmem>>) target(%dma_start3A_403 : memref<10240x48xf32, #tpu.memory_space<vmem_shared>>) offsets(%dma_start3A_400 : memref<128xi32, #tpu.memory_space<vmem>>) semaphore(%run_scoped3A_397 : memref<!tpu.dma_semaphore, #tpu.memory_space<semaphore_mem>>) {add = true}
        %dma_wait3A_404 = arith.constant 0 : i32
        %dma_wait3A_405 = tpu.memref_slice %arg6[%run_scoped3A_253, %run_scoped3A_254, %dma_wait3A_404] : memref<8x2x128xi32, #tpu.memory_space<vmem>> -> memref<1x1x128xi32, #tpu.memory_space<vmem>>
        %dma_wait3A_406 = tpu.memref_squeeze %dma_wait3A_405 : memref<1x1x128xi32, #tpu.memory_space<vmem>> -> memref<128xi32, #tpu.memory_space<vmem>>
        %dma_wait3A_407 = arith.constant 0 : i32
        %dma_wait3A_408 = arith.constant 0 : i32
        %dma_wait3A_409 = tpu.memref_slice %arg11[%dma_wait3A_407, %dma_wait3A_408] : memref<10240x48xf32, #tpu.memory_space<vmem_shared>> -> memref<10240x48xf32, #tpu.memory_space<vmem_shared>>
        tpu.wait_indirect_dma semaphore(%run_scoped3A_397 : memref<!tpu.dma_semaphore, #tpu.memory_space<semaphore_mem>>) src(%arg9 : memref<128x48xf32, #tpu.memory_space<vmem>>) dst(%dma_wait3A_409 : memref<10240x48xf32, #tpu.memory_space<vmem_shared>>)
        tpu.yield
      }) : () -> ()
      %dma_start3A_255 = arith.constant 1 : i32
      %dma_start3A_256 = arith.constant 0 : i32
      %dma_start3A_257 = arith.constant 0 : i32
      %dma_start3A_258 = tpu.memref_slice %arg7[%dma_start3A_255, %dma_start3A_256, %dma_start3A_257] : memref<8x2x128xi32, #tpu.memory_space<vmem>> -> memref<1x1x128xi32, #tpu.memory_space<vmem>>
      %dma_start3A_259 = tpu.memref_squeeze %dma_start3A_258 : memref<1x1x128xi32, #tpu.memory_space<vmem>> -> memref<128xi32, #tpu.memory_space<vmem>>
      %dma_start3A_260 = arith.constant 0 : i32
      %dma_start3A_261 = arith.constant 0 : i32
      %dma_start3A_262 = tpu.memref_slice %arg10[%dma_start3A_260, %dma_start3A_261] : memref<10240x48xf32, #tpu.memory_space<vmem_shared>> -> memref<10240x48xf32, #tpu.memory_space<vmem_shared>>
      tpu.enqueue_indirect_dma source(%dma_start3A_262 : memref<10240x48xf32, #tpu.memory_space<vmem_shared>>) target(%arg9 : memref<128x48xf32, #tpu.memory_space<vmem>>) offsets(%dma_start3A_259 : memref<128xi32, #tpu.memory_space<vmem>>) semaphore(%arg15 : memref<!tpu.dma_semaphore, #tpu.memory_space<semaphore_mem>>)
      %lt3A = arith.constant 4 : i32
      %lt3A_263 = arith.cmpi slt, %scan3A_118, %lt3A : i32
      %convert_element_type3A = arith.extui %lt3A_263 : i1 to i32
      %cond3A = arith.constant 0 : i32
      %cond3A_264 = arith.cmpi ne, %convert_element_type3A, %cond3A : i32
      scf.if %cond3A_264 {
        %add3A_397 = arith.constant 2 : i32
        %add3A_398 = arith.addi %add3A_123, %add3A_397 : i32
        %dma_start3A_399 = arith.constant 0 : i32
        %dma_start3A_400 = arith.constant 0 : i32
        %dma_start3A_401 = arith.constant 0 : i32
        %dma_start3A_402 = tpu.memref_slice %arg3[%add3A, %add3A_398, %dma_start3A_399, %dma_start3A_400, %dma_start3A_401] : memref<32x10x8x2x128xi32, #tpu.memory_space<hbm>> -> memref<1x1x8x2x128xi32, #tpu.memory_space<hbm>>
        %dma_start3A_403 = tpu.memref_squeeze %dma_start3A_402 : memref<1x1x8x2x128xi32, #tpu.memory_space<hbm>> -> memref<8x2x128xi32, #tpu.memory_space<hbm>>
        %dma_start3A_404 = arith.constant 0 : i32
        %dma_start3A_405 = arith.constant 0 : i32
        %dma_start3A_406 = arith.constant 0 : i32
        %dma_start3A_407 = tpu.memref_slice %arg3[%add3A, %add3A_398, %dma_start3A_404, %dma_start3A_405, %dma_start3A_406] : memref<32x10x8x2x128xi32, #tpu.memory_space<hbm>> -> memref<1x1x8x2x128xi32, #tpu.memory_space<hbm>>
        %dma_start3A_408 = tpu.memref_squeeze %dma_start3A_407 : memref<1x1x8x2x128xi32, #tpu.memory_space<hbm>> -> memref<8x2x128xi32, #tpu.memory_space<hbm>>
        tpu.enqueue_dma source(%dma_start3A_408 : memref<8x2x128xi32, #tpu.memory_space<hbm>>) target(%arg6 : memref<8x2x128xi32, #tpu.memory_space<vmem>>) target_semaphore(%arg12 : memref<!tpu.dma_semaphore, #tpu.memory_space<semaphore_mem>>)
      } else {
      }
      %mul3A_265 = arith.constant 2 : i32
      %mul3A_266 = arith.muli %scan3A_118, %mul3A_265 : i32
      %add3A_267 = arith.constant 1 : i32
      %add3A_268 = arith.addi %mul3A_266, %add3A_267 : i32
      %dma_wait3A_269 = arith.constant 0 : i32
      %dma_wait3A_270 = arith.constant 0 : i32
      %dma_wait3A_271 = tpu.memref_slice %arg4[%dma_wait3A_269, %dma_wait3A_270] : memref<10240x48xf32, #tpu.memory_space<hbm>> -> memref<128x48xf32, #tpu.memory_space<hbm>>
      %dma_wait3A_272 = arith.constant 0 : i32
      %dma_wait3A_273 = arith.constant 0 : i32
      %dma_wait3A_274 = tpu.memref_slice %arg4[%dma_wait3A_272, %dma_wait3A_273] : memref<10240x48xf32, #tpu.memory_space<hbm>> -> memref<128x48xf32, #tpu.memory_space<hbm>>
      tpu.wait_dma2 semaphore(%arg14 : memref<!tpu.dma_semaphore, #tpu.memory_space<semaphore_mem>>) src(%dma_wait3A_274 : memref<128x48xf32, #tpu.memory_space<hbm>>) dst(%arg8 : memref<128x48xf32, #tpu.memory_space<vmem>>)
      %run_scoped3A_275 = arith.constant 0 : i32
      %run_scoped3A_276 = arith.constant 1 : i32
      "tpu.region"() ({
        %run_scoped3A_397 = tpu.sem_alloc : memref<!tpu.dma_semaphore, #tpu.memory_space<semaphore_mem>>
        %dma_start3A_398 = arith.constant 0 : i32
        %dma_start3A_399 = tpu.memref_slice %arg7[%run_scoped3A_275, %run_scoped3A_276, %dma_start3A_398] : memref<8x2x128xi32, #tpu.memory_space<vmem>> -> memref<1x1x128xi32, #tpu.memory_space<vmem>>
        %dma_start3A_400 = tpu.memref_squeeze %dma_start3A_399 : memref<1x1x128xi32, #tpu.memory_space<vmem>> -> memref<128xi32, #tpu.memory_space<vmem>>
        %dma_start3A_401 = arith.constant 0 : i32
        %dma_start3A_402 = arith.constant 0 : i32
        %dma_start3A_403 = tpu.memref_slice %arg11[%dma_start3A_401, %dma_start3A_402] : memref<10240x48xf32, #tpu.memory_space<vmem_shared>> -> memref<10240x48xf32, #tpu.memory_space<vmem_shared>>
        tpu.enqueue_indirect_dma source(%arg8 : memref<128x48xf32, #tpu.memory_space<vmem>>) target(%dma_start3A_403 : memref<10240x48xf32, #tpu.memory_space<vmem_shared>>) offsets(%dma_start3A_400 : memref<128xi32, #tpu.memory_space<vmem>>) semaphore(%run_scoped3A_397 : memref<!tpu.dma_semaphore, #tpu.memory_space<semaphore_mem>>) {add = true}
        %dma_wait3A_404 = arith.constant 0 : i32
        %dma_wait3A_405 = tpu.memref_slice %arg7[%run_scoped3A_275, %run_scoped3A_276, %dma_wait3A_404] : memref<8x2x128xi32, #tpu.memory_space<vmem>> -> memref<1x1x128xi32, #tpu.memory_space<vmem>>
        %dma_wait3A_406 = tpu.memref_squeeze %dma_wait3A_405 : memref<1x1x128xi32, #tpu.memory_space<vmem>> -> memref<128xi32, #tpu.memory_space<vmem>>
        %dma_wait3A_407 = arith.constant 0 : i32
        %dma_wait3A_408 = arith.constant 0 : i32
        %dma_wait3A_409 = tpu.memref_slice %arg11[%dma_wait3A_407, %dma_wait3A_408] : memref<10240x48xf32, #tpu.memory_space<vmem_shared>> -> memref<10240x48xf32, #tpu.memory_space<vmem_shared>>
        tpu.wait_indirect_dma semaphore(%run_scoped3A_397 : memref<!tpu.dma_semaphore, #tpu.memory_space<semaphore_mem>>) src(%arg8 : memref<128x48xf32, #tpu.memory_space<vmem>>) dst(%dma_wait3A_409 : memref<10240x48xf32, #tpu.memory_space<vmem_shared>>)
        tpu.yield
      }) : () -> ()
      %dma_start3A_277 = arith.constant 2 : i32
      %dma_start3A_278 = arith.constant 0 : i32
      %dma_start3A_279 = arith.constant 0 : i32
      %dma_start3A_280 = tpu.memref_slice %arg7[%dma_start3A_277, %dma_start3A_278, %dma_start3A_279] : memref<8x2x128xi32, #tpu.memory_space<vmem>> -> memref<1x1x128xi32, #tpu.memory_space<vmem>>
      %dma_start3A_281 = tpu.memref_squeeze %dma_start3A_280 : memref<1x1x128xi32, #tpu.memory_space<vmem>> -> memref<128xi32, #tpu.memory_space<vmem>>
      %dma_start3A_282 = arith.constant 0 : i32
      %dma_start3A_283 = arith.constant 0 : i32
      %dma_start3A_284 = tpu.memref_slice %arg10[%dma_start3A_282, %dma_start3A_283] : memref<10240x48xf32, #tpu.memory_space<vmem_shared>> -> memref<10240x48xf32, #tpu.memory_space<vmem_shared>>
      tpu.enqueue_indirect_dma source(%dma_start3A_284 : memref<10240x48xf32, #tpu.memory_space<vmem_shared>>) target(%arg8 : memref<128x48xf32, #tpu.memory_space<vmem>>) offsets(%dma_start3A_281 : memref<128xi32, #tpu.memory_space<vmem>>) semaphore(%arg14 : memref<!tpu.dma_semaphore, #tpu.memory_space<semaphore_mem>>)
      %dma_wait3A_285 = arith.constant 0 : i32
      %dma_wait3A_286 = arith.constant 0 : i32
      %dma_wait3A_287 = tpu.memref_slice %arg4[%dma_wait3A_285, %dma_wait3A_286] : memref<10240x48xf32, #tpu.memory_space<hbm>> -> memref<128x48xf32, #tpu.memory_space<hbm>>
      %dma_wait3A_288 = arith.constant 0 : i32
      %dma_wait3A_289 = arith.constant 0 : i32
      %dma_wait3A_290 = tpu.memref_slice %arg4[%dma_wait3A_288, %dma_wait3A_289] : memref<10240x48xf32, #tpu.memory_space<hbm>> -> memref<128x48xf32, #tpu.memory_space<hbm>>
      tpu.wait_dma2 semaphore(%arg15 : memref<!tpu.dma_semaphore, #tpu.memory_space<semaphore_mem>>) src(%dma_wait3A_290 : memref<128x48xf32, #tpu.memory_space<hbm>>) dst(%arg9 : memref<128x48xf32, #tpu.memory_space<vmem>>)
      %run_scoped3A_291 = arith.constant 1 : i32
      %run_scoped3A_292 = arith.constant 1 : i32
      "tpu.region"() ({
        %run_scoped3A_397 = tpu.sem_alloc : memref<!tpu.dma_semaphore, #tpu.memory_space<semaphore_mem>>
        %dma_start3A_398 = arith.constant 0 : i32
        %dma_start3A_399 = tpu.memref_slice %arg7[%run_scoped3A_291, %run_scoped3A_292, %dma_start3A_398] : memref<8x2x128xi32, #tpu.memory_space<vmem>> -> memref<1x1x128xi32, #tpu.memory_space<vmem>>
        %dma_start3A_400 = tpu.memref_squeeze %dma_start3A_399 : memref<1x1x128xi32, #tpu.memory_space<vmem>> -> memref<128xi32, #tpu.memory_space<vmem>>
        %dma_start3A_401 = arith.constant 0 : i32
        %dma_start3A_402 = arith.constant 0 : i32
        %dma_start3A_403 = tpu.memref_slice %arg11[%dma_start3A_401, %dma_start3A_402] : memref<10240x48xf32, #tpu.memory_space<vmem_shared>> -> memref<10240x48xf32, #tpu.memory_space<vmem_shared>>
        tpu.enqueue_indirect_dma source(%arg9 : memref<128x48xf32, #tpu.memory_space<vmem>>) target(%dma_start3A_403 : memref<10240x48xf32, #tpu.memory_space<vmem_shared>>) offsets(%dma_start3A_400 : memref<128xi32, #tpu.memory_space<vmem>>) semaphore(%run_scoped3A_397 : memref<!tpu.dma_semaphore, #tpu.memory_space<semaphore_mem>>) {add = true}
        %dma_wait3A_404 = arith.constant 0 : i32
        %dma_wait3A_405 = tpu.memref_slice %arg7[%run_scoped3A_291, %run_scoped3A_292, %dma_wait3A_404] : memref<8x2x128xi32, #tpu.memory_space<vmem>> -> memref<1x1x128xi32, #tpu.memory_space<vmem>>
        %dma_wait3A_406 = tpu.memref_squeeze %dma_wait3A_405 : memref<1x1x128xi32, #tpu.memory_space<vmem>> -> memref<128xi32, #tpu.memory_space<vmem>>
        %dma_wait3A_407 = arith.constant 0 : i32
        %dma_wait3A_408 = arith.constant 0 : i32
        %dma_wait3A_409 = tpu.memref_slice %arg11[%dma_wait3A_407, %dma_wait3A_408] : memref<10240x48xf32, #tpu.memory_space<vmem_shared>> -> memref<10240x48xf32, #tpu.memory_space<vmem_shared>>
        tpu.wait_indirect_dma semaphore(%run_scoped3A_397 : memref<!tpu.dma_semaphore, #tpu.memory_space<semaphore_mem>>) src(%arg9 : memref<128x48xf32, #tpu.memory_space<vmem>>) dst(%dma_wait3A_409 : memref<10240x48xf32, #tpu.memory_space<vmem_shared>>)
        tpu.yield
      }) : () -> ()
      %dma_start3A_293 = arith.constant 3 : i32
      %dma_start3A_294 = arith.constant 0 : i32
      %dma_start3A_295 = arith.constant 0 : i32
      %dma_start3A_296 = tpu.memref_slice %arg7[%dma_start3A_293, %dma_start3A_294, %dma_start3A_295] : memref<8x2x128xi32, #tpu.memory_space<vmem>> -> memref<1x1x128xi32, #tpu.memory_space<vmem>>
      %dma_start3A_297 = tpu.memref_squeeze %dma_start3A_296 : memref<1x1x128xi32, #tpu.memory_space<vmem>> -> memref<128xi32, #tpu.memory_space<vmem>>
      %dma_start3A_298 = arith.constant 0 : i32
      %dma_start3A_299 = arith.constant 0 : i32
      %dma_start3A_300 = tpu.memref_slice %arg10[%dma_start3A_298, %dma_start3A_299] : memref<10240x48xf32, #tpu.memory_space<vmem_shared>> -> memref<10240x48xf32, #tpu.memory_space<vmem_shared>>
      tpu.enqueue_indirect_dma source(%dma_start3A_300 : memref<10240x48xf32, #tpu.memory_space<vmem_shared>>) target(%arg9 : memref<128x48xf32, #tpu.memory_space<vmem>>) offsets(%dma_start3A_297 : memref<128xi32, #tpu.memory_space<vmem>>) semaphore(%arg15 : memref<!tpu.dma_semaphore, #tpu.memory_space<semaphore_mem>>)
      %dma_wait3A_301 = arith.constant 0 : i32
      %dma_wait3A_302 = arith.constant 0 : i32
      %dma_wait3A_303 = tpu.memref_slice %arg4[%dma_wait3A_301, %dma_wait3A_302] : memref<10240x48xf32, #tpu.memory_space<hbm>> -> memref<128x48xf32, #tpu.memory_space<hbm>>
      %dma_wait3A_304 = arith.constant 0 : i32
      %dma_wait3A_305 = arith.constant 0 : i32
      %dma_wait3A_306 = tpu.memref_slice %arg4[%dma_wait3A_304, %dma_wait3A_305] : memref<10240x48xf32, #tpu.memory_space<hbm>> -> memref<128x48xf32, #tpu.memory_space<hbm>>
      tpu.wait_dma2 semaphore(%arg14 : memref<!tpu.dma_semaphore, #tpu.memory_space<semaphore_mem>>) src(%dma_wait3A_306 : memref<128x48xf32, #tpu.memory_space<hbm>>) dst(%arg8 : memref<128x48xf32, #tpu.memory_space<vmem>>)
      %run_scoped3A_307 = arith.constant 2 : i32
      %run_scoped3A_308 = arith.constant 1 : i32
      "tpu.region"() ({
        %run_scoped3A_397 = tpu.sem_alloc : memref<!tpu.dma_semaphore, #tpu.memory_space<semaphore_mem>>
        %dma_start3A_398 = arith.constant 0 : i32
        %dma_start3A_399 = tpu.memref_slice %arg7[%run_scoped3A_307, %run_scoped3A_308, %dma_start3A_398] : memref<8x2x128xi32, #tpu.memory_space<vmem>> -> memref<1x1x128xi32, #tpu.memory_space<vmem>>
        %dma_start3A_400 = tpu.memref_squeeze %dma_start3A_399 : memref<1x1x128xi32, #tpu.memory_space<vmem>> -> memref<128xi32, #tpu.memory_space<vmem>>
        %dma_start3A_401 = arith.constant 0 : i32
        %dma_start3A_402 = arith.constant 0 : i32
        %dma_start3A_403 = tpu.memref_slice %arg11[%dma_start3A_401, %dma_start3A_402] : memref<10240x48xf32, #tpu.memory_space<vmem_shared>> -> memref<10240x48xf32, #tpu.memory_space<vmem_shared>>
        tpu.enqueue_indirect_dma source(%arg8 : memref<128x48xf32, #tpu.memory_space<vmem>>) target(%dma_start3A_403 : memref<10240x48xf32, #tpu.memory_space<vmem_shared>>) offsets(%dma_start3A_400 : memref<128xi32, #tpu.memory_space<vmem>>) semaphore(%run_scoped3A_397 : memref<!tpu.dma_semaphore, #tpu.memory_space<semaphore_mem>>) {add = true}
        %dma_wait3A_404 = arith.constant 0 : i32
        %dma_wait3A_405 = tpu.memref_slice %arg7[%run_scoped3A_307, %run_scoped3A_308, %dma_wait3A_404] : memref<8x2x128xi32, #tpu.memory_space<vmem>> -> memref<1x1x128xi32, #tpu.memory_space<vmem>>
        %dma_wait3A_406 = tpu.memref_squeeze %dma_wait3A_405 : memref<1x1x128xi32, #tpu.memory_space<vmem>> -> memref<128xi32, #tpu.memory_space<vmem>>
        %dma_wait3A_407 = arith.constant 0 : i32
        %dma_wait3A_408 = arith.constant 0 : i32
        %dma_wait3A_409 = tpu.memref_slice %arg11[%dma_wait3A_407, %dma_wait3A_408] : memref<10240x48xf32, #tpu.memory_space<vmem_shared>> -> memref<10240x48xf32, #tpu.memory_space<vmem_shared>>
        tpu.wait_indirect_dma semaphore(%run_scoped3A_397 : memref<!tpu.dma_semaphore, #tpu.memory_space<semaphore_mem>>) src(%arg8 : memref<128x48xf32, #tpu.memory_space<vmem>>) dst(%dma_wait3A_409 : memref<10240x48xf32, #tpu.memory_space<vmem_shared>>)
        tpu.yield
      }) : () -> ()
      %dma_start3A_309 = arith.constant 4 : i32
      %dma_start3A_310 = arith.constant 0 : i32
      %dma_start3A_311 = arith.constant 0 : i32
      %dma_start3A_312 = tpu.memref_slice %arg7[%dma_start3A_309, %dma_start3A_310, %dma_start3A_311] : memref<8x2x128xi32, #tpu.memory_space<vmem>> -> memref<1x1x128xi32, #tpu.memory_space<vmem>>
      %dma_start3A_313 = tpu.memref_squeeze %dma_start3A_312 : memref<1x1x128xi32, #tpu.memory_space<vmem>> -> memref<128xi32, #tpu.memory_space<vmem>>
      %dma_start3A_314 = arith.constant 0 : i32
      %dma_start3A_315 = arith.constant 0 : i32
      %dma_start3A_316 = tpu.memref_slice %arg10[%dma_start3A_314, %dma_start3A_315] : memref<10240x48xf32, #tpu.memory_space<vmem_shared>> -> memref<10240x48xf32, #tpu.memory_space<vmem_shared>>
      tpu.enqueue_indirect_dma source(%dma_start3A_316 : memref<10240x48xf32, #tpu.memory_space<vmem_shared>>) target(%arg8 : memref<128x48xf32, #tpu.memory_space<vmem>>) offsets(%dma_start3A_313 : memref<128xi32, #tpu.memory_space<vmem>>) semaphore(%arg14 : memref<!tpu.dma_semaphore, #tpu.memory_space<semaphore_mem>>)
      %dma_wait3A_317 = arith.constant 0 : i32
      %dma_wait3A_318 = arith.constant 0 : i32
      %dma_wait3A_319 = tpu.memref_slice %arg4[%dma_wait3A_317, %dma_wait3A_318] : memref<10240x48xf32, #tpu.memory_space<hbm>> -> memref<128x48xf32, #tpu.memory_space<hbm>>
      %dma_wait3A_320 = arith.constant 0 : i32
      %dma_wait3A_321 = arith.constant 0 : i32
      %dma_wait3A_322 = tpu.memref_slice %arg4[%dma_wait3A_320, %dma_wait3A_321] : memref<10240x48xf32, #tpu.memory_space<hbm>> -> memref<128x48xf32, #tpu.memory_space<hbm>>
      tpu.wait_dma2 semaphore(%arg15 : memref<!tpu.dma_semaphore, #tpu.memory_space<semaphore_mem>>) src(%dma_wait3A_322 : memref<128x48xf32, #tpu.memory_space<hbm>>) dst(%arg9 : memref<128x48xf32, #tpu.memory_space<vmem>>)
      %run_scoped3A_323 = arith.constant 3 : i32
      %run_scoped3A_324 = arith.constant 1 : i32
      "tpu.region"() ({
        %run_scoped3A_397 = tpu.sem_alloc : memref<!tpu.dma_semaphore, #tpu.memory_space<semaphore_mem>>
        %dma_start3A_398 = arith.constant 0 : i32
        %dma_start3A_399 = tpu.memref_slice %arg7[%run_scoped3A_323, %run_scoped3A_324, %dma_start3A_398] : memref<8x2x128xi32, #tpu.memory_space<vmem>> -> memref<1x1x128xi32, #tpu.memory_space<vmem>>
        %dma_start3A_400 = tpu.memref_squeeze %dma_start3A_399 : memref<1x1x128xi32, #tpu.memory_space<vmem>> -> memref<128xi32, #tpu.memory_space<vmem>>
        %dma_start3A_401 = arith.constant 0 : i32
        %dma_start3A_402 = arith.constant 0 : i32
        %dma_start3A_403 = tpu.memref_slice %arg11[%dma_start3A_401, %dma_start3A_402] : memref<10240x48xf32, #tpu.memory_space<vmem_shared>> -> memref<10240x48xf32, #tpu.memory_space<vmem_shared>>
        tpu.enqueue_indirect_dma source(%arg9 : memref<128x48xf32, #tpu.memory_space<vmem>>) target(%dma_start3A_403 : memref<10240x48xf32, #tpu.memory_space<vmem_shared>>) offsets(%dma_start3A_400 : memref<128xi32, #tpu.memory_space<vmem>>) semaphore(%run_scoped3A_397 : memref<!tpu.dma_semaphore, #tpu.memory_space<semaphore_mem>>) {add = true}
        %dma_wait3A_404 = arith.constant 0 : i32
        %dma_wait3A_405 = tpu.memref_slice %arg7[%run_scoped3A_323, %run_scoped3A_324, %dma_wait3A_404] : memref<8x2x128xi32, #tpu.memory_space<vmem>> -> memref<1x1x128xi32, #tpu.memory_space<vmem>>
        %dma_wait3A_406 = tpu.memref_squeeze %dma_wait3A_405 : memref<1x1x128xi32, #tpu.memory_space<vmem>> -> memref<128xi32, #tpu.memory_space<vmem>>
        %dma_wait3A_407 = arith.constant 0 : i32
        %dma_wait3A_408 = arith.constant 0 : i32
        %dma_wait3A_409 = tpu.memref_slice %arg11[%dma_wait3A_407, %dma_wait3A_408] : memref<10240x48xf32, #tpu.memory_space<vmem_shared>> -> memref<10240x48xf32, #tpu.memory_space<vmem_shared>>
        tpu.wait_indirect_dma semaphore(%run_scoped3A_397 : memref<!tpu.dma_semaphore, #tpu.memory_space<semaphore_mem>>) src(%arg9 : memref<128x48xf32, #tpu.memory_space<vmem>>) dst(%dma_wait3A_409 : memref<10240x48xf32, #tpu.memory_space<vmem_shared>>)
        tpu.yield
      }) : () -> ()
      %dma_start3A_325 = arith.constant 5 : i32
      %dma_start3A_326 = arith.constant 0 : i32
      %dma_start3A_327 = arith.constant 0 : i32
      %dma_start3A_328 = tpu.memref_slice %arg7[%dma_start3A_325, %dma_start3A_326, %dma_start3A_327] : memref<8x2x128xi32, #tpu.memory_space<vmem>> -> memref<1x1x128xi32, #tpu.memory_space<vmem>>
      %dma_start3A_329 = tpu.memref_squeeze %dma_start3A_328 : memref<1x1x128xi32, #tpu.memory_space<vmem>> -> memref<128xi32, #tpu.memory_space<vmem>>
      %dma_start3A_330 = arith.constant 0 : i32
      %dma_start3A_331 = arith.constant 0 : i32
      %dma_start3A_332 = tpu.memref_slice %arg10[%dma_start3A_330, %dma_start3A_331] : memref<10240x48xf32, #tpu.memory_space<vmem_shared>> -> memref<10240x48xf32, #tpu.memory_space<vmem_shared>>
      tpu.enqueue_indirect_dma source(%dma_start3A_332 : memref<10240x48xf32, #tpu.memory_space<vmem_shared>>) target(%arg9 : memref<128x48xf32, #tpu.memory_space<vmem>>) offsets(%dma_start3A_329 : memref<128xi32, #tpu.memory_space<vmem>>) semaphore(%arg15 : memref<!tpu.dma_semaphore, #tpu.memory_space<semaphore_mem>>)
      %dma_wait3A_333 = arith.constant 0 : i32
      %dma_wait3A_334 = arith.constant 0 : i32
      %dma_wait3A_335 = tpu.memref_slice %arg4[%dma_wait3A_333, %dma_wait3A_334] : memref<10240x48xf32, #tpu.memory_space<hbm>> -> memref<128x48xf32, #tpu.memory_space<hbm>>
      %dma_wait3A_336 = arith.constant 0 : i32
      %dma_wait3A_337 = arith.constant 0 : i32
      %dma_wait3A_338 = tpu.memref_slice %arg4[%dma_wait3A_336, %dma_wait3A_337] : memref<10240x48xf32, #tpu.memory_space<hbm>> -> memref<128x48xf32, #tpu.memory_space<hbm>>
      tpu.wait_dma2 semaphore(%arg14 : memref<!tpu.dma_semaphore, #tpu.memory_space<semaphore_mem>>) src(%dma_wait3A_338 : memref<128x48xf32, #tpu.memory_space<hbm>>) dst(%arg8 : memref<128x48xf32, #tpu.memory_space<vmem>>)
      %run_scoped3A_339 = arith.constant 4 : i32
      %run_scoped3A_340 = arith.constant 1 : i32
      "tpu.region"() ({
        %run_scoped3A_397 = tpu.sem_alloc : memref<!tpu.dma_semaphore, #tpu.memory_space<semaphore_mem>>
        %dma_start3A_398 = arith.constant 0 : i32
        %dma_start3A_399 = tpu.memref_slice %arg7[%run_scoped3A_339, %run_scoped3A_340, %dma_start3A_398] : memref<8x2x128xi32, #tpu.memory_space<vmem>> -> memref<1x1x128xi32, #tpu.memory_space<vmem>>
        %dma_start3A_400 = tpu.memref_squeeze %dma_start3A_399 : memref<1x1x128xi32, #tpu.memory_space<vmem>> -> memref<128xi32, #tpu.memory_space<vmem>>
        %dma_start3A_401 = arith.constant 0 : i32
        %dma_start3A_402 = arith.constant 0 : i32
        %dma_start3A_403 = tpu.memref_slice %arg11[%dma_start3A_401, %dma_start3A_402] : memref<10240x48xf32, #tpu.memory_space<vmem_shared>> -> memref<10240x48xf32, #tpu.memory_space<vmem_shared>>
        tpu.enqueue_indirect_dma source(%arg8 : memref<128x48xf32, #tpu.memory_space<vmem>>) target(%dma_start3A_403 : memref<10240x48xf32, #tpu.memory_space<vmem_shared>>) offsets(%dma_start3A_400 : memref<128xi32, #tpu.memory_space<vmem>>) semaphore(%run_scoped3A_397 : memref<!tpu.dma_semaphore, #tpu.memory_space<semaphore_mem>>) {add = true}
        %dma_wait3A_404 = arith.constant 0 : i32
        %dma_wait3A_405 = tpu.memref_slice %arg7[%run_scoped3A_339, %run_scoped3A_340, %dma_wait3A_404] : memref<8x2x128xi32, #tpu.memory_space<vmem>> -> memref<1x1x128xi32, #tpu.memory_space<vmem>>
        %dma_wait3A_406 = tpu.memref_squeeze %dma_wait3A_405 : memref<1x1x128xi32, #tpu.memory_space<vmem>> -> memref<128xi32, #tpu.memory_space<vmem>>
        %dma_wait3A_407 = arith.constant 0 : i32
        %dma_wait3A_408 = arith.constant 0 : i32
        %dma_wait3A_409 = tpu.memref_slice %arg11[%dma_wait3A_407, %dma_wait3A_408] : memref<10240x48xf32, #tpu.memory_space<vmem_shared>> -> memref<10240x48xf32, #tpu.memory_space<vmem_shared>>
        tpu.wait_indirect_dma semaphore(%run_scoped3A_397 : memref<!tpu.dma_semaphore, #tpu.memory_space<semaphore_mem>>) src(%arg8 : memref<128x48xf32, #tpu.memory_space<vmem>>) dst(%dma_wait3A_409 : memref<10240x48xf32, #tpu.memory_space<vmem_shared>>)
        tpu.yield
      }) : () -> ()
      %dma_start3A_341 = arith.constant 6 : i32
      %dma_start3A_342 = arith.constant 0 : i32
      %dma_start3A_343 = arith.constant 0 : i32
      %dma_start3A_344 = tpu.memref_slice %arg7[%dma_start3A_341, %dma_start3A_342, %dma_start3A_343] : memref<8x2x128xi32, #tpu.memory_space<vmem>> -> memref<1x1x128xi32, #tpu.memory_space<vmem>>
      %dma_start3A_345 = tpu.memref_squeeze %dma_start3A_344 : memref<1x1x128xi32, #tpu.memory_space<vmem>> -> memref<128xi32, #tpu.memory_space<vmem>>
      %dma_start3A_346 = arith.constant 0 : i32
      %dma_start3A_347 = arith.constant 0 : i32
      %dma_start3A_348 = tpu.memref_slice %arg10[%dma_start3A_346, %dma_start3A_347] : memref<10240x48xf32, #tpu.memory_space<vmem_shared>> -> memref<10240x48xf32, #tpu.memory_space<vmem_shared>>
      tpu.enqueue_indirect_dma source(%dma_start3A_348 : memref<10240x48xf32, #tpu.memory_space<vmem_shared>>) target(%arg8 : memref<128x48xf32, #tpu.memory_space<vmem>>) offsets(%dma_start3A_345 : memref<128xi32, #tpu.memory_space<vmem>>) semaphore(%arg14 : memref<!tpu.dma_semaphore, #tpu.memory_space<semaphore_mem>>)
      %dma_wait3A_349 = arith.constant 0 : i32
      %dma_wait3A_350 = arith.constant 0 : i32
      %dma_wait3A_351 = tpu.memref_slice %arg4[%dma_wait3A_349, %dma_wait3A_350] : memref<10240x48xf32, #tpu.memory_space<hbm>> -> memref<128x48xf32, #tpu.memory_space<hbm>>
      %dma_wait3A_352 = arith.constant 0 : i32
      %dma_wait3A_353 = arith.constant 0 : i32
      %dma_wait3A_354 = tpu.memref_slice %arg4[%dma_wait3A_352, %dma_wait3A_353] : memref<10240x48xf32, #tpu.memory_space<hbm>> -> memref<128x48xf32, #tpu.memory_space<hbm>>
      tpu.wait_dma2 semaphore(%arg15 : memref<!tpu.dma_semaphore, #tpu.memory_space<semaphore_mem>>) src(%dma_wait3A_354 : memref<128x48xf32, #tpu.memory_space<hbm>>) dst(%arg9 : memref<128x48xf32, #tpu.memory_space<vmem>>)
      %run_scoped3A_355 = arith.constant 5 : i32
      %run_scoped3A_356 = arith.constant 1 : i32
      "tpu.region"() ({
        %run_scoped3A_397 = tpu.sem_alloc : memref<!tpu.dma_semaphore, #tpu.memory_space<semaphore_mem>>
        %dma_start3A_398 = arith.constant 0 : i32
        %dma_start3A_399 = tpu.memref_slice %arg7[%run_scoped3A_355, %run_scoped3A_356, %dma_start3A_398] : memref<8x2x128xi32, #tpu.memory_space<vmem>> -> memref<1x1x128xi32, #tpu.memory_space<vmem>>
        %dma_start3A_400 = tpu.memref_squeeze %dma_start3A_399 : memref<1x1x128xi32, #tpu.memory_space<vmem>> -> memref<128xi32, #tpu.memory_space<vmem>>
        %dma_start3A_401 = arith.constant 0 : i32
        %dma_start3A_402 = arith.constant 0 : i32
        %dma_start3A_403 = tpu.memref_slice %arg11[%dma_start3A_401, %dma_start3A_402] : memref<10240x48xf32, #tpu.memory_space<vmem_shared>> -> memref<10240x48xf32, #tpu.memory_space<vmem_shared>>
        tpu.enqueue_indirect_dma source(%arg9 : memref<128x48xf32, #tpu.memory_space<vmem>>) target(%dma_start3A_403 : memref<10240x48xf32, #tpu.memory_space<vmem_shared>>) offsets(%dma_start3A_400 : memref<128xi32, #tpu.memory_space<vmem>>) semaphore(%run_scoped3A_397 : memref<!tpu.dma_semaphore, #tpu.memory_space<semaphore_mem>>) {add = true}
        %dma_wait3A_404 = arith.constant 0 : i32
        %dma_wait3A_405 = tpu.memref_slice %arg7[%run_scoped3A_355, %run_scoped3A_356, %dma_wait3A_404] : memref<8x2x128xi32, #tpu.memory_space<vmem>> -> memref<1x1x128xi32, #tpu.memory_space<vmem>>
        %dma_wait3A_406 = tpu.memref_squeeze %dma_wait3A_405 : memref<1x1x128xi32, #tpu.memory_space<vmem>> -> memref<128xi32, #tpu.memory_space<vmem>>
        %dma_wait3A_407 = arith.constant 0 : i32
        %dma_wait3A_408 = arith.constant 0 : i32
        %dma_wait3A_409 = tpu.memref_slice %arg11[%dma_wait3A_407, %dma_wait3A_408] : memref<10240x48xf32, #tpu.memory_space<vmem_shared>> -> memref<10240x48xf32, #tpu.memory_space<vmem_shared>>
        tpu.wait_indirect_dma semaphore(%run_scoped3A_397 : memref<!tpu.dma_semaphore, #tpu.memory_space<semaphore_mem>>) src(%arg9 : memref<128x48xf32, #tpu.memory_space<vmem>>) dst(%dma_wait3A_409 : memref<10240x48xf32, #tpu.memory_space<vmem_shared>>)
        tpu.yield
      }) : () -> ()
      %dma_start3A_357 = arith.constant 7 : i32
      %dma_start3A_358 = arith.constant 0 : i32
      %dma_start3A_359 = arith.constant 0 : i32
      %dma_start3A_360 = tpu.memref_slice %arg7[%dma_start3A_357, %dma_start3A_358, %dma_start3A_359] : memref<8x2x128xi32, #tpu.memory_space<vmem>> -> memref<1x1x128xi32, #tpu.memory_space<vmem>>
      %dma_start3A_361 = tpu.memref_squeeze %dma_start3A_360 : memref<1x1x128xi32, #tpu.memory_space<vmem>> -> memref<128xi32, #tpu.memory_space<vmem>>
      %dma_start3A_362 = arith.constant 0 : i32
      %dma_start3A_363 = arith.constant 0 : i32
      %dma_start3A_364 = tpu.memref_slice %arg10[%dma_start3A_362, %dma_start3A_363] : memref<10240x48xf32, #tpu.memory_space<vmem_shared>> -> memref<10240x48xf32, #tpu.memory_space<vmem_shared>>
      tpu.enqueue_indirect_dma source(%dma_start3A_364 : memref<10240x48xf32, #tpu.memory_space<vmem_shared>>) target(%arg9 : memref<128x48xf32, #tpu.memory_space<vmem>>) offsets(%dma_start3A_361 : memref<128xi32, #tpu.memory_space<vmem>>) semaphore(%arg15 : memref<!tpu.dma_semaphore, #tpu.memory_space<semaphore_mem>>)
      %dma_wait3A_365 = arith.constant 0 : i32
      %dma_wait3A_366 = arith.constant 0 : i32
      %dma_wait3A_367 = tpu.memref_slice %arg4[%dma_wait3A_365, %dma_wait3A_366] : memref<10240x48xf32, #tpu.memory_space<hbm>> -> memref<128x48xf32, #tpu.memory_space<hbm>>
      %dma_wait3A_368 = arith.constant 0 : i32
      %dma_wait3A_369 = arith.constant 0 : i32
      %dma_wait3A_370 = tpu.memref_slice %arg4[%dma_wait3A_368, %dma_wait3A_369] : memref<10240x48xf32, #tpu.memory_space<hbm>> -> memref<128x48xf32, #tpu.memory_space<hbm>>
      tpu.wait_dma2 semaphore(%arg14 : memref<!tpu.dma_semaphore, #tpu.memory_space<semaphore_mem>>) src(%dma_wait3A_370 : memref<128x48xf32, #tpu.memory_space<hbm>>) dst(%arg8 : memref<128x48xf32, #tpu.memory_space<vmem>>)
      %run_scoped3A_371 = arith.constant 6 : i32
      %run_scoped3A_372 = arith.constant 1 : i32
      "tpu.region"() ({
        %run_scoped3A_397 = tpu.sem_alloc : memref<!tpu.dma_semaphore, #tpu.memory_space<semaphore_mem>>
        %dma_start3A_398 = arith.constant 0 : i32
        %dma_start3A_399 = tpu.memref_slice %arg7[%run_scoped3A_371, %run_scoped3A_372, %dma_start3A_398] : memref<8x2x128xi32, #tpu.memory_space<vmem>> -> memref<1x1x128xi32, #tpu.memory_space<vmem>>
        %dma_start3A_400 = tpu.memref_squeeze %dma_start3A_399 : memref<1x1x128xi32, #tpu.memory_space<vmem>> -> memref<128xi32, #tpu.memory_space<vmem>>
        %dma_start3A_401 = arith.constant 0 : i32
        %dma_start3A_402 = arith.constant 0 : i32
        %dma_start3A_403 = tpu.memref_slice %arg11[%dma_start3A_401, %dma_start3A_402] : memref<10240x48xf32, #tpu.memory_space<vmem_shared>> -> memref<10240x48xf32, #tpu.memory_space<vmem_shared>>
        tpu.enqueue_indirect_dma source(%arg8 : memref<128x48xf32, #tpu.memory_space<vmem>>) target(%dma_start3A_403 : memref<10240x48xf32, #tpu.memory_space<vmem_shared>>) offsets(%dma_start3A_400 : memref<128xi32, #tpu.memory_space<vmem>>) semaphore(%run_scoped3A_397 : memref<!tpu.dma_semaphore, #tpu.memory_space<semaphore_mem>>) {add = true}
        %dma_wait3A_404 = arith.constant 0 : i32
        %dma_wait3A_405 = tpu.memref_slice %arg7[%run_scoped3A_371, %run_scoped3A_372, %dma_wait3A_404] : memref<8x2x128xi32, #tpu.memory_space<vmem>> -> memref<1x1x128xi32, #tpu.memory_space<vmem>>
        %dma_wait3A_406 = tpu.memref_squeeze %dma_wait3A_405 : memref<1x1x128xi32, #tpu.memory_space<vmem>> -> memref<128xi32, #tpu.memory_space<vmem>>
        %dma_wait3A_407 = arith.constant 0 : i32
        %dma_wait3A_408 = arith.constant 0 : i32
        %dma_wait3A_409 = tpu.memref_slice %arg11[%dma_wait3A_407, %dma_wait3A_408] : memref<10240x48xf32, #tpu.memory_space<vmem_shared>> -> memref<10240x48xf32, #tpu.memory_space<vmem_shared>>
        tpu.wait_indirect_dma semaphore(%run_scoped3A_397 : memref<!tpu.dma_semaphore, #tpu.memory_space<semaphore_mem>>) src(%arg8 : memref<128x48xf32, #tpu.memory_space<vmem>>) dst(%dma_wait3A_409 : memref<10240x48xf32, #tpu.memory_space<vmem_shared>>)
        tpu.yield
      }) : () -> ()
      %lt3A_373 = arith.constant 4 : i32
      %lt3A_374 = arith.cmpi slt, %scan3A_118, %lt3A_373 : i32
      %convert_element_type3A_375 = arith.extui %lt3A_374 : i1 to i32
      %cond3A_376 = arith.constant 0 : i32
      %cond3A_377 = arith.cmpi ne, %convert_element_type3A_375, %cond3A_376 : i32
      scf.if %cond3A_377 {
        %dma_wait3A_397 = arith.constant 0 : i32
        %dma_wait3A_398 = arith.constant 0 : i32
        %dma_wait3A_399 = arith.constant 0 : i32
        %dma_wait3A_400 = arith.constant 0 : i32
        %dma_wait3A_401 = tpu.memref_slice %arg3[%add3A, %dma_wait3A_397, %dma_wait3A_398, %dma_wait3A_399, %dma_wait3A_400] : memref<32x10x8x2x128xi32, #tpu.memory_space<hbm>> -> memref<1x1x8x2x128xi32, #tpu.memory_space<hbm>>
        %dma_wait3A_402 = tpu.memref_squeeze %dma_wait3A_401 : memref<1x1x8x2x128xi32, #tpu.memory_space<hbm>> -> memref<8x2x128xi32, #tpu.memory_space<hbm>>
        %dma_wait3A_403 = arith.constant 0 : i32
        %dma_wait3A_404 = arith.constant 0 : i32
        %dma_wait3A_405 = arith.constant 0 : i32
        %dma_wait3A_406 = tpu.memref_slice %arg3[%add3A, %dma_wait3A_397, %dma_wait3A_403, %dma_wait3A_404, %dma_wait3A_405] : memref<32x10x8x2x128xi32, #tpu.memory_space<hbm>> -> memref<1x1x8x2x128xi32, #tpu.memory_space<hbm>>
        %dma_wait3A_407 = tpu.memref_squeeze %dma_wait3A_406 : memref<1x1x8x2x128xi32, #tpu.memory_space<hbm>> -> memref<8x2x128xi32, #tpu.memory_space<hbm>>
        tpu.wait_dma2 semaphore(%arg12 : memref<!tpu.dma_semaphore, #tpu.memory_space<semaphore_mem>>) src(%dma_wait3A_407 : memref<8x2x128xi32, #tpu.memory_space<hbm>>) dst(%arg6 : memref<8x2x128xi32, #tpu.memory_space<vmem>>)
        %dma_start3A_408 = arith.constant 0 : i32
        %dma_start3A_409 = arith.constant 0 : i32
        %dma_start3A_410 = arith.constant 0 : i32
        %dma_start3A_411 = tpu.memref_slice %arg6[%dma_start3A_408, %dma_start3A_409, %dma_start3A_410] : memref<8x2x128xi32, #tpu.memory_space<vmem>> -> memref<1x1x128xi32, #tpu.memory_space<vmem>>
        %dma_start3A_412 = tpu.memref_squeeze %dma_start3A_411 : memref<1x1x128xi32, #tpu.memory_space<vmem>> -> memref<128xi32, #tpu.memory_space<vmem>>
        %dma_start3A_413 = arith.constant 0 : i32
        %dma_start3A_414 = arith.constant 0 : i32
        %dma_start3A_415 = tpu.memref_slice %arg10[%dma_start3A_413, %dma_start3A_414] : memref<10240x48xf32, #tpu.memory_space<vmem_shared>> -> memref<10240x48xf32, #tpu.memory_space<vmem_shared>>
        tpu.enqueue_indirect_dma source(%dma_start3A_415 : memref<10240x48xf32, #tpu.memory_space<vmem_shared>>) target(%arg8 : memref<128x48xf32, #tpu.memory_space<vmem>>) offsets(%dma_start3A_412 : memref<128xi32, #tpu.memory_space<vmem>>) semaphore(%arg14 : memref<!tpu.dma_semaphore, #tpu.memory_space<semaphore_mem>>)
      } else {
      }
      %dma_wait3A_378 = arith.constant 0 : i32
      %dma_wait3A_379 = arith.constant 0 : i32
      %dma_wait3A_380 = tpu.memref_slice %arg4[%dma_wait3A_378, %dma_wait3A_379] : memref<10240x48xf32, #tpu.memory_space<hbm>> -> memref<128x48xf32, #tpu.memory_space<hbm>>
      %dma_wait3A_381 = arith.constant 0 : i32
      %dma_wait3A_382 = arith.constant 0 : i32
      %dma_wait3A_383 = tpu.memref_slice %arg4[%dma_wait3A_381, %dma_wait3A_382] : memref<10240x48xf32, #tpu.memory_space<hbm>> -> memref<128x48xf32, #tpu.memory_space<hbm>>
      tpu.wait_dma2 semaphore(%arg15 : memref<!tpu.dma_semaphore, #tpu.memory_space<semaphore_mem>>) src(%dma_wait3A_383 : memref<128x48xf32, #tpu.memory_space<hbm>>) dst(%arg9 : memref<128x48xf32, #tpu.memory_space<vmem>>)
      %run_scoped3A_384 = arith.constant 7 : i32
      %run_scoped3A_385 = arith.constant 1 : i32
      "tpu.region"() ({
        %run_scoped3A_397 = tpu.sem_alloc : memref<!tpu.dma_semaphore, #tpu.memory_space<semaphore_mem>>
        %dma_start3A_398 = arith.constant 0 : i32
        %dma_start3A_399 = tpu.memref_slice %arg7[%run_scoped3A_384, %run_scoped3A_385, %dma_start3A_398] : memref<8x2x128xi32, #tpu.memory_space<vmem>> -> memref<1x1x128xi32, #tpu.memory_space<vmem>>
        %dma_start3A_400 = tpu.memref_squeeze %dma_start3A_399 : memref<1x1x128xi32, #tpu.memory_space<vmem>> -> memref<128xi32, #tpu.memory_space<vmem>>
        %dma_start3A_401 = arith.constant 0 : i32
        %dma_start3A_402 = arith.constant 0 : i32
        %dma_start3A_403 = tpu.memref_slice %arg11[%dma_start3A_401, %dma_start3A_402] : memref<10240x48xf32, #tpu.memory_space<vmem_shared>> -> memref<10240x48xf32, #tpu.memory_space<vmem_shared>>
        tpu.enqueue_indirect_dma source(%arg9 : memref<128x48xf32, #tpu.memory_space<vmem>>) target(%dma_start3A_403 : memref<10240x48xf32, #tpu.memory_space<vmem_shared>>) offsets(%dma_start3A_400 : memref<128xi32, #tpu.memory_space<vmem>>) semaphore(%run_scoped3A_397 : memref<!tpu.dma_semaphore, #tpu.memory_space<semaphore_mem>>) {add = true}
        %dma_wait3A_404 = arith.constant 0 : i32
        %dma_wait3A_405 = tpu.memref_slice %arg7[%run_scoped3A_384, %run_scoped3A_385, %dma_wait3A_404] : memref<8x2x128xi32, #tpu.memory_space<vmem>> -> memref<1x1x128xi32, #tpu.memory_space<vmem>>
        %dma_wait3A_406 = tpu.memref_squeeze %dma_wait3A_405 : memref<1x1x128xi32, #tpu.memory_space<vmem>> -> memref<128xi32, #tpu.memory_space<vmem>>
        %dma_wait3A_407 = arith.constant 0 : i32
        %dma_wait3A_408 = arith.constant 0 : i32
        %dma_wait3A_409 = tpu.memref_slice %arg11[%dma_wait3A_407, %dma_wait3A_408] : memref<10240x48xf32, #tpu.memory_space<vmem_shared>> -> memref<10240x48xf32, #tpu.memory_space<vmem_shared>>
        tpu.wait_indirect_dma semaphore(%run_scoped3A_397 : memref<!tpu.dma_semaphore, #tpu.memory_space<semaphore_mem>>) src(%arg9 : memref<128x48xf32, #tpu.memory_space<vmem>>) dst(%dma_wait3A_409 : memref<10240x48xf32, #tpu.memory_space<vmem_shared>>)
        tpu.yield
      }) : () -> ()
      %lt3A_386 = arith.constant 4 : i32
      %lt3A_387 = arith.cmpi slt, %scan3A_118, %lt3A_386 : i32
      %convert_element_type3A_388 = arith.extui %lt3A_387 : i1 to i32
      %cond3A_389 = arith.constant 0 : i32
      %cond3A_390 = arith.cmpi ne, %convert_element_type3A_388, %cond3A_389 : i32
      scf.if %cond3A_390 {
        %dma_start3A_397 = arith.constant 1 : i32
        %dma_start3A_398 = arith.constant 0 : i32
        %dma_start3A_399 = arith.constant 0 : i32
        %dma_start3A_400 = tpu.memref_slice %arg6[%dma_start3A_397, %dma_start3A_398, %dma_start3A_399] : memref<8x2x128xi32, #tpu.memory_space<vmem>> -> memref<1x1x128xi32, #tpu.memory_space<vmem>>
        %dma_start3A_401 = tpu.memref_squeeze %dma_start3A_400 : memref<1x1x128xi32, #tpu.memory_space<vmem>> -> memref<128xi32, #tpu.memory_space<vmem>>
        %dma_start3A_402 = arith.constant 0 : i32
        %dma_start3A_403 = arith.constant 0 : i32
        %dma_start3A_404 = tpu.memref_slice %arg10[%dma_start3A_402, %dma_start3A_403] : memref<10240x48xf32, #tpu.memory_space<vmem_shared>> -> memref<10240x48xf32, #tpu.memory_space<vmem_shared>>
        tpu.enqueue_indirect_dma source(%dma_start3A_404 : memref<10240x48xf32, #tpu.memory_space<vmem_shared>>) target(%arg9 : memref<128x48xf32, #tpu.memory_space<vmem>>) offsets(%dma_start3A_401 : memref<128xi32, #tpu.memory_space<vmem>>) semaphore(%arg15 : memref<!tpu.dma_semaphore, #tpu.memory_space<semaphore_mem>>)
      } else {
      }
      %lt3A_391 = arith.constant 4 : i32
      %lt3A_392 = arith.cmpi slt, %scan3A_118, %lt3A_391 : i32
      %convert_element_type3A_393 = arith.extui %lt3A_392 : i1 to i32
      %cond3A_394 = arith.constant 0 : i32
      %cond3A_395 = arith.cmpi ne, %convert_element_type3A_393, %cond3A_394 : i32
      scf.if %cond3A_395 {
        %add3A_397 = arith.constant 2 : i32
        %add3A_398 = arith.addi %add3A_268, %add3A_397 : i32
        %dma_start3A_399 = arith.constant 0 : i32
        %dma_start3A_400 = arith.constant 0 : i32
        %dma_start3A_401 = arith.constant 0 : i32
        %dma_start3A_402 = tpu.memref_slice %arg3[%add3A, %add3A_398, %dma_start3A_399, %dma_start3A_400, %dma_start3A_401] : memref<32x10x8x2x128xi32, #tpu.memory_space<hbm>> -> memref<1x1x8x2x128xi32, #tpu.memory_space<hbm>>
        %dma_start3A_403 = tpu.memref_squeeze %dma_start3A_402 : memref<1x1x8x2x128xi32, #tpu.memory_space<hbm>> -> memref<8x2x128xi32, #tpu.memory_space<hbm>>
        %dma_start3A_404 = arith.constant 0 : i32
        %dma_start3A_405 = arith.constant 0 : i32
        %dma_start3A_406 = arith.constant 0 : i32
        %dma_start3A_407 = tpu.memref_slice %arg3[%add3A, %add3A_398, %dma_start3A_404, %dma_start3A_405, %dma_start3A_406] : memref<32x10x8x2x128xi32, #tpu.memory_space<hbm>> -> memref<1x1x8x2x128xi32, #tpu.memory_space<hbm>>
        %dma_start3A_408 = tpu.memref_squeeze %dma_start3A_407 : memref<1x1x8x2x128xi32, #tpu.memory_space<hbm>> -> memref<8x2x128xi32, #tpu.memory_space<hbm>>
        tpu.enqueue_dma source(%dma_start3A_408 : memref<8x2x128xi32, #tpu.memory_space<hbm>>) target(%arg7 : memref<8x2x128xi32, #tpu.memory_space<vmem>>) target_semaphore(%arg13 : memref<!tpu.dma_semaphore, #tpu.memory_space<semaphore_mem>>)
      } else {
      }
      %scan3A_396 = arith.constant 0 : i32
      scf.yield %scan3A_396 : i32
    }
    %scan3A_55 = arith.constant 5 : i32
    %barrier3A_56 = arith.constant 0 : index
    tpu.barrier barrier_id(%barrier3A_56)
    %run_scoped3A_57 = arith.constant 0 : i32
    "tpu.region"() ({
      %run_scoped3A_118 = tpu.sem_alloc : memref<!tpu.dma_semaphore, #tpu.memory_space<semaphore_mem>>
      %dma_start3A_119 = arith.constant 0 : i32
      %dma_start3A_120 = tpu.memref_slice %arg5[%arg0, %run_scoped3A_57, %mul3A_2, %dma_start3A_119] : memref<2x2x10240x48xf32, #tpu.memory_space<hbm>> -> memref<1x1x640x48xf32, #tpu.memory_space<hbm>>
      %dma_start3A_121 = tpu.memref_squeeze %dma_start3A_120 : memref<1x1x640x48xf32, #tpu.memory_space<hbm>> -> memref<640x48xf32, #tpu.memory_space<hbm>>
      %dma_start3A_122 = arith.constant 0 : i32
      %dma_start3A_123 = tpu.memref_slice %arg11[%mul3A_2, %dma_start3A_122] : memref<10240x48xf32, #tpu.memory_space<vmem_shared>> -> memref<640x48xf32, #tpu.memory_space<vmem_shared>>
      tpu.enqueue_dma source(%dma_start3A_123 : memref<640x48xf32, #tpu.memory_space<vmem_shared>>) target(%dma_start3A_121 : memref<640x48xf32, #tpu.memory_space<hbm>>) target_semaphore(%run_scoped3A_118 : memref<!tpu.dma_semaphore, #tpu.memory_space<semaphore_mem>>)
      %dma_wait3A_124 = arith.constant 0 : i32
      %dma_wait3A_125 = tpu.memref_slice %arg5[%arg0, %run_scoped3A_57, %mul3A_2, %dma_wait3A_124] : memref<2x2x10240x48xf32, #tpu.memory_space<hbm>> -> memref<1x1x640x48xf32, #tpu.memory_space<hbm>>
      %dma_wait3A_126 = tpu.memref_squeeze %dma_wait3A_125 : memref<1x1x640x48xf32, #tpu.memory_space<hbm>> -> memref<640x48xf32, #tpu.memory_space<hbm>>
      %dma_wait3A_127 = arith.constant 0 : i32
      %dma_wait3A_128 = tpu.memref_slice %arg11[%mul3A_2, %dma_wait3A_127] : memref<10240x48xf32, #tpu.memory_space<vmem_shared>> -> memref<640x48xf32, #tpu.memory_space<vmem_shared>>
      tpu.wait_dma2 semaphore(%run_scoped3A_118 : memref<!tpu.dma_semaphore, #tpu.memory_space<semaphore_mem>>) src(%dma_wait3A_128 : memref<640x48xf32, #tpu.memory_space<vmem_shared>>) dst(%dma_wait3A_126 : memref<640x48xf32, #tpu.memory_space<hbm>>)
      tpu.yield
    }) : () -> ()
    "tpu.region"() ({
      %run_scoped3A_118 = tpu.sem_alloc : memref<!tpu.dma_semaphore, #tpu.memory_space<semaphore_mem>>
      %dma_start3A_119 = arith.constant 0 : i32
      %dma_start3A_120 = tpu.memref_slice %arg11[%mul3A_2, %dma_start3A_119] : memref<10240x48xf32, #tpu.memory_space<vmem_shared>> -> memref<640x48xf32, #tpu.memory_space<vmem_shared>>
      %dma_start3A_121 = arith.constant 0 : i32
      %dma_start3A_122 = tpu.memref_slice %arg4[%mul3A_2, %dma_start3A_121] : memref<10240x48xf32, #tpu.memory_space<hbm>> -> memref<640x48xf32, #tpu.memory_space<hbm>>
      tpu.enqueue_dma source(%dma_start3A_122 : memref<640x48xf32, #tpu.memory_space<hbm>>) target(%dma_start3A_120 : memref<640x48xf32, #tpu.memory_space<vmem_shared>>) target_semaphore(%run_scoped3A_118 : memref<!tpu.dma_semaphore, #tpu.memory_space<semaphore_mem>>)
      %dma_wait3A_123 = arith.constant 0 : i32
      %dma_wait3A_124 = tpu.memref_slice %arg11[%mul3A_2, %dma_wait3A_123] : memref<10240x48xf32, #tpu.memory_space<vmem_shared>> -> memref<640x48xf32, #tpu.memory_space<vmem_shared>>
      %dma_wait3A_125 = arith.constant 0 : i32
      %dma_wait3A_126 = tpu.memref_slice %arg4[%mul3A_2, %dma_wait3A_125] : memref<10240x48xf32, #tpu.memory_space<hbm>> -> memref<640x48xf32, #tpu.memory_space<hbm>>
      tpu.wait_dma2 semaphore(%run_scoped3A_118 : memref<!tpu.dma_semaphore, #tpu.memory_space<semaphore_mem>>) src(%dma_wait3A_126 : memref<640x48xf32, #tpu.memory_space<hbm>>) dst(%dma_wait3A_124 : memref<640x48xf32, #tpu.memory_space<vmem_shared>>)
      tpu.yield
    }) : () -> ()
    %run_scoped3A_58 = arith.constant 1 : i32
    "tpu.region"() ({
      %run_scoped3A_118 = tpu.sem_alloc : memref<!tpu.dma_semaphore, #tpu.memory_space<semaphore_mem>>
      %dma_start3A_119 = arith.constant 0 : i32
      %dma_start3A_120 = tpu.memref_slice %arg10[%mul3A_2, %dma_start3A_119] : memref<10240x48xf32, #tpu.memory_space<vmem_shared>> -> memref<640x48xf32, #tpu.memory_space<vmem_shared>>
      %dma_start3A_121 = arith.constant 0 : i32
      %dma_start3A_122 = tpu.memref_slice %arg2[%run_scoped3A_58, %mul3A_2, %dma_start3A_121] : memref<2x10240x48xf32, #tpu.memory_space<hbm>> -> memref<1x640x48xf32, #tpu.memory_space<hbm>>
      %dma_start3A_123 = tpu.memref_squeeze %dma_start3A_122 : memref<1x640x48xf32, #tpu.memory_space<hbm>> -> memref<640x48xf32, #tpu.memory_space<hbm>>
      tpu.enqueue_dma source(%dma_start3A_123 : memref<640x48xf32, #tpu.memory_space<hbm>>) target(%dma_start3A_120 : memref<640x48xf32, #tpu.memory_space<vmem_shared>>) target_semaphore(%run_scoped3A_118 : memref<!tpu.dma_semaphore, #tpu.memory_space<semaphore_mem>>)
      %dma_wait3A_124 = arith.constant 0 : i32
      %dma_wait3A_125 = tpu.memref_slice %arg10[%mul3A_2, %dma_wait3A_124] : memref<10240x48xf32, #tpu.memory_space<vmem_shared>> -> memref<640x48xf32, #tpu.memory_space<vmem_shared>>
      %dma_wait3A_126 = arith.constant 0 : i32
      %dma_wait3A_127 = tpu.memref_slice %arg2[%run_scoped3A_58, %mul3A_2, %dma_wait3A_126] : memref<2x10240x48xf32, #tpu.memory_space<hbm>> -> memref<1x640x48xf32, #tpu.memory_space<hbm>>
      %dma_wait3A_128 = tpu.memref_squeeze %dma_wait3A_127 : memref<1x640x48xf32, #tpu.memory_space<hbm>> -> memref<640x48xf32, #tpu.memory_space<hbm>>
      tpu.wait_dma2 semaphore(%run_scoped3A_118 : memref<!tpu.dma_semaphore, #tpu.memory_space<semaphore_mem>>) src(%dma_wait3A_128 : memref<640x48xf32, #tpu.memory_space<hbm>>) dst(%dma_wait3A_125 : memref<640x48xf32, #tpu.memory_space<vmem_shared>>)
      tpu.yield
    }) : () -> ()
    %dma_start3A_59 = arith.constant 0 : i32
    %dma_start3A_60 = arith.constant 0 : i32
    %dma_start3A_61 = arith.constant 0 : i32
    %dma_start3A_62 = arith.constant 0 : i32
    %dma_start3A_63 = tpu.memref_slice %arg3[%add3A, %dma_start3A_59, %dma_start3A_60, %dma_start3A_61, %dma_start3A_62] : memref<32x10x8x2x128xi32, #tpu.memory_space<hbm>> -> memref<1x1x8x2x128xi32, #tpu.memory_space<hbm>>
    %dma_start3A_64 = tpu.memref_squeeze %dma_start3A_63 : memref<1x1x8x2x128xi32, #tpu.memory_space<hbm>> -> memref<8x2x128xi32, #tpu.memory_space<hbm>>
    %dma_start3A_65 = arith.constant 0 : i32
    %dma_start3A_66 = arith.constant 0 : i32
    %dma_start3A_67 = arith.constant 0 : i32
    %dma_start3A_68 = tpu.memref_slice %arg3[%add3A, %dma_start3A_59, %dma_start3A_65, %dma_start3A_66, %dma_start3A_67] : memref<32x10x8x2x128xi32, #tpu.memory_space<hbm>> -> memref<1x1x8x2x128xi32, #tpu.memory_space<hbm>>
    %dma_start3A_69 = tpu.memref_squeeze %dma_start3A_68 : memref<1x1x8x2x128xi32, #tpu.memory_space<hbm>> -> memref<8x2x128xi32, #tpu.memory_space<hbm>>
    tpu.enqueue_dma source(%dma_start3A_69 : memref<8x2x128xi32, #tpu.memory_space<hbm>>) target(%arg6 : memref<8x2x128xi32, #tpu.memory_space<vmem>>) target_semaphore(%arg12 : memref<!tpu.dma_semaphore, #tpu.memory_space<semaphore_mem>>)
    %dma_start3A_70 = arith.constant 1 : i32
    %dma_start3A_71 = arith.constant 0 : i32
    %dma_start3A_72 = arith.constant 0 : i32
    %dma_start3A_73 = arith.constant 0 : i32
    %dma_start3A_74 = tpu.memref_slice %arg3[%add3A, %dma_start3A_70, %dma_start3A_71, %dma_start3A_72, %dma_start3A_73] : memref<32x10x8x2x128xi32, #tpu.memory_space<hbm>> -> memref<1x1x8x2x128xi32, #tpu.memory_space<hbm>>
    %dma_start3A_75 = tpu.memref_squeeze %dma_start3A_74 : memref<1x1x8x2x128xi32, #tpu.memory_space<hbm>> -> memref<8x2x128xi32, #tpu.memory_space<hbm>>
    %dma_start3A_76 = arith.constant 0 : i32
    %dma_start3A_77 = arith.constant 0 : i32
    %dma_start3A_78 = arith.constant 0 : i32
    %dma_start3A_79 = tpu.memref_slice %arg3[%add3A, %dma_start3A_70, %dma_start3A_76, %dma_start3A_77, %dma_start3A_78] : memref<32x10x8x2x128xi32, #tpu.memory_space<hbm>> -> memref<1x1x8x2x128xi32, #tpu.memory_space<hbm>>
    %dma_start3A_80 = tpu.memref_squeeze %dma_start3A_79 : memref<1x1x8x2x128xi32, #tpu.memory_space<hbm>> -> memref<8x2x128xi32, #tpu.memory_space<hbm>>
    tpu.enqueue_dma source(%dma_start3A_80 : memref<8x2x128xi32, #tpu.memory_space<hbm>>) target(%arg7 : memref<8x2x128xi32, #tpu.memory_space<vmem>>) target_semaphore(%arg13 : memref<!tpu.dma_semaphore, #tpu.memory_space<semaphore_mem>>)
    %barrier3A_81 = arith.constant 0 : index
    tpu.barrier barrier_id(%barrier3A_81)
    %dma_wait3A_82 = arith.constant 0 : i32
    %dma_wait3A_83 = arith.constant 0 : i32
    %dma_wait3A_84 = arith.constant 0 : i32
    %dma_wait3A_85 = arith.constant 0 : i32
    %dma_wait3A_86 = tpu.memref_slice %arg3[%add3A, %dma_wait3A_82, %dma_wait3A_83, %dma_wait3A_84, %dma_wait3A_85] : memref<32x10x8x2x128xi32, #tpu.memory_space<hbm>> -> memref<1x1x8x2x128xi32, #tpu.memory_space<hbm>>
    %dma_wait3A_87 = tpu.memref_squeeze %dma_wait3A_86 : memref<1x1x8x2x128xi32, #tpu.memory_space<hbm>> -> memref<8x2x128xi32, #tpu.memory_space<hbm>>
    %dma_wait3A_88 = arith.constant 0 : i32
    %dma_wait3A_89 = arith.constant 0 : i32
    %dma_wait3A_90 = arith.constant 0 : i32
    %dma_wait3A_91 = tpu.memref_slice %arg3[%add3A, %dma_wait3A_82, %dma_wait3A_88, %dma_wait3A_89, %dma_wait3A_90] : memref<32x10x8x2x128xi32, #tpu.memory_space<hbm>> -> memref<1x1x8x2x128xi32, #tpu.memory_space<hbm>>
    %dma_wait3A_92 = tpu.memref_squeeze %dma_wait3A_91 : memref<1x1x8x2x128xi32, #tpu.memory_space<hbm>> -> memref<8x2x128xi32, #tpu.memory_space<hbm>>
    tpu.wait_dma2 semaphore(%arg12 : memref<!tpu.dma_semaphore, #tpu.memory_space<semaphore_mem>>) src(%dma_wait3A_92 : memref<8x2x128xi32, #tpu.memory_space<hbm>>) dst(%arg6 : memref<8x2x128xi32, #tpu.memory_space<vmem>>)
    %dma_start3A_93 = arith.constant 0 : i32
    %dma_start3A_94 = arith.constant 0 : i32
    %dma_start3A_95 = arith.constant 0 : i32
    %dma_start3A_96 = tpu.memref_slice %arg6[%dma_start3A_93, %dma_start3A_94, %dma_start3A_95] : memref<8x2x128xi32, #tpu.memory_space<vmem>> -> memref<1x1x128xi32, #tpu.memory_space<vmem>>
    %dma_start3A_97 = tpu.memref_squeeze %dma_start3A_96 : memref<1x1x128xi32, #tpu.memory_space<vmem>> -> memref<128xi32, #tpu.memory_space<vmem>>
    %dma_start3A_98 = arith.constant 0 : i32
    %dma_start3A_99 = arith.constant 0 : i32
    %dma_start3A_100 = tpu.memref_slice %arg10[%dma_start3A_98, %dma_start3A_99] : memref<10240x48xf32, #tpu.memory_space<vmem_shared>> -> memref<10240x48xf32, #tpu.memory_space<vmem_shared>>
    tpu.enqueue_indirect_dma source(%dma_start3A_100 : memref<10240x48xf32, #tpu.memory_space<vmem_shared>>) target(%arg8 : memref<128x48xf32, #tpu.memory_space<vmem>>) offsets(%dma_start3A_97 : memref<128xi32, #tpu.memory_space<vmem>>) semaphore(%arg14 : memref<!tpu.dma_semaphore, #tpu.memory_space<semaphore_mem>>)
    %dma_start3A_101 = arith.constant 1 : i32
    %dma_start3A_102 = arith.constant 0 : i32
    %dma_start3A_103 = arith.constant 0 : i32
    %dma_start3A_104 = tpu.memref_slice %arg6[%dma_start3A_101, %dma_start3A_102, %dma_start3A_103] : memref<8x2x128xi32, #tpu.memory_space<vmem>> -> memref<1x1x128xi32, #tpu.memory_space<vmem>>
    %dma_start3A_105 = tpu.memref_squeeze %dma_start3A_104 : memref<1x1x128xi32, #tpu.memory_space<vmem>> -> memref<128xi32, #tpu.memory_space<vmem>>
    %dma_start3A_106 = arith.constant 0 : i32
    %dma_start3A_107 = arith.constant 0 : i32
    %dma_start3A_108 = tpu.memref_slice %arg10[%dma_start3A_106, %dma_start3A_107] : memref<10240x48xf32, #tpu.memory_space<vmem_shared>> -> memref<10240x48xf32, #tpu.memory_space<vmem_shared>>
    tpu.enqueue_indirect_dma source(%dma_start3A_108 : memref<10240x48xf32, #tpu.memory_space<vmem_shared>>) target(%arg9 : memref<128x48xf32, #tpu.memory_space<vmem>>) offsets(%dma_start3A_105 : memref<128xi32, #tpu.memory_space<vmem>>) semaphore(%arg15 : memref<!tpu.dma_semaphore, #tpu.memory_space<semaphore_mem>>)
    %scan3A_109 = arith.constant 0 : i32
    %scan3A_110 = arith.constant 0 : i32
    %scan3A_111 = arith.constant 5 : i32
    %scan3A_112 = arith.addi %scan3A_110, %scan3A_111 : i32
    %scan3A_113 = arith.constant 1 : i32
    %scan3A_114 = scf.for %scan3A_118 = %scan3A_110 to %scan3A_112 step %scan3A_113 iter_args(%scan3A_119 = %scan3A_109) -> (i32)  : i32 {
      %mul3A_120 = arith.constant 2 : i32
      %mul3A_121 = arith.muli %scan3A_118, %mul3A_120 : i32
      %add3A_122 = arith.constant 0 : i32
      %add3A_123 = arith.addi %mul3A_121, %add3A_122 : i32
      %dma_wait3A_124 = arith.constant 0 : i32
      %dma_wait3A_125 = arith.constant 0 : i32
      %dma_wait3A_126 = tpu.memref_slice %arg4[%dma_wait3A_124, %dma_wait3A_125] : memref<10240x48xf32, #tpu.memory_space<hbm>> -> memref<128x48xf32, #tpu.memory_space<hbm>>
      %dma_wait3A_127 = arith.constant 0 : i32
      %dma_wait3A_128 = arith.constant 0 : i32
      %dma_wait3A_129 = tpu.memref_slice %arg4[%dma_wait3A_127, %dma_wait3A_128] : memref<10240x48xf32, #tpu.memory_space<hbm>> -> memref<128x48xf32, #tpu.memory_space<hbm>>
      tpu.wait_dma2 semaphore(%arg14 : memref<!tpu.dma_semaphore, #tpu.memory_space<semaphore_mem>>) src(%dma_wait3A_129 : memref<128x48xf32, #tpu.memory_space<hbm>>) dst(%arg8 : memref<128x48xf32, #tpu.memory_space<vmem>>)
      %run_scoped3A_130 = arith.constant 0 : i32
      %run_scoped3A_131 = arith.constant 1 : i32
      "tpu.region"() ({
        %run_scoped3A_397 = tpu.sem_alloc : memref<!tpu.dma_semaphore, #tpu.memory_space<semaphore_mem>>
        %dma_start3A_398 = arith.constant 0 : i32
        %dma_start3A_399 = tpu.memref_slice %arg6[%run_scoped3A_130, %run_scoped3A_131, %dma_start3A_398] : memref<8x2x128xi32, #tpu.memory_space<vmem>> -> memref<1x1x128xi32, #tpu.memory_space<vmem>>
        %dma_start3A_400 = tpu.memref_squeeze %dma_start3A_399 : memref<1x1x128xi32, #tpu.memory_space<vmem>> -> memref<128xi32, #tpu.memory_space<vmem>>
        %dma_start3A_401 = arith.constant 0 : i32
        %dma_start3A_402 = arith.constant 0 : i32
        %dma_start3A_403 = tpu.memref_slice %arg11[%dma_start3A_401, %dma_start3A_402] : memref<10240x48xf32, #tpu.memory_space<vmem_shared>> -> memref<10240x48xf32, #tpu.memory_space<vmem_shared>>
        tpu.enqueue_indirect_dma source(%arg8 : memref<128x48xf32, #tpu.memory_space<vmem>>) target(%dma_start3A_403 : memref<10240x48xf32, #tpu.memory_space<vmem_shared>>) offsets(%dma_start3A_400 : memref<128xi32, #tpu.memory_space<vmem>>) semaphore(%run_scoped3A_397 : memref<!tpu.dma_semaphore, #tpu.memory_space<semaphore_mem>>) {add = true}
        %dma_wait3A_404 = arith.constant 0 : i32
        %dma_wait3A_405 = tpu.memref_slice %arg6[%run_scoped3A_130, %run_scoped3A_131, %dma_wait3A_404] : memref<8x2x128xi32, #tpu.memory_space<vmem>> -> memref<1x1x128xi32, #tpu.memory_space<vmem>>
        %dma_wait3A_406 = tpu.memref_squeeze %dma_wait3A_405 : memref<1x1x128xi32, #tpu.memory_space<vmem>> -> memref<128xi32, #tpu.memory_space<vmem>>
        %dma_wait3A_407 = arith.constant 0 : i32
        %dma_wait3A_408 = arith.constant 0 : i32
        %dma_wait3A_409 = tpu.memref_slice %arg11[%dma_wait3A_407, %dma_wait3A_408] : memref<10240x48xf32, #tpu.memory_space<vmem_shared>> -> memref<10240x48xf32, #tpu.memory_space<vmem_shared>>
        tpu.wait_indirect_dma semaphore(%run_scoped3A_397 : memref<!tpu.dma_semaphore, #tpu.memory_space<semaphore_mem>>) src(%arg8 : memref<128x48xf32, #tpu.memory_space<vmem>>) dst(%dma_wait3A_409 : memref<10240x48xf32, #tpu.memory_space<vmem_shared>>)
        tpu.yield
      }) : () -> ()
      %dma_start3A_132 = arith.constant 2 : i32
      %dma_start3A_133 = arith.constant 0 : i32
      %dma_start3A_134 = arith.constant 0 : i32
      %dma_start3A_135 = tpu.memref_slice %arg6[%dma_start3A_132, %dma_start3A_133, %dma_start3A_134] : memref<8x2x128xi32, #tpu.memory_space<vmem>> -> memref<1x1x128xi32, #tpu.memory_space<vmem>>
      %dma_start3A_136 = tpu.memref_squeeze %dma_start3A_135 : memref<1x1x128xi32, #tpu.memory_space<vmem>> -> memref<128xi32, #tpu.memory_space<vmem>>
      %dma_start3A_137 = arith.constant 0 : i32
      %dma_start3A_138 = arith.constant 0 : i32
      %dma_start3A_139 = tpu.memref_slice %arg10[%dma_start3A_137, %dma_start3A_138] : memref<10240x48xf32, #tpu.memory_space<vmem_shared>> -> memref<10240x48xf32, #tpu.memory_space<vmem_shared>>
      tpu.enqueue_indirect_dma source(%dma_start3A_139 : memref<10240x48xf32, #tpu.memory_space<vmem_shared>>) target(%arg8 : memref<128x48xf32, #tpu.memory_space<vmem>>) offsets(%dma_start3A_136 : memref<128xi32, #tpu.memory_space<vmem>>) semaphore(%arg14 : memref<!tpu.dma_semaphore, #tpu.memory_space<semaphore_mem>>)
      %dma_wait3A_140 = arith.constant 0 : i32
      %dma_wait3A_141 = arith.constant 0 : i32
      %dma_wait3A_142 = tpu.memref_slice %arg4[%dma_wait3A_140, %dma_wait3A_141] : memref<10240x48xf32, #tpu.memory_space<hbm>> -> memref<128x48xf32, #tpu.memory_space<hbm>>
      %dma_wait3A_143 = arith.constant 0 : i32
      %dma_wait3A_144 = arith.constant 0 : i32
      %dma_wait3A_145 = tpu.memref_slice %arg4[%dma_wait3A_143, %dma_wait3A_144] : memref<10240x48xf32, #tpu.memory_space<hbm>> -> memref<128x48xf32, #tpu.memory_space<hbm>>
      tpu.wait_dma2 semaphore(%arg15 : memref<!tpu.dma_semaphore, #tpu.memory_space<semaphore_mem>>) src(%dma_wait3A_145 : memref<128x48xf32, #tpu.memory_space<hbm>>) dst(%arg9 : memref<128x48xf32, #tpu.memory_space<vmem>>)
      %run_scoped3A_146 = arith.constant 1 : i32
      %run_scoped3A_147 = arith.constant 1 : i32
      "tpu.region"() ({
        %run_scoped3A_397 = tpu.sem_alloc : memref<!tpu.dma_semaphore, #tpu.memory_space<semaphore_mem>>
        %dma_start3A_398 = arith.constant 0 : i32
        %dma_start3A_399 = tpu.memref_slice %arg6[%run_scoped3A_146, %run_scoped3A_147, %dma_start3A_398] : memref<8x2x128xi32, #tpu.memory_space<vmem>> -> memref<1x1x128xi32, #tpu.memory_space<vmem>>
        %dma_start3A_400 = tpu.memref_squeeze %dma_start3A_399 : memref<1x1x128xi32, #tpu.memory_space<vmem>> -> memref<128xi32, #tpu.memory_space<vmem>>
        %dma_start3A_401 = arith.constant 0 : i32
        %dma_start3A_402 = arith.constant 0 : i32
        %dma_start3A_403 = tpu.memref_slice %arg11[%dma_start3A_401, %dma_start3A_402] : memref<10240x48xf32, #tpu.memory_space<vmem_shared>> -> memref<10240x48xf32, #tpu.memory_space<vmem_shared>>
        tpu.enqueue_indirect_dma source(%arg9 : memref<128x48xf32, #tpu.memory_space<vmem>>) target(%dma_start3A_403 : memref<10240x48xf32, #tpu.memory_space<vmem_shared>>) offsets(%dma_start3A_400 : memref<128xi32, #tpu.memory_space<vmem>>) semaphore(%run_scoped3A_397 : memref<!tpu.dma_semaphore, #tpu.memory_space<semaphore_mem>>) {add = true}
        %dma_wait3A_404 = arith.constant 0 : i32
        %dma_wait3A_405 = tpu.memref_slice %arg6[%run_scoped3A_146, %run_scoped3A_147, %dma_wait3A_404] : memref<8x2x128xi32, #tpu.memory_space<vmem>> -> memref<1x1x128xi32, #tpu.memory_space<vmem>>
        %dma_wait3A_406 = tpu.memref_squeeze %dma_wait3A_405 : memref<1x1x128xi32, #tpu.memory_space<vmem>> -> memref<128xi32, #tpu.memory_space<vmem>>
        %dma_wait3A_407 = arith.constant 0 : i32
        %dma_wait3A_408 = arith.constant 0 : i32
        %dma_wait3A_409 = tpu.memref_slice %arg11[%dma_wait3A_407, %dma_wait3A_408] : memref<10240x48xf32, #tpu.memory_space<vmem_shared>> -> memref<10240x48xf32, #tpu.memory_space<vmem_shared>>
        tpu.wait_indirect_dma semaphore(%run_scoped3A_397 : memref<!tpu.dma_semaphore, #tpu.memory_space<semaphore_mem>>) src(%arg9 : memref<128x48xf32, #tpu.memory_space<vmem>>) dst(%dma_wait3A_409 : memref<10240x48xf32, #tpu.memory_space<vmem_shared>>)
        tpu.yield
      }) : () -> ()
      %dma_start3A_148 = arith.constant 3 : i32
      %dma_start3A_149 = arith.constant 0 : i32
      %dma_start3A_150 = arith.constant 0 : i32
      %dma_start3A_151 = tpu.memref_slice %arg6[%dma_start3A_148, %dma_start3A_149, %dma_start3A_150] : memref<8x2x128xi32, #tpu.memory_space<vmem>> -> memref<1x1x128xi32, #tpu.memory_space<vmem>>
      %dma_start3A_152 = tpu.memref_squeeze %dma_start3A_151 : memref<1x1x128xi32, #tpu.memory_space<vmem>> -> memref<128xi32, #tpu.memory_space<vmem>>
      %dma_start3A_153 = arith.constant 0 : i32
      %dma_start3A_154 = arith.constant 0 : i32
      %dma_start3A_155 = tpu.memref_slice %arg10[%dma_start3A_153, %dma_start3A_154] : memref<10240x48xf32, #tpu.memory_space<vmem_shared>> -> memref<10240x48xf32, #tpu.memory_space<vmem_shared>>
      tpu.enqueue_indirect_dma source(%dma_start3A_155 : memref<10240x48xf32, #tpu.memory_space<vmem_shared>>) target(%arg9 : memref<128x48xf32, #tpu.memory_space<vmem>>) offsets(%dma_start3A_152 : memref<128xi32, #tpu.memory_space<vmem>>) semaphore(%arg15 : memref<!tpu.dma_semaphore, #tpu.memory_space<semaphore_mem>>)
      %dma_wait3A_156 = arith.constant 0 : i32
      %dma_wait3A_157 = arith.constant 0 : i32
      %dma_wait3A_158 = tpu.memref_slice %arg4[%dma_wait3A_156, %dma_wait3A_157] : memref<10240x48xf32, #tpu.memory_space<hbm>> -> memref<128x48xf32, #tpu.memory_space<hbm>>
      %dma_wait3A_159 = arith.constant 0 : i32
      %dma_wait3A_160 = arith.constant 0 : i32
      %dma_wait3A_161 = tpu.memref_slice %arg4[%dma_wait3A_159, %dma_wait3A_160] : memref<10240x48xf32, #tpu.memory_space<hbm>> -> memref<128x48xf32, #tpu.memory_space<hbm>>
      tpu.wait_dma2 semaphore(%arg14 : memref<!tpu.dma_semaphore, #tpu.memory_space<semaphore_mem>>) src(%dma_wait3A_161 : memref<128x48xf32, #tpu.memory_space<hbm>>) dst(%arg8 : memref<128x48xf32, #tpu.memory_space<vmem>>)
      %run_scoped3A_162 = arith.constant 2 : i32
      %run_scoped3A_163 = arith.constant 1 : i32
      "tpu.region"() ({
        %run_scoped3A_397 = tpu.sem_alloc : memref<!tpu.dma_semaphore, #tpu.memory_space<semaphore_mem>>
        %dma_start3A_398 = arith.constant 0 : i32
        %dma_start3A_399 = tpu.memref_slice %arg6[%run_scoped3A_162, %run_scoped3A_163, %dma_start3A_398] : memref<8x2x128xi32, #tpu.memory_space<vmem>> -> memref<1x1x128xi32, #tpu.memory_space<vmem>>
        %dma_start3A_400 = tpu.memref_squeeze %dma_start3A_399 : memref<1x1x128xi32, #tpu.memory_space<vmem>> -> memref<128xi32, #tpu.memory_space<vmem>>
        %dma_start3A_401 = arith.constant 0 : i32
        %dma_start3A_402 = arith.constant 0 : i32
        %dma_start3A_403 = tpu.memref_slice %arg11[%dma_start3A_401, %dma_start3A_402] : memref<10240x48xf32, #tpu.memory_space<vmem_shared>> -> memref<10240x48xf32, #tpu.memory_space<vmem_shared>>
        tpu.enqueue_indirect_dma source(%arg8 : memref<128x48xf32, #tpu.memory_space<vmem>>) target(%dma_start3A_403 : memref<10240x48xf32, #tpu.memory_space<vmem_shared>>) offsets(%dma_start3A_400 : memref<128xi32, #tpu.memory_space<vmem>>) semaphore(%run_scoped3A_397 : memref<!tpu.dma_semaphore, #tpu.memory_space<semaphore_mem>>) {add = true}
        %dma_wait3A_404 = arith.constant 0 : i32
        %dma_wait3A_405 = tpu.memref_slice %arg6[%run_scoped3A_162, %run_scoped3A_163, %dma_wait3A_404] : memref<8x2x128xi32, #tpu.memory_space<vmem>> -> memref<1x1x128xi32, #tpu.memory_space<vmem>>
        %dma_wait3A_406 = tpu.memref_squeeze %dma_wait3A_405 : memref<1x1x128xi32, #tpu.memory_space<vmem>> -> memref<128xi32, #tpu.memory_space<vmem>>
        %dma_wait3A_407 = arith.constant 0 : i32
        %dma_wait3A_408 = arith.constant 0 : i32
        %dma_wait3A_409 = tpu.memref_slice %arg11[%dma_wait3A_407, %dma_wait3A_408] : memref<10240x48xf32, #tpu.memory_space<vmem_shared>> -> memref<10240x48xf32, #tpu.memory_space<vmem_shared>>
        tpu.wait_indirect_dma semaphore(%run_scoped3A_397 : memref<!tpu.dma_semaphore, #tpu.memory_space<semaphore_mem>>) src(%arg8 : memref<128x48xf32, #tpu.memory_space<vmem>>) dst(%dma_wait3A_409 : memref<10240x48xf32, #tpu.memory_space<vmem_shared>>)
        tpu.yield
      }) : () -> ()
      %dma_start3A_164 = arith.constant 4 : i32
      %dma_start3A_165 = arith.constant 0 : i32
      %dma_start3A_166 = arith.constant 0 : i32
      %dma_start3A_167 = tpu.memref_slice %arg6[%dma_start3A_164, %dma_start3A_165, %dma_start3A_166] : memref<8x2x128xi32, #tpu.memory_space<vmem>> -> memref<1x1x128xi32, #tpu.memory_space<vmem>>
      %dma_start3A_168 = tpu.memref_squeeze %dma_start3A_167 : memref<1x1x128xi32, #tpu.memory_space<vmem>> -> memref<128xi32, #tpu.memory_space<vmem>>
      %dma_start3A_169 = arith.constant 0 : i32
      %dma_start3A_170 = arith.constant 0 : i32
      %dma_start3A_171 = tpu.memref_slice %arg10[%dma_start3A_169, %dma_start3A_170] : memref<10240x48xf32, #tpu.memory_space<vmem_shared>> -> memref<10240x48xf32, #tpu.memory_space<vmem_shared>>
      tpu.enqueue_indirect_dma source(%dma_start3A_171 : memref<10240x48xf32, #tpu.memory_space<vmem_shared>>) target(%arg8 : memref<128x48xf32, #tpu.memory_space<vmem>>) offsets(%dma_start3A_168 : memref<128xi32, #tpu.memory_space<vmem>>) semaphore(%arg14 : memref<!tpu.dma_semaphore, #tpu.memory_space<semaphore_mem>>)
      %dma_wait3A_172 = arith.constant 0 : i32
      %dma_wait3A_173 = arith.constant 0 : i32
      %dma_wait3A_174 = tpu.memref_slice %arg4[%dma_wait3A_172, %dma_wait3A_173] : memref<10240x48xf32, #tpu.memory_space<hbm>> -> memref<128x48xf32, #tpu.memory_space<hbm>>
      %dma_wait3A_175 = arith.constant 0 : i32
      %dma_wait3A_176 = arith.constant 0 : i32
      %dma_wait3A_177 = tpu.memref_slice %arg4[%dma_wait3A_175, %dma_wait3A_176] : memref<10240x48xf32, #tpu.memory_space<hbm>> -> memref<128x48xf32, #tpu.memory_space<hbm>>
      tpu.wait_dma2 semaphore(%arg15 : memref<!tpu.dma_semaphore, #tpu.memory_space<semaphore_mem>>) src(%dma_wait3A_177 : memref<128x48xf32, #tpu.memory_space<hbm>>) dst(%arg9 : memref<128x48xf32, #tpu.memory_space<vmem>>)
      %run_scoped3A_178 = arith.constant 3 : i32
      %run_scoped3A_179 = arith.constant 1 : i32
      "tpu.region"() ({
        %run_scoped3A_397 = tpu.sem_alloc : memref<!tpu.dma_semaphore, #tpu.memory_space<semaphore_mem>>
        %dma_start3A_398 = arith.constant 0 : i32
        %dma_start3A_399 = tpu.memref_slice %arg6[%run_scoped3A_178, %run_scoped3A_179, %dma_start3A_398] : memref<8x2x128xi32, #tpu.memory_space<vmem>> -> memref<1x1x128xi32, #tpu.memory_space<vmem>>
        %dma_start3A_400 = tpu.memref_squeeze %dma_start3A_399 : memref<1x1x128xi32, #tpu.memory_space<vmem>> -> memref<128xi32, #tpu.memory_space<vmem>>
        %dma_start3A_401 = arith.constant 0 : i32
        %dma_start3A_402 = arith.constant 0 : i32
        %dma_start3A_403 = tpu.memref_slice %arg11[%dma_start3A_401, %dma_start3A_402] : memref<10240x48xf32, #tpu.memory_space<vmem_shared>> -> memref<10240x48xf32, #tpu.memory_space<vmem_shared>>
        tpu.enqueue_indirect_dma source(%arg9 : memref<128x48xf32, #tpu.memory_space<vmem>>) target(%dma_start3A_403 : memref<10240x48xf32, #tpu.memory_space<vmem_shared>>) offsets(%dma_start3A_400 : memref<128xi32, #tpu.memory_space<vmem>>) semaphore(%run_scoped3A_397 : memref<!tpu.dma_semaphore, #tpu.memory_space<semaphore_mem>>) {add = true}
        %dma_wait3A_404 = arith.constant 0 : i32
        %dma_wait3A_405 = tpu.memref_slice %arg6[%run_scoped3A_178, %run_scoped3A_179, %dma_wait3A_404] : memref<8x2x128xi32, #tpu.memory_space<vmem>> -> memref<1x1x128xi32, #tpu.memory_space<vmem>>
        %dma_wait3A_406 = tpu.memref_squeeze %dma_wait3A_405 : memref<1x1x128xi32, #tpu.memory_space<vmem>> -> memref<128xi32, #tpu.memory_space<vmem>>
        %dma_wait3A_407 = arith.constant 0 : i32
        %dma_wait3A_408 = arith.constant 0 : i32
        %dma_wait3A_409 = tpu.memref_slice %arg11[%dma_wait3A_407, %dma_wait3A_408] : memref<10240x48xf32, #tpu.memory_space<vmem_shared>> -> memref<10240x48xf32, #tpu.memory_space<vmem_shared>>
        tpu.wait_indirect_dma semaphore(%run_scoped3A_397 : memref<!tpu.dma_semaphore, #tpu.memory_space<semaphore_mem>>) src(%arg9 : memref<128x48xf32, #tpu.memory_space<vmem>>) dst(%dma_wait3A_409 : memref<10240x48xf32, #tpu.memory_space<vmem_shared>>)
        tpu.yield
      }) : () -> ()
      %dma_start3A_180 = arith.constant 5 : i32
      %dma_start3A_181 = arith.constant 0 : i32
      %dma_start3A_182 = arith.constant 0 : i32
      %dma_start3A_183 = tpu.memref_slice %arg6[%dma_start3A_180, %dma_start3A_181, %dma_start3A_182] : memref<8x2x128xi32, #tpu.memory_space<vmem>> -> memref<1x1x128xi32, #tpu.memory_space<vmem>>
      %dma_start3A_184 = tpu.memref_squeeze %dma_start3A_183 : memref<1x1x128xi32, #tpu.memory_space<vmem>> -> memref<128xi32, #tpu.memory_space<vmem>>
      %dma_start3A_185 = arith.constant 0 : i32
      %dma_start3A_186 = arith.constant 0 : i32
      %dma_start3A_187 = tpu.memref_slice %arg10[%dma_start3A_185, %dma_start3A_186] : memref<10240x48xf32, #tpu.memory_space<vmem_shared>> -> memref<10240x48xf32, #tpu.memory_space<vmem_shared>>
      tpu.enqueue_indirect_dma source(%dma_start3A_187 : memref<10240x48xf32, #tpu.memory_space<vmem_shared>>) target(%arg9 : memref<128x48xf32, #tpu.memory_space<vmem>>) offsets(%dma_start3A_184 : memref<128xi32, #tpu.memory_space<vmem>>) semaphore(%arg15 : memref<!tpu.dma_semaphore, #tpu.memory_space<semaphore_mem>>)
      %dma_wait3A_188 = arith.constant 0 : i32
      %dma_wait3A_189 = arith.constant 0 : i32
      %dma_wait3A_190 = tpu.memref_slice %arg4[%dma_wait3A_188, %dma_wait3A_189] : memref<10240x48xf32, #tpu.memory_space<hbm>> -> memref<128x48xf32, #tpu.memory_space<hbm>>
      %dma_wait3A_191 = arith.constant 0 : i32
      %dma_wait3A_192 = arith.constant 0 : i32
      %dma_wait3A_193 = tpu.memref_slice %arg4[%dma_wait3A_191, %dma_wait3A_192] : memref<10240x48xf32, #tpu.memory_space<hbm>> -> memref<128x48xf32, #tpu.memory_space<hbm>>
      tpu.wait_dma2 semaphore(%arg14 : memref<!tpu.dma_semaphore, #tpu.memory_space<semaphore_mem>>) src(%dma_wait3A_193 : memref<128x48xf32, #tpu.memory_space<hbm>>) dst(%arg8 : memref<128x48xf32, #tpu.memory_space<vmem>>)
      %run_scoped3A_194 = arith.constant 4 : i32
      %run_scoped3A_195 = arith.constant 1 : i32
      "tpu.region"() ({
        %run_scoped3A_397 = tpu.sem_alloc : memref<!tpu.dma_semaphore, #tpu.memory_space<semaphore_mem>>
        %dma_start3A_398 = arith.constant 0 : i32
        %dma_start3A_399 = tpu.memref_slice %arg6[%run_scoped3A_194, %run_scoped3A_195, %dma_start3A_398] : memref<8x2x128xi32, #tpu.memory_space<vmem>> -> memref<1x1x128xi32, #tpu.memory_space<vmem>>
        %dma_start3A_400 = tpu.memref_squeeze %dma_start3A_399 : memref<1x1x128xi32, #tpu.memory_space<vmem>> -> memref<128xi32, #tpu.memory_space<vmem>>
        %dma_start3A_401 = arith.constant 0 : i32
        %dma_start3A_402 = arith.constant 0 : i32
        %dma_start3A_403 = tpu.memref_slice %arg11[%dma_start3A_401, %dma_start3A_402] : memref<10240x48xf32, #tpu.memory_space<vmem_shared>> -> memref<10240x48xf32, #tpu.memory_space<vmem_shared>>
        tpu.enqueue_indirect_dma source(%arg8 : memref<128x48xf32, #tpu.memory_space<vmem>>) target(%dma_start3A_403 : memref<10240x48xf32, #tpu.memory_space<vmem_shared>>) offsets(%dma_start3A_400 : memref<128xi32, #tpu.memory_space<vmem>>) semaphore(%run_scoped3A_397 : memref<!tpu.dma_semaphore, #tpu.memory_space<semaphore_mem>>) {add = true}
        %dma_wait3A_404 = arith.constant 0 : i32
        %dma_wait3A_405 = tpu.memref_slice %arg6[%run_scoped3A_194, %run_scoped3A_195, %dma_wait3A_404] : memref<8x2x128xi32, #tpu.memory_space<vmem>> -> memref<1x1x128xi32, #tpu.memory_space<vmem>>
        %dma_wait3A_406 = tpu.memref_squeeze %dma_wait3A_405 : memref<1x1x128xi32, #tpu.memory_space<vmem>> -> memref<128xi32, #tpu.memory_space<vmem>>
        %dma_wait3A_407 = arith.constant 0 : i32
        %dma_wait3A_408 = arith.constant 0 : i32
        %dma_wait3A_409 = tpu.memref_slice %arg11[%dma_wait3A_407, %dma_wait3A_408] : memref<10240x48xf32, #tpu.memory_space<vmem_shared>> -> memref<10240x48xf32, #tpu.memory_space<vmem_shared>>
        tpu.wait_indirect_dma semaphore(%run_scoped3A_397 : memref<!tpu.dma_semaphore, #tpu.memory_space<semaphore_mem>>) src(%arg8 : memref<128x48xf32, #tpu.memory_space<vmem>>) dst(%dma_wait3A_409 : memref<10240x48xf32, #tpu.memory_space<vmem_shared>>)
        tpu.yield
      }) : () -> ()
      %dma_start3A_196 = arith.constant 6 : i32
      %dma_start3A_197 = arith.constant 0 : i32
      %dma_start3A_198 = arith.constant 0 : i32
      %dma_start3A_199 = tpu.memref_slice %arg6[%dma_start3A_196, %dma_start3A_197, %dma_start3A_198] : memref<8x2x128xi32, #tpu.memory_space<vmem>> -> memref<1x1x128xi32, #tpu.memory_space<vmem>>
      %dma_start3A_200 = tpu.memref_squeeze %dma_start3A_199 : memref<1x1x128xi32, #tpu.memory_space<vmem>> -> memref<128xi32, #tpu.memory_space<vmem>>
      %dma_start3A_201 = arith.constant 0 : i32
      %dma_start3A_202 = arith.constant 0 : i32
      %dma_start3A_203 = tpu.memref_slice %arg10[%dma_start3A_201, %dma_start3A_202] : memref<10240x48xf32, #tpu.memory_space<vmem_shared>> -> memref<10240x48xf32, #tpu.memory_space<vmem_shared>>
      tpu.enqueue_indirect_dma source(%dma_start3A_203 : memref<10240x48xf32, #tpu.memory_space<vmem_shared>>) target(%arg8 : memref<128x48xf32, #tpu.memory_space<vmem>>) offsets(%dma_start3A_200 : memref<128xi32, #tpu.memory_space<vmem>>) semaphore(%arg14 : memref<!tpu.dma_semaphore, #tpu.memory_space<semaphore_mem>>)
      %dma_wait3A_204 = arith.constant 0 : i32
      %dma_wait3A_205 = arith.constant 0 : i32
      %dma_wait3A_206 = tpu.memref_slice %arg4[%dma_wait3A_204, %dma_wait3A_205] : memref<10240x48xf32, #tpu.memory_space<hbm>> -> memref<128x48xf32, #tpu.memory_space<hbm>>
      %dma_wait3A_207 = arith.constant 0 : i32
      %dma_wait3A_208 = arith.constant 0 : i32
      %dma_wait3A_209 = tpu.memref_slice %arg4[%dma_wait3A_207, %dma_wait3A_208] : memref<10240x48xf32, #tpu.memory_space<hbm>> -> memref<128x48xf32, #tpu.memory_space<hbm>>
      tpu.wait_dma2 semaphore(%arg15 : memref<!tpu.dma_semaphore, #tpu.memory_space<semaphore_mem>>) src(%dma_wait3A_209 : memref<128x48xf32, #tpu.memory_space<hbm>>) dst(%arg9 : memref<128x48xf32, #tpu.memory_space<vmem>>)
      %run_scoped3A_210 = arith.constant 5 : i32
      %run_scoped3A_211 = arith.constant 1 : i32
      "tpu.region"() ({
        %run_scoped3A_397 = tpu.sem_alloc : memref<!tpu.dma_semaphore, #tpu.memory_space<semaphore_mem>>
        %dma_start3A_398 = arith.constant 0 : i32
        %dma_start3A_399 = tpu.memref_slice %arg6[%run_scoped3A_210, %run_scoped3A_211, %dma_start3A_398] : memref<8x2x128xi32, #tpu.memory_space<vmem>> -> memref<1x1x128xi32, #tpu.memory_space<vmem>>
        %dma_start3A_400 = tpu.memref_squeeze %dma_start3A_399 : memref<1x1x128xi32, #tpu.memory_space<vmem>> -> memref<128xi32, #tpu.memory_space<vmem>>
        %dma_start3A_401 = arith.constant 0 : i32
        %dma_start3A_402 = arith.constant 0 : i32
        %dma_start3A_403 = tpu.memref_slice %arg11[%dma_start3A_401, %dma_start3A_402] : memref<10240x48xf32, #tpu.memory_space<vmem_shared>> -> memref<10240x48xf32, #tpu.memory_space<vmem_shared>>
        tpu.enqueue_indirect_dma source(%arg9 : memref<128x48xf32, #tpu.memory_space<vmem>>) target(%dma_start3A_403 : memref<10240x48xf32, #tpu.memory_space<vmem_shared>>) offsets(%dma_start3A_400 : memref<128xi32, #tpu.memory_space<vmem>>) semaphore(%run_scoped3A_397 : memref<!tpu.dma_semaphore, #tpu.memory_space<semaphore_mem>>) {add = true}
        %dma_wait3A_404 = arith.constant 0 : i32
        %dma_wait3A_405 = tpu.memref_slice %arg6[%run_scoped3A_210, %run_scoped3A_211, %dma_wait3A_404] : memref<8x2x128xi32, #tpu.memory_space<vmem>> -> memref<1x1x128xi32, #tpu.memory_space<vmem>>
        %dma_wait3A_406 = tpu.memref_squeeze %dma_wait3A_405 : memref<1x1x128xi32, #tpu.memory_space<vmem>> -> memref<128xi32, #tpu.memory_space<vmem>>
        %dma_wait3A_407 = arith.constant 0 : i32
        %dma_wait3A_408 = arith.constant 0 : i32
        %dma_wait3A_409 = tpu.memref_slice %arg11[%dma_wait3A_407, %dma_wait3A_408] : memref<10240x48xf32, #tpu.memory_space<vmem_shared>> -> memref<10240x48xf32, #tpu.memory_space<vmem_shared>>
        tpu.wait_indirect_dma semaphore(%run_scoped3A_397 : memref<!tpu.dma_semaphore, #tpu.memory_space<semaphore_mem>>) src(%arg9 : memref<128x48xf32, #tpu.memory_space<vmem>>) dst(%dma_wait3A_409 : memref<10240x48xf32, #tpu.memory_space<vmem_shared>>)
        tpu.yield
      }) : () -> ()
      %dma_start3A_212 = arith.constant 7 : i32
      %dma_start3A_213 = arith.constant 0 : i32
      %dma_start3A_214 = arith.constant 0 : i32
      %dma_start3A_215 = tpu.memref_slice %arg6[%dma_start3A_212, %dma_start3A_213, %dma_start3A_214] : memref<8x2x128xi32, #tpu.memory_space<vmem>> -> memref<1x1x128xi32, #tpu.memory_space<vmem>>
      %dma_start3A_216 = tpu.memref_squeeze %dma_start3A_215 : memref<1x1x128xi32, #tpu.memory_space<vmem>> -> memref<128xi32, #tpu.memory_space<vmem>>
      %dma_start3A_217 = arith.constant 0 : i32
      %dma_start3A_218 = arith.constant 0 : i32
      %dma_start3A_219 = tpu.memref_slice %arg10[%dma_start3A_217, %dma_start3A_218] : memref<10240x48xf32, #tpu.memory_space<vmem_shared>> -> memref<10240x48xf32, #tpu.memory_space<vmem_shared>>
      tpu.enqueue_indirect_dma source(%dma_start3A_219 : memref<10240x48xf32, #tpu.memory_space<vmem_shared>>) target(%arg9 : memref<128x48xf32, #tpu.memory_space<vmem>>) offsets(%dma_start3A_216 : memref<128xi32, #tpu.memory_space<vmem>>) semaphore(%arg15 : memref<!tpu.dma_semaphore, #tpu.memory_space<semaphore_mem>>)
      %dma_wait3A_220 = arith.constant 0 : i32
      %dma_wait3A_221 = arith.constant 0 : i32
      %dma_wait3A_222 = tpu.memref_slice %arg4[%dma_wait3A_220, %dma_wait3A_221] : memref<10240x48xf32, #tpu.memory_space<hbm>> -> memref<128x48xf32, #tpu.memory_space<hbm>>
      %dma_wait3A_223 = arith.constant 0 : i32
      %dma_wait3A_224 = arith.constant 0 : i32
      %dma_wait3A_225 = tpu.memref_slice %arg4[%dma_wait3A_223, %dma_wait3A_224] : memref<10240x48xf32, #tpu.memory_space<hbm>> -> memref<128x48xf32, #tpu.memory_space<hbm>>
      tpu.wait_dma2 semaphore(%arg14 : memref<!tpu.dma_semaphore, #tpu.memory_space<semaphore_mem>>) src(%dma_wait3A_225 : memref<128x48xf32, #tpu.memory_space<hbm>>) dst(%arg8 : memref<128x48xf32, #tpu.memory_space<vmem>>)
      %run_scoped3A_226 = arith.constant 6 : i32
      %run_scoped3A_227 = arith.constant 1 : i32
      "tpu.region"() ({
        %run_scoped3A_397 = tpu.sem_alloc : memref<!tpu.dma_semaphore, #tpu.memory_space<semaphore_mem>>
        %dma_start3A_398 = arith.constant 0 : i32
        %dma_start3A_399 = tpu.memref_slice %arg6[%run_scoped3A_226, %run_scoped3A_227, %dma_start3A_398] : memref<8x2x128xi32, #tpu.memory_space<vmem>> -> memref<1x1x128xi32, #tpu.memory_space<vmem>>
        %dma_start3A_400 = tpu.memref_squeeze %dma_start3A_399 : memref<1x1x128xi32, #tpu.memory_space<vmem>> -> memref<128xi32, #tpu.memory_space<vmem>>
        %dma_start3A_401 = arith.constant 0 : i32
        %dma_start3A_402 = arith.constant 0 : i32
        %dma_start3A_403 = tpu.memref_slice %arg11[%dma_start3A_401, %dma_start3A_402] : memref<10240x48xf32, #tpu.memory_space<vmem_shared>> -> memref<10240x48xf32, #tpu.memory_space<vmem_shared>>
        tpu.enqueue_indirect_dma source(%arg8 : memref<128x48xf32, #tpu.memory_space<vmem>>) target(%dma_start3A_403 : memref<10240x48xf32, #tpu.memory_space<vmem_shared>>) offsets(%dma_start3A_400 : memref<128xi32, #tpu.memory_space<vmem>>) semaphore(%run_scoped3A_397 : memref<!tpu.dma_semaphore, #tpu.memory_space<semaphore_mem>>) {add = true}
        %dma_wait3A_404 = arith.constant 0 : i32
        %dma_wait3A_405 = tpu.memref_slice %arg6[%run_scoped3A_226, %run_scoped3A_227, %dma_wait3A_404] : memref<8x2x128xi32, #tpu.memory_space<vmem>> -> memref<1x1x128xi32, #tpu.memory_space<vmem>>
        %dma_wait3A_406 = tpu.memref_squeeze %dma_wait3A_405 : memref<1x1x128xi32, #tpu.memory_space<vmem>> -> memref<128xi32, #tpu.memory_space<vmem>>
        %dma_wait3A_407 = arith.constant 0 : i32
        %dma_wait3A_408 = arith.constant 0 : i32
        %dma_wait3A_409 = tpu.memref_slice %arg11[%dma_wait3A_407, %dma_wait3A_408] : memref<10240x48xf32, #tpu.memory_space<vmem_shared>> -> memref<10240x48xf32, #tpu.memory_space<vmem_shared>>
        tpu.wait_indirect_dma semaphore(%run_scoped3A_397 : memref<!tpu.dma_semaphore, #tpu.memory_space<semaphore_mem>>) src(%arg8 : memref<128x48xf32, #tpu.memory_space<vmem>>) dst(%dma_wait3A_409 : memref<10240x48xf32, #tpu.memory_space<vmem_shared>>)
        tpu.yield
      }) : () -> ()
      %dma_wait3A_228 = arith.constant 0 : i32
      %dma_wait3A_229 = arith.constant 0 : i32
      %dma_wait3A_230 = arith.constant 0 : i32
      %dma_wait3A_231 = arith.constant 0 : i32
      %dma_wait3A_232 = tpu.memref_slice %arg3[%add3A, %dma_wait3A_228, %dma_wait3A_229, %dma_wait3A_230, %dma_wait3A_231] : memref<32x10x8x2x128xi32, #tpu.memory_space<hbm>> -> memref<1x1x8x2x128xi32, #tpu.memory_space<hbm>>
      %dma_wait3A_233 = tpu.memref_squeeze %dma_wait3A_232 : memref<1x1x8x2x128xi32, #tpu.memory_space<hbm>> -> memref<8x2x128xi32, #tpu.memory_space<hbm>>
      %dma_wait3A_234 = arith.constant 0 : i32
      %dma_wait3A_235 = arith.constant 0 : i32
      %dma_wait3A_236 = arith.constant 0 : i32
      %dma_wait3A_237 = tpu.memref_slice %arg3[%add3A, %dma_wait3A_228, %dma_wait3A_234, %dma_wait3A_235, %dma_wait3A_236] : memref<32x10x8x2x128xi32, #tpu.memory_space<hbm>> -> memref<1x1x8x2x128xi32, #tpu.memory_space<hbm>>
      %dma_wait3A_238 = tpu.memref_squeeze %dma_wait3A_237 : memref<1x1x8x2x128xi32, #tpu.memory_space<hbm>> -> memref<8x2x128xi32, #tpu.memory_space<hbm>>
      tpu.wait_dma2 semaphore(%arg13 : memref<!tpu.dma_semaphore, #tpu.memory_space<semaphore_mem>>) src(%dma_wait3A_238 : memref<8x2x128xi32, #tpu.memory_space<hbm>>) dst(%arg7 : memref<8x2x128xi32, #tpu.memory_space<vmem>>)
      %dma_start3A_239 = arith.constant 0 : i32
      %dma_start3A_240 = arith.constant 0 : i32
      %dma_start3A_241 = arith.constant 0 : i32
      %dma_start3A_242 = tpu.memref_slice %arg7[%dma_start3A_239, %dma_start3A_240, %dma_start3A_241] : memref<8x2x128xi32, #tpu.memory_space<vmem>> -> memref<1x1x128xi32, #tpu.memory_space<vmem>>
      %dma_start3A_243 = tpu.memref_squeeze %dma_start3A_242 : memref<1x1x128xi32, #tpu.memory_space<vmem>> -> memref<128xi32, #tpu.memory_space<vmem>>
      %dma_start3A_244 = arith.constant 0 : i32
      %dma_start3A_245 = arith.constant 0 : i32
      %dma_start3A_246 = tpu.memref_slice %arg10[%dma_start3A_244, %dma_start3A_245] : memref<10240x48xf32, #tpu.memory_space<vmem_shared>> -> memref<10240x48xf32, #tpu.memory_space<vmem_shared>>
      tpu.enqueue_indirect_dma source(%dma_start3A_246 : memref<10240x48xf32, #tpu.memory_space<vmem_shared>>) target(%arg8 : memref<128x48xf32, #tpu.memory_space<vmem>>) offsets(%dma_start3A_243 : memref<128xi32, #tpu.memory_space<vmem>>) semaphore(%arg14 : memref<!tpu.dma_semaphore, #tpu.memory_space<semaphore_mem>>)
      %dma_wait3A_247 = arith.constant 0 : i32
      %dma_wait3A_248 = arith.constant 0 : i32
      %dma_wait3A_249 = tpu.memref_slice %arg4[%dma_wait3A_247, %dma_wait3A_248] : memref<10240x48xf32, #tpu.memory_space<hbm>> -> memref<128x48xf32, #tpu.memory_space<hbm>>
      %dma_wait3A_250 = arith.constant 0 : i32
      %dma_wait3A_251 = arith.constant 0 : i32
      %dma_wait3A_252 = tpu.memref_slice %arg4[%dma_wait3A_250, %dma_wait3A_251] : memref<10240x48xf32, #tpu.memory_space<hbm>> -> memref<128x48xf32, #tpu.memory_space<hbm>>
      tpu.wait_dma2 semaphore(%arg15 : memref<!tpu.dma_semaphore, #tpu.memory_space<semaphore_mem>>) src(%dma_wait3A_252 : memref<128x48xf32, #tpu.memory_space<hbm>>) dst(%arg9 : memref<128x48xf32, #tpu.memory_space<vmem>>)
      %run_scoped3A_253 = arith.constant 7 : i32
      %run_scoped3A_254 = arith.constant 1 : i32
      "tpu.region"() ({
        %run_scoped3A_397 = tpu.sem_alloc : memref<!tpu.dma_semaphore, #tpu.memory_space<semaphore_mem>>
        %dma_start3A_398 = arith.constant 0 : i32
        %dma_start3A_399 = tpu.memref_slice %arg6[%run_scoped3A_253, %run_scoped3A_254, %dma_start3A_398] : memref<8x2x128xi32, #tpu.memory_space<vmem>> -> memref<1x1x128xi32, #tpu.memory_space<vmem>>
        %dma_start3A_400 = tpu.memref_squeeze %dma_start3A_399 : memref<1x1x128xi32, #tpu.memory_space<vmem>> -> memref<128xi32, #tpu.memory_space<vmem>>
        %dma_start3A_401 = arith.constant 0 : i32
        %dma_start3A_402 = arith.constant 0 : i32
        %dma_start3A_403 = tpu.memref_slice %arg11[%dma_start3A_401, %dma_start3A_402] : memref<10240x48xf32, #tpu.memory_space<vmem_shared>> -> memref<10240x48xf32, #tpu.memory_space<vmem_shared>>
        tpu.enqueue_indirect_dma source(%arg9 : memref<128x48xf32, #tpu.memory_space<vmem>>) target(%dma_start3A_403 : memref<10240x48xf32, #tpu.memory_space<vmem_shared>>) offsets(%dma_start3A_400 : memref<128xi32, #tpu.memory_space<vmem>>) semaphore(%run_scoped3A_397 : memref<!tpu.dma_semaphore, #tpu.memory_space<semaphore_mem>>) {add = true}
        %dma_wait3A_404 = arith.constant 0 : i32
        %dma_wait3A_405 = tpu.memref_slice %arg6[%run_scoped3A_253, %run_scoped3A_254, %dma_wait3A_404] : memref<8x2x128xi32, #tpu.memory_space<vmem>> -> memref<1x1x128xi32, #tpu.memory_space<vmem>>
        %dma_wait3A_406 = tpu.memref_squeeze %dma_wait3A_405 : memref<1x1x128xi32, #tpu.memory_space<vmem>> -> memref<128xi32, #tpu.memory_space<vmem>>
        %dma_wait3A_407 = arith.constant 0 : i32
        %dma_wait3A_408 = arith.constant 0 : i32
        %dma_wait3A_409 = tpu.memref_slice %arg11[%dma_wait3A_407, %dma_wait3A_408] : memref<10240x48xf32, #tpu.memory_space<vmem_shared>> -> memref<10240x48xf32, #tpu.memory_space<vmem_shared>>
        tpu.wait_indirect_dma semaphore(%run_scoped3A_397 : memref<!tpu.dma_semaphore, #tpu.memory_space<semaphore_mem>>) src(%arg9 : memref<128x48xf32, #tpu.memory_space<vmem>>) dst(%dma_wait3A_409 : memref<10240x48xf32, #tpu.memory_space<vmem_shared>>)
        tpu.yield
      }) : () -> ()
      %dma_start3A_255 = arith.constant 1 : i32
      %dma_start3A_256 = arith.constant 0 : i32
      %dma_start3A_257 = arith.constant 0 : i32
      %dma_start3A_258 = tpu.memref_slice %arg7[%dma_start3A_255, %dma_start3A_256, %dma_start3A_257] : memref<8x2x128xi32, #tpu.memory_space<vmem>> -> memref<1x1x128xi32, #tpu.memory_space<vmem>>
      %dma_start3A_259 = tpu.memref_squeeze %dma_start3A_258 : memref<1x1x128xi32, #tpu.memory_space<vmem>> -> memref<128xi32, #tpu.memory_space<vmem>>
      %dma_start3A_260 = arith.constant 0 : i32
      %dma_start3A_261 = arith.constant 0 : i32
      %dma_start3A_262 = tpu.memref_slice %arg10[%dma_start3A_260, %dma_start3A_261] : memref<10240x48xf32, #tpu.memory_space<vmem_shared>> -> memref<10240x48xf32, #tpu.memory_space<vmem_shared>>
      tpu.enqueue_indirect_dma source(%dma_start3A_262 : memref<10240x48xf32, #tpu.memory_space<vmem_shared>>) target(%arg9 : memref<128x48xf32, #tpu.memory_space<vmem>>) offsets(%dma_start3A_259 : memref<128xi32, #tpu.memory_space<vmem>>) semaphore(%arg15 : memref<!tpu.dma_semaphore, #tpu.memory_space<semaphore_mem>>)
      %lt3A = arith.constant 4 : i32
      %lt3A_263 = arith.cmpi slt, %scan3A_118, %lt3A : i32
      %convert_element_type3A = arith.extui %lt3A_263 : i1 to i32
      %cond3A = arith.constant 0 : i32
      %cond3A_264 = arith.cmpi ne, %convert_element_type3A, %cond3A : i32
      scf.if %cond3A_264 {
        %add3A_397 = arith.constant 2 : i32
        %add3A_398 = arith.addi %add3A_123, %add3A_397 : i32
        %dma_start3A_399 = arith.constant 0 : i32
        %dma_start3A_400 = arith.constant 0 : i32
        %dma_start3A_401 = arith.constant 0 : i32
        %dma_start3A_402 = tpu.memref_slice %arg3[%add3A, %add3A_398, %dma_start3A_399, %dma_start3A_400, %dma_start3A_401] : memref<32x10x8x2x128xi32, #tpu.memory_space<hbm>> -> memref<1x1x8x2x128xi32, #tpu.memory_space<hbm>>
        %dma_start3A_403 = tpu.memref_squeeze %dma_start3A_402 : memref<1x1x8x2x128xi32, #tpu.memory_space<hbm>> -> memref<8x2x128xi32, #tpu.memory_space<hbm>>
        %dma_start3A_404 = arith.constant 0 : i32
        %dma_start3A_405 = arith.constant 0 : i32
        %dma_start3A_406 = arith.constant 0 : i32
        %dma_start3A_407 = tpu.memref_slice %arg3[%add3A, %add3A_398, %dma_start3A_404, %dma_start3A_405, %dma_start3A_406] : memref<32x10x8x2x128xi32, #tpu.memory_space<hbm>> -> memref<1x1x8x2x128xi32, #tpu.memory_space<hbm>>
        %dma_start3A_408 = tpu.memref_squeeze %dma_start3A_407 : memref<1x1x8x2x128xi32, #tpu.memory_space<hbm>> -> memref<8x2x128xi32, #tpu.memory_space<hbm>>
        tpu.enqueue_dma source(%dma_start3A_408 : memref<8x2x128xi32, #tpu.memory_space<hbm>>) target(%arg6 : memref<8x2x128xi32, #tpu.memory_space<vmem>>) target_semaphore(%arg12 : memref<!tpu.dma_semaphore, #tpu.memory_space<semaphore_mem>>)
      } else {
      }
      %mul3A_265 = arith.constant 2 : i32
      %mul3A_266 = arith.muli %scan3A_118, %mul3A_265 : i32
      %add3A_267 = arith.constant 1 : i32
      %add3A_268 = arith.addi %mul3A_266, %add3A_267 : i32
      %dma_wait3A_269 = arith.constant 0 : i32
      %dma_wait3A_270 = arith.constant 0 : i32
      %dma_wait3A_271 = tpu.memref_slice %arg4[%dma_wait3A_269, %dma_wait3A_270] : memref<10240x48xf32, #tpu.memory_space<hbm>> -> memref<128x48xf32, #tpu.memory_space<hbm>>
      %dma_wait3A_272 = arith.constant 0 : i32
      %dma_wait3A_273 = arith.constant 0 : i32
      %dma_wait3A_274 = tpu.memref_slice %arg4[%dma_wait3A_272, %dma_wait3A_273] : memref<10240x48xf32, #tpu.memory_space<hbm>> -> memref<128x48xf32, #tpu.memory_space<hbm>>
      tpu.wait_dma2 semaphore(%arg14 : memref<!tpu.dma_semaphore, #tpu.memory_space<semaphore_mem>>) src(%dma_wait3A_274 : memref<128x48xf32, #tpu.memory_space<hbm>>) dst(%arg8 : memref<128x48xf32, #tpu.memory_space<vmem>>)
      %run_scoped3A_275 = arith.constant 0 : i32
      %run_scoped3A_276 = arith.constant 1 : i32
      "tpu.region"() ({
        %run_scoped3A_397 = tpu.sem_alloc : memref<!tpu.dma_semaphore, #tpu.memory_space<semaphore_mem>>
        %dma_start3A_398 = arith.constant 0 : i32
        %dma_start3A_399 = tpu.memref_slice %arg7[%run_scoped3A_275, %run_scoped3A_276, %dma_start3A_398] : memref<8x2x128xi32, #tpu.memory_space<vmem>> -> memref<1x1x128xi32, #tpu.memory_space<vmem>>
        %dma_start3A_400 = tpu.memref_squeeze %dma_start3A_399 : memref<1x1x128xi32, #tpu.memory_space<vmem>> -> memref<128xi32, #tpu.memory_space<vmem>>
        %dma_start3A_401 = arith.constant 0 : i32
        %dma_start3A_402 = arith.constant 0 : i32
        %dma_start3A_403 = tpu.memref_slice %arg11[%dma_start3A_401, %dma_start3A_402] : memref<10240x48xf32, #tpu.memory_space<vmem_shared>> -> memref<10240x48xf32, #tpu.memory_space<vmem_shared>>
        tpu.enqueue_indirect_dma source(%arg8 : memref<128x48xf32, #tpu.memory_space<vmem>>) target(%dma_start3A_403 : memref<10240x48xf32, #tpu.memory_space<vmem_shared>>) offsets(%dma_start3A_400 : memref<128xi32, #tpu.memory_space<vmem>>) semaphore(%run_scoped3A_397 : memref<!tpu.dma_semaphore, #tpu.memory_space<semaphore_mem>>) {add = true}
        %dma_wait3A_404 = arith.constant 0 : i32
        %dma_wait3A_405 = tpu.memref_slice %arg7[%run_scoped3A_275, %run_scoped3A_276, %dma_wait3A_404] : memref<8x2x128xi32, #tpu.memory_space<vmem>> -> memref<1x1x128xi32, #tpu.memory_space<vmem>>
        %dma_wait3A_406 = tpu.memref_squeeze %dma_wait3A_405 : memref<1x1x128xi32, #tpu.memory_space<vmem>> -> memref<128xi32, #tpu.memory_space<vmem>>
        %dma_wait3A_407 = arith.constant 0 : i32
        %dma_wait3A_408 = arith.constant 0 : i32
        %dma_wait3A_409 = tpu.memref_slice %arg11[%dma_wait3A_407, %dma_wait3A_408] : memref<10240x48xf32, #tpu.memory_space<vmem_shared>> -> memref<10240x48xf32, #tpu.memory_space<vmem_shared>>
        tpu.wait_indirect_dma semaphore(%run_scoped3A_397 : memref<!tpu.dma_semaphore, #tpu.memory_space<semaphore_mem>>) src(%arg8 : memref<128x48xf32, #tpu.memory_space<vmem>>) dst(%dma_wait3A_409 : memref<10240x48xf32, #tpu.memory_space<vmem_shared>>)
        tpu.yield
      }) : () -> ()
      %dma_start3A_277 = arith.constant 2 : i32
      %dma_start3A_278 = arith.constant 0 : i32
      %dma_start3A_279 = arith.constant 0 : i32
      %dma_start3A_280 = tpu.memref_slice %arg7[%dma_start3A_277, %dma_start3A_278, %dma_start3A_279] : memref<8x2x128xi32, #tpu.memory_space<vmem>> -> memref<1x1x128xi32, #tpu.memory_space<vmem>>
      %dma_start3A_281 = tpu.memref_squeeze %dma_start3A_280 : memref<1x1x128xi32, #tpu.memory_space<vmem>> -> memref<128xi32, #tpu.memory_space<vmem>>
      %dma_start3A_282 = arith.constant 0 : i32
      %dma_start3A_283 = arith.constant 0 : i32
      %dma_start3A_284 = tpu.memref_slice %arg10[%dma_start3A_282, %dma_start3A_283] : memref<10240x48xf32, #tpu.memory_space<vmem_shared>> -> memref<10240x48xf32, #tpu.memory_space<vmem_shared>>
      tpu.enqueue_indirect_dma source(%dma_start3A_284 : memref<10240x48xf32, #tpu.memory_space<vmem_shared>>) target(%arg8 : memref<128x48xf32, #tpu.memory_space<vmem>>) offsets(%dma_start3A_281 : memref<128xi32, #tpu.memory_space<vmem>>) semaphore(%arg14 : memref<!tpu.dma_semaphore, #tpu.memory_space<semaphore_mem>>)
      %dma_wait3A_285 = arith.constant 0 : i32
      %dma_wait3A_286 = arith.constant 0 : i32
      %dma_wait3A_287 = tpu.memref_slice %arg4[%dma_wait3A_285, %dma_wait3A_286] : memref<10240x48xf32, #tpu.memory_space<hbm>> -> memref<128x48xf32, #tpu.memory_space<hbm>>
      %dma_wait3A_288 = arith.constant 0 : i32
      %dma_wait3A_289 = arith.constant 0 : i32
      %dma_wait3A_290 = tpu.memref_slice %arg4[%dma_wait3A_288, %dma_wait3A_289] : memref<10240x48xf32, #tpu.memory_space<hbm>> -> memref<128x48xf32, #tpu.memory_space<hbm>>
      tpu.wait_dma2 semaphore(%arg15 : memref<!tpu.dma_semaphore, #tpu.memory_space<semaphore_mem>>) src(%dma_wait3A_290 : memref<128x48xf32, #tpu.memory_space<hbm>>) dst(%arg9 : memref<128x48xf32, #tpu.memory_space<vmem>>)
      %run_scoped3A_291 = arith.constant 1 : i32
      %run_scoped3A_292 = arith.constant 1 : i32
      "tpu.region"() ({
        %run_scoped3A_397 = tpu.sem_alloc : memref<!tpu.dma_semaphore, #tpu.memory_space<semaphore_mem>>
        %dma_start3A_398 = arith.constant 0 : i32
        %dma_start3A_399 = tpu.memref_slice %arg7[%run_scoped3A_291, %run_scoped3A_292, %dma_start3A_398] : memref<8x2x128xi32, #tpu.memory_space<vmem>> -> memref<1x1x128xi32, #tpu.memory_space<vmem>>
        %dma_start3A_400 = tpu.memref_squeeze %dma_start3A_399 : memref<1x1x128xi32, #tpu.memory_space<vmem>> -> memref<128xi32, #tpu.memory_space<vmem>>
        %dma_start3A_401 = arith.constant 0 : i32
        %dma_start3A_402 = arith.constant 0 : i32
        %dma_start3A_403 = tpu.memref_slice %arg11[%dma_start3A_401, %dma_start3A_402] : memref<10240x48xf32, #tpu.memory_space<vmem_shared>> -> memref<10240x48xf32, #tpu.memory_space<vmem_shared>>
        tpu.enqueue_indirect_dma source(%arg9 : memref<128x48xf32, #tpu.memory_space<vmem>>) target(%dma_start3A_403 : memref<10240x48xf32, #tpu.memory_space<vmem_shared>>) offsets(%dma_start3A_400 : memref<128xi32, #tpu.memory_space<vmem>>) semaphore(%run_scoped3A_397 : memref<!tpu.dma_semaphore, #tpu.memory_space<semaphore_mem>>) {add = true}
        %dma_wait3A_404 = arith.constant 0 : i32
        %dma_wait3A_405 = tpu.memref_slice %arg7[%run_scoped3A_291, %run_scoped3A_292, %dma_wait3A_404] : memref<8x2x128xi32, #tpu.memory_space<vmem>> -> memref<1x1x128xi32, #tpu.memory_space<vmem>>
        %dma_wait3A_406 = tpu.memref_squeeze %dma_wait3A_405 : memref<1x1x128xi32, #tpu.memory_space<vmem>> -> memref<128xi32, #tpu.memory_space<vmem>>
        %dma_wait3A_407 = arith.constant 0 : i32
        %dma_wait3A_408 = arith.constant 0 : i32
        %dma_wait3A_409 = tpu.memref_slice %arg11[%dma_wait3A_407, %dma_wait3A_408] : memref<10240x48xf32, #tpu.memory_space<vmem_shared>> -> memref<10240x48xf32, #tpu.memory_space<vmem_shared>>
        tpu.wait_indirect_dma semaphore(%run_scoped3A_397 : memref<!tpu.dma_semaphore, #tpu.memory_space<semaphore_mem>>) src(%arg9 : memref<128x48xf32, #tpu.memory_space<vmem>>) dst(%dma_wait3A_409 : memref<10240x48xf32, #tpu.memory_space<vmem_shared>>)
        tpu.yield
      }) : () -> ()
      %dma_start3A_293 = arith.constant 3 : i32
      %dma_start3A_294 = arith.constant 0 : i32
      %dma_start3A_295 = arith.constant 0 : i32
      %dma_start3A_296 = tpu.memref_slice %arg7[%dma_start3A_293, %dma_start3A_294, %dma_start3A_295] : memref<8x2x128xi32, #tpu.memory_space<vmem>> -> memref<1x1x128xi32, #tpu.memory_space<vmem>>
      %dma_start3A_297 = tpu.memref_squeeze %dma_start3A_296 : memref<1x1x128xi32, #tpu.memory_space<vmem>> -> memref<128xi32, #tpu.memory_space<vmem>>
      %dma_start3A_298 = arith.constant 0 : i32
      %dma_start3A_299 = arith.constant 0 : i32
      %dma_start3A_300 = tpu.memref_slice %arg10[%dma_start3A_298, %dma_start3A_299] : memref<10240x48xf32, #tpu.memory_space<vmem_shared>> -> memref<10240x48xf32, #tpu.memory_space<vmem_shared>>
      tpu.enqueue_indirect_dma source(%dma_start3A_300 : memref<10240x48xf32, #tpu.memory_space<vmem_shared>>) target(%arg9 : memref<128x48xf32, #tpu.memory_space<vmem>>) offsets(%dma_start3A_297 : memref<128xi32, #tpu.memory_space<vmem>>) semaphore(%arg15 : memref<!tpu.dma_semaphore, #tpu.memory_space<semaphore_mem>>)
      %dma_wait3A_301 = arith.constant 0 : i32
      %dma_wait3A_302 = arith.constant 0 : i32
      %dma_wait3A_303 = tpu.memref_slice %arg4[%dma_wait3A_301, %dma_wait3A_302] : memref<10240x48xf32, #tpu.memory_space<hbm>> -> memref<128x48xf32, #tpu.memory_space<hbm>>
      %dma_wait3A_304 = arith.constant 0 : i32
      %dma_wait3A_305 = arith.constant 0 : i32
      %dma_wait3A_306 = tpu.memref_slice %arg4[%dma_wait3A_304, %dma_wait3A_305] : memref<10240x48xf32, #tpu.memory_space<hbm>> -> memref<128x48xf32, #tpu.memory_space<hbm>>
      tpu.wait_dma2 semaphore(%arg14 : memref<!tpu.dma_semaphore, #tpu.memory_space<semaphore_mem>>) src(%dma_wait3A_306 : memref<128x48xf32, #tpu.memory_space<hbm>>) dst(%arg8 : memref<128x48xf32, #tpu.memory_space<vmem>>)
      %run_scoped3A_307 = arith.constant 2 : i32
      %run_scoped3A_308 = arith.constant 1 : i32
      "tpu.region"() ({
        %run_scoped3A_397 = tpu.sem_alloc : memref<!tpu.dma_semaphore, #tpu.memory_space<semaphore_mem>>
        %dma_start3A_398 = arith.constant 0 : i32
        %dma_start3A_399 = tpu.memref_slice %arg7[%run_scoped3A_307, %run_scoped3A_308, %dma_start3A_398] : memref<8x2x128xi32, #tpu.memory_space<vmem>> -> memref<1x1x128xi32, #tpu.memory_space<vmem>>
        %dma_start3A_400 = tpu.memref_squeeze %dma_start3A_399 : memref<1x1x128xi32, #tpu.memory_space<vmem>> -> memref<128xi32, #tpu.memory_space<vmem>>
        %dma_start3A_401 = arith.constant 0 : i32
        %dma_start3A_402 = arith.constant 0 : i32
        %dma_start3A_403 = tpu.memref_slice %arg11[%dma_start3A_401, %dma_start3A_402] : memref<10240x48xf32, #tpu.memory_space<vmem_shared>> -> memref<10240x48xf32, #tpu.memory_space<vmem_shared>>
        tpu.enqueue_indirect_dma source(%arg8 : memref<128x48xf32, #tpu.memory_space<vmem>>) target(%dma_start3A_403 : memref<10240x48xf32, #tpu.memory_space<vmem_shared>>) offsets(%dma_start3A_400 : memref<128xi32, #tpu.memory_space<vmem>>) semaphore(%run_scoped3A_397 : memref<!tpu.dma_semaphore, #tpu.memory_space<semaphore_mem>>) {add = true}
        %dma_wait3A_404 = arith.constant 0 : i32
        %dma_wait3A_405 = tpu.memref_slice %arg7[%run_scoped3A_307, %run_scoped3A_308, %dma_wait3A_404] : memref<8x2x128xi32, #tpu.memory_space<vmem>> -> memref<1x1x128xi32, #tpu.memory_space<vmem>>
        %dma_wait3A_406 = tpu.memref_squeeze %dma_wait3A_405 : memref<1x1x128xi32, #tpu.memory_space<vmem>> -> memref<128xi32, #tpu.memory_space<vmem>>
        %dma_wait3A_407 = arith.constant 0 : i32
        %dma_wait3A_408 = arith.constant 0 : i32
        %dma_wait3A_409 = tpu.memref_slice %arg11[%dma_wait3A_407, %dma_wait3A_408] : memref<10240x48xf32, #tpu.memory_space<vmem_shared>> -> memref<10240x48xf32, #tpu.memory_space<vmem_shared>>
        tpu.wait_indirect_dma semaphore(%run_scoped3A_397 : memref<!tpu.dma_semaphore, #tpu.memory_space<semaphore_mem>>) src(%arg8 : memref<128x48xf32, #tpu.memory_space<vmem>>) dst(%dma_wait3A_409 : memref<10240x48xf32, #tpu.memory_space<vmem_shared>>)
        tpu.yield
      }) : () -> ()
      %dma_start3A_309 = arith.constant 4 : i32
      %dma_start3A_310 = arith.constant 0 : i32
      %dma_start3A_311 = arith.constant 0 : i32
      %dma_start3A_312 = tpu.memref_slice %arg7[%dma_start3A_309, %dma_start3A_310, %dma_start3A_311] : memref<8x2x128xi32, #tpu.memory_space<vmem>> -> memref<1x1x128xi32, #tpu.memory_space<vmem>>
      %dma_start3A_313 = tpu.memref_squeeze %dma_start3A_312 : memref<1x1x128xi32, #tpu.memory_space<vmem>> -> memref<128xi32, #tpu.memory_space<vmem>>
      %dma_start3A_314 = arith.constant 0 : i32
      %dma_start3A_315 = arith.constant 0 : i32
      %dma_start3A_316 = tpu.memref_slice %arg10[%dma_start3A_314, %dma_start3A_315] : memref<10240x48xf32, #tpu.memory_space<vmem_shared>> -> memref<10240x48xf32, #tpu.memory_space<vmem_shared>>
      tpu.enqueue_indirect_dma source(%dma_start3A_316 : memref<10240x48xf32, #tpu.memory_space<vmem_shared>>) target(%arg8 : memref<128x48xf32, #tpu.memory_space<vmem>>) offsets(%dma_start3A_313 : memref<128xi32, #tpu.memory_space<vmem>>) semaphore(%arg14 : memref<!tpu.dma_semaphore, #tpu.memory_space<semaphore_mem>>)
      %dma_wait3A_317 = arith.constant 0 : i32
      %dma_wait3A_318 = arith.constant 0 : i32
      %dma_wait3A_319 = tpu.memref_slice %arg4[%dma_wait3A_317, %dma_wait3A_318] : memref<10240x48xf32, #tpu.memory_space<hbm>> -> memref<128x48xf32, #tpu.memory_space<hbm>>
      %dma_wait3A_320 = arith.constant 0 : i32
      %dma_wait3A_321 = arith.constant 0 : i32
      %dma_wait3A_322 = tpu.memref_slice %arg4[%dma_wait3A_320, %dma_wait3A_321] : memref<10240x48xf32, #tpu.memory_space<hbm>> -> memref<128x48xf32, #tpu.memory_space<hbm>>
      tpu.wait_dma2 semaphore(%arg15 : memref<!tpu.dma_semaphore, #tpu.memory_space<semaphore_mem>>) src(%dma_wait3A_322 : memref<128x48xf32, #tpu.memory_space<hbm>>) dst(%arg9 : memref<128x48xf32, #tpu.memory_space<vmem>>)
      %run_scoped3A_323 = arith.constant 3 : i32
      %run_scoped3A_324 = arith.constant 1 : i32
      "tpu.region"() ({
        %run_scoped3A_397 = tpu.sem_alloc : memref<!tpu.dma_semaphore, #tpu.memory_space<semaphore_mem>>
        %dma_start3A_398 = arith.constant 0 : i32
        %dma_start3A_399 = tpu.memref_slice %arg7[%run_scoped3A_323, %run_scoped3A_324, %dma_start3A_398] : memref<8x2x128xi32, #tpu.memory_space<vmem>> -> memref<1x1x128xi32, #tpu.memory_space<vmem>>
        %dma_start3A_400 = tpu.memref_squeeze %dma_start3A_399 : memref<1x1x128xi32, #tpu.memory_space<vmem>> -> memref<128xi32, #tpu.memory_space<vmem>>
        %dma_start3A_401 = arith.constant 0 : i32
        %dma_start3A_402 = arith.constant 0 : i32
        %dma_start3A_403 = tpu.memref_slice %arg11[%dma_start3A_401, %dma_start3A_402] : memref<10240x48xf32, #tpu.memory_space<vmem_shared>> -> memref<10240x48xf32, #tpu.memory_space<vmem_shared>>
        tpu.enqueue_indirect_dma source(%arg9 : memref<128x48xf32, #tpu.memory_space<vmem>>) target(%dma_start3A_403 : memref<10240x48xf32, #tpu.memory_space<vmem_shared>>) offsets(%dma_start3A_400 : memref<128xi32, #tpu.memory_space<vmem>>) semaphore(%run_scoped3A_397 : memref<!tpu.dma_semaphore, #tpu.memory_space<semaphore_mem>>) {add = true}
        %dma_wait3A_404 = arith.constant 0 : i32
        %dma_wait3A_405 = tpu.memref_slice %arg7[%run_scoped3A_323, %run_scoped3A_324, %dma_wait3A_404] : memref<8x2x128xi32, #tpu.memory_space<vmem>> -> memref<1x1x128xi32, #tpu.memory_space<vmem>>
        %dma_wait3A_406 = tpu.memref_squeeze %dma_wait3A_405 : memref<1x1x128xi32, #tpu.memory_space<vmem>> -> memref<128xi32, #tpu.memory_space<vmem>>
        %dma_wait3A_407 = arith.constant 0 : i32
        %dma_wait3A_408 = arith.constant 0 : i32
        %dma_wait3A_409 = tpu.memref_slice %arg11[%dma_wait3A_407, %dma_wait3A_408] : memref<10240x48xf32, #tpu.memory_space<vmem_shared>> -> memref<10240x48xf32, #tpu.memory_space<vmem_shared>>
        tpu.wait_indirect_dma semaphore(%run_scoped3A_397 : memref<!tpu.dma_semaphore, #tpu.memory_space<semaphore_mem>>) src(%arg9 : memref<128x48xf32, #tpu.memory_space<vmem>>) dst(%dma_wait3A_409 : memref<10240x48xf32, #tpu.memory_space<vmem_shared>>)
        tpu.yield
      }) : () -> ()
      %dma_start3A_325 = arith.constant 5 : i32
      %dma_start3A_326 = arith.constant 0 : i32
      %dma_start3A_327 = arith.constant 0 : i32
      %dma_start3A_328 = tpu.memref_slice %arg7[%dma_start3A_325, %dma_start3A_326, %dma_start3A_327] : memref<8x2x128xi32, #tpu.memory_space<vmem>> -> memref<1x1x128xi32, #tpu.memory_space<vmem>>
      %dma_start3A_329 = tpu.memref_squeeze %dma_start3A_328 : memref<1x1x128xi32, #tpu.memory_space<vmem>> -> memref<128xi32, #tpu.memory_space<vmem>>
      %dma_start3A_330 = arith.constant 0 : i32
      %dma_start3A_331 = arith.constant 0 : i32
      %dma_start3A_332 = tpu.memref_slice %arg10[%dma_start3A_330, %dma_start3A_331] : memref<10240x48xf32, #tpu.memory_space<vmem_shared>> -> memref<10240x48xf32, #tpu.memory_space<vmem_shared>>
      tpu.enqueue_indirect_dma source(%dma_start3A_332 : memref<10240x48xf32, #tpu.memory_space<vmem_shared>>) target(%arg9 : memref<128x48xf32, #tpu.memory_space<vmem>>) offsets(%dma_start3A_329 : memref<128xi32, #tpu.memory_space<vmem>>) semaphore(%arg15 : memref<!tpu.dma_semaphore, #tpu.memory_space<semaphore_mem>>)
      %dma_wait3A_333 = arith.constant 0 : i32
      %dma_wait3A_334 = arith.constant 0 : i32
      %dma_wait3A_335 = tpu.memref_slice %arg4[%dma_wait3A_333, %dma_wait3A_334] : memref<10240x48xf32, #tpu.memory_space<hbm>> -> memref<128x48xf32, #tpu.memory_space<hbm>>
      %dma_wait3A_336 = arith.constant 0 : i32
      %dma_wait3A_337 = arith.constant 0 : i32
      %dma_wait3A_338 = tpu.memref_slice %arg4[%dma_wait3A_336, %dma_wait3A_337] : memref<10240x48xf32, #tpu.memory_space<hbm>> -> memref<128x48xf32, #tpu.memory_space<hbm>>
      tpu.wait_dma2 semaphore(%arg14 : memref<!tpu.dma_semaphore, #tpu.memory_space<semaphore_mem>>) src(%dma_wait3A_338 : memref<128x48xf32, #tpu.memory_space<hbm>>) dst(%arg8 : memref<128x48xf32, #tpu.memory_space<vmem>>)
      %run_scoped3A_339 = arith.constant 4 : i32
      %run_scoped3A_340 = arith.constant 1 : i32
      "tpu.region"() ({
        %run_scoped3A_397 = tpu.sem_alloc : memref<!tpu.dma_semaphore, #tpu.memory_space<semaphore_mem>>
        %dma_start3A_398 = arith.constant 0 : i32
        %dma_start3A_399 = tpu.memref_slice %arg7[%run_scoped3A_339, %run_scoped3A_340, %dma_start3A_398] : memref<8x2x128xi32, #tpu.memory_space<vmem>> -> memref<1x1x128xi32, #tpu.memory_space<vmem>>
        %dma_start3A_400 = tpu.memref_squeeze %dma_start3A_399 : memref<1x1x128xi32, #tpu.memory_space<vmem>> -> memref<128xi32, #tpu.memory_space<vmem>>
        %dma_start3A_401 = arith.constant 0 : i32
        %dma_start3A_402 = arith.constant 0 : i32
        %dma_start3A_403 = tpu.memref_slice %arg11[%dma_start3A_401, %dma_start3A_402] : memref<10240x48xf32, #tpu.memory_space<vmem_shared>> -> memref<10240x48xf32, #tpu.memory_space<vmem_shared>>
        tpu.enqueue_indirect_dma source(%arg8 : memref<128x48xf32, #tpu.memory_space<vmem>>) target(%dma_start3A_403 : memref<10240x48xf32, #tpu.memory_space<vmem_shared>>) offsets(%dma_start3A_400 : memref<128xi32, #tpu.memory_space<vmem>>) semaphore(%run_scoped3A_397 : memref<!tpu.dma_semaphore, #tpu.memory_space<semaphore_mem>>) {add = true}
        %dma_wait3A_404 = arith.constant 0 : i32
        %dma_wait3A_405 = tpu.memref_slice %arg7[%run_scoped3A_339, %run_scoped3A_340, %dma_wait3A_404] : memref<8x2x128xi32, #tpu.memory_space<vmem>> -> memref<1x1x128xi32, #tpu.memory_space<vmem>>
        %dma_wait3A_406 = tpu.memref_squeeze %dma_wait3A_405 : memref<1x1x128xi32, #tpu.memory_space<vmem>> -> memref<128xi32, #tpu.memory_space<vmem>>
        %dma_wait3A_407 = arith.constant 0 : i32
        %dma_wait3A_408 = arith.constant 0 : i32
        %dma_wait3A_409 = tpu.memref_slice %arg11[%dma_wait3A_407, %dma_wait3A_408] : memref<10240x48xf32, #tpu.memory_space<vmem_shared>> -> memref<10240x48xf32, #tpu.memory_space<vmem_shared>>
        tpu.wait_indirect_dma semaphore(%run_scoped3A_397 : memref<!tpu.dma_semaphore, #tpu.memory_space<semaphore_mem>>) src(%arg8 : memref<128x48xf32, #tpu.memory_space<vmem>>) dst(%dma_wait3A_409 : memref<10240x48xf32, #tpu.memory_space<vmem_shared>>)
        tpu.yield
      }) : () -> ()
      %dma_start3A_341 = arith.constant 6 : i32
      %dma_start3A_342 = arith.constant 0 : i32
      %dma_start3A_343 = arith.constant 0 : i32
      %dma_start3A_344 = tpu.memref_slice %arg7[%dma_start3A_341, %dma_start3A_342, %dma_start3A_343] : memref<8x2x128xi32, #tpu.memory_space<vmem>> -> memref<1x1x128xi32, #tpu.memory_space<vmem>>
      %dma_start3A_345 = tpu.memref_squeeze %dma_start3A_344 : memref<1x1x128xi32, #tpu.memory_space<vmem>> -> memref<128xi32, #tpu.memory_space<vmem>>
      %dma_start3A_346 = arith.constant 0 : i32
      %dma_start3A_347 = arith.constant 0 : i32
      %dma_start3A_348 = tpu.memref_slice %arg10[%dma_start3A_346, %dma_start3A_347] : memref<10240x48xf32, #tpu.memory_space<vmem_shared>> -> memref<10240x48xf32, #tpu.memory_space<vmem_shared>>
      tpu.enqueue_indirect_dma source(%dma_start3A_348 : memref<10240x48xf32, #tpu.memory_space<vmem_shared>>) target(%arg8 : memref<128x48xf32, #tpu.memory_space<vmem>>) offsets(%dma_start3A_345 : memref<128xi32, #tpu.memory_space<vmem>>) semaphore(%arg14 : memref<!tpu.dma_semaphore, #tpu.memory_space<semaphore_mem>>)
      %dma_wait3A_349 = arith.constant 0 : i32
      %dma_wait3A_350 = arith.constant 0 : i32
      %dma_wait3A_351 = tpu.memref_slice %arg4[%dma_wait3A_349, %dma_wait3A_350] : memref<10240x48xf32, #tpu.memory_space<hbm>> -> memref<128x48xf32, #tpu.memory_space<hbm>>
      %dma_wait3A_352 = arith.constant 0 : i32
      %dma_wait3A_353 = arith.constant 0 : i32
      %dma_wait3A_354 = tpu.memref_slice %arg4[%dma_wait3A_352, %dma_wait3A_353] : memref<10240x48xf32, #tpu.memory_space<hbm>> -> memref<128x48xf32, #tpu.memory_space<hbm>>
      tpu.wait_dma2 semaphore(%arg15 : memref<!tpu.dma_semaphore, #tpu.memory_space<semaphore_mem>>) src(%dma_wait3A_354 : memref<128x48xf32, #tpu.memory_space<hbm>>) dst(%arg9 : memref<128x48xf32, #tpu.memory_space<vmem>>)
      %run_scoped3A_355 = arith.constant 5 : i32
      %run_scoped3A_356 = arith.constant 1 : i32
      "tpu.region"() ({
        %run_scoped3A_397 = tpu.sem_alloc : memref<!tpu.dma_semaphore, #tpu.memory_space<semaphore_mem>>
        %dma_start3A_398 = arith.constant 0 : i32
        %dma_start3A_399 = tpu.memref_slice %arg7[%run_scoped3A_355, %run_scoped3A_356, %dma_start3A_398] : memref<8x2x128xi32, #tpu.memory_space<vmem>> -> memref<1x1x128xi32, #tpu.memory_space<vmem>>
        %dma_start3A_400 = tpu.memref_squeeze %dma_start3A_399 : memref<1x1x128xi32, #tpu.memory_space<vmem>> -> memref<128xi32, #tpu.memory_space<vmem>>
        %dma_start3A_401 = arith.constant 0 : i32
        %dma_start3A_402 = arith.constant 0 : i32
        %dma_start3A_403 = tpu.memref_slice %arg11[%dma_start3A_401, %dma_start3A_402] : memref<10240x48xf32, #tpu.memory_space<vmem_shared>> -> memref<10240x48xf32, #tpu.memory_space<vmem_shared>>
        tpu.enqueue_indirect_dma source(%arg9 : memref<128x48xf32, #tpu.memory_space<vmem>>) target(%dma_start3A_403 : memref<10240x48xf32, #tpu.memory_space<vmem_shared>>) offsets(%dma_start3A_400 : memref<128xi32, #tpu.memory_space<vmem>>) semaphore(%run_scoped3A_397 : memref<!tpu.dma_semaphore, #tpu.memory_space<semaphore_mem>>) {add = true}
        %dma_wait3A_404 = arith.constant 0 : i32
        %dma_wait3A_405 = tpu.memref_slice %arg7[%run_scoped3A_355, %run_scoped3A_356, %dma_wait3A_404] : memref<8x2x128xi32, #tpu.memory_space<vmem>> -> memref<1x1x128xi32, #tpu.memory_space<vmem>>
        %dma_wait3A_406 = tpu.memref_squeeze %dma_wait3A_405 : memref<1x1x128xi32, #tpu.memory_space<vmem>> -> memref<128xi32, #tpu.memory_space<vmem>>
        %dma_wait3A_407 = arith.constant 0 : i32
        %dma_wait3A_408 = arith.constant 0 : i32
        %dma_wait3A_409 = tpu.memref_slice %arg11[%dma_wait3A_407, %dma_wait3A_408] : memref<10240x48xf32, #tpu.memory_space<vmem_shared>> -> memref<10240x48xf32, #tpu.memory_space<vmem_shared>>
        tpu.wait_indirect_dma semaphore(%run_scoped3A_397 : memref<!tpu.dma_semaphore, #tpu.memory_space<semaphore_mem>>) src(%arg9 : memref<128x48xf32, #tpu.memory_space<vmem>>) dst(%dma_wait3A_409 : memref<10240x48xf32, #tpu.memory_space<vmem_shared>>)
        tpu.yield
      }) : () -> ()
      %dma_start3A_357 = arith.constant 7 : i32
      %dma_start3A_358 = arith.constant 0 : i32
      %dma_start3A_359 = arith.constant 0 : i32
      %dma_start3A_360 = tpu.memref_slice %arg7[%dma_start3A_357, %dma_start3A_358, %dma_start3A_359] : memref<8x2x128xi32, #tpu.memory_space<vmem>> -> memref<1x1x128xi32, #tpu.memory_space<vmem>>
      %dma_start3A_361 = tpu.memref_squeeze %dma_start3A_360 : memref<1x1x128xi32, #tpu.memory_space<vmem>> -> memref<128xi32, #tpu.memory_space<vmem>>
      %dma_start3A_362 = arith.constant 0 : i32
      %dma_start3A_363 = arith.constant 0 : i32
      %dma_start3A_364 = tpu.memref_slice %arg10[%dma_start3A_362, %dma_start3A_363] : memref<10240x48xf32, #tpu.memory_space<vmem_shared>> -> memref<10240x48xf32, #tpu.memory_space<vmem_shared>>
      tpu.enqueue_indirect_dma source(%dma_start3A_364 : memref<10240x48xf32, #tpu.memory_space<vmem_shared>>) target(%arg9 : memref<128x48xf32, #tpu.memory_space<vmem>>) offsets(%dma_start3A_361 : memref<128xi32, #tpu.memory_space<vmem>>) semaphore(%arg15 : memref<!tpu.dma_semaphore, #tpu.memory_space<semaphore_mem>>)
      %dma_wait3A_365 = arith.constant 0 : i32
      %dma_wait3A_366 = arith.constant 0 : i32
      %dma_wait3A_367 = tpu.memref_slice %arg4[%dma_wait3A_365, %dma_wait3A_366] : memref<10240x48xf32, #tpu.memory_space<hbm>> -> memref<128x48xf32, #tpu.memory_space<hbm>>
      %dma_wait3A_368 = arith.constant 0 : i32
      %dma_wait3A_369 = arith.constant 0 : i32
      %dma_wait3A_370 = tpu.memref_slice %arg4[%dma_wait3A_368, %dma_wait3A_369] : memref<10240x48xf32, #tpu.memory_space<hbm>> -> memref<128x48xf32, #tpu.memory_space<hbm>>
      tpu.wait_dma2 semaphore(%arg14 : memref<!tpu.dma_semaphore, #tpu.memory_space<semaphore_mem>>) src(%dma_wait3A_370 : memref<128x48xf32, #tpu.memory_space<hbm>>) dst(%arg8 : memref<128x48xf32, #tpu.memory_space<vmem>>)
      %run_scoped3A_371 = arith.constant 6 : i32
      %run_scoped3A_372 = arith.constant 1 : i32
      "tpu.region"() ({
        %run_scoped3A_397 = tpu.sem_alloc : memref<!tpu.dma_semaphore, #tpu.memory_space<semaphore_mem>>
        %dma_start3A_398 = arith.constant 0 : i32
        %dma_start3A_399 = tpu.memref_slice %arg7[%run_scoped3A_371, %run_scoped3A_372, %dma_start3A_398] : memref<8x2x128xi32, #tpu.memory_space<vmem>> -> memref<1x1x128xi32, #tpu.memory_space<vmem>>
        %dma_start3A_400 = tpu.memref_squeeze %dma_start3A_399 : memref<1x1x128xi32, #tpu.memory_space<vmem>> -> memref<128xi32, #tpu.memory_space<vmem>>
        %dma_start3A_401 = arith.constant 0 : i32
        %dma_start3A_402 = arith.constant 0 : i32
        %dma_start3A_403 = tpu.memref_slice %arg11[%dma_start3A_401, %dma_start3A_402] : memref<10240x48xf32, #tpu.memory_space<vmem_shared>> -> memref<10240x48xf32, #tpu.memory_space<vmem_shared>>
        tpu.enqueue_indirect_dma source(%arg8 : memref<128x48xf32, #tpu.memory_space<vmem>>) target(%dma_start3A_403 : memref<10240x48xf32, #tpu.memory_space<vmem_shared>>) offsets(%dma_start3A_400 : memref<128xi32, #tpu.memory_space<vmem>>) semaphore(%run_scoped3A_397 : memref<!tpu.dma_semaphore, #tpu.memory_space<semaphore_mem>>) {add = true}
        %dma_wait3A_404 = arith.constant 0 : i32
        %dma_wait3A_405 = tpu.memref_slice %arg7[%run_scoped3A_371, %run_scoped3A_372, %dma_wait3A_404] : memref<8x2x128xi32, #tpu.memory_space<vmem>> -> memref<1x1x128xi32, #tpu.memory_space<vmem>>
        %dma_wait3A_406 = tpu.memref_squeeze %dma_wait3A_405 : memref<1x1x128xi32, #tpu.memory_space<vmem>> -> memref<128xi32, #tpu.memory_space<vmem>>
        %dma_wait3A_407 = arith.constant 0 : i32
        %dma_wait3A_408 = arith.constant 0 : i32
        %dma_wait3A_409 = tpu.memref_slice %arg11[%dma_wait3A_407, %dma_wait3A_408] : memref<10240x48xf32, #tpu.memory_space<vmem_shared>> -> memref<10240x48xf32, #tpu.memory_space<vmem_shared>>
        tpu.wait_indirect_dma semaphore(%run_scoped3A_397 : memref<!tpu.dma_semaphore, #tpu.memory_space<semaphore_mem>>) src(%arg8 : memref<128x48xf32, #tpu.memory_space<vmem>>) dst(%dma_wait3A_409 : memref<10240x48xf32, #tpu.memory_space<vmem_shared>>)
        tpu.yield
      }) : () -> ()
      %lt3A_373 = arith.constant 4 : i32
      %lt3A_374 = arith.cmpi slt, %scan3A_118, %lt3A_373 : i32
      %convert_element_type3A_375 = arith.extui %lt3A_374 : i1 to i32
      %cond3A_376 = arith.constant 0 : i32
      %cond3A_377 = arith.cmpi ne, %convert_element_type3A_375, %cond3A_376 : i32
      scf.if %cond3A_377 {
        %dma_wait3A_397 = arith.constant 0 : i32
        %dma_wait3A_398 = arith.constant 0 : i32
        %dma_wait3A_399 = arith.constant 0 : i32
        %dma_wait3A_400 = arith.constant 0 : i32
        %dma_wait3A_401 = tpu.memref_slice %arg3[%add3A, %dma_wait3A_397, %dma_wait3A_398, %dma_wait3A_399, %dma_wait3A_400] : memref<32x10x8x2x128xi32, #tpu.memory_space<hbm>> -> memref<1x1x8x2x128xi32, #tpu.memory_space<hbm>>
        %dma_wait3A_402 = tpu.memref_squeeze %dma_wait3A_401 : memref<1x1x8x2x128xi32, #tpu.memory_space<hbm>> -> memref<8x2x128xi32, #tpu.memory_space<hbm>>
        %dma_wait3A_403 = arith.constant 0 : i32
        %dma_wait3A_404 = arith.constant 0 : i32
        %dma_wait3A_405 = arith.constant 0 : i32
        %dma_wait3A_406 = tpu.memref_slice %arg3[%add3A, %dma_wait3A_397, %dma_wait3A_403, %dma_wait3A_404, %dma_wait3A_405] : memref<32x10x8x2x128xi32, #tpu.memory_space<hbm>> -> memref<1x1x8x2x128xi32, #tpu.memory_space<hbm>>
        %dma_wait3A_407 = tpu.memref_squeeze %dma_wait3A_406 : memref<1x1x8x2x128xi32, #tpu.memory_space<hbm>> -> memref<8x2x128xi32, #tpu.memory_space<hbm>>
        tpu.wait_dma2 semaphore(%arg12 : memref<!tpu.dma_semaphore, #tpu.memory_space<semaphore_mem>>) src(%dma_wait3A_407 : memref<8x2x128xi32, #tpu.memory_space<hbm>>) dst(%arg6 : memref<8x2x128xi32, #tpu.memory_space<vmem>>)
        %dma_start3A_408 = arith.constant 0 : i32
        %dma_start3A_409 = arith.constant 0 : i32
        %dma_start3A_410 = arith.constant 0 : i32
        %dma_start3A_411 = tpu.memref_slice %arg6[%dma_start3A_408, %dma_start3A_409, %dma_start3A_410] : memref<8x2x128xi32, #tpu.memory_space<vmem>> -> memref<1x1x128xi32, #tpu.memory_space<vmem>>
        %dma_start3A_412 = tpu.memref_squeeze %dma_start3A_411 : memref<1x1x128xi32, #tpu.memory_space<vmem>> -> memref<128xi32, #tpu.memory_space<vmem>>
        %dma_start3A_413 = arith.constant 0 : i32
        %dma_start3A_414 = arith.constant 0 : i32
        %dma_start3A_415 = tpu.memref_slice %arg10[%dma_start3A_413, %dma_start3A_414] : memref<10240x48xf32, #tpu.memory_space<vmem_shared>> -> memref<10240x48xf32, #tpu.memory_space<vmem_shared>>
        tpu.enqueue_indirect_dma source(%dma_start3A_415 : memref<10240x48xf32, #tpu.memory_space<vmem_shared>>) target(%arg8 : memref<128x48xf32, #tpu.memory_space<vmem>>) offsets(%dma_start3A_412 : memref<128xi32, #tpu.memory_space<vmem>>) semaphore(%arg14 : memref<!tpu.dma_semaphore, #tpu.memory_space<semaphore_mem>>)
      } else {
      }
      %dma_wait3A_378 = arith.constant 0 : i32
      %dma_wait3A_379 = arith.constant 0 : i32
      %dma_wait3A_380 = tpu.memref_slice %arg4[%dma_wait3A_378, %dma_wait3A_379] : memref<10240x48xf32, #tpu.memory_space<hbm>> -> memref<128x48xf32, #tpu.memory_space<hbm>>
      %dma_wait3A_381 = arith.constant 0 : i32
      %dma_wait3A_382 = arith.constant 0 : i32
      %dma_wait3A_383 = tpu.memref_slice %arg4[%dma_wait3A_381, %dma_wait3A_382] : memref<10240x48xf32, #tpu.memory_space<hbm>> -> memref<128x48xf32, #tpu.memory_space<hbm>>
      tpu.wait_dma2 semaphore(%arg15 : memref<!tpu.dma_semaphore, #tpu.memory_space<semaphore_mem>>) src(%dma_wait3A_383 : memref<128x48xf32, #tpu.memory_space<hbm>>) dst(%arg9 : memref<128x48xf32, #tpu.memory_space<vmem>>)
      %run_scoped3A_384 = arith.constant 7 : i32
      %run_scoped3A_385 = arith.constant 1 : i32
      "tpu.region"() ({
        %run_scoped3A_397 = tpu.sem_alloc : memref<!tpu.dma_semaphore, #tpu.memory_space<semaphore_mem>>
        %dma_start3A_398 = arith.constant 0 : i32
        %dma_start3A_399 = tpu.memref_slice %arg7[%run_scoped3A_384, %run_scoped3A_385, %dma_start3A_398] : memref<8x2x128xi32, #tpu.memory_space<vmem>> -> memref<1x1x128xi32, #tpu.memory_space<vmem>>
        %dma_start3A_400 = tpu.memref_squeeze %dma_start3A_399 : memref<1x1x128xi32, #tpu.memory_space<vmem>> -> memref<128xi32, #tpu.memory_space<vmem>>
        %dma_start3A_401 = arith.constant 0 : i32
        %dma_start3A_402 = arith.constant 0 : i32
        %dma_start3A_403 = tpu.memref_slice %arg11[%dma_start3A_401, %dma_start3A_402] : memref<10240x48xf32, #tpu.memory_space<vmem_shared>> -> memref<10240x48xf32, #tpu.memory_space<vmem_shared>>
        tpu.enqueue_indirect_dma source(%arg9 : memref<128x48xf32, #tpu.memory_space<vmem>>) target(%dma_start3A_403 : memref<10240x48xf32, #tpu.memory_space<vmem_shared>>) offsets(%dma_start3A_400 : memref<128xi32, #tpu.memory_space<vmem>>) semaphore(%run_scoped3A_397 : memref<!tpu.dma_semaphore, #tpu.memory_space<semaphore_mem>>) {add = true}
        %dma_wait3A_404 = arith.constant 0 : i32
        %dma_wait3A_405 = tpu.memref_slice %arg7[%run_scoped3A_384, %run_scoped3A_385, %dma_wait3A_404] : memref<8x2x128xi32, #tpu.memory_space<vmem>> -> memref<1x1x128xi32, #tpu.memory_space<vmem>>
        %dma_wait3A_406 = tpu.memref_squeeze %dma_wait3A_405 : memref<1x1x128xi32, #tpu.memory_space<vmem>> -> memref<128xi32, #tpu.memory_space<vmem>>
        %dma_wait3A_407 = arith.constant 0 : i32
        %dma_wait3A_408 = arith.constant 0 : i32
        %dma_wait3A_409 = tpu.memref_slice %arg11[%dma_wait3A_407, %dma_wait3A_408] : memref<10240x48xf32, #tpu.memory_space<vmem_shared>> -> memref<10240x48xf32, #tpu.memory_space<vmem_shared>>
        tpu.wait_indirect_dma semaphore(%run_scoped3A_397 : memref<!tpu.dma_semaphore, #tpu.memory_space<semaphore_mem>>) src(%arg9 : memref<128x48xf32, #tpu.memory_space<vmem>>) dst(%dma_wait3A_409 : memref<10240x48xf32, #tpu.memory_space<vmem_shared>>)
        tpu.yield
      }) : () -> ()
      %lt3A_386 = arith.constant 4 : i32
      %lt3A_387 = arith.cmpi slt, %scan3A_118, %lt3A_386 : i32
      %convert_element_type3A_388 = arith.extui %lt3A_387 : i1 to i32
      %cond3A_389 = arith.constant 0 : i32
      %cond3A_390 = arith.cmpi ne, %convert_element_type3A_388, %cond3A_389 : i32
      scf.if %cond3A_390 {
        %dma_start3A_397 = arith.constant 1 : i32
        %dma_start3A_398 = arith.constant 0 : i32
        %dma_start3A_399 = arith.constant 0 : i32
        %dma_start3A_400 = tpu.memref_slice %arg6[%dma_start3A_397, %dma_start3A_398, %dma_start3A_399] : memref<8x2x128xi32, #tpu.memory_space<vmem>> -> memref<1x1x128xi32, #tpu.memory_space<vmem>>
        %dma_start3A_401 = tpu.memref_squeeze %dma_start3A_400 : memref<1x1x128xi32, #tpu.memory_space<vmem>> -> memref<128xi32, #tpu.memory_space<vmem>>
        %dma_start3A_402 = arith.constant 0 : i32
        %dma_start3A_403 = arith.constant 0 : i32
        %dma_start3A_404 = tpu.memref_slice %arg10[%dma_start3A_402, %dma_start3A_403] : memref<10240x48xf32, #tpu.memory_space<vmem_shared>> -> memref<10240x48xf32, #tpu.memory_space<vmem_shared>>
        tpu.enqueue_indirect_dma source(%dma_start3A_404 : memref<10240x48xf32, #tpu.memory_space<vmem_shared>>) target(%arg9 : memref<128x48xf32, #tpu.memory_space<vmem>>) offsets(%dma_start3A_401 : memref<128xi32, #tpu.memory_space<vmem>>) semaphore(%arg15 : memref<!tpu.dma_semaphore, #tpu.memory_space<semaphore_mem>>)
      } else {
      }
      %lt3A_391 = arith.constant 4 : i32
      %lt3A_392 = arith.cmpi slt, %scan3A_118, %lt3A_391 : i32
      %convert_element_type3A_393 = arith.extui %lt3A_392 : i1 to i32
      %cond3A_394 = arith.constant 0 : i32
      %cond3A_395 = arith.cmpi ne, %convert_element_type3A_393, %cond3A_394 : i32
      scf.if %cond3A_395 {
        %add3A_397 = arith.constant 2 : i32
        %add3A_398 = arith.addi %add3A_268, %add3A_397 : i32
        %dma_start3A_399 = arith.constant 0 : i32
        %dma_start3A_400 = arith.constant 0 : i32
        %dma_start3A_401 = arith.constant 0 : i32
        %dma_start3A_402 = tpu.memref_slice %arg3[%add3A, %add3A_398, %dma_start3A_399, %dma_start3A_400, %dma_start3A_401] : memref<32x10x8x2x128xi32, #tpu.memory_space<hbm>> -> memref<1x1x8x2x128xi32, #tpu.memory_space<hbm>>
        %dma_start3A_403 = tpu.memref_squeeze %dma_start3A_402 : memref<1x1x8x2x128xi32, #tpu.memory_space<hbm>> -> memref<8x2x128xi32, #tpu.memory_space<hbm>>
        %dma_start3A_404 = arith.constant 0 : i32
        %dma_start3A_405 = arith.constant 0 : i32
        %dma_start3A_406 = arith.constant 0 : i32
        %dma_start3A_407 = tpu.memref_slice %arg3[%add3A, %add3A_398, %dma_start3A_404, %dma_start3A_405, %dma_start3A_406] : memref<32x10x8x2x128xi32, #tpu.memory_space<hbm>> -> memref<1x1x8x2x128xi32, #tpu.memory_space<hbm>>
        %dma_start3A_408 = tpu.memref_squeeze %dma_start3A_407 : memref<1x1x8x2x128xi32, #tpu.memory_space<hbm>> -> memref<8x2x128xi32, #tpu.memory_space<hbm>>
        tpu.enqueue_dma source(%dma_start3A_408 : memref<8x2x128xi32, #tpu.memory_space<hbm>>) target(%arg7 : memref<8x2x128xi32, #tpu.memory_space<vmem>>) target_semaphore(%arg13 : memref<!tpu.dma_semaphore, #tpu.memory_space<semaphore_mem>>)
      } else {
      }
      %scan3A_396 = arith.constant 0 : i32
      scf.yield %scan3A_396 : i32
    }
    %scan3A_115 = arith.constant 5 : i32
    %barrier3A_116 = arith.constant 0 : index
    tpu.barrier barrier_id(%barrier3A_116)
    %run_scoped3A_117 = arith.constant 1 : i32
    "tpu.region"() ({
      %run_scoped3A_118 = tpu.sem_alloc : memref<!tpu.dma_semaphore, #tpu.memory_space<semaphore_mem>>
      %dma_start3A_119 = arith.constant 0 : i32
      %dma_start3A_120 = tpu.memref_slice %arg5[%arg0, %run_scoped3A_117, %mul3A_2, %dma_start3A_119] : memref<2x2x10240x48xf32, #tpu.memory_space<hbm>> -> memref<1x1x640x48xf32, #tpu.memory_space<hbm>>
      %dma_start3A_121 = tpu.memref_squeeze %dma_start3A_120 : memref<1x1x640x48xf32, #tpu.memory_space<hbm>> -> memref<640x48xf32, #tpu.memory_space<hbm>>
      %dma_start3A_122 = arith.constant 0 : i32
      %dma_start3A_123 = tpu.memref_slice %arg11[%mul3A_2, %dma_start3A_122] : memref<10240x48xf32, #tpu.memory_space<vmem_shared>> -> memref<640x48xf32, #tpu.memory_space<vmem_shared>>
      tpu.enqueue_dma source(%dma_start3A_123 : memref<640x48xf32, #tpu.memory_space<vmem_shared>>) target(%dma_start3A_121 : memref<640x48xf32, #tpu.memory_space<hbm>>) target_semaphore(%run_scoped3A_118 : memref<!tpu.dma_semaphore, #tpu.memory_space<semaphore_mem>>)
      %dma_wait3A_124 = arith.constant 0 : i32
      %dma_wait3A_125 = tpu.memref_slice %arg5[%arg0, %run_scoped3A_117, %mul3A_2, %dma_wait3A_124] : memref<2x2x10240x48xf32, #tpu.memory_space<hbm>> -> memref<1x1x640x48xf32, #tpu.memory_space<hbm>>
      %dma_wait3A_126 = tpu.memref_squeeze %dma_wait3A_125 : memref<1x1x640x48xf32, #tpu.memory_space<hbm>> -> memref<640x48xf32, #tpu.memory_space<hbm>>
      %dma_wait3A_127 = arith.constant 0 : i32
      %dma_wait3A_128 = tpu.memref_slice %arg11[%mul3A_2, %dma_wait3A_127] : memref<10240x48xf32, #tpu.memory_space<vmem_shared>> -> memref<640x48xf32, #tpu.memory_space<vmem_shared>>
      tpu.wait_dma2 semaphore(%run_scoped3A_118 : memref<!tpu.dma_semaphore, #tpu.memory_space<semaphore_mem>>) src(%dma_wait3A_128 : memref<640x48xf32, #tpu.memory_space<vmem_shared>>) dst(%dma_wait3A_126 : memref<640x48xf32, #tpu.memory_space<hbm>>)
      tpu.yield
    }) : () -> ()
    return
  }
}

module attributes {stable_mosaic.version = 14 : i64} {
  func.func @_l1_body(%arg0: i32, %arg1: memref<1280x128xf32, #tpu.memory_space<vmem>>, %arg2: memref<2x1280x16xf32, #tpu.memory_space<vmem>>, %arg3: memref<128x64xf32, #tpu.memory_space<vmem>>, %arg4: memref<128x64xf32, #tpu.memory_space<vmem>>, %arg5: memref<2x1280x64xf32, #tpu.memory_space<vmem>>) attributes {dimension_semantics = [#tpu.dimension_semantics<arbitrary>], iteration_bounds = array<i64: 8>, scalar_prefetch = 0 : i64, scratch_operands = 0 : i64, tpu.core_type = #tpu.core_type<tc>, window_params = [{transform_indices = @transform_0, window_bounds = array<i64: 1280, 128>}, {transform_indices = @transform_1, window_bounds = array<i64: 2, 1280, 16>}, {pipeline_mode = #tpu.pipeline_mode<synchronous>, transform_indices = @transform_2, window_bounds = array<i64: 128, 64>}, {pipeline_mode = #tpu.pipeline_mode<synchronous>, transform_indices = @transform_3, window_bounds = array<i64: 128, 64>}, {transform_indices = @transform_4, window_bounds = array<i64: 2, 1280, 64>}]} {
    %get3A = arith.constant 0 : index
    %get3A_0 = arith.constant 0 : index
    %get3A_1 = arith.constant 0 : index
    %get3A_2 = vector.load %arg2[%get3A, %get3A_0, %get3A_1] : memref<2x1280x16xf32, #tpu.memory_space<vmem>>, vector<2x1280x16xf32>
    %slice3A = vector.extract_strided_slice %get3A_2 {offsets = [0, 0, 0], sizes = [1, 1280, 1], strides = [1, 1, 1]} : vector<2x1280x16xf32> to vector<1x1280x1xf32>
    %squeeze3A = vector.shape_cast %slice3A : vector<1x1280x1xf32> to vector<1280xf32>
    %slice3A_3 = vector.extract_strided_slice %get3A_2 {offsets = [1, 0, 0], sizes = [1, 1280, 1], strides = [1, 1, 1]} : vector<2x1280x16xf32> to vector<1x1280x1xf32>
    %squeeze3A_4 = vector.shape_cast %slice3A_3 : vector<1x1280x1xf32> to vector<1280xf32>
    %add3A = arith.addf %squeeze3A, %squeeze3A_4 : vector<1280xf32>
    %gt3A = arith.constant 0.000000e+00 : f32
    %gt3A_5 = vector.broadcast %gt3A : f32 to vector<1280xf32>
    %gt3A_6 = arith.cmpf ogt, %add3A, %gt3A_5 : vector<1280xf32>
    %rsqrt3A = math.rsqrt %add3A : vector<1280xf32>
    %jit3A = arith.constant 0.000000e+00 : f32
    %broadcast_in_dim3A = vector.broadcast %jit3A : f32 to vector<1280xf32>
    %select_n3A = arith.select %gt3A_6, %rsqrt3A, %broadcast_in_dim3A : vector<1280xi1>, vector<1280xf32>
    %gt3A_7 = arith.constant 0.000000e+00 : f32
    %gt3A_8 = vector.broadcast %gt3A_7 : f32 to vector<1280xf32>
    %gt3A_9 = arith.cmpf ogt, %add3A, %gt3A_8 : vector<1280xf32>
    %div3A = arith.constant 1.000000e+00 : f32
    %div3A_10 = vector.broadcast %div3A : f32 to vector<1280xf32>
    %div3A_11 = arith.divf %div3A_10, %add3A : vector<1280xf32>
    %jit3A_12 = arith.constant 0.000000e+00 : f32
    %broadcast_in_dim3A_13 = vector.broadcast %jit3A_12 : f32 to vector<1280xf32>
    %select_n3A_14 = arith.select %gt3A_9, %div3A_11, %broadcast_in_dim3A_13 : vector<1280xi1>, vector<1280xf32>
    %broadcast_in_dim3A_15 = vector.shape_cast %select_n3A : vector<1280xf32> to vector<1280x1xf32>
    %broadcast_in_dim3A_16 = vector.shape_cast %select_n3A_14 : vector<1280xf32> to vector<1280x1xf32>
    %get3A_17 = arith.constant 0 : index
    %get3A_18 = arith.constant 0 : index
    %get3A_19 = vector.load %arg1[%get3A_17, %get3A_18] : memref<1280x128xf32, #tpu.memory_space<vmem>>, vector<1280x128xf32>
    %get3A_20 = arith.constant 0 : index
    %get3A_21 = arith.constant 0 : index
    %get3A_22 = vector.load %arg3[%get3A_20, %get3A_21] : memref<128x64xf32, #tpu.memory_space<vmem>>, vector<128x64xf32>
    %dot_general3A = arith.constant dense<0.000000e+00> : vector<1280x64xf32>
    %dot_general3A_23 = tpu.matmul %get3A_19, %get3A_22, %dot_general3A {dimension_numbers = #tpu.dot_dimension_numbers<[1], [0], [0], [1], [0, 0, 1, 1], [], []>, transpose_lhs_hint = false} : vector<1280x128xf32>, vector<128x64xf32>, vector<1280x64xf32> -> vector<1280x64xf32>
    %gt3A_24 = arith.constant 0.000000e+00 : f32
    %gt3A_25 = vector.broadcast %gt3A_24 : f32 to vector<1280x64xf32>
    %gt3A_26 = arith.cmpf ogt, %dot_general3A_23, %gt3A_25 : vector<1280x64xf32>
    %min3A = arith.constant 0.000000e+00 : f32
    %min3A_27 = vector.broadcast %min3A : f32 to vector<1280x64xf32>
    %min3A_28 = arith.minimumf %dot_general3A_23, %min3A_27 : vector<1280x64xf32>
    %exp3A = math.exp %min3A_28 : vector<1280x64xf32>
    %sub3A = arith.constant 1.000000e+00 : f32
    %sub3A_29 = vector.broadcast %sub3A : f32 to vector<1280x64xf32>
    %sub3A_30 = arith.subf %exp3A, %sub3A_29 : vector<1280x64xf32>
    %select_n3A_31 = arith.select %gt3A_26, %dot_general3A_23, %sub3A_30 : vector<1280x64xi1>, vector<1280x64xf32>
    %get3A_32 = arith.constant 0 : index
    %get3A_33 = arith.constant 0 : index
    %get3A_34 = vector.load %arg4[%get3A_32, %get3A_33] : memref<128x64xf32, #tpu.memory_space<vmem>>, vector<128x64xf32>
    %dot_general3A_35 = arith.constant dense<0.000000e+00> : vector<1280x64xf32>
    %dot_general3A_36 = tpu.matmul %get3A_19, %get3A_34, %dot_general3A_35 {dimension_numbers = #tpu.dot_dimension_numbers<[1], [0], [0], [1], [0, 0, 1, 1], [], []>, transpose_lhs_hint = false} : vector<1280x128xf32>, vector<128x64xf32>, vector<1280x64xf32> -> vector<1280x64xf32>
    %max3A = arith.constant 0.000000e+00 : f32
    %max3A_37 = vector.broadcast %max3A : f32 to vector<1280x64xf32>
    %max3A_38 = arith.maximumf %dot_general3A_36, %max3A_37 : vector<1280x64xf32>
    %mul3A = arith.constant -1.000000e+00 : f32
    %mul3A_39 = vector.broadcast %mul3A : f32 to vector<1280x64xf32>
    %mul3A_40 = arith.mulf %mul3A_39, %max3A_38 : vector<1280x64xf32>
    %exp3A_41 = math.exp %mul3A_40 : vector<1280x64xf32>
    %mul3A_42 = arith.mulf %select_n3A_31, %exp3A_41 : vector<1280x64xf32>
    %mul3A_43 = vector.broadcast %broadcast_in_dim3A_15 : vector<1280x1xf32> to vector<1280x64xf32>
    %mul3A_44 = arith.mulf %mul3A_42, %mul3A_43 : vector<1280x64xf32>
    %swap3A = arith.constant 0 : index
    %swap3A_45 = arith.constant 0 : index
    %swap3A_46 = arith.constant 0 : index
    %swap3A_47 = vector.load %arg5[%swap3A, %swap3A_45, %swap3A_46] : memref<2x1280x64xf32, #tpu.memory_space<vmem>>, vector<1x1280x64xf32>
    %swap3A_48 = vector.shape_cast %swap3A_47 : vector<1x1280x64xf32> to vector<1280x64xf32>
    %swap3A_49 = vector.shape_cast %mul3A_44 : vector<1280x64xf32> to vector<1x1280x64xf32>
    tpu.vector_store %arg5[%swap3A, %swap3A_45, %swap3A_46], %swap3A_49 {strides = array<i32>} : memref<2x1280x64xf32, #tpu.memory_space<vmem>>, vector<1x1280x64xf32>,
    %mul3A_50 = arith.mulf %max3A_38, %exp3A_41 : vector<1280x64xf32>
    %mul3A_51 = arith.mulf %mul3A_50, %exp3A_41 : vector<1280x64xf32>
    %mul3A_52 = vector.broadcast %broadcast_in_dim3A_16 : vector<1280x1xf32> to vector<1280x64xf32>
    %mul3A_53 = arith.mulf %mul3A_51, %mul3A_52 : vector<1280x64xf32>
    %swap3A_54 = arith.constant 1 : index
    %swap3A_55 = arith.constant 0 : index
    %swap3A_56 = arith.constant 0 : index
    %swap3A_57 = vector.load %arg5[%swap3A_54, %swap3A_55, %swap3A_56] : memref<2x1280x64xf32, #tpu.memory_space<vmem>>, vector<1x1280x64xf32>
    %swap3A_58 = vector.shape_cast %swap3A_57 : vector<1x1280x64xf32> to vector<1280x64xf32>
    %swap3A_59 = vector.shape_cast %mul3A_53 : vector<1280x64xf32> to vector<1x1280x64xf32>
    tpu.vector_store %arg5[%swap3A_54, %swap3A_55, %swap3A_56], %swap3A_59 {strides = array<i32>} : memref<2x1280x64xf32, #tpu.memory_space<vmem>>, vector<1x1280x64xf32>,
    return
  }
  func.func @transform_0(%arg0: i32) -> (i32, i32) {
    %c0_i32 = arith.constant 0 : i32
    %c0_i32_0 = arith.constant 0 : i32
    return %arg0, %c0_i32 : i32, i32
  }
  func.func @transform_1(%arg0: i32) -> (i32, i32, i32) {
    %c0_i32 = arith.constant 0 : i32
    %c0_i32_0 = arith.constant 0 : i32
    %c0_i32_1 = arith.constant 0 : i32
    return %c0_i32, %arg0, %c0_i32_0 : i32, i32, i32
  }
  func.func @transform_2(%arg0: i32) -> (i32, i32) {
    %c0_i32 = arith.constant 0 : i32
    %c0_i32_0 = arith.constant 0 : i32
    %c0_i32_1 = arith.constant 0 : i32
    return %c0_i32, %c0_i32_0 : i32, i32
  }
  func.func @transform_3(%arg0: i32) -> (i32, i32) {
    %c0_i32 = arith.constant 0 : i32
    %c0_i32_0 = arith.constant 0 : i32
    %c0_i32_1 = arith.constant 0 : i32
    return %c0_i32, %c0_i32_0 : i32, i32
  }
  func.func @transform_4(%arg0: i32) -> (i32, i32, i32) {
    %c0_i32 = arith.constant 0 : i32
    %c0_i32_0 = arith.constant 0 : i32
    %c0_i32_1 = arith.constant 0 : i32
    return %c0_i32, %arg0, %c0_i32_0 : i32, i32, i32
  }
}

module attributes {stable_mosaic.version = 14 : i64} {
  func.func @_l2_body(%arg0: i32, %arg1: memref<2x1280x64xf32, #tpu.memory_space<vmem>>, %arg2: memref<2x1280x64xf32, #tpu.memory_space<vmem>>, %arg3: memref<2x1280x16xf32, #tpu.memory_space<vmem>>, %arg4: memref<64x40xf32, #tpu.memory_space<vmem>>, %arg5: memref<64x40xf32, #tpu.memory_space<vmem>>, %arg6: memref<2x1280x48xf32, #tpu.memory_space<vmem>>) attributes {dimension_semantics = [#tpu.dimension_semantics<arbitrary>], iteration_bounds = array<i64: 8>, scalar_prefetch = 0 : i64, scratch_operands = 0 : i64, tpu.core_type = #tpu.core_type<tc>, window_params = [{transform_indices = @transform_0, window_bounds = array<i64: 2, 1280, 64>}, {transform_indices = @transform_1, window_bounds = array<i64: 2, 1280, 64>}, {transform_indices = @transform_2, window_bounds = array<i64: 2, 1280, 16>}, {pipeline_mode = #tpu.pipeline_mode<synchronous>, transform_indices = @transform_3, window_bounds = array<i64: 64, 40>}, {pipeline_mode = #tpu.pipeline_mode<synchronous>, transform_indices = @transform_4, window_bounds = array<i64: 64, 40>}, {transform_indices = @transform_5, window_bounds = array<i64: 2, 1280, 48>}]} {
    %get3A = arith.constant 0 : index
    %get3A_0 = arith.constant 0 : index
    %get3A_1 = arith.constant 0 : index
    %get3A_2 = vector.load %arg3[%get3A, %get3A_0, %get3A_1] : memref<2x1280x16xf32, #tpu.memory_space<vmem>>, vector<2x1280x16xf32>
    %slice3A = vector.extract_strided_slice %get3A_2 {offsets = [0, 0, 0], sizes = [1, 1280, 1], strides = [1, 1, 1]} : vector<2x1280x16xf32> to vector<1x1280x1xf32>
    %squeeze3A = vector.shape_cast %slice3A : vector<1x1280x1xf32> to vector<1280xf32>
    %slice3A_3 = vector.extract_strided_slice %get3A_2 {offsets = [1, 0, 0], sizes = [1, 1280, 1], strides = [1, 1, 1]} : vector<2x1280x16xf32> to vector<1x1280x1xf32>
    %squeeze3A_4 = vector.shape_cast %slice3A_3 : vector<1x1280x1xf32> to vector<1280xf32>
    %add3A = arith.addf %squeeze3A, %squeeze3A_4 : vector<1280xf32>
    %gt3A = arith.constant 0.000000e+00 : f32
    %gt3A_5 = vector.broadcast %gt3A : f32 to vector<1280xf32>
    %gt3A_6 = arith.cmpf ogt, %add3A, %gt3A_5 : vector<1280xf32>
    %rsqrt3A = math.rsqrt %add3A : vector<1280xf32>
    %jit3A = arith.constant 0.000000e+00 : f32
    %broadcast_in_dim3A = vector.broadcast %jit3A : f32 to vector<1280xf32>
    %select_n3A = arith.select %gt3A_6, %rsqrt3A, %broadcast_in_dim3A : vector<1280xi1>, vector<1280xf32>
    %gt3A_7 = arith.constant 0.000000e+00 : f32
    %gt3A_8 = vector.broadcast %gt3A_7 : f32 to vector<1280xf32>
    %gt3A_9 = arith.cmpf ogt, %add3A, %gt3A_8 : vector<1280xf32>
    %div3A = arith.constant 1.000000e+00 : f32
    %div3A_10 = vector.broadcast %div3A : f32 to vector<1280xf32>
    %div3A_11 = arith.divf %div3A_10, %add3A : vector<1280xf32>
    %jit3A_12 = arith.constant 0.000000e+00 : f32
    %broadcast_in_dim3A_13 = vector.broadcast %jit3A_12 : f32 to vector<1280xf32>
    %select_n3A_14 = arith.select %gt3A_9, %div3A_11, %broadcast_in_dim3A_13 : vector<1280xi1>, vector<1280xf32>
    %broadcast_in_dim3A_15 = vector.shape_cast %select_n3A : vector<1280xf32> to vector<1280x1xf32>
    %broadcast_in_dim3A_16 = vector.shape_cast %select_n3A_14 : vector<1280xf32> to vector<1280x1xf32>
    %get3A_17 = arith.constant 0 : index
    %get3A_18 = arith.constant 0 : index
    %get3A_19 = arith.constant 0 : index
    %get3A_20 = vector.load %arg1[%get3A_17, %get3A_18, %get3A_19] : memref<2x1280x64xf32, #tpu.memory_space<vmem>>, vector<1x1280x64xf32>
    %get3A_21 = vector.shape_cast %get3A_20 : vector<1x1280x64xf32> to vector<1280x64xf32>
    %get3A_22 = arith.constant 1 : index
    %get3A_23 = arith.constant 0 : index
    %get3A_24 = arith.constant 0 : index
    %get3A_25 = vector.load %arg1[%get3A_22, %get3A_23, %get3A_24] : memref<2x1280x64xf32, #tpu.memory_space<vmem>>, vector<1x1280x64xf32>
    %get3A_26 = vector.shape_cast %get3A_25 : vector<1x1280x64xf32> to vector<1280x64xf32>
    %add3A_27 = arith.addf %get3A_21, %get3A_26 : vector<1280x64xf32>
    %mul3A = vector.broadcast %broadcast_in_dim3A_15 : vector<1280x1xf32> to vector<1280x64xf32>
    %mul3A_28 = arith.mulf %add3A_27, %mul3A : vector<1280x64xf32>
    %get3A_29 = arith.constant 0 : index
    %get3A_30 = arith.constant 0 : index
    %get3A_31 = arith.constant 0 : index
    %get3A_32 = vector.load %arg2[%get3A_29, %get3A_30, %get3A_31] : memref<2x1280x64xf32, #tpu.memory_space<vmem>>, vector<1x1280x64xf32>
    %get3A_33 = vector.shape_cast %get3A_32 : vector<1x1280x64xf32> to vector<1280x64xf32>
    %get3A_34 = arith.constant 1 : index
    %get3A_35 = arith.constant 0 : index
    %get3A_36 = arith.constant 0 : index
    %get3A_37 = vector.load %arg2[%get3A_34, %get3A_35, %get3A_36] : memref<2x1280x64xf32, #tpu.memory_space<vmem>>, vector<1x1280x64xf32>
    %get3A_38 = vector.shape_cast %get3A_37 : vector<1x1280x64xf32> to vector<1280x64xf32>
    %add3A_39 = arith.addf %get3A_33, %get3A_38 : vector<1280x64xf32>
    %mul3A_40 = vector.broadcast %broadcast_in_dim3A_16 : vector<1280x1xf32> to vector<1280x64xf32>
    %mul3A_41 = arith.mulf %add3A_39, %mul3A_40 : vector<1280x64xf32>
    %get3A_42 = arith.constant 0 : index
    %get3A_43 = arith.constant 0 : index
    %get3A_44 = vector.load %arg4[%get3A_42, %get3A_43] : memref<64x40xf32, #tpu.memory_space<vmem>>, vector<64x40xf32>
    %dot_general3A = arith.constant dense<0.000000e+00> : vector<1280x40xf32>
    %dot_general3A_45 = tpu.matmul %mul3A_28, %get3A_44, %dot_general3A {dimension_numbers = #tpu.dot_dimension_numbers<[1], [0], [0], [1], [0, 0, 1, 1], [], []>, transpose_lhs_hint = false} : vector<1280x64xf32>, vector<64x40xf32>, vector<1280x40xf32> -> vector<1280x40xf32>
    %gt3A_46 = arith.constant 0.000000e+00 : f32
    %gt3A_47 = vector.broadcast %gt3A_46 : f32 to vector<1280x40xf32>
    %gt3A_48 = arith.cmpf ogt, %dot_general3A_45, %gt3A_47 : vector<1280x40xf32>
    %min3A = arith.constant 0.000000e+00 : f32
    %min3A_49 = vector.broadcast %min3A : f32 to vector<1280x40xf32>
    %min3A_50 = arith.minimumf %dot_general3A_45, %min3A_49 : vector<1280x40xf32>
    %exp3A = math.exp %min3A_50 : vector<1280x40xf32>
    %sub3A = arith.constant 1.000000e+00 : f32
    %sub3A_51 = vector.broadcast %sub3A : f32 to vector<1280x40xf32>
    %sub3A_52 = arith.subf %exp3A, %sub3A_51 : vector<1280x40xf32>
    %select_n3A_53 = arith.select %gt3A_48, %dot_general3A_45, %sub3A_52 : vector<1280x40xi1>, vector<1280x40xf32>
    %get3A_54 = arith.constant 0 : index
    %get3A_55 = arith.constant 0 : index
    %get3A_56 = vector.load %arg5[%get3A_54, %get3A_55] : memref<64x40xf32, #tpu.memory_space<vmem>>, vector<64x40xf32>
    %dot_general3A_57 = arith.constant dense<0.000000e+00> : vector<1280x40xf32>
    %dot_general3A_58 = tpu.matmul %mul3A_41, %get3A_56, %dot_general3A_57 {dimension_numbers = #tpu.dot_dimension_numbers<[1], [0], [0], [1], [0, 0, 1, 1], [], []>, transpose_lhs_hint = false} : vector<1280x64xf32>, vector<64x40xf32>, vector<1280x40xf32> -> vector<1280x40xf32>
    %max3A = arith.constant 0.000000e+00 : f32
    %max3A_59 = vector.broadcast %max3A : f32 to vector<1280x40xf32>
    %max3A_60 = arith.maximumf %dot_general3A_58, %max3A_59 : vector<1280x40xf32>
    %mul3A_61 = arith.constant -1.000000e+00 : f32
    %mul3A_62 = vector.broadcast %mul3A_61 : f32 to vector<1280x40xf32>
    %mul3A_63 = arith.mulf %mul3A_62, %max3A_60 : vector<1280x40xf32>
    %exp3A_64 = math.exp %mul3A_63 : vector<1280x40xf32>
    %broadcast_in_dim3A_65 = arith.constant 0.000000e+00 : f32
    %broadcast_in_dim3A_66 = vector.broadcast %broadcast_in_dim3A_65 : f32 to vector<1280x8xf32>
    %mul3A_67 = arith.mulf %select_n3A_53, %exp3A_64 : vector<1280x40xf32>
    %mul3A_68 = vector.broadcast %broadcast_in_dim3A_15 : vector<1280x1xf32> to vector<1280x40xf32>
    %mul3A_69 = arith.mulf %mul3A_67, %mul3A_68 : vector<1280x40xf32>
    %concatenate3A = tpu.concatenate %mul3A_69, %broadcast_in_dim3A_66 in 1 : vector<1280x40xf32>, vector<1280x8xf32> -> vector<1280x48xf32>
    %swap3A = arith.constant 0 : index
    %swap3A_70 = arith.constant 0 : index
    %swap3A_71 = arith.constant 0 : index
    %swap3A_72 = vector.load %arg6[%swap3A, %swap3A_70, %swap3A_71] : memref<2x1280x48xf32, #tpu.memory_space<vmem>>, vector<1x1280x48xf32>
    %swap3A_73 = vector.shape_cast %swap3A_72 : vector<1x1280x48xf32> to vector<1280x48xf32>
    %swap3A_74 = vector.shape_cast %concatenate3A : vector<1280x48xf32> to vector<1x1280x48xf32>
    tpu.vector_store %arg6[%swap3A, %swap3A_70, %swap3A_71], %swap3A_74 {strides = array<i32>} : memref<2x1280x48xf32, #tpu.memory_space<vmem>>, vector<1x1280x48xf32>,
    %mul3A_75 = arith.mulf %max3A_60, %exp3A_64 : vector<1280x40xf32>
    %mul3A_76 = arith.mulf %mul3A_75, %exp3A_64 : vector<1280x40xf32>
    %mul3A_77 = vector.broadcast %broadcast_in_dim3A_16 : vector<1280x1xf32> to vector<1280x40xf32>
    %mul3A_78 = arith.mulf %mul3A_76, %mul3A_77 : vector<1280x40xf32>
    %concatenate3A_79 = tpu.concatenate %mul3A_78, %broadcast_in_dim3A_66 in 1 : vector<1280x40xf32>, vector<1280x8xf32> -> vector<1280x48xf32>
    %swap3A_80 = arith.constant 1 : index
    %swap3A_81 = arith.constant 0 : index
    %swap3A_82 = arith.constant 0 : index
    %swap3A_83 = vector.load %arg6[%swap3A_80, %swap3A_81, %swap3A_82] : memref<2x1280x48xf32, #tpu.memory_space<vmem>>, vector<1x1280x48xf32>
    %swap3A_84 = vector.shape_cast %swap3A_83 : vector<1x1280x48xf32> to vector<1280x48xf32>
    %swap3A_85 = vector.shape_cast %concatenate3A_79 : vector<1280x48xf32> to vector<1x1280x48xf32>
    tpu.vector_store %arg6[%swap3A_80, %swap3A_81, %swap3A_82], %swap3A_85 {strides = array<i32>} : memref<2x1280x48xf32, #tpu.memory_space<vmem>>, vector<1x1280x48xf32>,
    return
  }
  func.func @transform_0(%arg0: i32) -> (i32, i32, i32) {
    %c0_i32 = arith.constant 0 : i32
    %c0_i32_0 = arith.constant 0 : i32
    %c0_i32_1 = arith.constant 0 : i32
    return %c0_i32, %arg0, %c0_i32_0 : i32, i32, i32
  }
  func.func @transform_1(%arg0: i32) -> (i32, i32, i32) {
    %c0_i32 = arith.constant 0 : i32
    %c0_i32_0 = arith.constant 0 : i32
    %c0_i32_1 = arith.constant 0 : i32
    return %c0_i32, %arg0, %c0_i32_0 : i32, i32, i32
  }
  func.func @transform_2(%arg0: i32) -> (i32, i32, i32) {
    %c0_i32 = arith.constant 0 : i32
    %c0_i32_0 = arith.constant 0 : i32
    %c0_i32_1 = arith.constant 0 : i32
    return %c0_i32, %arg0, %c0_i32_0 : i32, i32, i32
  }
  func.func @transform_3(%arg0: i32) -> (i32, i32) {
    %c0_i32 = arith.constant 0 : i32
    %c0_i32_0 = arith.constant 0 : i32
    %c0_i32_1 = arith.constant 0 : i32
    return %c0_i32, %c0_i32_0 : i32, i32
  }
  func.func @transform_4(%arg0: i32) -> (i32, i32) {
    %c0_i32 = arith.constant 0 : i32
    %c0_i32_0 = arith.constant 0 : i32
    %c0_i32_1 = arith.constant 0 : i32
    return %c0_i32, %c0_i32_0 : i32, i32
  }
  func.func @transform_5(%arg0: i32) -> (i32, i32, i32) {
    %c0_i32 = arith.constant 0 : i32
    %c0_i32_0 = arith.constant 0 : i32
    %c0_i32_1 = arith.constant 0 : i32
    return %c0_i32, %arg0, %c0_i32_0 : i32, i32, i32
  }
}

module attributes {stable_mosaic.version = 14 : i64} {
  func.func @_out_body(%arg0: i32, %arg1: memref<2x1280x48xf32, #tpu.memory_space<vmem>>, %arg2: memref<2x1280x48xf32, #tpu.memory_space<vmem>>, %arg3: memref<2x1280x16xf32, #tpu.memory_space<vmem>>, %arg4: memref<1280x48xf32, #tpu.memory_space<vmem>>, %arg5: memref<1280x48xf32, #tpu.memory_space<vmem>>) attributes {dimension_semantics = [#tpu.dimension_semantics<arbitrary>], iteration_bounds = array<i64: 8>, scalar_prefetch = 0 : i64, scratch_operands = 0 : i64, tpu.core_type = #tpu.core_type<tc>, window_params = [{transform_indices = @transform_0, window_bounds = array<i64: 2, 1280, 48>}, {transform_indices = @transform_1, window_bounds = array<i64: 2, 1280, 48>}, {transform_indices = @transform_2, window_bounds = array<i64: 2, 1280, 16>}, {transform_indices = @transform_3, window_bounds = array<i64: 1280, 48>}, {transform_indices = @transform_4, window_bounds = array<i64: 1280, 48>}]} {
    %get3A = arith.constant 0 : index
    %get3A_0 = arith.constant 0 : index
    %get3A_1 = arith.constant 0 : index
    %get3A_2 = vector.load %arg3[%get3A, %get3A_0, %get3A_1] : memref<2x1280x16xf32, #tpu.memory_space<vmem>>, vector<2x1280x16xf32>
    %slice3A = vector.extract_strided_slice %get3A_2 {offsets = [0, 0, 0], sizes = [1, 1280, 1], strides = [1, 1, 1]} : vector<2x1280x16xf32> to vector<1x1280x1xf32>
    %squeeze3A = vector.shape_cast %slice3A : vector<1x1280x1xf32> to vector<1280xf32>
    %slice3A_3 = vector.extract_strided_slice %get3A_2 {offsets = [1, 0, 0], sizes = [1, 1280, 1], strides = [1, 1, 1]} : vector<2x1280x16xf32> to vector<1x1280x1xf32>
    %squeeze3A_4 = vector.shape_cast %slice3A_3 : vector<1x1280x1xf32> to vector<1280xf32>
    %add3A = arith.addf %squeeze3A, %squeeze3A_4 : vector<1280xf32>
    %gt3A = arith.constant 0.000000e+00 : f32
    %gt3A_5 = vector.broadcast %gt3A : f32 to vector<1280xf32>
    %gt3A_6 = arith.cmpf ogt, %add3A, %gt3A_5 : vector<1280xf32>
    %rsqrt3A = math.rsqrt %add3A : vector<1280xf32>
    %jit3A = arith.constant 0.000000e+00 : f32
    %broadcast_in_dim3A = vector.broadcast %jit3A : f32 to vector<1280xf32>
    %select_n3A = arith.select %gt3A_6, %rsqrt3A, %broadcast_in_dim3A : vector<1280xi1>, vector<1280xf32>
    %gt3A_7 = arith.constant 0.000000e+00 : f32
    %gt3A_8 = vector.broadcast %gt3A_7 : f32 to vector<1280xf32>
    %gt3A_9 = arith.cmpf ogt, %add3A, %gt3A_8 : vector<1280xf32>
    %div3A = arith.constant 1.000000e+00 : f32
    %div3A_10 = vector.broadcast %div3A : f32 to vector<1280xf32>
    %div3A_11 = arith.divf %div3A_10, %add3A : vector<1280xf32>
    %jit3A_12 = arith.constant 0.000000e+00 : f32
    %broadcast_in_dim3A_13 = vector.broadcast %jit3A_12 : f32 to vector<1280xf32>
    %select_n3A_14 = arith.select %gt3A_9, %div3A_11, %broadcast_in_dim3A_13 : vector<1280xi1>, vector<1280xf32>
    %broadcast_in_dim3A_15 = vector.shape_cast %select_n3A : vector<1280xf32> to vector<1280x1xf32>
    %broadcast_in_dim3A_16 = vector.shape_cast %select_n3A_14 : vector<1280xf32> to vector<1280x1xf32>
    %get3A_17 = arith.constant 0 : index
    %get3A_18 = arith.constant 0 : index
    %get3A_19 = arith.constant 0 : index
    %get3A_20 = vector.load %arg1[%get3A_17, %get3A_18, %get3A_19] : memref<2x1280x48xf32, #tpu.memory_space<vmem>>, vector<1x1280x48xf32>
    %get3A_21 = vector.shape_cast %get3A_20 : vector<1x1280x48xf32> to vector<1280x48xf32>
    %get3A_22 = arith.constant 1 : index
    %get3A_23 = arith.constant 0 : index
    %get3A_24 = arith.constant 0 : index
    %get3A_25 = vector.load %arg1[%get3A_22, %get3A_23, %get3A_24] : memref<2x1280x48xf32, #tpu.memory_space<vmem>>, vector<1x1280x48xf32>
    %get3A_26 = vector.shape_cast %get3A_25 : vector<1x1280x48xf32> to vector<1280x48xf32>
    %add3A_27 = arith.addf %get3A_21, %get3A_26 : vector<1280x48xf32>
    %mul3A = vector.broadcast %broadcast_in_dim3A_15 : vector<1280x1xf32> to vector<1280x48xf32>
    %mul3A_28 = arith.mulf %add3A_27, %mul3A : vector<1280x48xf32>
    %get3A_29 = arith.constant 0 : index
    %get3A_30 = arith.constant 0 : index
    %get3A_31 = arith.constant 0 : index
    %get3A_32 = vector.load %arg2[%get3A_29, %get3A_30, %get3A_31] : memref<2x1280x48xf32, #tpu.memory_space<vmem>>, vector<1x1280x48xf32>
    %get3A_33 = vector.shape_cast %get3A_32 : vector<1x1280x48xf32> to vector<1280x48xf32>
    %get3A_34 = arith.constant 1 : index
    %get3A_35 = arith.constant 0 : index
    %get3A_36 = arith.constant 0 : index
    %get3A_37 = vector.load %arg2[%get3A_34, %get3A_35, %get3A_36] : memref<2x1280x48xf32, #tpu.memory_space<vmem>>, vector<1x1280x48xf32>
    %get3A_38 = vector.shape_cast %get3A_37 : vector<1x1280x48xf32> to vector<1280x48xf32>
    %add3A_39 = arith.addf %get3A_33, %get3A_38 : vector<1280x48xf32>
    %mul3A_40 = vector.broadcast %broadcast_in_dim3A_16 : vector<1280x1xf32> to vector<1280x48xf32>
    %mul3A_41 = arith.mulf %add3A_39, %mul3A_40 : vector<1280x48xf32>
    %get3A_42 = arith.constant 0 : index
    %get3A_43 = arith.constant 0 : index
    %get3A_44 = vector.load %arg4[%get3A_42, %get3A_43] : memref<1280x48xf32, #tpu.memory_space<vmem>>, vector<1280x48xf32>
    %add3A_45 = arith.constant 9.99999993E-9 : f32
    %add3A_46 = vector.broadcast %add3A_45 : f32 to vector<1280x48xf32>
    %add3A_47 = arith.addf %mul3A_41, %add3A_46 : vector<1280x48xf32>
    %sqrt3A = math.sqrt %add3A_47 : vector<1280x48xf32>
    %mul3A_48 = arith.mulf %get3A_44, %sqrt3A : vector<1280x48xf32>
    %add3A_49 = arith.addf %mul3A_28, %mul3A_48 : vector<1280x48xf32>
    %iota3A = tpu.iota {dimensions = array<i32: 1>} : vector<1280x48xi32>
    %lt3A = arith.constant 40 : i32
    %lt3A_50 = vector.broadcast %lt3A : i32 to vector<1280x48xi32>
    %lt3A_51 = arith.cmpi slt, %iota3A, %lt3A_50 : vector<1280x48xi32>
    %jit3A_52 = arith.constant -1.000000e+30 : f32
    %broadcast_in_dim3A_53 = vector.broadcast %jit3A_52 : f32 to vector<1280x48xf32>
    %select_n3A_54 = arith.select %lt3A_51, %add3A_49, %broadcast_in_dim3A_53 : vector<1280x48xi1>, vector<1280x48xf32>
    %reduce_max3A = arith.constant dense<0xFF800000> : vector<1280xf32>
    %reduce_max3A_55 = vector.multi_reduction <maximumf>, %select_n3A_54, %reduce_max3A [1] : vector<1280x48xf32> to vector<1280xf32>
    %broadcast_in_dim3A_56 = vector.shape_cast %reduce_max3A_55 : vector<1280xf32> to vector<1280x1xf32>
    %sub3A = vector.broadcast %broadcast_in_dim3A_56 : vector<1280x1xf32> to vector<1280x48xf32>
    %sub3A_57 = arith.subf %select_n3A_54, %sub3A : vector<1280x48xf32>
    %exp3A = math.exp %sub3A_57 : vector<1280x48xf32>
    %reduce_sum3A = arith.constant dense<0.000000e+00> : vector<1280xf32>
    %reduce_sum3A_58 = vector.multi_reduction <add>, %exp3A, %reduce_sum3A [1] : vector<1280x48xf32> to vector<1280xf32>
    %broadcast_in_dim3A_59 = vector.shape_cast %reduce_sum3A_58 : vector<1280xf32> to vector<1280x1xf32>
    %log3A = math.log %broadcast_in_dim3A_59 : vector<1280x1xf32>
    %sub3A_60 = vector.broadcast %broadcast_in_dim3A_56 : vector<1280x1xf32> to vector<1280x48xf32>
    %sub3A_61 = arith.subf %select_n3A_54, %sub3A_60 : vector<1280x48xf32>
    %sub3A_62 = vector.broadcast %log3A : vector<1280x1xf32> to vector<1280x48xf32>
    %sub3A_63 = arith.subf %sub3A_61, %sub3A_62 : vector<1280x48xf32>
    %swap3A = arith.constant 0 : index
    %swap3A_64 = arith.constant 0 : index
    %swap3A_65 = vector.load %arg5[%swap3A, %swap3A_64] : memref<1280x48xf32, #tpu.memory_space<vmem>>, vector<1280x48xf32>
    tpu.vector_store %arg5[%swap3A, %swap3A_64], %sub3A_63 {strides = array<i32>} : memref<1280x48xf32, #tpu.memory_space<vmem>>, vector<1280x48xf32>,
    return
  }
  func.func @transform_0(%arg0: i32) -> (i32, i32, i32) {
    %c0_i32 = arith.constant 0 : i32
    %c0_i32_0 = arith.constant 0 : i32
    %c0_i32_1 = arith.constant 0 : i32
    return %c0_i32, %arg0, %c0_i32_0 : i32, i32, i32
  }
  func.func @transform_1(%arg0: i32) -> (i32, i32, i32) {
    %c0_i32 = arith.constant 0 : i32
    %c0_i32_0 = arith.constant 0 : i32
    %c0_i32_1 = arith.constant 0 : i32
    return %c0_i32, %arg0, %c0_i32_0 : i32, i32, i32
  }
  func.func @transform_2(%arg0: i32) -> (i32, i32, i32) {
    %c0_i32 = arith.constant 0 : i32
    %c0_i32_0 = arith.constant 0 : i32
    %c0_i32_1 = arith.constant 0 : i32
    return %c0_i32, %arg0, %c0_i32_0 : i32, i32, i32
  }
  func.func @transform_3(%arg0: i32) -> (i32, i32) {
    %c0_i32 = arith.constant 0 : i32
    %c0_i32_0 = arith.constant 0 : i32
    return %arg0, %c0_i32 : i32, i32
  }
  func.func @transform_4(%arg0: i32) -> (i32, i32) {
    %c0_i32 = arith.constant 0 : i32
    %c0_i32_0 = arith.constant 0 : i32
    return %arg0, %c0_i32 : i32, i32
  }
}

</mosaic_0001>

<sc_bundles>
// kernel: kernel.11.cloned.1.call-start
scs
__scs_entry_jumppad:
0x0: {  	(pc) =	sbr.rel $0x88, $3  }
0x1: {  	(tag) =	ssettag $0x0;
	lr =	simm.s32 $0x1  }
0x2: {  	[smem:$0x3F9A] =	sst lr;
	_ =	strace $0xD0000000  }
0x3: {  	_ = 	snop  }
0x4: {  	_ = 	snop  }
0x5: {  	_ = 	snop  }
0x6: {  	_ = 	snop  }
0x7: {  	_ = 	snop  }
__scs_overlays_trampoline_lowered:
0x8: {  	[smem:$0x3FA9] =	sst s0  }
0x9: {  	[smem:$0x3FAA] =	sst s1  }
0xa: {  	[smem:$0x3FAB] =	sst s2  }
0xb: {  	[smem:$0x3FAC] =	sst s3  }
0xc: {  	[smem:$0x3FAD] =	sst s4  }
0xd: {  	[smem:$0x3FAE] =	sst s5  }
0xe: {  	[smem:$0x3FAF] =	sst s6  }
0xf: {  	[smem:$0x3FB0] =	sst s7  }
0x10: {  	[smem:$0x3FB1] =	sst s8  }
0x11: {  	[smem:$0x3FB2] =	sst s9;
	s0 =	simm.s32 @!p0 $0x0  }
0x12: {  	s1 =	sld [smem:$0x3F98];
	s0 =	simm.s32 @p0 $0x1  }
0x13: {  	[smem:$0x3FB3] =	sst s0;
	s0 =	simm.s32 @!p1 $0x0  }
0x14: {  	s2 =	sld [smem:$0x3F97];
	s0 =	simm.s32 @p1 $0x1  }
0x15: {  	[smem:$0x3FB4] =	sst s0;
	s0 =	simm.s32 @!p2 $0x0  }
0x16: {  	s3 =	sld [smem:$0x3FDB];
	s0 =	simm.s32 @p2 $0x1  }
0x17: {  	s4 =	simm.s32 $0x1BF5;
	[smem:$0x3FB6] =	sst s0  }
0x18: {  	s0 =	sld [smem:$0x3F99];
	_ =	swait.ge [sflag:s4], $0x0  }
0x19: {  	s7 =	sld [smem:$0x3F9A]  }
0x1a: {  	s8 =	sadd.s32 $0xFFFFE003, lr  }
0x1b: {  	s9 =	sadd.s32 $0xFFFFFEF7, lr;
	s5 =	simm.s32 $0xFFFFFFFF;
	p2 =	slt.u32 s8, $0xFFFFF086  }
0x1c: {  	p1 =	slt.u32 s9, $0xF7A;
	s5 =	simm.s32 @!p2 $0x0  }
0x1d: {  	s5 =	simm.s32 @p1 $0x1;
	p0 =	seq.s32 s7, s2  }
0x1e: {  	s7 =	smul.u32 @!p0 $0xF7A, s2;
	p2 =	seq.s32 @!p0 s5, $0x0  }
0x1f: {  	s9 =	smul.u32 $0xF7A, s1;
	s8 =	simm.s32 @!p0 $0x1BF5;
	p2 =	por !p2, p0  }
0x20: {  	[sflag:s8] =	ssyncset.s32 @!p0 $0xFFFFF086;
	s6 =	sadd.s32 @!p0 s3, s7;
	s7 =	simm.s32 @!p0 $0x108  }
0x21: {  	s3 =	sadd.s32 s3, s9;
	s6 =	sadd.s32 @!p0 $0x88, s6;
	s7 =	simm.s32 @p2 $0x1082  }
0x22: {  	[simem:s7], [sflag:s8] =	dma.local @!p0 [hbm:s6], $0xF7A  }
0x23: {  	s9 =	sor.u32 $0xD0000000, s2;
	s6 =	simm.s32 $0x108;
	_ =	swait.ge @!p0 [sflag:s8], $0x0  }
0x24: {  	s3 =	sadd.s32 $0x88, s3;
	s6 =	simm.s32 @!p1 $0x1082;
	[sflag:s4] =	ssyncset.s32 $0xFFFFF086  }
0x25: {  	[simem:s6], [sflag:s4] =	dma.local [hbm:s3], $0xF7A  }
0x26: {  	[smem:$0x3F9A] =	sst s1;
	(tag) =	ssettag s2;
	_ =	strace s9  }
0x27: {  	s1 =	sld [smem:$0x3FAA]  }
0x28: {  	s2 =	sld [smem:$0x3FAB]  }
0x29: {  	s4 =	sld [smem:$0x3FAD]  }
0x2a: {  	p0 =	seq.s32 s5, $0x0;
	s5 =	sld [smem:$0x3FAE]  }
0x2b: {  	s6 =	sld [smem:$0x3FAF]  }
0x2c: {  	s7 =	sld [smem:$0x3FB0]  }
0x2d: {  	s3 =	simm.s32 $0x108;
	s8 =	sld [smem:$0x3FB1]  }
0x2e: {  	s3 =	simm.s32 @!p0 $0x1082;
	s9 =	sld [smem:$0x3FB2]  }
0x2f: {  	lr =	sadd.s32 s0, s3;
	s0 =	sld [smem:$0x3FA9]  }
0x30: {  	s3 =	sld [smem:$0x3FAC]  }
0x31: {  	[smem:$0x3FB5] =	sst s10  }
0x32: {  	s10 =	sld [smem:$0x3FB3];
	_ =	sdelay $0x3  }
0x33: {  	p0 =	seq.s32 s10, $0x1;
	s10 =	sld [smem:$0x3FB5];
	_ =	sdelay $0x3  }
0x34: {  	[smem:$0x3FB5] =	sst s10  }
0x35: {  	s10 =	sld [smem:$0x3FB4];
	_ =	sdelay $0x3  }
0x36: {  	p1 =	seq.s32 s10, $0x1;
	s10 =	sld [smem:$0x3FB5];
	_ =	sdelay $0x3  }
0x37: {  	[smem:$0x3FB5] =	sst s10  }
0x38: {  	s10 =	sld [smem:$0x3FB6]  }
0x39: {  	_ = 	snop;
	(pc) =	sbr.ind lr, $3  }
0x3a: {  	_ = 	snop  }
0x3b: {  	_ = 	snop  }
0x3c: {  	p2 =	seq.s32 s10, $0x1;
	s10 =	sld [smem:$0x3FB5]  }
0x3d: {  	_ =	shalt  }
0x3e: {  	_ =	shalt  }
0x3f: {  	_ =	shalt  }
0x40: {  	_ =	shalt  }
0x41: {  	_ =	shalt  }
0x42: {  	_ =	shalt  }
0x43: {  	_ =	shalt  }
0x44: {  	_ =	shalt  }
0x45: {  	_ =	shalt  }
0x46: {  	_ =	shalt  }
0x47: {  	_ =	shalt  }
0x48: {  	_ =	shalt  }
0x49: {  	_ =	shalt  }
0x4a: {  	_ =	shalt  }
0x4b: {  	_ =	shalt  }
0x4c: {  	_ =	shalt  }
0x4d: {  	_ =	shalt  }
0x4e: {  	_ =	shalt  }
0x4f: {  	_ =	shalt  }
0x50: {  	_ =	shalt  }
0x51: {  	_ =	shalt  }
0x52: {  	_ =	shalt  }
0x53: {  	_ =	shalt  }
0x54: {  	_ =	shalt  }
0x55: {  	_ =	shalt  }
0x56: {  	_ =	shalt  }
0x57: {  	_ =	shalt  }
0x58: {  	_ =	shalt  }
0x59: {  	_ =	shalt  }
0x5a: {  	_ =	shalt  }
0x5b: {  	_ =	shalt  }
0x5c: {  	_ =	shalt  }
0x5d: {  	_ =	shalt  }
0x5e: {  	_ =	shalt  }
0x5f: {  	_ =	shalt  }
0x60: {  	_ =	shalt  }
0x61: {  	_ =	shalt  }
0x62: {  	_ =	shalt  }
0x63: {  	_ =	shalt  }
0x64: {  	_ =	shalt  }
0x65: {  	_ =	shalt  }
0x66: {  	_ =	shalt  }
0x67: {  	_ =	shalt  }
0x68: {  	_ =	shalt  }
0x69: {  	_ =	shalt  }
0x6a: {  	_ =	shalt  }
0x6b: {  	_ =	shalt  }
0x6c: {  	_ =	shalt  }
0x6d: {  	_ =	shalt  }
0x6e: {  	_ =	shalt  }
0x6f: {  	_ =	shalt  }
0x70: {  	_ =	shalt  }
0x71: {  	_ =	shalt  }
0x72: {  	_ =	shalt  }
0x73: {  	_ =	shalt  }
0x74: {  	_ =	shalt  }
0x75: {  	_ =	shalt  }
0x76: {  	_ =	shalt  }
0x77: {  	_ =	shalt  }
0x78: {  	_ =	shalt  }
0x79: {  	_ =	shalt  }
0x7a: {  	_ =	shalt  }
0x7b: {  	_ =	shalt  }
0x7c: {  	_ =	shalt  }
0x7d: {  	_ =	shalt  }
0x7e: {  	_ =	shalt  }
0x7f: {  	_ =	shalt  }
0x80: {  	_ =	shalt  }
0x81: {  	_ =	shalt  }
0x82: {  	_ =	shalt  }
0x83: {  	_ =	shalt  }
0x84: {  	_ =	shalt  }
0x85: {  	_ =	shalt  }
0x86: {  	_ =	shalt  }
0x87: {  	_ =	shalt  }
.Lfunc_end0:
.L_simem_size_0:
called_computation.1_lowered:
.L_overlay_start_0:
0x88: {  	s2 =	sld [smem:$0x3FD9]  }
0x89: {  	s3 =	sld [smem:$0x3FFE];
	_ =	sdelay $0x1  }
0x8a: {  	s1 =	srdreg.scid  }
0x8b: {  	s0 =	sand.u32 $0x1, s1  }
0x8c: {  	s16 =	sshll.u32 s0, $0xA;
	s2 =	sadd.s32 s3, s2  }
0x8d: {  	s2 =	sadd.s32 s2, s16  }
0x8e: {  	[smem:$0x3FC1] =	sst s2  }
0x8f: {  	_ = 	snop  }
0x90: {  	(tm) =	ssettm $0x1  }
0x91: {  	s17 =	sld [smem:$0x3FFB];
	_ =	sdelay $0x3  }
0x92: {  	_ =	strace s17  }
0x93: {  	s2 =	sld [smem:$0x3FFC];
	_ =	sdelay $0x3  }
0x94: {  	_ =	strace s2  }
0x95: {  	s2 =	sld [smem:$0x3FFD];
	_ =	sdelay $0x3  }
0x96: {  	_ =	strace s2  }
0x97: {  	_ =	strace $0x8FFFFFFF  }
0x98: {  	s18 =	sld [smem:$0x3FDB];
	_ =	sdelay $0x1  }
0x99: {  	s19 =	simm.s32 $_scs_section_size  }
0x9a: {  	s4 =	simm.s32 $_size__tile_overlayer_lowered;
	s5 =	simm.s32 $_tile_overlayer_lowered  }
0x9b: {  	s22 =	simm.s32 $0x1BFF;
	s21 =	sshll.u32 s5, $0x1;
	s2 =	sadd.s32 s19, s18  }
0x9c: {  	s6 =	simm.s32 $0x0;
	s20 =	sshll.u32 s4, $0x1;
	s4 =	sadd.s32 s21, s2  }
0x9d: {  	[timem:s6], [sflag:s22] =	dma.local [hbm:s4], s20  }
0x9e: {  	_ =	swait.ge [sflag:s22], s20  }
0x9f: {  	s3 =	ssub.s32 $0x0, s20;
	[sflag:s22] =	ssyncset.done $0x0  }
0xa0: {  	[sflag:s22] =	ssyncadd.s32 s3;
	_ =	sdelay $0x1  }
0xa1: {  	s23 =	simm.s32 $0x1B8B  }
0xa2: {  	_ =	swait.ge [sflag:s23], $0x1  }
0xa3: {  	[sflag:s23] =	ssyncset.done $0x0  }
0xa4: {  	s25 =	simm.s32 $0x1B8E;
	s24 =	sld [smem:$0x3FFE];
	[sflag:s23] =	ssyncadd.s32 $0xFFFFFFFF  }
0xa5: {  	s26 =	simm.s32 $execute0_lowered;
	[smem:$0x3FD2] =	sst s25  }
0xa6: {  	s4 =	sshll.u32 s26, $0x1;
	_ =	strace $0x80000049;
	[dreg:$0x1] =	wrdreg $0xFFFFFFFF  }
0xa7: {  	s28 =	simm.s32 $_size_execute0_lowered;
	s2 =	sadd.s32 s2, s4;
	[dreg:$0x0] =	wrdreg $0x0  }
0xa8: {  	s4 =	sshll.u32 s28, $0x1;
	[dreg:$0x2] =	wrdreg s2  }
0xa9: {  	[dreg:$0x3] =	wrdreg s4  }
0xaa: {  	[dreg:$0x4] =	wrdreg $0xC0  }
0xab: {  	_ =	task [dreg:s6], $0x5FFFF  }
0xac: {  	[dreg:$0x1] =	wrdreg $0xFFFFFFFF  }
0xad: {  	[dreg:$0x0] =	wrdreg $0x60  }
0xae: {  	[dreg:$0x2] =	wrdreg s24  }
0xaf: {  	[dreg:$0x3] =	wrdreg $0xF0000  }
0xb0: {  	[dreg:$0x4] =	wrdreg $0x50000  }
0xb1: {  	[dreg:$0x5] =	wrdreg $0x9  }
0xb2: {  	_ =	task.clear_ibuf [dreg:s6], $0x6FFFF;
	_ =	strace $0x90000049  }
0xb3: {  	s29 =	simm.s32 $0x9;
	_ =	strace $0x8000004B  }
0xb4: {  	_ =	swait.ge [sflag:s29], $0x1  }
0xb5: {  	[sflag:s29] =	ssyncadd.s32 $0xFFFFFFFF  }
0xb6: {  	_ =	strace $0x9000004B  }
0xb7: {  	_ =	sfence  }
0xb8: {  	s30 =	sld [smem:$0x0];
	_ =	sdelay $0x2  }
0xb9: {  	s31 =	sshll.u32 s1, $0xD;
	s1 =	sshrl.u32 s1, $0x2  }
0xba: {  	s3 =	sand.u32 $0x4000, s31;
	s1 =	sadd.s32 s1, s30  }
0xbb: {  	s0 =	sor.u32 s3, s0;
	s1 =	sshll.u32 s1, $0x11  }
0xbc: {  	s0 =	sor.u32 s1, s0  }
0xbd: {  	s0 =	sadd.s32 $0x8F2B, s0  }
0xbe: {  	[sflag:s0] =	ssyncadd.remote.s32 $0x1  }
0xbf: {  	_ =	sfence.sel $0xFFFF  }
0xc0: {  	[dreg:$0x0] =	wrdreg $0xFFFFFFFF;
	(pc) =	sbr.abs _section_cstart, $3  }
0xc1: {  	[dreg:$0x1] =	wrdreg $0xFFFFFFFF  }
0xc2: {  	_ =	task.clear_ibuf [dreg:s6], $0x2FFFF;
	_ =	strace $0x9FFFFFFF  }
0xc3: {  	(tm) =	ssettm $0x7FFFFFFF  }
tec
execute0_lowered:
.L_overlay_start_1:
0x0: {  	(tag) =	ssettag $0x1  }
0x1: {  	s0 =	rddreg [dreg:$0x0]  }
0x2: {  	s2 =	rddreg [dreg:$0x1]  }
0x3: {  	s3 =	rddreg [dreg:$0x2]  }
0x4: {  	s12 =	stileid.u32;
	s4 =	simm.s32 $0x0;
	s5 =	srdreg.scid  }
0x5: {  	s29 =	simm.s32 $0x4;
	s28 =	simm.s32 $0xB00;
	s30 =	simm.s32 $0xA80  }
0x6: {  	s31 =	simm.s32 $0xC00;
	s14 =	simm.s32 $0xE80;
	s1 =	smul.u32 $0xA000, s12  }
0x7: {  	[smem:$0x7FF] =	sst s4;
	s6 =	sand.u32 $0x1, s5;
	s5 =	sadd.s32 $0x1AC00, s0  }
0x8: {  	s19 =	sshll.u32 s12, $0x6;
	_ =	strace $0x8000004A;
	s7 =	smul.u32 $0x140000, s6  }
0x9: {  	s9 =	sshll.u32 s6, $0x4;
	s10 =	ssub.s32 $0x2, s6;
	s6 =	smul.u32 $0x50000, s6  }
0xa: {  	s16 =	sshrl.u32 s1, $0x3;
	s9 =	sor.u32 s12, s9;
	s11 =	sshrl.u32 s10, $0x1  }
0xb: {  	s18 =	sadd.s32 s1, s2;
	s12 =	smul.u32 $0x5000, s12;
	s8 =	sadd.s32 s16, s0  }
0xc: {  	s7 =	sadd.s32 s1, s7;
	s9 =	smul.u32 $0x5000, s9;
	s17 =	ssub.s32 s10, s11  }
0xd: {  	s16 =	sor.u32 $0x1C05, s19;
	s1 =	sadd.s32 s1, s3;
	s11 =	simm.s32 $0xE00  }
0xe: {  	s19 =	simm.s32 $0x0;
	s7 =	sshrl.u32 s7, $0x3;
	s13 =	sadd.s32 $0x1A00, s8  }
0xf: {  	s6 =	sadd.s32 s12, s6;
	s20 =	sadd.s32 $0x7EC00, s8;
	s8 =	sadd.s32 $0x92C00, s8  }
0x10: {  	s24 =	smax.u32 s17, $0x1;
	s17 =	sshrl.u32 s18, $0x3;
	[dreg:$0x5] =	wrdreg s16  }
0x11: {  	s18 =	simm.s32 $0x5;
	s26 =	sshrl.u32 s1, $0x3;
	[dreg:$0x4] =	wrdreg s13  }
0x12: {  	s1 =	simm.s32 $0xD00;
	s12 =	simm.s32 $0xD80;
	[dreg:$0x7] =	wrdreg s20  }
0x13: {  	s0 =	sadd.s32 s7, s0;
	s9 =	sshrl.u32 s9, $0x3;
	[dreg:$0xa] =	wrdreg s8  }
0x14: {  	s21 =	sadd.s32 $0x1800, s6;
	[dreg:$0xc] =	wrdreg s24;
	s25 =	sadd.s32 $0x1000, s6  }
0x15: {  	[dreg:$0xf] =	wrdreg s26;
	s20 =	simm.s32 $0x800;
	s26 =	simm.s32 $0x3  }
0x16: {  	s8 =	simm.s32 $0x2;
	s7 =	simm.s32 $0xA00;
	s24 =	simm.s32 $0x980  }
0x17: {  	s13 =	simm.s32 $0xF00;
	s6 =	simm.s32 $0xF80;
	[dreg:$0xe] =	wrdreg s17  }
0x18: {  	s9 =	sadd.s32 s5, s9;
	s22 =	sadd.s32 $0xA6C00, s0;
	[dreg:$0xd] =	wrdreg s25  }
.Ltmp0:
0x19: {  	s23 =	sshrl.u32 s21, $0x3;
	[dreg:$0x6] =	wrdreg s9;
	(pc) =	sbr.rel .LBB2_1-.Ltmp0, $4  }
0x1a: {  	s0 =	sadd.s32 $0xBAC00, s0;
	s21 =	simm.s32 $0x1;
	[dreg:$0x9] =	wrdreg s22  }
0x1b: {  	s25 =	simm.s32 $0x3000;
	s9 =	sadd.s32 $0x100, s9;
	[dreg:$0xb] =	wrdreg s0  }
0x1c: {  	s15 =	sadd.s32 s23, s5;
	s22 =	simm.s32 $0x80;
	s23 =	simm.s32 $0x1000  }
0x1d: {  	s0 =	simm.s32 $0xB80;
	[dreg:$0x8] =	wrdreg s9;
	s9 =	simm.s32 $0xC80  }
.LBB2_7:
0x1e: {  	_ =	swait.ge [sflag:s29], $0x2000  }
0x1f: {  	[sflag:s29] =	ssyncset.done $0x0  }
0x20: {  	[sflag:s29] =	ssyncadd.s32 $0xFFFFE000  }
0x21: {  	[spmem:s2] =	stream.indirect.scatter.add.f32 [tilespmem:s25], [sflag:$0x5], $0x40, s6, s22, $0xb8;
	[tilespmem:$0x19000] =	vst v63  }
0x22: {  	_ =	swait.ge [sflag:s18], $0x2000  }
0x23: {  	[sflag:s18] =	ssyncset.done $0x0  }
0x24: {  	[sflag:s18] =	ssyncadd.s32 $0xFFFFE000  }
0x25: {  	[bflag:$0x0] =	sbarrier.arrive $0xFFFF  }
0x26: {  	s16 =	rddreg [dreg:$0x5]  }
0x27: {  	s10 =	rddreg [dreg:$0xb]  }
0x28: {  	s17 =	rddreg [dreg:$0xe]  }
0x29: {  	[hbm:s10], [sflag:s16] =	dma.local [spmem:s17], $0x1400  }
0x2a: {  	_ =	swait.ge [sflag:s18], $0x1400  }
0x2b: {  	s19 =	rddreg [dreg:$0x10]  }
0x2c: {  	s10 =	rddreg [dreg:$0xc];
	s19 =	sadd.s32 $0x1, s19  }
0x2d: {  	p0 =	sne.s32 s19, s10  }
.Ltmp1:
0x2e: {  	_ = 	snop;
	(pc) =	sbr.rel @!p0 .LBB2_8-.Ltmp1, $3  }
0x2f: {  	_ =	sdelay $0x1  }
0x30: {  	[sflag:s18] =	ssyncset.done $0x0  }
0x31: {  	[sflag:s18] =	ssyncadd.s32 $0xFFFFEC00  }
.LBB2_1:
0x32: {  	[dreg:$0x10] =	wrdreg s19  }
0x33: {  	s10 =	rddreg [dreg:$0x4]  }
0x34: {  	[spmem:s17], [sflag:s16] =	dma.local [hbm:s10], $0x1400  }
0x35: {  	_ =	swait.ge [sflag:s18], $0x1400  }
0x36: {  	[sflag:s18] =	ssyncset.done $0x0;
	s17 =	rddreg [dreg:$0x7]  }
0x37: {  	s19 =	rddreg [dreg:$0xf];
	[sflag:s18] =	ssyncadd.s32 $0xFFFFEC00  }
0x38: {  	[spmem:s19], [sflag:s16] =	dma.local [hbm:s17], $0x1400  }
0x39: {  	_ =	swait.ge [sflag:s18], $0x1400  }
0x3a: {  	[sflag:s18] =	ssyncset.done $0x0  }
0x3b: {  	s16 =	rddreg [dreg:$0x6];
	[sflag:s18] =	ssyncadd.s32 $0xFFFFEC00  }
0x3c: {  	[tilespmem:s4], [sflag:$0x1] =	stream.linear.gather [hbm4b:s16+s4], $0x800, $0x38;
	[tilespmem:$0x19000] =	vst v63  }
0x3d: {  	s17 =	rddreg [dreg:$0x8]  }
0x3e: {  	[tilespmem:s20], [sflag:$0x2] =	stream.linear.gather [hbm4b:s17+s4], $0x800, $0x38;
	[tilespmem:$0x19000] =	vst v63  }
0x3f: {  	[bflag:$0x0] =	sbarrier.arrive $0xFFFF  }
0x40: {  	_ =	swait.ge [sflag:s21], $0x800  }
0x41: {  	[sflag:s21] =	ssyncset.done $0x0  }
0x42: {  	[sflag:s21] =	ssyncadd.s32 $0xFFFFF800  }
0x43: {  	[tilespmem:s23], [sflag:$0x3] =	stream.indirect.gather [spmem:s3], $0x40, s4, s22, $0xb8;
	[tilespmem:$0x19000] =	vst v63  }
0x44: {  	s19 =	simm.s32 $0x100  }
0x45: {  	[tilespmem:s25], [sflag:$0x4] =	stream.indirect.gather [spmem:s3], $0x40, s19, s22, $0xb8;
	[tilespmem:$0x19000] =	vst v63  }
0x46: {  	s10 =	rddreg [dreg:$0xd];
	s19 =	simm.s32 $0x0  }
.LBB2_2:
0x47: {  	_ =	swait.ge [sflag:s26], $0x2000  }
0x48: {  	[sflag:s26] =	ssyncset.done $0x0  }
0x49: {  	[sflag:s26] =	ssyncadd.s32 $0xFFFFE000  }
0x4a: {  	[spmem:s2] =	stream.indirect.scatter.add.f32 [tilespmem:s23], [sflag:$0x5], $0x40, s22, s22, $0xb8;
	[tilespmem:$0x19000] =	vst v63  }
0x4b: {  	_ =	swait.ge [sflag:s18], $0x2000  }
0x4c: {  	[sflag:s18] =	ssyncset.done $0x0  }
0x4d: {  	s16 =	simm.s32 $0x200;
	[sflag:s18] =	ssyncadd.s32 $0xFFFFE000  }
0x4e: {  	[tilespmem:s23], [sflag:$0x3] =	stream.indirect.gather [spmem:s3], $0x40, s16, s22, $0xb8;
	[tilespmem:$0x19000] =	vst v63  }
0x4f: {  	_ =	swait.ge [sflag:s29], $0x2000  }
0x50: {  	[sflag:s29] =	ssyncset.done $0x0  }
0x51: {  	s17 =	simm.s32 $0x180;
	[sflag:s29] =	ssyncadd.s32 $0xFFFFE000  }
0x52: {  	[spmem:s2] =	stream.indirect.scatter.add.f32 [tilespmem:s25], [sflag:$0x5], $0x40, s17, s22, $0xb8;
	[tilespmem:$0x19000] =	vst v63  }
0x53: {  	_ =	swait.ge [sflag:s18], $0x2000  }
0x54: {  	[sflag:s18] =	ssyncset.done $0x0  }
0x55: {  	s17 =	simm.s32 $0x300;
	[sflag:s18] =	ssyncadd.s32 $0xFFFFE000  }
0x56: {  	[tilespmem:s25], [sflag:$0x4] =	stream.indirect.gather [spmem:s3], $0x40, s17, s22, $0xb8;
	[tilespmem:$0x19000] =	vst v63  }
0x57: {  	_ =	swait.ge [sflag:s26], $0x2000  }
0x58: {  	[sflag:s26] =	ssyncset.done $0x0  }
0x59: {  	s17 =	simm.s32 $0x280;
	[sflag:s26] =	ssyncadd.s32 $0xFFFFE000  }
0x5a: {  	[spmem:s2] =	stream.indirect.scatter.add.f32 [tilespmem:s23], [sflag:$0x5], $0x40, s17, s22, $0xb8;
	[tilespmem:$0x19000] =	vst v63  }
0x5b: {  	_ =	swait.ge [sflag:s18], $0x2000  }
0x5c: {  	[sflag:s18] =	ssyncset.done $0x0  }
0x5d: {  	s17 =	simm.s32 $0x400;
	[sflag:s18] =	ssyncadd.s32 $0xFFFFE000  }
0x5e: {  	[tilespmem:s23], [sflag:$0x3] =	stream.indirect.gather [spmem:s3], $0x40, s17, s22, $0xb8;
	[tilespmem:$0x19000] =	vst v63  }
0x5f: {  	_ =	swait.ge [sflag:s29], $0x2000  }
0x60: {  	[sflag:s29] =	ssyncset.done $0x0  }
0x61: {  	s17 =	simm.s32 $0x380;
	[sflag:s29] =	ssyncadd.s32 $0xFFFFE000  }
0x62: {  	[spmem:s2] =	stream.indirect.scatter.add.f32 [tilespmem:s25], [sflag:$0x5], $0x40, s17, s22, $0xb8;
	[tilespmem:$0x19000] =	vst v63  }
0x63: {  	_ =	swait.ge [sflag:s18], $0x2000  }
0x64: {  	[sflag:s18] =	ssyncset.done $0x0  }
0x65: {  	s17 =	simm.s32 $0x500;
	[sflag:s18] =	ssyncadd.s32 $0xFFFFE000  }
0x66: {  	[tilespmem:s25], [sflag:$0x4] =	stream.indirect.gather [spmem:s3], $0x40, s17, s22, $0xb8;
	[tilespmem:$0x19000] =	vst v63  }
0x67: {  	_ =	swait.ge [sflag:s26], $0x2000  }
0x68: {  	[sflag:s26] =	ssyncset.done $0x0  }
0x69: {  	s17 =	simm.s32 $0x480;
	[sflag:s26] =	ssyncadd.s32 $0xFFFFE000  }
0x6a: {  	[spmem:s2] =	stream.indirect.scatter.add.f32 [tilespmem:s23], [sflag:$0x5], $0x40, s17, s22, $0xb8;
	[tilespmem:$0x19000] =	vst v63  }
0x6b: {  	_ =	swait.ge [sflag:s18], $0x2000  }
0x6c: {  	[sflag:s18] =	ssyncset.done $0x0  }
0x6d: {  	s17 =	simm.s32 $0x600;
	[sflag:s18] =	ssyncadd.s32 $0xFFFFE000  }
0x6e: {  	[tilespmem:s23], [sflag:$0x3] =	stream.indirect.gather [spmem:s3], $0x40, s17, s22, $0xb8;
	[tilespmem:$0x19000] =	vst v63  }
0x6f: {  	_ =	swait.ge [sflag:s29], $0x2000  }
0x70: {  	[sflag:s29] =	ssyncset.done $0x0  }
0x71: {  	s17 =	simm.s32 $0x580;
	[sflag:s29] =	ssyncadd.s32 $0xFFFFE000  }
0x72: {  	[spmem:s2] =	stream.indirect.scatter.add.f32 [tilespmem:s25], [sflag:$0x5], $0x40, s17, s22, $0xb8;
	[tilespmem:$0x19000] =	vst v63  }
0x73: {  	_ =	swait.ge [sflag:s18], $0x2000  }
0x74: {  	[sflag:s18] =	ssyncset.done $0x0  }
0x75: {  	s17 =	simm.s32 $0x700;
	[sflag:s18] =	ssyncadd.s32 $0xFFFFE000  }
0x76: {  	[tilespmem:s25], [sflag:$0x4] =	stream.indirect.gather [spmem:s3], $0x40, s17, s22, $0xb8;
	[tilespmem:$0x19000] =	vst v63  }
0x77: {  	_ =	swait.ge [sflag:s26], $0x2000  }
0x78: {  	[sflag:s26] =	ssyncset.done $0x0  }
0x79: {  	s17 =	simm.s32 $0x680;
	[sflag:s26] =	ssyncadd.s32 $0xFFFFE000  }
0x7a: {  	[spmem:s2] =	stream.indirect.scatter.add.f32 [tilespmem:s23], [sflag:$0x5], $0x40, s17, s22, $0xb8;
	[tilespmem:$0x19000] =	vst v63  }
0x7b: {  	_ =	swait.ge [sflag:s18], $0x2000  }
0x7c: {  	[sflag:s18] =	ssyncset.done $0x0  }
0x7d: {  	[sflag:s18] =	ssyncadd.s32 $0xFFFFE000  }
0x7e: {  	_ =	swait.ge [sflag:s8], $0x800  }
0x7f: {  	[sflag:s8] =	ssyncset.done $0x0  }
0x80: {  	[sflag:s8] =	ssyncadd.s32 $0xFFFFF800  }
0x81: {  	[tilespmem:s23], [sflag:$0x3] =	stream.indirect.gather [spmem:s3], $0x40, s20, s22, $0xb8;
	[tilespmem:$0x19000] =	vst v63  }
0x82: {  	_ =	swait.ge [sflag:s29], $0x2000  }
0x83: {  	[sflag:s29] =	ssyncset.done $0x0  }
0x84: {  	s17 =	simm.s32 $0x780;
	[sflag:s29] =	ssyncadd.s32 $0xFFFFE000  }
0x85: {  	[spmem:s2] =	stream.indirect.scatter.add.f32 [tilespmem:s25], [sflag:$0x5], $0x40, s17, s22, $0xb8;
	[tilespmem:$0x19000] =	vst v63  }
0x86: {  	_ =	swait.ge [sflag:s18], $0x2000  }
0x87: {  	p0 =	seq.s32 s19, $0x800;
	[sflag:s18] =	ssyncset.done $0x0  }
0x88: {  	s16 =	sshrl.u32 @!p0 s10, $0x3;
	s17 =	simm.s32 $0x900;
	[sflag:s18] =	ssyncadd.s32 $0xFFFFE000  }
0x89: {  	[tilespmem:s25], [sflag:$0x4] =	stream.indirect.gather [spmem:s3], $0x40, s17, s22, $0xb8;
	[tilespmem:$0x19000] =	vst v63  }
0x8a: {  	s16 =	sadd.s32 @!p0 s5, s16;
	s17 =	simm.s32 @!p0 $0x0  }
0x8b: {  	[tilespmem:s17], [sflag:$0x1] =	stream.linear.gather @!p0 [hbm4b:s16+s17], $0x800, $0x38;
	[tilespmem:$0x19000] =	vst v63  }
0x8c: {  	_ =	swait.ge [sflag:s26], $0x2000  }
0x8d: {  	[sflag:s26] =	ssyncset.done $0x0  }
0x8e: {  	s17 =	simm.s32 $0x880;
	[sflag:s26] =	ssyncadd.s32 $0xFFFFE000  }
0x8f: {  	[spmem:s2] =	stream.indirect.scatter.add.f32 [tilespmem:s23], [sflag:$0x5], $0x40, s17, s22, $0xb8;
	[tilespmem:$0x19000] =	vst v63  }
0x90: {  	_ =	swait.ge [sflag:s18], $0x2000  }
0x91: {  	[sflag:s18] =	ssyncset.done $0x0  }
0x92: {  	[sflag:s18] =	ssyncadd.s32 $0xFFFFE000  }
0x93: {  	[tilespmem:s23], [sflag:$0x3] =	stream.indirect.gather [spmem:s3], $0x40, s7, s22, $0xb8;
	[tilespmem:$0x19000] =	vst v63  }
0x94: {  	_ =	swait.ge [sflag:s29], $0x2000  }
0x95: {  	[sflag:s29] =	ssyncset.done $0x0  }
0x96: {  	[sflag:s29] =	ssyncadd.s32 $0xFFFFE000  }
0x97: {  	[spmem:s2] =	stream.indirect.scatter.add.f32 [tilespmem:s25], [sflag:$0x5], $0x40, s24, s22, $0xb8;
	[tilespmem:$0x19000] =	vst v63  }
0x98: {  	_ =	swait.ge [sflag:s18], $0x2000  }
0x99: {  	[sflag:s18] =	ssyncset.done $0x0  }
0x9a: {  	[sflag:s18] =	ssyncadd.s32 $0xFFFFE000  }
0x9b: {  	[tilespmem:s25], [sflag:$0x4] =	stream.indirect.gather [spmem:s3], $0x40, s28, s22, $0xb8;
	[tilespmem:$0x19000] =	vst v63  }
0x9c: {  	_ =	swait.ge [sflag:s26], $0x2000  }
0x9d: {  	[sflag:s26] =	ssyncset.done $0x0  }
0x9e: {  	[sflag:s26] =	ssyncadd.s32 $0xFFFFE000  }
0x9f: {  	[spmem:s2] =	stream.indirect.scatter.add.f32 [tilespmem:s23], [sflag:$0x5], $0x40, s30, s22, $0xb8;
	[tilespmem:$0x19000] =	vst v63  }
0xa0: {  	_ =	swait.ge [sflag:s18], $0x2000  }
0xa1: {  	[sflag:s18] =	ssyncset.done $0x0  }
0xa2: {  	[sflag:s18] =	ssyncadd.s32 $0xFFFFE000  }
0xa3: {  	[tilespmem:s23], [sflag:$0x3] =	stream.indirect.gather [spmem:s3], $0x40, s31, s22, $0xb8;
	[tilespmem:$0x19000] =	vst v63  }
0xa4: {  	_ =	swait.ge [sflag:s29], $0x2000  }
0xa5: {  	[sflag:s29] =	ssyncset.done $0x0  }
0xa6: {  	[sflag:s29] =	ssyncadd.s32 $0xFFFFE000  }
0xa7: {  	[spmem:s2] =	stream.indirect.scatter.add.f32 [tilespmem:s25], [sflag:$0x5], $0x40, s0, s22, $0xb8;
	[tilespmem:$0x19000] =	vst v63  }
0xa8: {  	_ =	swait.ge [sflag:s18], $0x2000  }
0xa9: {  	[sflag:s18] =	ssyncset.done $0x0  }
0xaa: {  	[sflag:s18] =	ssyncadd.s32 $0xFFFFE000  }
0xab: {  	[tilespmem:s25], [sflag:$0x4] =	stream.indirect.gather [spmem:s3], $0x40, s1, s22, $0xb8;
	[tilespmem:$0x19000] =	vst v63  }
0xac: {  	_ =	swait.ge [sflag:s26], $0x2000  }
0xad: {  	[sflag:s26] =	ssyncset.done $0x0  }
0xae: {  	[sflag:s26] =	ssyncadd.s32 $0xFFFFE000  }
0xaf: {  	[spmem:s2] =	stream.indirect.scatter.add.f32 [tilespmem:s23], [sflag:$0x5], $0x40, s9, s22, $0xb8;
	[tilespmem:$0x19000] =	vst v63  }
0xb0: {  	_ =	swait.ge [sflag:s18], $0x2000  }
0xb1: {  	[sflag:s18] =	ssyncset.done $0x0  }
0xb2: {  	[sflag:s18] =	ssyncadd.s32 $0xFFFFE000  }
0xb3: {  	[tilespmem:s23], [sflag:$0x3] =	stream.indirect.gather [spmem:s3], $0x40, s11, s22, $0xb8;
	[tilespmem:$0x19000] =	vst v63  }
0xb4: {  	_ =	swait.ge [sflag:s29], $0x2000  }
0xb5: {  	[sflag:s29] =	ssyncset.done $0x0  }
0xb6: {  	[sflag:s29] =	ssyncadd.s32 $0xFFFFE000  }
0xb7: {  	[spmem:s2] =	stream.indirect.scatter.add.f32 [tilespmem:s25], [sflag:$0x5], $0x40, s12, s22, $0xb8;
	[tilespmem:$0x19000] =	vst v63  }
0xb8: {  	_ =	swait.ge [sflag:s18], $0x2000  }
0xb9: {  	[sflag:s18] =	ssyncset.done $0x0  }
0xba: {  	[sflag:s18] =	ssyncadd.s32 $0xFFFFE000  }
0xbb: {  	[tilespmem:s25], [sflag:$0x4] =	stream.indirect.gather [spmem:s3], $0x40, s13, s22, $0xb8;
	[tilespmem:$0x19000] =	vst v63  }
0xbc: {  	_ =	swait.ge [sflag:s26], $0x2000  }
0xbd: {  	[sflag:s26] =	ssyncset.done $0x0  }
.Ltmp2:
0xbe: {  	[sflag:s26] =	ssyncadd.s32 $0xFFFFE000;
	(pc) =	sbr.rel @p0 .LBB2_4-.Ltmp2, $4  }
0xbf: {  	[spmem:s2] =	stream.indirect.scatter.add.f32 [tilespmem:s23], [sflag:$0x5], $0x40, s14, s22, $0xb8;
	[tilespmem:$0x19000] =	vst v63  }
0xc0: {  	_ =	swait.ge [sflag:s18], $0x2000  }
0xc1: {  	[sflag:s18] =	ssyncset.done $0x0  }
0xc2: {  	[sflag:s18] =	ssyncadd.s32 $0xFFFFE000  }
0xc3: {  	_ =	swait.ge [sflag:s21], $0x800  }
0xc4: {  	[sflag:s21] =	ssyncset.done $0x0  }
0xc5: {  	[sflag:s21] =	ssyncadd.s32 $0xFFFFF800  }
0xc6: {  	[tilespmem:s23], [sflag:$0x3] =	stream.indirect.gather [spmem:s3], $0x40, s4, s22, $0xb8;
	[tilespmem:$0x19000] =	vst v63  }
0xc7: {  	_ =	swait.ge [sflag:s29], $0x2000  }
0xc8: {  	[sflag:s29] =	ssyncset.done $0x0  }
0xc9: {  	[sflag:s29] =	ssyncadd.s32 $0xFFFFE000  }
0xca: {  	[spmem:s2] =	stream.indirect.scatter.add.f32 [tilespmem:s25], [sflag:$0x5], $0x40, s6, s22, $0xb8;
	[tilespmem:$0x19000] =	vst v63  }
0xcb: {  	_ =	swait.ge [sflag:s18], $0x2000  }
.Ltmp3:
0xcc: {  	[sflag:s18] =	ssyncset.done $0x0;
	(pc) =	sbr.rel .LBB2_2-.Ltmp3, $4  }
0xcd: {  	s16 =	simm.s32 $0x100;
	[sflag:s18] =	ssyncadd.s32 $0xFFFFE000  }
0xce: {  	[tilespmem:s25], [sflag:$0x4] =	stream.indirect.gather [spmem:s3], $0x40, s16, s22, $0xb8;
	[tilespmem:$0x19000] =	vst v63  }
0xcf: {  	s17 =	sadd.s32 s19, s15;
	s19 =	sadd.s32 $0x200, s19;
	s10 =	sadd.s32 $0x1000, s10  }
0xd0: {  	[tilespmem:s20], [sflag:$0x2] =	stream.linear.gather [hbm4b:s17+s4], $0x800, $0x38;
	[tilespmem:$0x19000] =	vst v63  }
.LBB2_4:
0xd1: {  	_ =	swait.ge [sflag:s29], $0x2000  }
0xd2: {  	[sflag:s29] =	ssyncset.done $0x0  }
0xd3: {  	[sflag:s29] =	ssyncadd.s32 $0xFFFFE000  }
0xd4: {  	[spmem:s2] =	stream.indirect.scatter.add.f32 [tilespmem:s25], [sflag:$0x5], $0x40, s6, s22, $0xb8;
	[tilespmem:$0x19000] =	vst v63  }
0xd5: {  	_ =	swait.ge [sflag:s18], $0x2000  }
0xd6: {  	[sflag:s18] =	ssyncset.done $0x0  }
0xd7: {  	[sflag:s18] =	ssyncadd.s32 $0xFFFFE000  }
0xd8: {  	[bflag:$0x0] =	sbarrier.arrive $0xFFFF  }
0xd9: {  	s16 =	rddreg [dreg:$0x5]  }
0xda: {  	s10 =	rddreg [dreg:$0x9]  }
0xdb: {  	s17 =	rddreg [dreg:$0xe]  }
0xdc: {  	[hbm:s10], [sflag:s16] =	dma.local [spmem:s17], $0x1400  }
0xdd: {  	_ =	swait.ge [sflag:s18], $0x1400  }
0xde: {  	[sflag:s18] =	ssyncset.done $0x0  }
0xdf: {  	s19 =	rddreg [dreg:$0x4];
	[sflag:s18] =	ssyncadd.s32 $0xFFFFEC00  }
0xe0: {  	[spmem:s17], [sflag:s16] =	dma.local [hbm:s19], $0x1400  }
0xe1: {  	_ =	swait.ge [sflag:s18], $0x1400  }
0xe2: {  	[sflag:s18] =	ssyncset.done $0x0;
	s17 =	rddreg [dreg:$0xa]  }
0xe3: {  	s19 =	rddreg [dreg:$0xf];
	[sflag:s18] =	ssyncadd.s32 $0xFFFFEC00  }
0xe4: {  	[spmem:s19], [sflag:s16] =	dma.local [hbm:s17], $0x1400  }
0xe5: {  	_ =	swait.ge [sflag:s18], $0x1400  }
0xe6: {  	[sflag:s18] =	ssyncset.done $0x0  }
0xe7: {  	s10 =	simm.s32 $0x0;
	s19 =	rddreg [dreg:$0x6];
	[sflag:s18] =	ssyncadd.s32 $0xFFFFEC00  }
0xe8: {  	[tilespmem:s10], [sflag:$0x1] =	stream.linear.gather [hbm4b:s19+s10], $0x800, $0x38;
	[tilespmem:$0x19000] =	vst v63  }
0xe9: {  	s17 =	rddreg [dreg:$0x8]  }
0xea: {  	[tilespmem:s20], [sflag:$0x2] =	stream.linear.gather [hbm4b:s17+s10], $0x800, $0x38;
	[tilespmem:$0x19000] =	vst v63  }
0xeb: {  	[bflag:$0x0] =	sbarrier.arrive $0xFFFF  }
0xec: {  	_ =	swait.ge [sflag:s21], $0x800  }
0xed: {  	[sflag:s21] =	ssyncset.done $0x0  }
0xee: {  	[sflag:s21] =	ssyncadd.s32 $0xFFFFF800  }
0xef: {  	[tilespmem:s23], [sflag:$0x3] =	stream.indirect.gather [spmem:s3], $0x40, s10, s22, $0xb8;
	[tilespmem:$0x19000] =	vst v63  }
0xf0: {  	s19 =	simm.s32 $0x100  }
0xf1: {  	[tilespmem:s25], [sflag:$0x4] =	stream.indirect.gather [spmem:s3], $0x40, s19, s22, $0xb8;
	[tilespmem:$0x19000] =	vst v63  }
0xf2: {  	s19 =	rddreg [dreg:$0xd]  }
.LBB2_5:
0xf3: {  	_ =	swait.ge [sflag:s26], $0x2000  }
0xf4: {  	[sflag:s26] =	ssyncset.done $0x0  }
0xf5: {  	[sflag:s26] =	ssyncadd.s32 $0xFFFFE000  }
0xf6: {  	[spmem:s2] =	stream.indirect.scatter.add.f32 [tilespmem:s23], [sflag:$0x5], $0x40, s22, s22, $0xb8;
	[tilespmem:$0x19000] =	vst v63  }
0xf7: {  	_ =	swait.ge [sflag:s18], $0x2000  }
0xf8: {  	[sflag:s18] =	ssyncset.done $0x0  }
0xf9: {  	s16 =	simm.s32 $0x200;
	[sflag:s18] =	ssyncadd.s32 $0xFFFFE000  }
0xfa: {  	[tilespmem:s23], [sflag:$0x3] =	stream.indirect.gather [spmem:s3], $0x40, s16, s22, $0xb8;
	[tilespmem:$0x19000] =	vst v63  }
0xfb: {  	_ =	swait.ge [sflag:s29], $0x2000  }
0xfc: {  	[sflag:s29] =	ssyncset.done $0x0  }
0xfd: {  	s17 =	simm.s32 $0x180;
	[sflag:s29] =	ssyncadd.s32 $0xFFFFE000  }
0xfe: {  	[spmem:s2] =	stream.indirect.scatter.add.f32 [tilespmem:s25], [sflag:$0x5], $0x40, s17, s22, $0xb8;
	[tilespmem:$0x19000] =	vst v63  }
0xff: {  	_ =	swait.ge [sflag:s18], $0x2000  }
0x100: {  	[sflag:s18] =	ssyncset.done $0x0  }
0x101: {  	s17 =	simm.s32 $0x300;
	[sflag:s18] =	ssyncadd.s32 $0xFFFFE000  }
0x102: {  	[tilespmem:s25], [sflag:$0x4] =	stream.indirect.gather [spmem:s3], $0x40, s17, s22, $0xb8;
	[tilespmem:$0x19000] =	vst v63  }
0x103: {  	_ =	swait.ge [sflag:s26], $0x2000  }
0x104: {  	[sflag:s26] =	ssyncset.done $0x0  }
0x105: {  	s17 =	simm.s32 $0x280;
	[sflag:s26] =	ssyncadd.s32 $0xFFFFE000  }
0x106: {  	[spmem:s2] =	stream.indirect.scatter.add.f32 [tilespmem:s23], [sflag:$0x5], $0x40, s17, s22, $0xb8;
	[tilespmem:$0x19000] =	vst v63  }
0x107: {  	_ =	swait.ge [sflag:s18], $0x2000  }
0x108: {  	[sflag:s18] =	ssyncset.done $0x0  }
0x109: {  	s17 =	simm.s32 $0x400;
	[sflag:s18] =	ssyncadd.s32 $0xFFFFE000  }
0x10a: {  	[tilespmem:s23], [sflag:$0x3] =	stream.indirect.gather [spmem:s3], $0x40, s17, s22, $0xb8;
	[tilespmem:$0x19000] =	vst v63  }
0x10b: {  	_ =	swait.ge [sflag:s29], $0x2000  }
0x10c: {  	[sflag:s29] =	ssyncset.done $0x0  }
0x10d: {  	s17 =	simm.s32 $0x380;
	[sflag:s29] =	ssyncadd.s32 $0xFFFFE000  }
0x10e: {  	[spmem:s2] =	stream.indirect.scatter.add.f32 [tilespmem:s25], [sflag:$0x5], $0x40, s17, s22, $0xb8;
	[tilespmem:$0x19000] =	vst v63  }
0x10f: {  	_ =	swait.ge [sflag:s18], $0x2000  }
0x110: {  	[sflag:s18] =	ssyncset.done $0x0  }
0x111: {  	s17 =	simm.s32 $0x500;
	[sflag:s18] =	ssyncadd.s32 $0xFFFFE000  }
0x112: {  	[tilespmem:s25], [sflag:$0x4] =	stream.indirect.gather [spmem:s3], $0x40, s17, s22, $0xb8;
	[tilespmem:$0x19000] =	vst v63  }
0x113: {  	_ =	swait.ge [sflag:s26], $0x2000  }
0x114: {  	[sflag:s26] =	ssyncset.done $0x0  }
0x115: {  	s17 =	simm.s32 $0x480;
	[sflag:s26] =	ssyncadd.s32 $0xFFFFE000  }
0x116: {  	[spmem:s2] =	stream.indirect.scatter.add.f32 [tilespmem:s23], [sflag:$0x5], $0x40, s17, s22, $0xb8;
	[tilespmem:$0x19000] =	vst v63  }
0x117: {  	_ =	swait.ge [sflag:s18], $0x2000  }
0x118: {  	[sflag:s18] =	ssyncset.done $0x0  }
0x119: {  	s17 =	simm.s32 $0x600;
	[sflag:s18] =	ssyncadd.s32 $0xFFFFE000  }
0x11a: {  	[tilespmem:s23], [sflag:$0x3] =	stream.indirect.gather [spmem:s3], $0x40, s17, s22, $0xb8;
	[tilespmem:$0x19000] =	vst v63  }
0x11b: {  	_ =	swait.ge [sflag:s29], $0x2000  }
0x11c: {  	[sflag:s29] =	ssyncset.done $0x0  }
0x11d: {  	s17 =	simm.s32 $0x580;
	[sflag:s29] =	ssyncadd.s32 $0xFFFFE000  }
0x11e: {  	[spmem:s2] =	stream.indirect.scatter.add.f32 [tilespmem:s25], [sflag:$0x5], $0x40, s17, s22, $0xb8;
	[tilespmem:$0x19000] =	vst v63  }
0x11f: {  	_ =	swait.ge [sflag:s18], $0x2000  }
0x120: {  	[sflag:s18] =	ssyncset.done $0x0  }
0x121: {  	s17 =	simm.s32 $0x700;
	[sflag:s18] =	ssyncadd.s32 $0xFFFFE000  }
0x122: {  	[tilespmem:s25], [sflag:$0x4] =	stream.indirect.gather [spmem:s3], $0x40, s17, s22, $0xb8;
	[tilespmem:$0x19000] =	vst v63  }
0x123: {  	_ =	swait.ge [sflag:s26], $0x2000  }
0x124: {  	[sflag:s26] =	ssyncset.done $0x0  }
0x125: {  	s17 =	simm.s32 $0x680;
	[sflag:s26] =	ssyncadd.s32 $0xFFFFE000  }
0x126: {  	[spmem:s2] =	stream.indirect.scatter.add.f32 [tilespmem:s23], [sflag:$0x5], $0x40, s17, s22, $0xb8;
	[tilespmem:$0x19000] =	vst v63  }
0x127: {  	_ =	swait.ge [sflag:s18], $0x2000  }
0x128: {  	[sflag:s18] =	ssyncset.done $0x0  }
0x129: {  	[sflag:s18] =	ssyncadd.s32 $0xFFFFE000  }
0x12a: {  	_ =	swait.ge [sflag:s8], $0x800  }
0x12b: {  	[sflag:s8] =	ssyncset.done $0x0  }
0x12c: {  	[sflag:s8] =	ssyncadd.s32 $0xFFFFF800  }
0x12d: {  	[tilespmem:s23], [sflag:$0x3] =	stream.indirect.gather [spmem:s3], $0x40, s20, s22, $0xb8;
	[tilespmem:$0x19000] =	vst v63  }
0x12e: {  	_ =	swait.ge [sflag:s29], $0x2000  }
0x12f: {  	[sflag:s29] =	ssyncset.done $0x0  }
0x130: {  	s17 =	simm.s32 $0x780;
	[sflag:s29] =	ssyncadd.s32 $0xFFFFE000  }
0x131: {  	[spmem:s2] =	stream.indirect.scatter.add.f32 [tilespmem:s25], [sflag:$0x5], $0x40, s17, s22, $0xb8;
	[tilespmem:$0x19000] =	vst v63  }
0x132: {  	_ =	swait.ge [sflag:s18], $0x2000  }
0x133: {  	p0 =	seq.s32 s10, $0x800;
	[sflag:s18] =	ssyncset.done $0x0  }
0x134: {  	s16 =	sshrl.u32 @!p0 s19, $0x3;
	s17 =	simm.s32 $0x900;
	[sflag:s18] =	ssyncadd.s32 $0xFFFFE000  }
0x135: {  	[tilespmem:s25], [sflag:$0x4] =	stream.indirect.gather [spmem:s3], $0x40, s17, s22, $0xb8;
	[tilespmem:$0x19000] =	vst v63  }
0x136: {  	s16 =	sadd.s32 @!p0 s5, s16;
	s17 =	simm.s32 @!p0 $0x0  }
0x137: {  	[tilespmem:s17], [sflag:$0x1] =	stream.linear.gather @!p0 [hbm4b:s16+s17], $0x800, $0x38;
	[tilespmem:$0x19000] =	vst v63  }
0x138: {  	_ =	swait.ge [sflag:s26], $0x2000  }
0x139: {  	[sflag:s26] =	ssyncset.done $0x0  }
0x13a: {  	s17 =	simm.s32 $0x880;
	[sflag:s26] =	ssyncadd.s32 $0xFFFFE000  }
0x13b: {  	[spmem:s2] =	stream.indirect.scatter.add.f32 [tilespmem:s23], [sflag:$0x5], $0x40, s17, s22, $0xb8;
	[tilespmem:$0x19000] =	vst v63  }
0x13c: {  	_ =	swait.ge [sflag:s18], $0x2000  }
0x13d: {  	[sflag:s18] =	ssyncset.done $0x0  }
0x13e: {  	[sflag:s18] =	ssyncadd.s32 $0xFFFFE000  }
0x13f: {  	[tilespmem:s23], [sflag:$0x3] =	stream.indirect.gather [spmem:s3], $0x40, s7, s22, $0xb8;
	[tilespmem:$0x19000] =	vst v63  }
0x140: {  	_ =	swait.ge [sflag:s29], $0x2000  }
0x141: {  	[sflag:s29] =	ssyncset.done $0x0  }
0x142: {  	[sflag:s29] =	ssyncadd.s32 $0xFFFFE000  }
0x143: {  	[spmem:s2] =	stream.indirect.scatter.add.f32 [tilespmem:s25], [sflag:$0x5], $0x40, s24, s22, $0xb8;
	[tilespmem:$0x19000] =	vst v63  }
0x144: {  	_ =	swait.ge [sflag:s18], $0x2000  }
0x145: {  	[sflag:s18] =	ssyncset.done $0x0  }
0x146: {  	[sflag:s18] =	ssyncadd.s32 $0xFFFFE000  }
0x147: {  	[tilespmem:s25], [sflag:$0x4] =	stream.indirect.gather [spmem:s3], $0x40, s28, s22, $0xb8;
	[tilespmem:$0x19000] =	vst v63  }
0x148: {  	_ =	swait.ge [sflag:s26], $0x2000  }
0x149: {  	[sflag:s26] =	ssyncset.done $0x0  }
0x14a: {  	[sflag:s26] =	ssyncadd.s32 $0xFFFFE000  }
0x14b: {  	[spmem:s2] =	stream.indirect.scatter.add.f32 [tilespmem:s23], [sflag:$0x5], $0x40, s30, s22, $0xb8;
	[tilespmem:$0x19000] =	vst v63  }
0x14c: {  	_ =	swait.ge [sflag:s18], $0x2000  }
0x14d: {  	[sflag:s18] =	ssyncset.done $0x0  }
0x14e: {  	[sflag:s18] =	ssyncadd.s32 $0xFFFFE000  }
0x14f: {  	[tilespmem:s23], [sflag:$0x3] =	stream.indirect.gather [spmem:s3], $0x40, s31, s22, $0xb8;
	[tilespmem:$0x19000] =	vst v63  }
0x150: {  	_ =	swait.ge [sflag:s29], $0x2000  }
0x151: {  	[sflag:s29] =	ssyncset.done $0x0  }
0x152: {  	[sflag:s29] =	ssyncadd.s32 $0xFFFFE000  }
0x153: {  	[spmem:s2] =	stream.indirect.scatter.add.f32 [tilespmem:s25], [sflag:$0x5], $0x40, s0, s22, $0xb8;
	[tilespmem:$0x19000] =	vst v63  }
0x154: {  	_ =	swait.ge [sflag:s18], $0x2000  }
0x155: {  	[sflag:s18] =	ssyncset.done $0x0  }
0x156: {  	[sflag:s18] =	ssyncadd.s32 $0xFFFFE000  }
0x157: {  	[tilespmem:s25], [sflag:$0x4] =	stream.indirect.gather [spmem:s3], $0x40, s1, s22, $0xb8;
	[tilespmem:$0x19000] =	vst v63  }
0x158: {  	_ =	swait.ge [sflag:s26], $0x2000  }
0x159: {  	[sflag:s26] =	ssyncset.done $0x0  }
0x15a: {  	[sflag:s26] =	ssyncadd.s32 $0xFFFFE000  }
0x15b: {  	[spmem:s2] =	stream.indirect.scatter.add.f32 [tilespmem:s23], [sflag:$0x5], $0x40, s9, s22, $0xb8;
	[tilespmem:$0x19000] =	vst v63  }
0x15c: {  	_ =	swait.ge [sflag:s18], $0x2000  }
0x15d: {  	[sflag:s18] =	ssyncset.done $0x0  }
0x15e: {  	[sflag:s18] =	ssyncadd.s32 $0xFFFFE000  }
0x15f: {  	[tilespmem:s23], [sflag:$0x3] =	stream.indirect.gather [spmem:s3], $0x40, s11, s22, $0xb8;
	[tilespmem:$0x19000] =	vst v63  }
0x160: {  	_ =	swait.ge [sflag:s29], $0x2000  }
0x161: {  	[sflag:s29] =	ssyncset.done $0x0  }
0x162: {  	[sflag:s29] =	ssyncadd.s32 $0xFFFFE000  }
0x163: {  	[spmem:s2] =	stream.indirect.scatter.add.f32 [tilespmem:s25], [sflag:$0x5], $0x40, s12, s22, $0xb8;
	[tilespmem:$0x19000] =	vst v63  }
0x164: {  	_ =	swait.ge [sflag:s18], $0x2000  }
0x165: {  	[sflag:s18] =	ssyncset.done $0x0  }
0x166: {  	[sflag:s18] =	ssyncadd.s32 $0xFFFFE000  }
0x167: {  	[tilespmem:s25], [sflag:$0x4] =	stream.indirect.gather [spmem:s3], $0x40, s13, s22, $0xb8;
	[tilespmem:$0x19000] =	vst v63  }
0x168: {  	_ =	swait.ge [sflag:s26], $0x2000  }
0x169: {  	[sflag:s26] =	ssyncset.done $0x0  }
.Ltmp4:
0x16a: {  	[sflag:s26] =	ssyncadd.s32 $0xFFFFE000;
	(pc) =	sbr.rel @p0 .LBB2_7-.Ltmp4, $4  }
0x16b: {  	[spmem:s2] =	stream.indirect.scatter.add.f32 [tilespmem:s23], [sflag:$0x5], $0x40, s14, s22, $0xb8;
	[tilespmem:$0x19000] =	vst v63  }
0x16c: {  	_ =	swait.ge [sflag:s18], $0x2000  }
0x16d: {  	[sflag:s18] =	ssyncset.done $0x0  }
0x16e: {  	[sflag:s18] =	ssyncadd.s32 $0xFFFFE000  }
0x16f: {  	_ =	swait.ge [sflag:s21], $0x800  }
0x170: {  	[sflag:s21] =	ssyncset.done $0x0  }
0x171: {  	[sflag:s21] =	ssyncadd.s32 $0xFFFFF800  }
0x172: {  	[tilespmem:s23], [sflag:$0x3] =	stream.indirect.gather [spmem:s3], $0x40, s4, s22, $0xb8;
	[tilespmem:$0x19000] =	vst v63  }
0x173: {  	_ =	swait.ge [sflag:s29], $0x2000  }
0x174: {  	[sflag:s29] =	ssyncset.done $0x0  }
0x175: {  	[sflag:s29] =	ssyncadd.s32 $0xFFFFE000  }
0x176: {  	[spmem:s2] =	stream.indirect.scatter.add.f32 [tilespmem:s25], [sflag:$0x5], $0x40, s6, s22, $0xb8;
	[tilespmem:$0x19000] =	vst v63  }
0x177: {  	_ =	swait.ge [sflag:s18], $0x2000  }
.Ltmp5:
0x178: {  	[sflag:s18] =	ssyncset.done $0x0;
	(pc) =	sbr.rel .LBB2_5-.Ltmp5, $4  }
0x179: {  	s16 =	simm.s32 $0x100;
	[sflag:s18] =	ssyncadd.s32 $0xFFFFE000  }
0x17a: {  	[tilespmem:s25], [sflag:$0x4] =	stream.indirect.gather [spmem:s3], $0x40, s16, s22, $0xb8;
	[tilespmem:$0x19000] =	vst v63  }
0x17b: {  	s17 =	sadd.s32 s10, s15;
	s10 =	sadd.s32 $0x200, s10;
	s19 =	sadd.s32 $0x1000, s19  }
0x17c: {  	[tilespmem:s20], [sflag:$0x2] =	stream.linear.gather [hbm4b:s17+s4], $0x800, $0x38;
	[tilespmem:$0x19000] =	vst v63  }
.LBB2_8:
0x17d: {  	_ =	sfence.sel $0x180000  }
0x17e: {  	[bflag:$0x0] =	sbarrier.arrive $0xFFFF  }
0x17f: {  	_ =	strace $0x9000004A  }
0x180: {  	s0 =	stileid.u32;
	[bflag:$0x2] =	sbarrier.arrive $0xFFFF  }
0x181: {  	p0 =	sne.s32 s0, $0x0;
	s0 =	rddreg [dreg:$0x3]  }
0x182: {  	s0 =	sadd.s32 @!p0 $0x100000, s0  }
0x183: {  	[sflag:s0] =	ssyncadd.tile.s32 @!p0 $0x1;
	_ =	shalt  }
.Lfunc_end2:
_tile_overlayer_lowered:
.L_overlay_start_2:
0x184: {  	(tag) =	ssettag $0x2  }
0x185: {  	s0 =	rddreg [dreg:$0x0];
	s2 =	stileid.u32  }
0x186: {  	s1 =	rddreg [dreg:$0x1];
	p0 =	sne.s32 s2, $0x0  }
0x187: {  	s3 =	rddreg [dreg:$0x2];
	[bflag:$0x3] =	sbarrier.arrive $0xFFFF;
	s2 =	simm.s32 @!p0 $0x1C05  }
0x188: {  	[timem:s3], [sflag:s2] =	dma.local @!p0 [hbm:s0], s1  }
0x189: {  	s0 =	simm.s32 @!p0 $0x5  }
0x18a: {  	_ =	swait.ge @!p0 [sflag:s0], s1  }
0x18b: {  	s1 =	ssub.s32 @!p0 $0x0, s1;
	[sflag:s0] =	ssyncset.done @!p0 $0x0  }
0x18c: {  	[sflag:s0] =	ssyncadd.s32 @!p0 s1  }
0x18d: {  	[bflag:$0x3] =	sbarrier.arrive $0xFFFF  }
0x18e: {  	_ =	shalt  }

// kernel: kernel.14.cloned.1.call-start
scs
__scs_entry_jumppad:
0x0: {  	(pc) =	sbr.rel $0x88, $3  }
0x1: {  	(tag) =	ssettag $0x0;
	lr =	simm.s32 $0x1  }
0x2: {  	[smem:$0x3F9A] =	sst lr;
	_ =	strace $0xD0000000  }
0x3: {  	_ = 	snop  }
0x4: {  	_ = 	snop  }
0x5: {  	_ = 	snop  }
0x6: {  	_ = 	snop  }
0x7: {  	_ = 	snop  }
__scs_overlays_trampoline_lowered:
0x8: {  	[smem:$0x3FA9] =	sst s0  }
0x9: {  	[smem:$0x3FAA] =	sst s1  }
0xa: {  	[smem:$0x3FAB] =	sst s2  }
0xb: {  	[smem:$0x3FAC] =	sst s3  }
0xc: {  	[smem:$0x3FAD] =	sst s4  }
0xd: {  	[smem:$0x3FAE] =	sst s5  }
0xe: {  	[smem:$0x3FAF] =	sst s6  }
0xf: {  	[smem:$0x3FB0] =	sst s7  }
0x10: {  	[smem:$0x3FB1] =	sst s8  }
0x11: {  	[smem:$0x3FB2] =	sst s9;
	s0 =	simm.s32 @!p0 $0x0  }
0x12: {  	s1 =	sld [smem:$0x3F98];
	s0 =	simm.s32 @p0 $0x1  }
0x13: {  	[smem:$0x3FB3] =	sst s0;
	s0 =	simm.s32 @!p1 $0x0  }
0x14: {  	s2 =	sld [smem:$0x3F97];
	s0 =	simm.s32 @p1 $0x1  }
0x15: {  	[smem:$0x3FB4] =	sst s0;
	s0 =	simm.s32 @!p2 $0x0  }
0x16: {  	s3 =	sld [smem:$0x3FDB];
	s0 =	simm.s32 @p2 $0x1  }
0x17: {  	s4 =	simm.s32 $0x1BF5;
	[smem:$0x3FB6] =	sst s0  }
0x18: {  	s0 =	sld [smem:$0x3F99];
	_ =	swait.ge [sflag:s4], $0x0  }
0x19: {  	s7 =	sld [smem:$0x3F9A]  }
0x1a: {  	s8 =	sadd.s32 $0xFFFFE003, lr  }
0x1b: {  	s9 =	sadd.s32 $0xFFFFFEF7, lr;
	s5 =	simm.s32 $0xFFFFFFFF;
	p2 =	slt.u32 s8, $0xFFFFF086  }
0x1c: {  	p1 =	slt.u32 s9, $0xF7A;
	s5 =	simm.s32 @!p2 $0x0  }
0x1d: {  	s5 =	simm.s32 @p1 $0x1;
	p0 =	seq.s32 s7, s2  }
0x1e: {  	s7 =	smul.u32 @!p0 $0xF7A, s2;
	p2 =	seq.s32 @!p0 s5, $0x0  }
0x1f: {  	s9 =	smul.u32 $0xF7A, s1;
	s8 =	simm.s32 @!p0 $0x1BF5;
	p2 =	por !p2, p0  }
0x20: {  	[sflag:s8] =	ssyncset.s32 @!p0 $0xFFFFF086;
	s6 =	sadd.s32 @!p0 s3, s7;
	s7 =	simm.s32 @!p0 $0x108  }
0x21: {  	s3 =	sadd.s32 s3, s9;
	s6 =	sadd.s32 @!p0 $0x88, s6;
	s7 =	simm.s32 @p2 $0x1082  }
0x22: {  	[simem:s7], [sflag:s8] =	dma.local @!p0 [hbm:s6], $0xF7A  }
0x23: {  	s9 =	sor.u32 $0xD0000000, s2;
	s6 =	simm.s32 $0x108;
	_ =	swait.ge @!p0 [sflag:s8], $0x0  }
0x24: {  	s3 =	sadd.s32 $0x88, s3;
	s6 =	simm.s32 @!p1 $0x1082;
	[sflag:s4] =	ssyncset.s32 $0xFFFFF086  }
0x25: {  	[simem:s6], [sflag:s4] =	dma.local [hbm:s3], $0xF7A  }
0x26: {  	[smem:$0x3F9A] =	sst s1;
	(tag) =	ssettag s2;
	_ =	strace s9  }
0x27: {  	s1 =	sld [smem:$0x3FAA]  }
0x28: {  	s2 =	sld [smem:$0x3FAB]  }
0x29: {  	s4 =	sld [smem:$0x3FAD]  }
0x2a: {  	p0 =	seq.s32 s5, $0x0;
	s5 =	sld [smem:$0x3FAE]  }
0x2b: {  	s6 =	sld [smem:$0x3FAF]  }
0x2c: {  	s7 =	sld [smem:$0x3FB0]  }
0x2d: {  	s3 =	simm.s32 $0x108;
	s8 =	sld [smem:$0x3FB1]  }
0x2e: {  	s3 =	simm.s32 @!p0 $0x1082;
	s9 =	sld [smem:$0x3FB2]  }
0x2f: {  	lr =	sadd.s32 s0, s3;
	s0 =	sld [smem:$0x3FA9]  }
0x30: {  	s3 =	sld [smem:$0x3FAC]  }
0x31: {  	[smem:$0x3FB5] =	sst s10  }
0x32: {  	s10 =	sld [smem:$0x3FB3];
	_ =	sdelay $0x3  }
0x33: {  	p0 =	seq.s32 s10, $0x1;
	s10 =	sld [smem:$0x3FB5];
	_ =	sdelay $0x3  }
0x34: {  	[smem:$0x3FB5] =	sst s10  }
0x35: {  	s10 =	sld [smem:$0x3FB4];
	_ =	sdelay $0x3  }
0x36: {  	p1 =	seq.s32 s10, $0x1;
	s10 =	sld [smem:$0x3FB5];
	_ =	sdelay $0x3  }
0x37: {  	[smem:$0x3FB5] =	sst s10  }
0x38: {  	s10 =	sld [smem:$0x3FB6]  }
0x39: {  	_ = 	snop;
	(pc) =	sbr.ind lr, $3  }
0x3a: {  	_ = 	snop  }
0x3b: {  	_ = 	snop  }
0x3c: {  	p2 =	seq.s32 s10, $0x1;
	s10 =	sld [smem:$0x3FB5]  }
0x3d: {  	_ =	shalt  }
0x3e: {  	_ =	shalt  }
0x3f: {  	_ =	shalt  }
0x40: {  	_ =	shalt  }
0x41: {  	_ =	shalt  }
0x42: {  	_ =	shalt  }
0x43: {  	_ =	shalt  }
0x44: {  	_ =	shalt  }
0x45: {  	_ =	shalt  }
0x46: {  	_ =	shalt  }
0x47: {  	_ =	shalt  }
0x48: {  	_ =	shalt  }
0x49: {  	_ =	shalt  }
0x4a: {  	_ =	shalt  }
0x4b: {  	_ =	shalt  }
0x4c: {  	_ =	shalt  }
0x4d: {  	_ =	shalt  }
0x4e: {  	_ =	shalt  }
0x4f: {  	_ =	shalt  }
0x50: {  	_ =	shalt  }
0x51: {  	_ =	shalt  }
0x52: {  	_ =	shalt  }
0x53: {  	_ =	shalt  }
0x54: {  	_ =	shalt  }
0x55: {  	_ =	shalt  }
0x56: {  	_ =	shalt  }
0x57: {  	_ =	shalt  }
0x58: {  	_ =	shalt  }
0x59: {  	_ =	shalt  }
0x5a: {  	_ =	shalt  }
0x5b: {  	_ =	shalt  }
0x5c: {  	_ =	shalt  }
0x5d: {  	_ =	shalt  }
0x5e: {  	_ =	shalt  }
0x5f: {  	_ =	shalt  }
0x60: {  	_ =	shalt  }
0x61: {  	_ =	shalt  }
0x62: {  	_ =	shalt  }
0x63: {  	_ =	shalt  }
0x64: {  	_ =	shalt  }
0x65: {  	_ =	shalt  }
0x66: {  	_ =	shalt  }
0x67: {  	_ =	shalt  }
0x68: {  	_ =	shalt  }
0x69: {  	_ =	shalt  }
0x6a: {  	_ =	shalt  }
0x6b: {  	_ =	shalt  }
0x6c: {  	_ =	shalt  }
0x6d: {  	_ =	shalt  }
0x6e: {  	_ =	shalt  }
0x6f: {  	_ =	shalt  }
0x70: {  	_ =	shalt  }
0x71: {  	_ =	shalt  }
0x72: {  	_ =	shalt  }
0x73: {  	_ =	shalt  }
0x74: {  	_ =	shalt  }
0x75: {  	_ =	shalt  }
0x76: {  	_ =	shalt  }
0x77: {  	_ =	shalt  }
0x78: {  	_ =	shalt  }
0x79: {  	_ =	shalt  }
0x7a: {  	_ =	shalt  }
0x7b: {  	_ =	shalt  }
0x7c: {  	_ =	shalt  }
0x7d: {  	_ =	shalt  }
0x7e: {  	_ =	shalt  }
0x7f: {  	_ =	shalt  }
0x80: {  	_ =	shalt  }
0x81: {  	_ =	shalt  }
0x82: {  	_ =	shalt  }
0x83: {  	_ =	shalt  }
0x84: {  	_ =	shalt  }
0x85: {  	_ =	shalt  }
0x86: {  	_ =	shalt  }
0x87: {  	_ =	shalt  }
.Lfunc_end0:
.L_simem_size_0:
called_computation.2_lowered:
.L_overlay_start_0:
0x88: {  	s2 =	sld [smem:$0x3FD9]  }
0x89: {  	s3 =	sld [smem:$0x3FFE];
	_ =	sdelay $0x1  }
0x8a: {  	s1 =	srdreg.scid  }
0x8b: {  	s0 =	sand.u32 $0x1, s1  }
0x8c: {  	s16 =	sshll.u32 s0, $0xA;
	s2 =	sadd.s32 s3, s2  }
0x8d: {  	s2 =	sadd.s32 s2, s16  }
0x8e: {  	[smem:$0x3FC1] =	sst s2  }
0x8f: {  	_ = 	snop  }
0x90: {  	(tm) =	ssettm $0x1  }
0x91: {  	s17 =	sld [smem:$0x3FFB];
	_ =	sdelay $0x3  }
0x92: {  	_ =	strace s17  }
0x93: {  	s2 =	sld [smem:$0x3FFC];
	_ =	sdelay $0x3  }
0x94: {  	_ =	strace s2  }
0x95: {  	s2 =	sld [smem:$0x3FFD];
	_ =	sdelay $0x3  }
0x96: {  	_ =	strace s2  }
0x97: {  	_ =	strace $0x8FFFFFFF  }
0x98: {  	s18 =	sld [smem:$0x3FDB];
	_ =	sdelay $0x1  }
0x99: {  	s19 =	simm.s32 $_scs_section_size  }
0x9a: {  	s4 =	simm.s32 $_size__tile_overlayer_lowered;
	s5 =	simm.s32 $_tile_overlayer_lowered  }
0x9b: {  	s22 =	simm.s32 $0x1BFF;
	s21 =	sshll.u32 s5, $0x1;
	s2 =	sadd.s32 s19, s18  }
0x9c: {  	s6 =	simm.s32 $0x0;
	s20 =	sshll.u32 s4, $0x1;
	s4 =	sadd.s32 s21, s2  }
0x9d: {  	[timem:s6], [sflag:s22] =	dma.local [hbm:s4], s20  }
0x9e: {  	_ =	swait.ge [sflag:s22], s20  }
0x9f: {  	s3 =	ssub.s32 $0x0, s20;
	[sflag:s22] =	ssyncset.done $0x0  }
0xa0: {  	[sflag:s22] =	ssyncadd.s32 s3;
	_ =	sdelay $0x1  }
0xa1: {  	s23 =	simm.s32 $0x1B8B  }
0xa2: {  	_ =	swait.ge [sflag:s23], $0x1  }
0xa3: {  	[sflag:s23] =	ssyncset.done $0x0  }
0xa4: {  	s25 =	simm.s32 $0x1B8E;
	s24 =	sld [smem:$0x3FFE];
	[sflag:s23] =	ssyncadd.s32 $0xFFFFFFFF  }
0xa5: {  	s26 =	simm.s32 $execute0_lowered;
	[smem:$0x3FD2] =	sst s25  }
0xa6: {  	s4 =	sshll.u32 s26, $0x1;
	_ =	strace $0x8000004C;
	[dreg:$0x1] =	wrdreg $0xFFFFFFFF  }
0xa7: {  	s28 =	simm.s32 $_size_execute0_lowered;
	s2 =	sadd.s32 s2, s4;
	[dreg:$0x0] =	wrdreg $0x0  }
0xa8: {  	s4 =	sshll.u32 s28, $0x1;
	[dreg:$0x2] =	wrdreg s2  }
0xa9: {  	[dreg:$0x3] =	wrdreg s4  }
0xaa: {  	[dreg:$0x4] =	wrdreg $0xC0  }
0xab: {  	_ =	task [dreg:s6], $0x5FFFF  }
0xac: {  	[dreg:$0x1] =	wrdreg $0xFFFFFFFF  }
0xad: {  	[dreg:$0x0] =	wrdreg $0x60  }
0xae: {  	[dreg:$0x2] =	wrdreg s24  }
0xaf: {  	[dreg:$0x3] =	wrdreg $0xB8000  }
0xb0: {  	[dreg:$0x4] =	wrdreg $0x40000  }
0xb1: {  	[dreg:$0x5] =	wrdreg $0x9  }
0xb2: {  	_ =	task.clear_ibuf [dreg:s6], $0x6FFFF;
	_ =	strace $0x9000004C  }
0xb3: {  	s29 =	simm.s32 $0x9;
	_ =	strace $0x8000004E  }
0xb4: {  	_ =	swait.ge [sflag:s29], $0x1  }
0xb5: {  	[sflag:s29] =	ssyncadd.s32 $0xFFFFFFFF  }
0xb6: {  	_ =	strace $0x9000004E  }
0xb7: {  	_ =	sfence  }
0xb8: {  	s30 =	sld [smem:$0x0];
	_ =	sdelay $0x2  }
0xb9: {  	s31 =	sshll.u32 s1, $0xD;
	s1 =	sshrl.u32 s1, $0x2  }
0xba: {  	s3 =	sand.u32 $0x4000, s31;
	s1 =	sadd.s32 s1, s30  }
0xbb: {  	s0 =	sor.u32 s3, s0;
	s1 =	sshll.u32 s1, $0x11  }
0xbc: {  	s0 =	sor.u32 s1, s0  }
0xbd: {  	s0 =	sadd.s32 $0x8F2B, s0  }
0xbe: {  	[sflag:s0] =	ssyncadd.remote.s32 $0x1  }
0xbf: {  	_ =	sfence.sel $0xFFFF  }
0xc0: {  	[dreg:$0x0] =	wrdreg $0xFFFFFFFF;
	(pc) =	sbr.abs _section_cstart, $3  }
0xc1: {  	[dreg:$0x1] =	wrdreg $0xFFFFFFFF  }
0xc2: {  	_ =	task.clear_ibuf [dreg:s6], $0x2FFFF;
	_ =	strace $0x9FFFFFFF  }
0xc3: {  	(tm) =	ssettm $0x7FFFFFFF  }
tec
execute0_lowered:
.L_overlay_start_1:
0x0: {  	(tag) =	ssettag $0x1  }
0x1: {  	s0 =	rddreg [dreg:$0x0]  }
0x2: {  	s2 =	rddreg [dreg:$0x1]  }
0x3: {  	s3 =	rddreg [dreg:$0x2]  }
0x4: {  	s12 =	stileid.u32;
	s4 =	simm.s32 $0x0;
	s5 =	srdreg.scid  }
0x5: {  	s29 =	simm.s32 $0x4;
	s28 =	simm.s32 $0xB00;
	s30 =	simm.s32 $0xA80  }
0x6: {  	s31 =	simm.s32 $0xC00;
	s14 =	simm.s32 $0xE80;
	s1 =	smul.u32 $0x7800, s12  }
0x7: {  	[smem:$0x7FF] =	sst s4;
	s6 =	sand.u32 $0x1, s5;
	s5 =	sadd.s32 $0x1AC00, s0  }
0x8: {  	s19 =	sshll.u32 s12, $0x6;
	_ =	strace $0x8000004D;
	s7 =	smul.u32 $0xF0000, s6  }
0x9: {  	s9 =	sshll.u32 s6, $0x4;
	s10 =	ssub.s32 $0x2, s6;
	s6 =	smul.u32 $0x50000, s6  }
0xa: {  	s16 =	sshrl.u32 s1, $0x3;
	s9 =	sor.u32 s12, s9;
	s11 =	sshrl.u32 s10, $0x1  }
0xb: {  	s18 =	sadd.s32 s1, s2;
	s12 =	smul.u32 $0x5000, s12;
	s8 =	sadd.s32 s16, s0  }
0xc: {  	s7 =	sadd.s32 s1, s7;
	s9 =	smul.u32 $0x5000, s9;
	s17 =	ssub.s32 s10, s11  }
0xd: {  	s16 =	sor.u32 $0x1C05, s19;
	s1 =	sadd.s32 s1, s3;
	s11 =	simm.s32 $0xE00  }
0xe: {  	s19 =	simm.s32 $0x0;
	s7 =	sshrl.u32 s7, $0x3;
	s13 =	sadd.s32 $0x1A00, s8  }
0xf: {  	s6 =	sadd.s32 s12, s6;
	s20 =	sadd.s32 $0x7EC00, s8;
	s8 =	sadd.s32 $0x8DC00, s8  }
0x10: {  	s24 =	smax.u32 s17, $0x1;
	s17 =	sshrl.u32 s18, $0x3;
	[dreg:$0x5] =	wrdreg s16  }
0x11: {  	s18 =	simm.s32 $0x5;
	s26 =	sshrl.u32 s1, $0x3;
	[dreg:$0x4] =	wrdreg s13  }
0x12: {  	s1 =	simm.s32 $0xD00;
	s12 =	simm.s32 $0xD80;
	[dreg:$0x7] =	wrdreg s20  }
0x13: {  	s0 =	sadd.s32 s7, s0;
	s9 =	sshrl.u32 s9, $0x3;
	[dreg:$0xa] =	wrdreg s8  }
0x14: {  	s21 =	sadd.s32 $0x1800, s6;
	[dreg:$0xc] =	wrdreg s24;
	s25 =	sadd.s32 $0x1000, s6  }
0x15: {  	[dreg:$0xf] =	wrdreg s26;
	s20 =	simm.s32 $0x800;
	s26 =	simm.s32 $0x3  }
0x16: {  	s8 =	simm.s32 $0x2;
	s7 =	simm.s32 $0xA00;
	s24 =	simm.s32 $0x980  }
0x17: {  	s13 =	simm.s32 $0xF00;
	s6 =	simm.s32 $0xF80;
	[dreg:$0xe] =	wrdreg s17  }
0x18: {  	s9 =	sadd.s32 s5, s9;
	s22 =	sadd.s32 $0x9CC00, s0;
	[dreg:$0xd] =	wrdreg s25  }
.Ltmp0:
0x19: {  	s23 =	sshrl.u32 s21, $0x3;
	[dreg:$0x6] =	wrdreg s9;
	(pc) =	sbr.rel .LBB2_1-.Ltmp0, $4  }
0x1a: {  	s0 =	sadd.s32 $0xABC00, s0;
	s21 =	simm.s32 $0x1;
	[dreg:$0x9] =	wrdreg s22  }
0x1b: {  	s25 =	simm.s32 $0x2800;
	s9 =	sadd.s32 $0x100, s9;
	[dreg:$0xb] =	wrdreg s0  }
0x1c: {  	s15 =	sadd.s32 s23, s5;
	s22 =	simm.s32 $0x80;
	s23 =	simm.s32 $0x1000  }
0x1d: {  	s0 =	simm.s32 $0xB80;
	[dreg:$0x8] =	wrdreg s9;
	s9 =	simm.s32 $0xC80  }
.LBB2_7:
0x1e: {  	_ =	swait.ge [sflag:s29], $0x1800  }
0x1f: {  	[sflag:s29] =	ssyncset.done $0x0  }
0x20: {  	[sflag:s29] =	ssyncadd.s32 $0xFFFFE800  }
0x21: {  	[spmem:s2] =	stream.indirect.scatter.add.f32 [tilespmem:s25], [sflag:$0x5], $0x30, s6, s22, $0xb8;
	[tilespmem:$0x13000] =	vst v63  }
0x22: {  	_ =	swait.ge [sflag:s18], $0x1800  }
0x23: {  	[sflag:s18] =	ssyncset.done $0x0  }
0x24: {  	[sflag:s18] =	ssyncadd.s32 $0xFFFFE800  }
0x25: {  	[bflag:$0x0] =	sbarrier.arrive $0xFFFF  }
0x26: {  	s16 =	rddreg [dreg:$0x5]  }
0x27: {  	s10 =	rddreg [dreg:$0xb]  }
0x28: {  	s17 =	rddreg [dreg:$0xe]  }
0x29: {  	[hbm:s10], [sflag:s16] =	dma.local [spmem:s17], $0xF00  }
0x2a: {  	_ =	swait.ge [sflag:s18], $0xF00  }
0x2b: {  	s19 =	rddreg [dreg:$0x10]  }
0x2c: {  	s10 =	rddreg [dreg:$0xc];
	s19 =	sadd.s32 $0x1, s19  }
0x2d: {  	p0 =	sne.s32 s19, s10  }
.Ltmp1:
0x2e: {  	_ = 	snop;
	(pc) =	sbr.rel @!p0 .LBB2_8-.Ltmp1, $3  }
0x2f: {  	_ =	sdelay $0x1  }
0x30: {  	[sflag:s18] =	ssyncset.done $0x0  }
0x31: {  	[sflag:s18] =	ssyncadd.s32 $0xFFFFF100  }
.LBB2_1:
0x32: {  	[dreg:$0x10] =	wrdreg s19  }
0x33: {  	s10 =	rddreg [dreg:$0x4]  }
0x34: {  	[spmem:s17], [sflag:s16] =	dma.local [hbm:s10], $0xF00  }
0x35: {  	_ =	swait.ge [sflag:s18], $0xF00  }
0x36: {  	[sflag:s18] =	ssyncset.done $0x0;
	s17 =	rddreg [dreg:$0x7]  }
0x37: {  	s19 =	rddreg [dreg:$0xf];
	[sflag:s18] =	ssyncadd.s32 $0xFFFFF100  }
0x38: {  	[spmem:s19], [sflag:s16] =	dma.local [hbm:s17], $0xF00  }
0x39: {  	_ =	swait.ge [sflag:s18], $0xF00  }
0x3a: {  	[sflag:s18] =	ssyncset.done $0x0  }
0x3b: {  	s16 =	rddreg [dreg:$0x6];
	[sflag:s18] =	ssyncadd.s32 $0xFFFFF100  }
0x3c: {  	[tilespmem:s4], [sflag:$0x1] =	stream.linear.gather [hbm4b:s16+s4], $0x800, $0x38;
	[tilespmem:$0x13000] =	vst v63  }
0x3d: {  	s17 =	rddreg [dreg:$0x8]  }
0x3e: {  	[tilespmem:s20], [sflag:$0x2] =	stream.linear.gather [hbm4b:s17+s4], $0x800, $0x38;
	[tilespmem:$0x13000] =	vst v63  }
0x3f: {  	[bflag:$0x0] =	sbarrier.arrive $0xFFFF  }
0x40: {  	_ =	swait.ge [sflag:s21], $0x800  }
0x41: {  	[sflag:s21] =	ssyncset.done $0x0  }
0x42: {  	[sflag:s21] =	ssyncadd.s32 $0xFFFFF800  }
0x43: {  	[tilespmem:s23], [sflag:$0x3] =	stream.indirect.gather [spmem:s3], $0x30, s4, s22, $0xb8;
	[tilespmem:$0x13000] =	vst v63  }
0x44: {  	s19 =	simm.s32 $0x100  }
0x45: {  	[tilespmem:s25], [sflag:$0x4] =	stream.indirect.gather [spmem:s3], $0x30, s19, s22, $0xb8;
	[tilespmem:$0x13000] =	vst v63  }
0x46: {  	s10 =	rddreg [dreg:$0xd];
	s19 =	simm.s32 $0x0  }
.LBB2_2:
0x47: {  	_ =	swait.ge [sflag:s26], $0x1800  }
0x48: {  	[sflag:s26] =	ssyncset.done $0x0  }
0x49: {  	[sflag:s26] =	ssyncadd.s32 $0xFFFFE800  }
0x4a: {  	[spmem:s2] =	stream.indirect.scatter.add.f32 [tilespmem:s23], [sflag:$0x5], $0x30, s22, s22, $0xb8;
	[tilespmem:$0x13000] =	vst v63  }
0x4b: {  	_ =	swait.ge [sflag:s18], $0x1800  }
0x4c: {  	[sflag:s18] =	ssyncset.done $0x0  }
0x4d: {  	s16 =	simm.s32 $0x200;
	[sflag:s18] =	ssyncadd.s32 $0xFFFFE800  }
0x4e: {  	[tilespmem:s23], [sflag:$0x3] =	stream.indirect.gather [spmem:s3], $0x30, s16, s22, $0xb8;
	[tilespmem:$0x13000] =	vst v63  }
0x4f: {  	_ =	swait.ge [sflag:s29], $0x1800  }
0x50: {  	[sflag:s29] =	ssyncset.done $0x0  }
0x51: {  	s17 =	simm.s32 $0x180;
	[sflag:s29] =	ssyncadd.s32 $0xFFFFE800  }
0x52: {  	[spmem:s2] =	stream.indirect.scatter.add.f32 [tilespmem:s25], [sflag:$0x5], $0x30, s17, s22, $0xb8;
	[tilespmem:$0x13000] =	vst v63  }
0x53: {  	_ =	swait.ge [sflag:s18], $0x1800  }
0x54: {  	[sflag:s18] =	ssyncset.done $0x0  }
0x55: {  	s17 =	simm.s32 $0x300;
	[sflag:s18] =	ssyncadd.s32 $0xFFFFE800  }
0x56: {  	[tilespmem:s25], [sflag:$0x4] =	stream.indirect.gather [spmem:s3], $0x30, s17, s22, $0xb8;
	[tilespmem:$0x13000] =	vst v63  }
0x57: {  	_ =	swait.ge [sflag:s26], $0x1800  }
0x58: {  	[sflag:s26] =	ssyncset.done $0x0  }
0x59: {  	s17 =	simm.s32 $0x280;
	[sflag:s26] =	ssyncadd.s32 $0xFFFFE800  }
0x5a: {  	[spmem:s2] =	stream.indirect.scatter.add.f32 [tilespmem:s23], [sflag:$0x5], $0x30, s17, s22, $0xb8;
	[tilespmem:$0x13000] =	vst v63  }
0x5b: {  	_ =	swait.ge [sflag:s18], $0x1800  }
0x5c: {  	[sflag:s18] =	ssyncset.done $0x0  }
0x5d: {  	s17 =	simm.s32 $0x400;
	[sflag:s18] =	ssyncadd.s32 $0xFFFFE800  }
0x5e: {  	[tilespmem:s23], [sflag:$0x3] =	stream.indirect.gather [spmem:s3], $0x30, s17, s22, $0xb8;
	[tilespmem:$0x13000] =	vst v63  }
0x5f: {  	_ =	swait.ge [sflag:s29], $0x1800  }
0x60: {  	[sflag:s29] =	ssyncset.done $0x0  }
0x61: {  	s17 =	simm.s32 $0x380;
	[sflag:s29] =	ssyncadd.s32 $0xFFFFE800  }
0x62: {  	[spmem:s2] =	stream.indirect.scatter.add.f32 [tilespmem:s25], [sflag:$0x5], $0x30, s17, s22, $0xb8;
	[tilespmem:$0x13000] =	vst v63  }
0x63: {  	_ =	swait.ge [sflag:s18], $0x1800  }
0x64: {  	[sflag:s18] =	ssyncset.done $0x0  }
0x65: {  	s17 =	simm.s32 $0x500;
	[sflag:s18] =	ssyncadd.s32 $0xFFFFE800  }
0x66: {  	[tilespmem:s25], [sflag:$0x4] =	stream.indirect.gather [spmem:s3], $0x30, s17, s22, $0xb8;
	[tilespmem:$0x13000] =	vst v63  }
0x67: {  	_ =	swait.ge [sflag:s26], $0x1800  }
0x68: {  	[sflag:s26] =	ssyncset.done $0x0  }
0x69: {  	s17 =	simm.s32 $0x480;
	[sflag:s26] =	ssyncadd.s32 $0xFFFFE800  }
0x6a: {  	[spmem:s2] =	stream.indirect.scatter.add.f32 [tilespmem:s23], [sflag:$0x5], $0x30, s17, s22, $0xb8;
	[tilespmem:$0x13000] =	vst v63  }
0x6b: {  	_ =	swait.ge [sflag:s18], $0x1800  }
0x6c: {  	[sflag:s18] =	ssyncset.done $0x0  }
0x6d: {  	s17 =	simm.s32 $0x600;
	[sflag:s18] =	ssyncadd.s32 $0xFFFFE800  }
0x6e: {  	[tilespmem:s23], [sflag:$0x3] =	stream.indirect.gather [spmem:s3], $0x30, s17, s22, $0xb8;
	[tilespmem:$0x13000] =	vst v63  }
0x6f: {  	_ =	swait.ge [sflag:s29], $0x1800  }
0x70: {  	[sflag:s29] =	ssyncset.done $0x0  }
0x71: {  	s17 =	simm.s32 $0x580;
	[sflag:s29] =	ssyncadd.s32 $0xFFFFE800  }
0x72: {  	[spmem:s2] =	stream.indirect.scatter.add.f32 [tilespmem:s25], [sflag:$0x5], $0x30, s17, s22, $0xb8;
	[tilespmem:$0x13000] =	vst v63  }
0x73: {  	_ =	swait.ge [sflag:s18], $0x1800  }
0x74: {  	[sflag:s18] =	ssyncset.done $0x0  }
0x75: {  	s17 =	simm.s32 $0x700;
	[sflag:s18] =	ssyncadd.s32 $0xFFFFE800  }
0x76: {  	[tilespmem:s25], [sflag:$0x4] =	stream.indirect.gather [spmem:s3], $0x30, s17, s22, $0xb8;
	[tilespmem:$0x13000] =	vst v63  }
0x77: {  	_ =	swait.ge [sflag:s26], $0x1800  }
0x78: {  	[sflag:s26] =	ssyncset.done $0x0  }
0x79: {  	s17 =	simm.s32 $0x680;
	[sflag:s26] =	ssyncadd.s32 $0xFFFFE800  }
0x7a: {  	[spmem:s2] =	stream.indirect.scatter.add.f32 [tilespmem:s23], [sflag:$0x5], $0x30, s17, s22, $0xb8;
	[tilespmem:$0x13000] =	vst v63  }
0x7b: {  	_ =	swait.ge [sflag:s18], $0x1800  }
0x7c: {  	[sflag:s18] =	ssyncset.done $0x0  }
0x7d: {  	[sflag:s18] =	ssyncadd.s32 $0xFFFFE800  }
0x7e: {  	_ =	swait.ge [sflag:s8], $0x800  }
0x7f: {  	[sflag:s8] =	ssyncset.done $0x0  }
0x80: {  	[sflag:s8] =	ssyncadd.s32 $0xFFFFF800  }
0x81: {  	[tilespmem:s23], [sflag:$0x3] =	stream.indirect.gather [spmem:s3], $0x30, s20, s22, $0xb8;
	[tilespmem:$0x13000] =	vst v63  }
0x82: {  	_ =	swait.ge [sflag:s29], $0x1800  }
0x83: {  	[sflag:s29] =	ssyncset.done $0x0  }
0x84: {  	s17 =	simm.s32 $0x780;
	[sflag:s29] =	ssyncadd.s32 $0xFFFFE800  }
0x85: {  	[spmem:s2] =	stream.indirect.scatter.add.f32 [tilespmem:s25], [sflag:$0x5], $0x30, s17, s22, $0xb8;
	[tilespmem:$0x13000] =	vst v63  }
0x86: {  	_ =	swait.ge [sflag:s18], $0x1800  }
0x87: {  	p0 =	seq.s32 s19, $0x800;
	[sflag:s18] =	ssyncset.done $0x0  }
0x88: {  	s16 =	sshrl.u32 @!p0 s10, $0x3;
	s17 =	simm.s32 $0x900;
	[sflag:s18] =	ssyncadd.s32 $0xFFFFE800  }
0x89: {  	[tilespmem:s25], [sflag:$0x4] =	stream.indirect.gather [spmem:s3], $0x30, s17, s22, $0xb8;
	[tilespmem:$0x13000] =	vst v63  }
0x8a: {  	s16 =	sadd.s32 @!p0 s5, s16;
	s17 =	simm.s32 @!p0 $0x0  }
0x8b: {  	[tilespmem:s17], [sflag:$0x1] =	stream.linear.gather @!p0 [hbm4b:s16+s17], $0x800, $0x38;
	[tilespmem:$0x13000] =	vst v63  }
0x8c: {  	_ =	swait.ge [sflag:s26], $0x1800  }
0x8d: {  	[sflag:s26] =	ssyncset.done $0x0  }
0x8e: {  	s17 =	simm.s32 $0x880;
	[sflag:s26] =	ssyncadd.s32 $0xFFFFE800  }
0x8f: {  	[spmem:s2] =	stream.indirect.scatter.add.f32 [tilespmem:s23], [sflag:$0x5], $0x30, s17, s22, $0xb8;
	[tilespmem:$0x13000] =	vst v63  }
0x90: {  	_ =	swait.ge [sflag:s18], $0x1800  }
0x91: {  	[sflag:s18] =	ssyncset.done $0x0  }
0x92: {  	[sflag:s18] =	ssyncadd.s32 $0xFFFFE800  }
0x93: {  	[tilespmem:s23], [sflag:$0x3] =	stream.indirect.gather [spmem:s3], $0x30, s7, s22, $0xb8;
	[tilespmem:$0x13000] =	vst v63  }
0x94: {  	_ =	swait.ge [sflag:s29], $0x1800  }
0x95: {  	[sflag:s29] =	ssyncset.done $0x0  }
0x96: {  	[sflag:s29] =	ssyncadd.s32 $0xFFFFE800  }
0x97: {  	[spmem:s2] =	stream.indirect.scatter.add.f32 [tilespmem:s25], [sflag:$0x5], $0x30, s24, s22, $0xb8;
	[tilespmem:$0x13000] =	vst v63  }
0x98: {  	_ =	swait.ge [sflag:s18], $0x1800  }
0x99: {  	[sflag:s18] =	ssyncset.done $0x0  }
0x9a: {  	[sflag:s18] =	ssyncadd.s32 $0xFFFFE800  }
0x9b: {  	[tilespmem:s25], [sflag:$0x4] =	stream.indirect.gather [spmem:s3], $0x30, s28, s22, $0xb8;
	[tilespmem:$0x13000] =	vst v63  }
0x9c: {  	_ =	swait.ge [sflag:s26], $0x1800  }
0x9d: {  	[sflag:s26] =	ssyncset.done $0x0  }
0x9e: {  	[sflag:s26] =	ssyncadd.s32 $0xFFFFE800  }
0x9f: {  	[spmem:s2] =	stream.indirect.scatter.add.f32 [tilespmem:s23], [sflag:$0x5], $0x30, s30, s22, $0xb8;
	[tilespmem:$0x13000] =	vst v63  }
0xa0: {  	_ =	swait.ge [sflag:s18], $0x1800  }
0xa1: {  	[sflag:s18] =	ssyncset.done $0x0  }
0xa2: {  	[sflag:s18] =	ssyncadd.s32 $0xFFFFE800  }
0xa3: {  	[tilespmem:s23], [sflag:$0x3] =	stream.indirect.gather [spmem:s3], $0x30, s31, s22, $0xb8;
	[tilespmem:$0x13000] =	vst v63  }
0xa4: {  	_ =	swait.ge [sflag:s29], $0x1800  }
0xa5: {  	[sflag:s29] =	ssyncset.done $0x0  }
0xa6: {  	[sflag:s29] =	ssyncadd.s32 $0xFFFFE800  }
0xa7: {  	[spmem:s2] =	stream.indirect.scatter.add.f32 [tilespmem:s25], [sflag:$0x5], $0x30, s0, s22, $0xb8;
	[tilespmem:$0x13000] =	vst v63  }
0xa8: {  	_ =	swait.ge [sflag:s18], $0x1800  }
0xa9: {  	[sflag:s18] =	ssyncset.done $0x0  }
0xaa: {  	[sflag:s18] =	ssyncadd.s32 $0xFFFFE800  }
0xab: {  	[tilespmem:s25], [sflag:$0x4] =	stream.indirect.gather [spmem:s3], $0x30, s1, s22, $0xb8;
	[tilespmem:$0x13000] =	vst v63  }
0xac: {  	_ =	swait.ge [sflag:s26], $0x1800  }
0xad: {  	[sflag:s26] =	ssyncset.done $0x0  }
0xae: {  	[sflag:s26] =	ssyncadd.s32 $0xFFFFE800  }
0xaf: {  	[spmem:s2] =	stream.indirect.scatter.add.f32 [tilespmem:s23], [sflag:$0x5], $0x30, s9, s22, $0xb8;
	[tilespmem:$0x13000] =	vst v63  }
0xb0: {  	_ =	swait.ge [sflag:s18], $0x1800  }
0xb1: {  	[sflag:s18] =	ssyncset.done $0x0  }
0xb2: {  	[sflag:s18] =	ssyncadd.s32 $0xFFFFE800  }
0xb3: {  	[tilespmem:s23], [sflag:$0x3] =	stream.indirect.gather [spmem:s3], $0x30, s11, s22, $0xb8;
	[tilespmem:$0x13000] =	vst v63  }
0xb4: {  	_ =	swait.ge [sflag:s29], $0x1800  }
0xb5: {  	[sflag:s29] =	ssyncset.done $0x0  }
0xb6: {  	[sflag:s29] =	ssyncadd.s32 $0xFFFFE800  }
0xb7: {  	[spmem:s2] =	stream.indirect.scatter.add.f32 [tilespmem:s25], [sflag:$0x5], $0x30, s12, s22, $0xb8;
	[tilespmem:$0x13000] =	vst v63  }
0xb8: {  	_ =	swait.ge [sflag:s18], $0x1800  }
0xb9: {  	[sflag:s18] =	ssyncset.done $0x0  }
0xba: {  	[sflag:s18] =	ssyncadd.s32 $0xFFFFE800  }
0xbb: {  	[tilespmem:s25], [sflag:$0x4] =	stream.indirect.gather [spmem:s3], $0x30, s13, s22, $0xb8;
	[tilespmem:$0x13000] =	vst v63  }
0xbc: {  	_ =	swait.ge [sflag:s26], $0x1800  }
0xbd: {  	[sflag:s26] =	ssyncset.done $0x0  }
.Ltmp2:
0xbe: {  	[sflag:s26] =	ssyncadd.s32 $0xFFFFE800;
	(pc) =	sbr.rel @p0 .LBB2_4-.Ltmp2, $4  }
0xbf: {  	[spmem:s2] =	stream.indirect.scatter.add.f32 [tilespmem:s23], [sflag:$0x5], $0x30, s14, s22, $0xb8;
	[tilespmem:$0x13000] =	vst v63  }
0xc0: {  	_ =	swait.ge [sflag:s18], $0x1800  }
0xc1: {  	[sflag:s18] =	ssyncset.done $0x0  }
0xc2: {  	[sflag:s18] =	ssyncadd.s32 $0xFFFFE800  }
0xc3: {  	_ =	swait.ge [sflag:s21], $0x800  }
0xc4: {  	[sflag:s21] =	ssyncset.done $0x0  }
0xc5: {  	[sflag:s21] =	ssyncadd.s32 $0xFFFFF800  }
0xc6: {  	[tilespmem:s23], [sflag:$0x3] =	stream.indirect.gather [spmem:s3], $0x30, s4, s22, $0xb8;
	[tilespmem:$0x13000] =	vst v63  }
0xc7: {  	_ =	swait.ge [sflag:s29], $0x1800  }
0xc8: {  	[sflag:s29] =	ssyncset.done $0x0  }
0xc9: {  	[sflag:s29] =	ssyncadd.s32 $0xFFFFE800  }
0xca: {  	[spmem:s2] =	stream.indirect.scatter.add.f32 [tilespmem:s25], [sflag:$0x5], $0x30, s6, s22, $0xb8;
	[tilespmem:$0x13000] =	vst v63  }
0xcb: {  	_ =	swait.ge [sflag:s18], $0x1800  }
.Ltmp3:
0xcc: {  	[sflag:s18] =	ssyncset.done $0x0;
	(pc) =	sbr.rel .LBB2_2-.Ltmp3, $4  }
0xcd: {  	s16 =	simm.s32 $0x100;
	[sflag:s18] =	ssyncadd.s32 $0xFFFFE800  }
0xce: {  	[tilespmem:s25], [sflag:$0x4] =	stream.indirect.gather [spmem:s3], $0x30, s16, s22, $0xb8;
	[tilespmem:$0x13000] =	vst v63  }
0xcf: {  	s17 =	sadd.s32 s19, s15;
	s19 =	sadd.s32 $0x200, s19;
	s10 =	sadd.s32 $0x1000, s10  }
0xd0: {  	[tilespmem:s20], [sflag:$0x2] =	stream.linear.gather [hbm4b:s17+s4], $0x800, $0x38;
	[tilespmem:$0x13000] =	vst v63  }
.LBB2_4:
0xd1: {  	_ =	swait.ge [sflag:s29], $0x1800  }
0xd2: {  	[sflag:s29] =	ssyncset.done $0x0  }
0xd3: {  	[sflag:s29] =	ssyncadd.s32 $0xFFFFE800  }
0xd4: {  	[spmem:s2] =	stream.indirect.scatter.add.f32 [tilespmem:s25], [sflag:$0x5], $0x30, s6, s22, $0xb8;
	[tilespmem:$0x13000] =	vst v63  }
0xd5: {  	_ =	swait.ge [sflag:s18], $0x1800  }
0xd6: {  	[sflag:s18] =	ssyncset.done $0x0  }
0xd7: {  	[sflag:s18] =	ssyncadd.s32 $0xFFFFE800  }
0xd8: {  	[bflag:$0x0] =	sbarrier.arrive $0xFFFF  }
0xd9: {  	s16 =	rddreg [dreg:$0x5]  }
0xda: {  	s10 =	rddreg [dreg:$0x9]  }
0xdb: {  	s17 =	rddreg [dreg:$0xe]  }
0xdc: {  	[hbm:s10], [sflag:s16] =	dma.local [spmem:s17], $0xF00  }
0xdd: {  	_ =	swait.ge [sflag:s18], $0xF00  }
0xde: {  	[sflag:s18] =	ssyncset.done $0x0  }
0xdf: {  	s19 =	rddreg [dreg:$0x4];
	[sflag:s18] =	ssyncadd.s32 $0xFFFFF100  }
0xe0: {  	[spmem:s17], [sflag:s16] =	dma.local [hbm:s19], $0xF00  }
0xe1: {  	_ =	swait.ge [sflag:s18], $0xF00  }
0xe2: {  	[sflag:s18] =	ssyncset.done $0x0;
	s17 =	rddreg [dreg:$0xa]  }
0xe3: {  	s19 =	rddreg [dreg:$0xf];
	[sflag:s18] =	ssyncadd.s32 $0xFFFFF100  }
0xe4: {  	[spmem:s19], [sflag:s16] =	dma.local [hbm:s17], $0xF00  }
0xe5: {  	_ =	swait.ge [sflag:s18], $0xF00  }
0xe6: {  	[sflag:s18] =	ssyncset.done $0x0  }
0xe7: {  	s10 =	simm.s32 $0x0;
	s19 =	rddreg [dreg:$0x6];
	[sflag:s18] =	ssyncadd.s32 $0xFFFFF100  }
0xe8: {  	[tilespmem:s10], [sflag:$0x1] =	stream.linear.gather [hbm4b:s19+s10], $0x800, $0x38;
	[tilespmem:$0x13000] =	vst v63  }
0xe9: {  	s17 =	rddreg [dreg:$0x8]  }
0xea: {  	[tilespmem:s20], [sflag:$0x2] =	stream.linear.gather [hbm4b:s17+s10], $0x800, $0x38;
	[tilespmem:$0x13000] =	vst v63  }
0xeb: {  	[bflag:$0x0] =	sbarrier.arrive $0xFFFF  }
0xec: {  	_ =	swait.ge [sflag:s21], $0x800  }
0xed: {  	[sflag:s21] =	ssyncset.done $0x0  }
0xee: {  	[sflag:s21] =	ssyncadd.s32 $0xFFFFF800  }
0xef: {  	[tilespmem:s23], [sflag:$0x3] =	stream.indirect.gather [spmem:s3], $0x30, s10, s22, $0xb8;
	[tilespmem:$0x13000] =	vst v63  }
0xf0: {  	s19 =	simm.s32 $0x100  }
0xf1: {  	[tilespmem:s25], [sflag:$0x4] =	stream.indirect.gather [spmem:s3], $0x30, s19, s22, $0xb8;
	[tilespmem:$0x13000] =	vst v63  }
0xf2: {  	s19 =	rddreg [dreg:$0xd]  }
.LBB2_5:
0xf3: {  	_ =	swait.ge [sflag:s26], $0x1800  }
0xf4: {  	[sflag:s26] =	ssyncset.done $0x0  }
0xf5: {  	[sflag:s26] =	ssyncadd.s32 $0xFFFFE800  }
0xf6: {  	[spmem:s2] =	stream.indirect.scatter.add.f32 [tilespmem:s23], [sflag:$0x5], $0x30, s22, s22, $0xb8;
	[tilespmem:$0x13000] =	vst v63  }
0xf7: {  	_ =	swait.ge [sflag:s18], $0x1800  }
0xf8: {  	[sflag:s18] =	ssyncset.done $0x0  }
0xf9: {  	s16 =	simm.s32 $0x200;
	[sflag:s18] =	ssyncadd.s32 $0xFFFFE800  }
0xfa: {  	[tilespmem:s23], [sflag:$0x3] =	stream.indirect.gather [spmem:s3], $0x30, s16, s22, $0xb8;
	[tilespmem:$0x13000] =	vst v63  }
0xfb: {  	_ =	swait.ge [sflag:s29], $0x1800  }
0xfc: {  	[sflag:s29] =	ssyncset.done $0x0  }
0xfd: {  	s17 =	simm.s32 $0x180;
	[sflag:s29] =	ssyncadd.s32 $0xFFFFE800  }
0xfe: {  	[spmem:s2] =	stream.indirect.scatter.add.f32 [tilespmem:s25], [sflag:$0x5], $0x30, s17, s22, $0xb8;
	[tilespmem:$0x13000] =	vst v63  }
0xff: {  	_ =	swait.ge [sflag:s18], $0x1800  }
0x100: {  	[sflag:s18] =	ssyncset.done $0x0  }
0x101: {  	s17 =	simm.s32 $0x300;
	[sflag:s18] =	ssyncadd.s32 $0xFFFFE800  }
0x102: {  	[tilespmem:s25], [sflag:$0x4] =	stream.indirect.gather [spmem:s3], $0x30, s17, s22, $0xb8;
	[tilespmem:$0x13000] =	vst v63  }
0x103: {  	_ =	swait.ge [sflag:s26], $0x1800  }
0x104: {  	[sflag:s26] =	ssyncset.done $0x0  }
0x105: {  	s17 =	simm.s32 $0x280;
	[sflag:s26] =	ssyncadd.s32 $0xFFFFE800  }
0x106: {  	[spmem:s2] =	stream.indirect.scatter.add.f32 [tilespmem:s23], [sflag:$0x5], $0x30, s17, s22, $0xb8;
	[tilespmem:$0x13000] =	vst v63  }
0x107: {  	_ =	swait.ge [sflag:s18], $0x1800  }
0x108: {  	[sflag:s18] =	ssyncset.done $0x0  }
0x109: {  	s17 =	simm.s32 $0x400;
	[sflag:s18] =	ssyncadd.s32 $0xFFFFE800  }
0x10a: {  	[tilespmem:s23], [sflag:$0x3] =	stream.indirect.gather [spmem:s3], $0x30, s17, s22, $0xb8;
	[tilespmem:$0x13000] =	vst v63  }
0x10b: {  	_ =	swait.ge [sflag:s29], $0x1800  }
0x10c: {  	[sflag:s29] =	ssyncset.done $0x0  }
0x10d: {  	s17 =	simm.s32 $0x380;
	[sflag:s29] =	ssyncadd.s32 $0xFFFFE800  }
0x10e: {  	[spmem:s2] =	stream.indirect.scatter.add.f32 [tilespmem:s25], [sflag:$0x5], $0x30, s17, s22, $0xb8;
	[tilespmem:$0x13000] =	vst v63  }
0x10f: {  	_ =	swait.ge [sflag:s18], $0x1800  }
0x110: {  	[sflag:s18] =	ssyncset.done $0x0  }
0x111: {  	s17 =	simm.s32 $0x500;
	[sflag:s18] =	ssyncadd.s32 $0xFFFFE800  }
0x112: {  	[tilespmem:s25], [sflag:$0x4] =	stream.indirect.gather [spmem:s3], $0x30, s17, s22, $0xb8;
	[tilespmem:$0x13000] =	vst v63  }
0x113: {  	_ =	swait.ge [sflag:s26], $0x1800  }
0x114: {  	[sflag:s26] =	ssyncset.done $0x0  }
0x115: {  	s17 =	simm.s32 $0x480;
	[sflag:s26] =	ssyncadd.s32 $0xFFFFE800  }
0x116: {  	[spmem:s2] =	stream.indirect.scatter.add.f32 [tilespmem:s23], [sflag:$0x5], $0x30, s17, s22, $0xb8;
	[tilespmem:$0x13000] =	vst v63  }
0x117: {  	_ =	swait.ge [sflag:s18], $0x1800  }
0x118: {  	[sflag:s18] =	ssyncset.done $0x0  }
0x119: {  	s17 =	simm.s32 $0x600;
	[sflag:s18] =	ssyncadd.s32 $0xFFFFE800  }
0x11a: {  	[tilespmem:s23], [sflag:$0x3] =	stream.indirect.gather [spmem:s3], $0x30, s17, s22, $0xb8;
	[tilespmem:$0x13000] =	vst v63  }
0x11b: {  	_ =	swait.ge [sflag:s29], $0x1800  }
0x11c: {  	[sflag:s29] =	ssyncset.done $0x0  }
0x11d: {  	s17 =	simm.s32 $0x580;
	[sflag:s29] =	ssyncadd.s32 $0xFFFFE800  }
0x11e: {  	[spmem:s2] =	stream.indirect.scatter.add.f32 [tilespmem:s25], [sflag:$0x5], $0x30, s17, s22, $0xb8;
	[tilespmem:$0x13000] =	vst v63  }
0x11f: {  	_ =	swait.ge [sflag:s18], $0x1800  }
0x120: {  	[sflag:s18] =	ssyncset.done $0x0  }
0x121: {  	s17 =	simm.s32 $0x700;
	[sflag:s18] =	ssyncadd.s32 $0xFFFFE800  }
0x122: {  	[tilespmem:s25], [sflag:$0x4] =	stream.indirect.gather [spmem:s3], $0x30, s17, s22, $0xb8;
	[tilespmem:$0x13000] =	vst v63  }
0x123: {  	_ =	swait.ge [sflag:s26], $0x1800  }
0x124: {  	[sflag:s26] =	ssyncset.done $0x0  }
0x125: {  	s17 =	simm.s32 $0x680;
	[sflag:s26] =	ssyncadd.s32 $0xFFFFE800  }
0x126: {  	[spmem:s2] =	stream.indirect.scatter.add.f32 [tilespmem:s23], [sflag:$0x5], $0x30, s17, s22, $0xb8;
	[tilespmem:$0x13000] =	vst v63  }
0x127: {  	_ =	swait.ge [sflag:s18], $0x1800  }
0x128: {  	[sflag:s18] =	ssyncset.done $0x0  }
0x129: {  	[sflag:s18] =	ssyncadd.s32 $0xFFFFE800  }
0x12a: {  	_ =	swait.ge [sflag:s8], $0x800  }
0x12b: {  	[sflag:s8] =	ssyncset.done $0x0  }
0x12c: {  	[sflag:s8] =	ssyncadd.s32 $0xFFFFF800  }
0x12d: {  	[tilespmem:s23], [sflag:$0x3] =	stream.indirect.gather [spmem:s3], $0x30, s20, s22, $0xb8;
	[tilespmem:$0x13000] =	vst v63  }
0x12e: {  	_ =	swait.ge [sflag:s29], $0x1800  }
0x12f: {  	[sflag:s29] =	ssyncset.done $0x0  }
0x130: {  	s17 =	simm.s32 $0x780;
	[sflag:s29] =	ssyncadd.s32 $0xFFFFE800  }
0x131: {  	[spmem:s2] =	stream.indirect.scatter.add.f32 [tilespmem:s25], [sflag:$0x5], $0x30, s17, s22, $0xb8;
	[tilespmem:$0x13000] =	vst v63  }
0x132: {  	_ =	swait.ge [sflag:s18], $0x1800  }
0x133: {  	p0 =	seq.s32 s10, $0x800;
	[sflag:s18] =	ssyncset.done $0x0  }
0x134: {  	s16 =	sshrl.u32 @!p0 s19, $0x3;
	s17 =	simm.s32 $0x900;
	[sflag:s18] =	ssyncadd.s32 $0xFFFFE800  }
0x135: {  	[tilespmem:s25], [sflag:$0x4] =	stream.indirect.gather [spmem:s3], $0x30, s17, s22, $0xb8;
	[tilespmem:$0x13000] =	vst v63  }
0x136: {  	s16 =	sadd.s32 @!p0 s5, s16;
	s17 =	simm.s32 @!p0 $0x0  }
0x137: {  	[tilespmem:s17], [sflag:$0x1] =	stream.linear.gather @!p0 [hbm4b:s16+s17], $0x800, $0x38;
	[tilespmem:$0x13000] =	vst v63  }
0x138: {  	_ =	swait.ge [sflag:s26], $0x1800  }
0x139: {  	[sflag:s26] =	ssyncset.done $0x0  }
0x13a: {  	s17 =	simm.s32 $0x880;
	[sflag:s26] =	ssyncadd.s32 $0xFFFFE800  }
0x13b: {  	[spmem:s2] =	stream.indirect.scatter.add.f32 [tilespmem:s23], [sflag:$0x5], $0x30, s17, s22, $0xb8;
	[tilespmem:$0x13000] =	vst v63  }
0x13c: {  	_ =	swait.ge [sflag:s18], $0x1800  }
0x13d: {  	[sflag:s18] =	ssyncset.done $0x0  }
0x13e: {  	[sflag:s18] =	ssyncadd.s32 $0xFFFFE800  }
0x13f: {  	[tilespmem:s23], [sflag:$0x3] =	stream.indirect.gather [spmem:s3], $0x30, s7, s22, $0xb8;
	[tilespmem:$0x13000] =	vst v63  }
0x140: {  	_ =	swait.ge [sflag:s29], $0x1800  }
0x141: {  	[sflag:s29] =	ssyncset.done $0x0  }
0x142: {  	[sflag:s29] =	ssyncadd.s32 $0xFFFFE800  }
0x143: {  	[spmem:s2] =	stream.indirect.scatter.add.f32 [tilespmem:s25], [sflag:$0x5], $0x30, s24, s22, $0xb8;
	[tilespmem:$0x13000] =	vst v63  }
0x144: {  	_ =	swait.ge [sflag:s18], $0x1800  }
0x145: {  	[sflag:s18] =	ssyncset.done $0x0  }
0x146: {  	[sflag:s18] =	ssyncadd.s32 $0xFFFFE800  }
0x147: {  	[tilespmem:s25], [sflag:$0x4] =	stream.indirect.gather [spmem:s3], $0x30, s28, s22, $0xb8;
	[tilespmem:$0x13000] =	vst v63  }
0x148: {  	_ =	swait.ge [sflag:s26], $0x1800  }
0x149: {  	[sflag:s26] =	ssyncset.done $0x0  }
0x14a: {  	[sflag:s26] =	ssyncadd.s32 $0xFFFFE800  }
0x14b: {  	[spmem:s2] =	stream.indirect.scatter.add.f32 [tilespmem:s23], [sflag:$0x5], $0x30, s30, s22, $0xb8;
	[tilespmem:$0x13000] =	vst v63  }
0x14c: {  	_ =	swait.ge [sflag:s18], $0x1800  }
0x14d: {  	[sflag:s18] =	ssyncset.done $0x0  }
0x14e: {  	[sflag:s18] =	ssyncadd.s32 $0xFFFFE800  }
0x14f: {  	[tilespmem:s23], [sflag:$0x3] =	stream.indirect.gather [spmem:s3], $0x30, s31, s22, $0xb8;
	[tilespmem:$0x13000] =	vst v63  }
0x150: {  	_ =	swait.ge [sflag:s29], $0x1800  }
0x151: {  	[sflag:s29] =	ssyncset.done $0x0  }
0x152: {  	[sflag:s29] =	ssyncadd.s32 $0xFFFFE800  }
0x153: {  	[spmem:s2] =	stream.indirect.scatter.add.f32 [tilespmem:s25], [sflag:$0x5], $0x30, s0, s22, $0xb8;
	[tilespmem:$0x13000] =	vst v63  }
0x154: {  	_ =	swait.ge [sflag:s18], $0x1800  }
0x155: {  	[sflag:s18] =	ssyncset.done $0x0  }
0x156: {  	[sflag:s18] =	ssyncadd.s32 $0xFFFFE800  }
0x157: {  	[tilespmem:s25], [sflag:$0x4] =	stream.indirect.gather [spmem:s3], $0x30, s1, s22, $0xb8;
	[tilespmem:$0x13000] =	vst v63  }
0x158: {  	_ =	swait.ge [sflag:s26], $0x1800  }
0x159: {  	[sflag:s26] =	ssyncset.done $0x0  }
0x15a: {  	[sflag:s26] =	ssyncadd.s32 $0xFFFFE800  }
0x15b: {  	[spmem:s2] =	stream.indirect.scatter.add.f32 [tilespmem:s23], [sflag:$0x5], $0x30, s9, s22, $0xb8;
	[tilespmem:$0x13000] =	vst v63  }
0x15c: {  	_ =	swait.ge [sflag:s18], $0x1800  }
0x15d: {  	[sflag:s18] =	ssyncset.done $0x0  }
0x15e: {  	[sflag:s18] =	ssyncadd.s32 $0xFFFFE800  }
0x15f: {  	[tilespmem:s23], [sflag:$0x3] =	stream.indirect.gather [spmem:s3], $0x30, s11, s22, $0xb8;
	[tilespmem:$0x13000] =	vst v63  }
0x160: {  	_ =	swait.ge [sflag:s29], $0x1800  }
0x161: {  	[sflag:s29] =	ssyncset.done $0x0  }
0x162: {  	[sflag:s29] =	ssyncadd.s32 $0xFFFFE800  }
0x163: {  	[spmem:s2] =	stream.indirect.scatter.add.f32 [tilespmem:s25], [sflag:$0x5], $0x30, s12, s22, $0xb8;
	[tilespmem:$0x13000] =	vst v63  }
0x164: {  	_ =	swait.ge [sflag:s18], $0x1800  }
0x165: {  	[sflag:s18] =	ssyncset.done $0x0  }
0x166: {  	[sflag:s18] =	ssyncadd.s32 $0xFFFFE800  }
0x167: {  	[tilespmem:s25], [sflag:$0x4] =	stream.indirect.gather [spmem:s3], $0x30, s13, s22, $0xb8;
	[tilespmem:$0x13000] =	vst v63  }
0x168: {  	_ =	swait.ge [sflag:s26], $0x1800  }
0x169: {  	[sflag:s26] =	ssyncset.done $0x0  }
.Ltmp4:
0x16a: {  	[sflag:s26] =	ssyncadd.s32 $0xFFFFE800;
	(pc) =	sbr.rel @p0 .LBB2_7-.Ltmp4, $4  }
0x16b: {  	[spmem:s2] =	stream.indirect.scatter.add.f32 [tilespmem:s23], [sflag:$0x5], $0x30, s14, s22, $0xb8;
	[tilespmem:$0x13000] =	vst v63  }
0x16c: {  	_ =	swait.ge [sflag:s18], $0x1800  }
0x16d: {  	[sflag:s18] =	ssyncset.done $0x0  }
0x16e: {  	[sflag:s18] =	ssyncadd.s32 $0xFFFFE800  }
0x16f: {  	_ =	swait.ge [sflag:s21], $0x800  }
0x170: {  	[sflag:s21] =	ssyncset.done $0x0  }
0x171: {  	[sflag:s21] =	ssyncadd.s32 $0xFFFFF800  }
0x172: {  	[tilespmem:s23], [sflag:$0x3] =	stream.indirect.gather [spmem:s3], $0x30, s4, s22, $0xb8;
	[tilespmem:$0x13000] =	vst v63  }
0x173: {  	_ =	swait.ge [sflag:s29], $0x1800  }
0x174: {  	[sflag:s29] =	ssyncset.done $0x0  }
0x175: {  	[sflag:s29] =	ssyncadd.s32 $0xFFFFE800  }
0x176: {  	[spmem:s2] =	stream.indirect.scatter.add.f32 [tilespmem:s25], [sflag:$0x5], $0x30, s6, s22, $0xb8;
	[tilespmem:$0x13000] =	vst v63  }
0x177: {  	_ =	swait.ge [sflag:s18], $0x1800  }
.Ltmp5:
0x178: {  	[sflag:s18] =	ssyncset.done $0x0;
	(pc) =	sbr.rel .LBB2_5-.Ltmp5, $4  }
0x179: {  	s16 =	simm.s32 $0x100;
	[sflag:s18] =	ssyncadd.s32 $0xFFFFE800  }
0x17a: {  	[tilespmem:s25], [sflag:$0x4] =	stream.indirect.gather [spmem:s3], $0x30, s16, s22, $0xb8;
	[tilespmem:$0x13000] =	vst v63  }
0x17b: {  	s17 =	sadd.s32 s10, s15;
	s10 =	sadd.s32 $0x200, s10;
	s19 =	sadd.s32 $0x1000, s19  }
0x17c: {  	[tilespmem:s20], [sflag:$0x2] =	stream.linear.gather [hbm4b:s17+s4], $0x800, $0x38;
	[tilespmem:$0x13000] =	vst v63  }
.LBB2_8:
0x17d: {  	_ =	sfence.sel $0x180000  }
0x17e: {  	[bflag:$0x0] =	sbarrier.arrive $0xFFFF  }
0x17f: {  	_ =	strace $0x9000004D  }
0x180: {  	s0 =	stileid.u32;
	[bflag:$0x2] =	sbarrier.arrive $0xFFFF  }
0x181: {  	p0 =	sne.s32 s0, $0x0;
	s0 =	rddreg [dreg:$0x3]  }
0x182: {  	s0 =	sadd.s32 @!p0 $0x100000, s0  }
0x183: {  	[sflag:s0] =	ssyncadd.tile.s32 @!p0 $0x1;
	_ =	shalt  }
.Lfunc_end2:
_tile_overlayer_lowered:
.L_overlay_start_2:
0x184: {  	(tag) =	ssettag $0x2  }
0x185: {  	s0 =	rddreg [dreg:$0x0];
	s2 =	stileid.u32  }
0x186: {  	s1 =	rddreg [dreg:$0x1];
	p0 =	sne.s32 s2, $0x0  }
0x187: {  	s3 =	rddreg [dreg:$0x2];
	[bflag:$0x3] =	sbarrier.arrive $0xFFFF;
	s2 =	simm.s32 @!p0 $0x1C05  }
0x188: {  	[timem:s3], [sflag:s2] =	dma.local @!p0 [hbm:s0], s1  }
0x189: {  	s0 =	simm.s32 @!p0 $0x5  }
0x18a: {  	_ =	swait.ge @!p0 [sflag:s0], s1  }
0x18b: {  	s1 =	ssub.s32 @!p0 $0x0, s1;
	[sflag:s0] =	ssyncset.done @!p0 $0x0  }
0x18c: {  	[sflag:s0] =	ssyncadd.s32 @!p0 s1  }
0x18d: {  	[bflag:$0x3] =	sbarrier.arrive $0xFFFF  }
0x18e: {  	_ =	shalt  }

// kernel: kernel.8.cloned.1.call-start
scs
__scs_entry_jumppad:
0x0: {  	(pc) =	sbr.rel $0x88, $3  }
0x1: {  	(tag) =	ssettag $0x0;
	lr =	simm.s32 $0x1  }
0x2: {  	[smem:$0x3F9A] =	sst lr;
	_ =	strace $0xD0000000  }
0x3: {  	_ = 	snop  }
0x4: {  	_ = 	snop  }
0x5: {  	_ = 	snop  }
0x6: {  	_ = 	snop  }
0x7: {  	_ = 	snop  }
__scs_overlays_trampoline_lowered:
0x8: {  	[smem:$0x3FA9] =	sst s0  }
0x9: {  	[smem:$0x3FAA] =	sst s1  }
0xa: {  	[smem:$0x3FAB] =	sst s2  }
0xb: {  	[smem:$0x3FAC] =	sst s3  }
0xc: {  	[smem:$0x3FAD] =	sst s4  }
0xd: {  	[smem:$0x3FAE] =	sst s5  }
0xe: {  	[smem:$0x3FAF] =	sst s6  }
0xf: {  	[smem:$0x3FB0] =	sst s7  }
0x10: {  	[smem:$0x3FB1] =	sst s8  }
0x11: {  	[smem:$0x3FB2] =	sst s9;
	s0 =	simm.s32 @!p0 $0x0  }
0x12: {  	s1 =	sld [smem:$0x3F98];
	s0 =	simm.s32 @p0 $0x1  }
0x13: {  	[smem:$0x3FB3] =	sst s0;
	s0 =	simm.s32 @!p1 $0x0  }
0x14: {  	s2 =	sld [smem:$0x3F97];
	s0 =	simm.s32 @p1 $0x1  }
0x15: {  	[smem:$0x3FB4] =	sst s0;
	s0 =	simm.s32 @!p2 $0x0  }
0x16: {  	s3 =	sld [smem:$0x3FDB];
	s0 =	simm.s32 @p2 $0x1  }
0x17: {  	s4 =	simm.s32 $0x1BF5;
	[smem:$0x3FB6] =	sst s0  }
0x18: {  	s0 =	sld [smem:$0x3F99];
	_ =	swait.ge [sflag:s4], $0x0  }
0x19: {  	s7 =	sld [smem:$0x3F9A]  }
0x1a: {  	s8 =	sadd.s32 $0xFFFFE003, lr  }
0x1b: {  	s9 =	sadd.s32 $0xFFFFFEF7, lr;
	s5 =	simm.s32 $0xFFFFFFFF;
	p2 =	slt.u32 s8, $0xFFFFF086  }
0x1c: {  	p1 =	slt.u32 s9, $0xF7A;
	s5 =	simm.s32 @!p2 $0x0  }
0x1d: {  	s5 =	simm.s32 @p1 $0x1;
	p0 =	seq.s32 s7, s2  }
0x1e: {  	s7 =	smul.u32 @!p0 $0xF7A, s2;
	p2 =	seq.s32 @!p0 s5, $0x0  }
0x1f: {  	s9 =	smul.u32 $0xF7A, s1;
	s8 =	simm.s32 @!p0 $0x1BF5;
	p2 =	por !p2, p0  }
0x20: {  	[sflag:s8] =	ssyncset.s32 @!p0 $0xFFFFF086;
	s6 =	sadd.s32 @!p0 s3, s7;
	s7 =	simm.s32 @!p0 $0x108  }
0x21: {  	s3 =	sadd.s32 s3, s9;
	s6 =	sadd.s32 @!p0 $0x88, s6;
	s7 =	simm.s32 @p2 $0x1082  }
0x22: {  	[simem:s7], [sflag:s8] =	dma.local @!p0 [hbm:s6], $0xF7A  }
0x23: {  	s9 =	sor.u32 $0xD0000000, s2;
	s6 =	simm.s32 $0x108;
	_ =	swait.ge @!p0 [sflag:s8], $0x0  }
0x24: {  	s3 =	sadd.s32 $0x88, s3;
	s6 =	simm.s32 @!p1 $0x1082;
	[sflag:s4] =	ssyncset.s32 $0xFFFFF086  }
0x25: {  	[simem:s6], [sflag:s4] =	dma.local [hbm:s3], $0xF7A  }
0x26: {  	[smem:$0x3F9A] =	sst s1;
	(tag) =	ssettag s2;
	_ =	strace s9  }
0x27: {  	s1 =	sld [smem:$0x3FAA]  }
0x28: {  	s2 =	sld [smem:$0x3FAB]  }
0x29: {  	s4 =	sld [smem:$0x3FAD]  }
0x2a: {  	p0 =	seq.s32 s5, $0x0;
	s5 =	sld [smem:$0x3FAE]  }
0x2b: {  	s6 =	sld [smem:$0x3FAF]  }
0x2c: {  	s7 =	sld [smem:$0x3FB0]  }
0x2d: {  	s3 =	simm.s32 $0x108;
	s8 =	sld [smem:$0x3FB1]  }
0x2e: {  	s3 =	simm.s32 @!p0 $0x1082;
	s9 =	sld [smem:$0x3FB2]  }
0x2f: {  	lr =	sadd.s32 s0, s3;
	s0 =	sld [smem:$0x3FA9]  }
0x30: {  	s3 =	sld [smem:$0x3FAC]  }
0x31: {  	[smem:$0x3FB5] =	sst s10  }
0x32: {  	s10 =	sld [smem:$0x3FB3];
	_ =	sdelay $0x3  }
0x33: {  	p0 =	seq.s32 s10, $0x1;
	s10 =	sld [smem:$0x3FB5];
	_ =	sdelay $0x3  }
0x34: {  	[smem:$0x3FB5] =	sst s10  }
0x35: {  	s10 =	sld [smem:$0x3FB4];
	_ =	sdelay $0x3  }
0x36: {  	p1 =	seq.s32 s10, $0x1;
	s10 =	sld [smem:$0x3FB5];
	_ =	sdelay $0x3  }
0x37: {  	[smem:$0x3FB5] =	sst s10  }
0x38: {  	s10 =	sld [smem:$0x3FB6]  }
0x39: {  	_ = 	snop;
	(pc) =	sbr.ind lr, $3  }
0x3a: {  	_ = 	snop  }
0x3b: {  	_ = 	snop  }
0x3c: {  	p2 =	seq.s32 s10, $0x1;
	s10 =	sld [smem:$0x3FB5]  }
0x3d: {  	_ =	shalt  }
0x3e: {  	_ =	shalt  }
0x3f: {  	_ =	shalt  }
0x40: {  	_ =	shalt  }
0x41: {  	_ =	shalt  }
0x42: {  	_ =	shalt  }
0x43: {  	_ =	shalt  }
0x44: {  	_ =	shalt  }
0x45: {  	_ =	shalt  }
0x46: {  	_ =	shalt  }
0x47: {  	_ =	shalt  }
0x48: {  	_ =	shalt  }
0x49: {  	_ =	shalt  }
0x4a: {  	_ =	shalt  }
0x4b: {  	_ =	shalt  }
0x4c: {  	_ =	shalt  }
0x4d: {  	_ =	shalt  }
0x4e: {  	_ =	shalt  }
0x4f: {  	_ =	shalt  }
0x50: {  	_ =	shalt  }
0x51: {  	_ =	shalt  }
0x52: {  	_ =	shalt  }
0x53: {  	_ =	shalt  }
0x54: {  	_ =	shalt  }
0x55: {  	_ =	shalt  }
0x56: {  	_ =	shalt  }
0x57: {  	_ =	shalt  }
0x58: {  	_ =	shalt  }
0x59: {  	_ =	shalt  }
0x5a: {  	_ =	shalt  }
0x5b: {  	_ =	shalt  }
0x5c: {  	_ =	shalt  }
0x5d: {  	_ =	shalt  }
0x5e: {  	_ =	shalt  }
0x5f: {  	_ =	shalt  }
0x60: {  	_ =	shalt  }
0x61: {  	_ =	shalt  }
0x62: {  	_ =	shalt  }
0x63: {  	_ =	shalt  }
0x64: {  	_ =	shalt  }
0x65: {  	_ =	shalt  }
0x66: {  	_ =	shalt  }
0x67: {  	_ =	shalt  }
0x68: {  	_ =	shalt  }
0x69: {  	_ =	shalt  }
0x6a: {  	_ =	shalt  }
0x6b: {  	_ =	shalt  }
0x6c: {  	_ =	shalt  }
0x6d: {  	_ =	shalt  }
0x6e: {  	_ =	shalt  }
0x6f: {  	_ =	shalt  }
0x70: {  	_ =	shalt  }
0x71: {  	_ =	shalt  }
0x72: {  	_ =	shalt  }
0x73: {  	_ =	shalt  }
0x74: {  	_ =	shalt  }
0x75: {  	_ =	shalt  }
0x76: {  	_ =	shalt  }
0x77: {  	_ =	shalt  }
0x78: {  	_ =	shalt  }
0x79: {  	_ =	shalt  }
0x7a: {  	_ =	shalt  }
0x7b: {  	_ =	shalt  }
0x7c: {  	_ =	shalt  }
0x7d: {  	_ =	shalt  }
0x7e: {  	_ =	shalt  }
0x7f: {  	_ =	shalt  }
0x80: {  	_ =	shalt  }
0x81: {  	_ =	shalt  }
0x82: {  	_ =	shalt  }
0x83: {  	_ =	shalt  }
0x84: {  	_ =	shalt  }
0x85: {  	_ =	shalt  }
0x86: {  	_ =	shalt  }
0x87: {  	_ =	shalt  }
.Lfunc_end0:
.L_simem_size_0:
called_computation_lowered:
.L_overlay_start_0:
0x88: {  	s2 =	sld [smem:$0x3FD9]  }
0x89: {  	s3 =	sld [smem:$0x3FFE];
	_ =	sdelay $0x1  }
0x8a: {  	s1 =	srdreg.scid  }
0x8b: {  	s0 =	sand.u32 $0x1, s1  }
0x8c: {  	s17 =	sshll.u32 s0, $0xA;
	s2 =	sadd.s32 s3, s2  }
0x8d: {  	s2 =	sadd.s32 s2, s17  }
0x8e: {  	[smem:$0x3FC1] =	sst s2  }
0x8f: {  	_ = 	snop  }
0x90: {  	s2 =	sld [smem:$0x3FD0];
	(tm) =	ssettm $0x1  }
0x91: {  	s18 =	sld [smem:$0x3FFB];
	_ =	sdelay $0x3  }
0x92: {  	_ =	strace s18  }
0x93: {  	s3 =	sld [smem:$0x3FFC];
	_ =	sdelay $0x3  }
0x94: {  	_ =	strace s3  }
0x95: {  	s3 =	sld [smem:$0x3FFD];
	_ =	sdelay $0x3  }
0x96: {  	_ =	strace s3  }
0x97: {  	_ =	strace $0x8FFFFFFF  }
0x98: {  	s19 =	sld [smem:$0x3FDB];
	_ =	sdelay $0x1  }
0x99: {  	s4 =	simm.s32 $_scs_section_size  }
0x9a: {  	s5 =	simm.s32 $_size__tile_overlayer_lowered;
	s6 =	simm.s32 $_tile_overlayer_lowered  }
0x9b: {  	s22 =	simm.s32 $0x1BFF;
	s21 =	sshll.u32 s6, $0x1;
	s3 =	sadd.s32 s4, s19  }
0x9c: {  	s7 =	simm.s32 $0x0;
	s20 =	sshll.u32 s5, $0x1;
	s5 =	sadd.s32 s21, s3  }
0x9d: {  	[timem:s7], [sflag:s22] =	dma.local [hbm:s5], s20  }
0x9e: {  	_ =	swait.ge [sflag:s22], s20  }
0x9f: {  	s4 =	ssub.s32 $0x0, s20;
	[sflag:s22] =	ssyncset.done $0x0  }
0xa0: {  	[sflag:s22] =	ssyncadd.s32 s4;
	_ =	sdelay $0x1  }
0xa1: {  	s23 =	simm.s32 $0x1B8B  }
0xa2: {  	_ =	swait.ge [sflag:s23], $0x1  }
0xa3: {  	[sflag:s23] =	ssyncset.done $0x0  }
0xa4: {  	s25 =	simm.s32 $0x1B8E;
	s24 =	sld [smem:$0x3FFE];
	[sflag:s23] =	ssyncadd.s32 $0xFFFFFFFF  }
0xa5: {  	s26 =	simm.s32 $execute0_lowered;
	[smem:$0x3FD2] =	sst s25  }
0xa6: {  	s5 =	sshll.u32 s26, $0x1;
	_ =	strace $0x80000046;
	[dreg:$0x1] =	wrdreg $0xFFFFFFFF  }
0xa7: {  	s28 =	simm.s32 $_size_execute0_lowered;
	s3 =	sadd.s32 s3, s5;
	[dreg:$0x0] =	wrdreg $0x0  }
0xa8: {  	s5 =	sshll.u32 s28, $0x1;
	[dreg:$0x2] =	wrdreg s3  }
0xa9: {  	[dreg:$0x3] =	wrdreg s5  }
0xaa: {  	[dreg:$0x4] =	wrdreg $0xC0  }
0xab: {  	_ =	task [dreg:s7], $0x5FFFF  }
0xac: {  	[dreg:$0x1] =	wrdreg $0xFFFFFFFF  }
0xad: {  	[dreg:$0x0] =	wrdreg $0x60  }
0xae: {  	[dreg:$0x2] =	wrdreg s24  }
0xaf: {  	[dreg:$0x3] =	wrdreg s2  }
0xb0: {  	[dreg:$0x4] =	wrdreg $0x58000  }
0xb1: {  	[dreg:$0x5] =	wrdreg $0x9  }
0xb2: {  	_ =	task.clear_ibuf [dreg:s7], $0x6FFFF;
	_ =	strace $0x90000046  }
0xb3: {  	s29 =	simm.s32 $0x9;
	_ =	strace $0x80000048  }
0xb4: {  	_ =	swait.ge [sflag:s29], $0x1  }
0xb5: {  	[sflag:s29] =	ssyncadd.s32 $0xFFFFFFFF  }
0xb6: {  	_ =	strace $0x90000048  }
0xb7: {  	_ =	sfence  }
0xb8: {  	s30 =	sld [smem:$0x0];
	_ =	sdelay $0x2  }
0xb9: {  	s31 =	sshll.u32 s1, $0xD;
	s1 =	sshrl.u32 s1, $0x2  }
0xba: {  	s3 =	sand.u32 $0x4000, s31;
	s1 =	sadd.s32 s1, s30  }
0xbb: {  	s0 =	sor.u32 s3, s0;
	s1 =	sshll.u32 s1, $0x11  }
0xbc: {  	s0 =	sor.u32 s1, s0  }
0xbd: {  	s0 =	sadd.s32 $0x8F2B, s0  }
0xbe: {  	[sflag:s0] =	ssyncadd.remote.s32 $0x1  }
0xbf: {  	_ =	sfence.sel $0xFFFF  }
0xc0: {  	[dreg:$0x0] =	wrdreg $0xFFFFFFFF;
	(pc) =	sbr.abs _section_cstart, $3  }
0xc1: {  	[dreg:$0x1] =	wrdreg $0xFFFFFFFF  }
0xc2: {  	_ =	task.clear_ibuf [dreg:s7], $0x2FFFF;
	_ =	strace $0x9FFFFFFF  }
0xc3: {  	(tm) =	ssettm $0x7FFFFFFF  }
tec
execute0_lowered:
.L_overlay_start_1:
0x0: {  	(tag) =	ssettag $0x1  }
0x1: {  	s5 =	rddreg [dreg:$0x0]  }
0x2: {  	s0 =	srdreg.scid;
	s8 =	rddreg [dreg:$0x1]  }
0x3: {  	s2 =	rddreg [dreg:$0x2];
	s3 =	simm.s32 $0x0;
	s13 =	simm.s32 $0x80  }
0x4: {  	s14 =	simm.s32 $0x0;
	s4 =	sand.u32 $0x1, s0;
	s0 =	stileid.u32  }
0x5: {  	[smem:$0x7FF] =	sst s3;
	s1 =	sshll.u32 s4, $0x4;
	s7 =	smul.u32 $0x2800, s0  }
0x6: {  	s10 =	ssub.s32 $0x2, s4;
	s11 =	smul.u32 $0x28000, s4;
	s4 =	sadd.s32 $0x1AA00, s5  }
0x7: {  	s31 =	sshll.u32 s0, $0x6;
	s6 =	sor.u32 s0, s1;
	s1 =	rddreg [dreg:$0x3]  }
0x8: {  	_ =	strace $0x80000047;
	s29 =	sshrl.u32 s10, $0x1;
	s6 =	smul.u32 $0xA00, s6  }
0x9: {  	s28 =	sshrl.u32 s7, $0x3;
	s10 =	ssub.s32 s10, s29;
	s30 =	sadd.s32 s7, s11  }
0xa: {  	s12 =	sadd.s32 s7, s2;
	s11 =	sshrl.u32 s30, $0x3;
	s9 =	sadd.s32 s6, s5  }
0xb: {  	s5 =	sadd.s32 s28, s5;
	s6 =	sor.u32 $0x1C01, s31;
	s8 =	sadd.s32 s8, s11  }
0xc: {  	s11 =	simm.s32 $0x1;
	s5 =	sadd.s32 $0x15A00, s5;
	s7 =	sadd.s32 $0x1A00, s9  }
0xd: {  	s9 =	smax.u32 s10, $0x1;
	s10 =	sshrl.u32 s12, $0x3;
	s12 =	simm.s32 $0x5000  }
.LBB2_1:
0xe: {  	[spmem:s10], [sflag:s6] =	dma.local [hbm:s5], $0x500  }
0xf: {  	_ =	swait.ge [sflag:s11], $0x500  }
0x10: {  	[sflag:s11] =	ssyncset.done $0x0  }
0x11: {  	[sflag:s11] =	ssyncadd.s32 $0xFFFFFB00  }
0x12: {  	[tilespmem:s3], [sflag:$0x1] =	stream.linear.gather [hbm4b:s7+s3], $0x5000, $0x38;
	[tilespmem:$0x8000] =	vst v63  }
0x13: {  	_ =	swait.ge [sflag:s11], $0x5000  }
0x14: {  	[sflag:s11] =	ssyncset.done $0x0  }
0x15: {  	[sflag:s11] =	ssyncadd.s32 $0xFFFFB000  }
0x16: {  	[tilespmem:s12], [sflag:$0x1] =	stream.linear.gather [hbm4b:s4+s3], $0x800, $0x38;
	[tilespmem:$0x8000] =	vst v63  }
0x17: {  	_ =	swait.ge [sflag:s11], $0x800  }
0x18: {  	[sflag:s11] =	ssyncset.done $0x0  }
0x19: {  	[sflag:s11] =	ssyncadd.s32 $0xFFFFF800  }
0x1a: {  	s15 =	simm.s32 $0x80;
	[bflag:$0x0] =	sbarrier.arrive $0xFFFF  }
0x1b: {  	[spmem:s2] =	stream.indirect.scatter.add.f32 [tilespmem:s12], [sflag:$0x1], $0x10, s15, s13, $0xb8;
	[tilespmem:$0x8000] =	vst v63  }
0x1c: {  	_ =	swait.ge [sflag:s11], $0x800  }
0x1d: {  	s15 =	simm.s32 $0x600;
	[sflag:s11] =	ssyncset.done $0x0  }
.LBB2_2:
0x1e: {  	s16 =	sshra.s32 s15, $0x2;
	[sflag:s11] =	ssyncadd.s32 $0xFFFFF800;
	p0 =	sne.s32 s15, $0x13E00  }
0x1f: {  	[spmem:s2] =	stream.indirect.scatter.add.f32 [tilespmem:s12], [sflag:$0x1], $0x10, s16, s13, $0xb8;
	[tilespmem:$0x8000] =	vst v63  }
.Ltmp0:
0x20: {  	_ = 	snop;
	(pc) =	sbr.rel @p0 .LBB2_2-.Ltmp0, $4  }
0x21: {  	_ = 	snop  }
0x22: {  	s15 =	sadd.s32 $0x400, s15  }
0x23: {  	_ =	swait.ge [sflag:s11], $0x800  }
0x24: {  	[sflag:s11] =	ssyncset.done $0x0  }
0x25: {  	s14 =	sadd.s32 $0x1, s14  }
0x26: {  	[sflag:s11] =	ssyncadd.s32 $0xFFFFF800;
	p0 =	sne.s32 s14, s9  }
.Ltmp1:
0x27: {  	[bflag:$0x0] =	sbarrier.arrive $0xFFFF;
	(pc) =	sbr.rel @p0 .LBB2_1-.Ltmp1, $4  }
0x28: {  	[hbm:s8], [sflag:s6] =	dma.local [spmem:s10], $0x500  }
0x29: {  	_ =	swait.ge [sflag:s11], $0x500  }
0x2a: {  	[sflag:s11] =	ssyncset.done $0x0  }
0x2b: {  	[sflag:s11] =	ssyncadd.s32 $0xFFFFFB00  }
0x2c: {  	_ =	sfence.sel $0x180000  }
0x2d: {  	[bflag:$0x0] =	sbarrier.arrive $0xFFFF  }
0x2e: {  	p0 =	sne.s32 s0, $0x0;
	_ =	strace $0x90000047  }
0x2f: {  	s0 =	sadd.s32 @!p0 $0x100000, s1;
	[bflag:$0x2] =	sbarrier.arrive $0xFFFF  }
0x30: {  	[sflag:s0] =	ssyncadd.tile.s32 @!p0 $0x1;
	_ =	shalt  }
.Lfunc_end2:
_tile_overlayer_lowered:
.L_overlay_start_2:
0x31: {  	(tag) =	ssettag $0x2  }
0x32: {  	s0 =	rddreg [dreg:$0x0];
	s2 =	stileid.u32  }
0x33: {  	s1 =	rddreg [dreg:$0x1];
	p0 =	sne.s32 s2, $0x0  }
0x34: {  	s3 =	rddreg [dreg:$0x2];
	[bflag:$0x3] =	sbarrier.arrive $0xFFFF;
	s2 =	simm.s32 @!p0 $0x1C01  }
0x35: {  	[timem:s3], [sflag:s2] =	dma.local @!p0 [hbm:s0], s1  }
0x36: {  	s0 =	simm.s32 @!p0 $0x1  }
0x37: {  	_ =	swait.ge @!p0 [sflag:s0], s1  }
0x38: {  	s1 =	ssub.s32 @!p0 $0x0, s1;
	[sflag:s0] =	ssyncset.done @!p0 $0x0  }
0x39: {  	[sflag:s0] =	ssyncadd.s32 @!p0 s1  }
0x3a: {  	[bflag:$0x3] =	sbarrier.arrive $0xFFFF  }
0x3b: {  	_ =	shalt  }

</sc_bundles>
